<compile_context>
chip_gen: v7x
topology: tpu7x:2x2x1
jax: 0.10.2.dev20260603
libtpu: 0.0.44.dev20260713+nightly
codegen_flags: <defaults>
</compile_context>

<pallas_src>
import jax
import jax.numpy as jnp
from jax import lax
from jax.experimental import pallas as pl
from jax.experimental.pallas import tpu as pltpu
from jax.experimental.pallas import tpu_sc as plsc

MULT = 1315423911
DPAD = 512
L = 16


def _scale_body(emb_ref, g_ref, out_ref):
    D = emb_ref.shape[1]
    out_ref[:, :D] = emb_ref[...] * jax.nn.sigmoid(g_ref[...])
    out_ref[:, D:] = jnp.zeros_like(out_ref[:, D:])


def _scale_table(emb, g):
    V, D = emb.shape
    blk = 512
    return pl.pallas_call(
        _scale_body,
        out_shape=jax.ShapeDtypeStruct((V, DPAD), emb.dtype),
        grid=(V // blk,),
        in_specs=[
            pl.BlockSpec((blk, D), lambda i: (i, 0)),
            pl.BlockSpec((1, D), lambda i: (0, 0)),
        ],
        out_specs=pl.BlockSpec((blk, DPAD), lambda i: (i, 0)),
    )(emb, g.reshape(1, D))


def _make_sc_lookup(TOK, T, V, D):
    info = plsc.get_sparse_core_info()
    NW = info.num_cores * info.num_subcores
    assert TOK % NW == 0
    per_w = TOK // NW
    assert per_w % T == 0
    assert per_w % L == 0 and D % L == 0
    nvec = per_w // L

    CHUNK = 40
    NBUF = 4
    NOUT = 2
    assert per_w % (CHUNK * NBUF) == 0
    nchunks = per_w // CHUNK
    n_outer = nchunks // NBUF

    mesh = plsc.VectorSubcoreMesh(core_axis_name="c", subcore_axis_name="s")

    def body(x_hbm, emb_hbm, out_hbm, x_v, rows, stage, gsems, osems):
        wid = lax.axis_index("c") * info.num_subcores + lax.axis_index("s")
        base = wid * per_w

        pltpu.sync_copy(x_hbm.at[pl.ds(base, per_w)], x_v.at[pl.ds(8, per_w)])

        def hash_body(r, _):
            i = (nvec - 1) - r
            cur = x_v[pl.ds(8 + i * L, L)]
            prv = x_v[pl.ds(7 + i * L, L)]
            pos = i * L + lax.iota(jnp.int32, 16)
            prv = jnp.where(pos % T == 0, 0, prv)
            x_v[pl.ds(8 + i * L, L)] = (prv * MULT + cur) & (V - 1)
            return 0

        lax.fori_loop(0, nvec, hash_body, 0)

        def issue_gather(k, b):
            return pltpu.async_copy(
                emb_hbm.at[x_v.at[pl.ds(8 + k * CHUNK, CHUNK)]], rows[b], gsems[b]
            )

        for b in range(NBUF):
            issue_gather(b, b)

        def repack(b, o):
            def row2(i, _):
                for r in range(2):
                    for j in range(D // L):
                        stage[o][i * 2 + r, pl.ds(j * L, L)] = (
                            rows[b][i * 2 + r, pl.ds(j * L, L)]
                        )
                return 0

            lax.fori_loop(0, CHUNK // 2, row2, 0)

        def outer(p, _):
            for b in range(NBUF):
                k = p * NBUF + b
                o = b % NOUT
                pltpu.make_async_copy(
                    emb_hbm.at[pl.ds(0, CHUNK)], rows[b], gsems[b]
                ).wait()

                @pl.when(k >= NOUT)
                def _():
                    pltpu.make_async_copy(
                        stage[o], out_hbm.at[pl.ds(0, CHUNK)], osems[o]
                    ).wait()

                repack(b, o)
                pltpu.async_copy(
                    stage[o], out_hbm.at[pl.ds(base + k * CHUNK, CHUNK)], osems[o]
                )

                @pl.when(k + NBUF < nchunks)
                def _():
                    issue_gather(k + NBUF, b)

            return 0

        lax.fori_loop(0, n_outer, outer, 0)

        for o in range(NOUT):
            pltpu.make_async_copy(
                stage[o], out_hbm.at[pl.ds(0, CHUNK)], osems[o]
            ).wait()

    scratch = [
        pltpu.VMEM((per_w + 8,), jnp.int32),
        [pltpu.VMEM((CHUNK, DPAD), jnp.float32) for _ in range(NBUF)],
        [pltpu.VMEM((CHUNK, D), jnp.float32) for _ in range(NOUT)],
        [pltpu.SemaphoreType.DMA for _ in range(NBUF)],
        [pltpu.SemaphoreType.DMA for _ in range(NOUT)],
    ]

    return pl.kernel(
        body,
        out_type=jax.ShapeDtypeStruct((TOK, D), jnp.float32),
        mesh=mesh,
        scratch_types=scratch,
        compiler_params=pltpu.CompilerParams(needs_layout_passes=False),
    )


@jax.jit
def kernel(x, emb, g):
    B, T = x.shape
    V, D = emb.shape
    emb_s = _scale_table(emb, g)
    lookup = _make_sc_lookup(B * T, T, V, D)
    out = lookup(x.reshape(-1), emb_s)
    return out.reshape(B, T, D)

# --- scband reference (transcript-rebuilt; emitter-appended) ---
"""Pipeline reference for scband-smear-43645457662454 (READ-ONLY COPY).

The authoritative reference and input builder live on the scoring server;
editing this copy changes nothing except your own understanding.
"""

import jax, jax.numpy as jnp
import numpy as np

VOCAB = 8192
DIM = 448
MULT = 1315423911


def setup_inputs(seed: int = 0) -> dict:
    key = jax.random.key(seed)
    k1, k2 = jax.random.split(key, 2)
    x = jax.random.randint(k1, (1024, 200), 0, VOCAB, dtype=jnp.int32)
    # nn.Embedding default init: N(0, 1)
    emb = jax.random.normal(k2, (VOCAB, DIM), dtype=jnp.float32)
    # nn.Parameter(torch.zeros(DIM))
    g = jnp.zeros((DIM,), dtype=jnp.float32)
    return {"x": x, "emb": emb, "g": g}


def reference(x, emb, g):
    # prev = F.pad(x[:, :-1], (1, 0))  -> shift right with a leading zero per row
    prev = jnp.pad(x[:, :-1], ((0, 0), (1, 0)))
    # h = (prev * 1315423911 + x) % 8192
    # Computed in uint32: 8192 divides 2**32, so wraparound is exact w.r.t. int64 math.
    h = ((prev.astype(jnp.uint32) * jnp.uint32(MULT) + x.astype(jnp.uint32)) % jnp.uint32(VOCAB)).astype(jnp.int32)
    # embedding lookup (gather) scaled by sigmoid gate
    return jnp.take(emb, h, axis=0) * jax.nn.sigmoid(g)

if __name__ == "__main__":
    import jax
    _d = setup_inputs()
    print(jax.jit(kernel)(*tuple(_d.values())))

</pallas_src>

<mosaic_0001>
#map = affine_map<(d0, d1) -> (0)>
#map1 = affine_map<(d0, d1) -> (0, 0)>
module attributes {stable_mosaic.version = 14 : i64} {
  func.func @body(%arg0: i32, %arg1: i32, %arg2: memref<204800xi32, #tpu.memory_space<hbm>>, %arg3: memref<8192x512xf32, #tpu.memory_space<hbm>>, %arg4: memref<204800x448xf32, #tpu.memory_space<hbm>>, %arg5: memref<6408xi32, #tpu.memory_space<vmem>>, %arg6: memref<40x512xf32, #tpu.memory_space<vmem>>, %arg7: memref<40x512xf32, #tpu.memory_space<vmem>>, %arg8: memref<40x512xf32, #tpu.memory_space<vmem>>, %arg9: memref<40x512xf32, #tpu.memory_space<vmem>>, %arg10: memref<40x448xf32, #tpu.memory_space<vmem>>, %arg11: memref<40x448xf32, #tpu.memory_space<vmem>>, %arg12: memref<!tpu.dma_semaphore, #tpu.memory_space<semaphore_mem>>, %arg13: memref<!tpu.dma_semaphore, #tpu.memory_space<semaphore_mem>>, %arg14: memref<!tpu.dma_semaphore, #tpu.memory_space<semaphore_mem>>, %arg15: memref<!tpu.dma_semaphore, #tpu.memory_space<semaphore_mem>>, %arg16: memref<!tpu.dma_semaphore, #tpu.memory_space<semaphore_mem>>, %arg17: memref<!tpu.dma_semaphore, #tpu.memory_space<semaphore_mem>>) attributes {dimension_semantics = [#tpu.dimension_semantics<core_parallel>, #tpu.dimension_semantics<subcore_parallel>], iteration_bounds = array<i64: 2, 16>, scalar_prefetch = 0 : i64, scratch_operands = 13 : i64, tpu.core_type = #tpu.core_type<sc_vector_subcore>, window_params = [{transform_indices = #map}, {transform_indices = #map1}, {transform_indices = #map1}]} {
    %mul3A = arith.constant 16 : i32
    %mul3A_0 = arith.muli %arg0, %mul3A : i32
    %add3A = arith.addi %mul3A_0, %arg1 : i32
    %mul3A_1 = arith.constant 6400 : i32
    %mul3A_2 = arith.muli %add3A, %mul3A_1 : i32
    "tpu.region"() ({
      %run_scoped3A = tpu.sem_alloc : memref<!tpu.dma_semaphore, #tpu.memory_space<semaphore_mem>>
      %dma_start3A_46 = arith.constant 8 : i32
      %dma_start3A_47 = tpu.memref_slice %arg5[%dma_start3A_46] : memref<6408xi32, #tpu.memory_space<vmem>> -> memref<6400xi32, #tpu.memory_space<vmem>>
      %dma_start3A_48 = tpu.memref_slice %arg2[%mul3A_2] : memref<204800xi32, #tpu.memory_space<hbm>> -> memref<6400xi32, #tpu.memory_space<hbm>>
      %dma_start3A_49 = arith.constant 8 : i32
      %dma_start3A_50 = tpu.memref_slice %arg5[%dma_start3A_49] : memref<6408xi32, #tpu.memory_space<vmem>> -> memref<6400xi32, #tpu.memory_space<vmem>>
      %dma_start3A_51 = tpu.memref_slice %arg2[%mul3A_2] : memref<204800xi32, #tpu.memory_space<hbm>> -> memref<6400xi32, #tpu.memory_space<hbm>>
      tpu.enqueue_dma source(%dma_start3A_51 : memref<6400xi32, #tpu.memory_space<hbm>>) target(%dma_start3A_50 : memref<6400xi32, #tpu.memory_space<vmem>>) target_semaphore(%run_scoped3A : memref<!tpu.dma_semaphore, #tpu.memory_space<semaphore_mem>>)
      %dma_wait3A_52 = arith.constant 8 : i32
      %dma_wait3A_53 = tpu.memref_slice %arg5[%dma_wait3A_52] : memref<6408xi32, #tpu.memory_space<vmem>> -> memref<6400xi32, #tpu.memory_space<vmem>>
      %dma_wait3A_54 = tpu.memref_slice %arg2[%mul3A_2] : memref<204800xi32, #tpu.memory_space<hbm>> -> memref<6400xi32, #tpu.memory_space<hbm>>
      %dma_wait3A_55 = arith.constant 8 : i32
      %dma_wait3A_56 = tpu.memref_slice %arg5[%dma_wait3A_55] : memref<6408xi32, #tpu.memory_space<vmem>> -> memref<6400xi32, #tpu.memory_space<vmem>>
      %dma_wait3A_57 = tpu.memref_slice %arg2[%mul3A_2] : memref<204800xi32, #tpu.memory_space<hbm>> -> memref<6400xi32, #tpu.memory_space<hbm>>
      tpu.wait_dma2 semaphore(%run_scoped3A : memref<!tpu.dma_semaphore, #tpu.memory_space<semaphore_mem>>) src(%dma_wait3A_57 : memref<6400xi32, #tpu.memory_space<hbm>>) dst(%dma_wait3A_56 : memref<6400xi32, #tpu.memory_space<vmem>>)
      tpu.yield
    }) : () -> ()
    %scan3A = arith.constant 0 : i32
    %scan3A_3 = arith.constant 0 : i32
    %scan3A_4 = arith.constant 400 : i32
    %scan3A_5 = arith.addi %scan3A_3, %scan3A_4 : i32
    %scan3A_6 = arith.constant 1 : i32
    %scan3A_7 = scf.for %scan3A_46 = %scan3A_3 to %scan3A_5 step %scan3A_6 iter_args(%scan3A_47 = %scan3A) -> (i32)  : i32 {
      %sub3A = arith.constant 399 : i32
      %sub3A_48 = arith.subi %sub3A, %scan3A_46 : i32
      %mul3A_49 = arith.constant 16 : i32
      %mul3A_50 = arith.muli %sub3A_48, %mul3A_49 : i32
      %add3A_51 = arith.constant 8 : i32
      %add3A_52 = arith.addi %add3A_51, %mul3A_50 : i32
      %get3A = arith.index_cast %add3A_52 : i32 to index
      %get3A_53 = tpu.vector_load %arg5[%get3A] {strides = array<i32>} : memref<6408xi32, #tpu.memory_space<vmem>>, vector<16xi32>,
      %mul3A_54 = arith.constant 16 : i32
      %mul3A_55 = arith.muli %sub3A_48, %mul3A_54 : i32
      %add3A_56 = arith.constant 7 : i32
      %add3A_57 = arith.addi %add3A_56, %mul3A_55 : i32
      %get3A_58 = arith.index_cast %add3A_57 : i32 to index
      %get3A_59 = tpu.vector_load %arg5[%get3A_58] {strides = array<i32>} : memref<6408xi32, #tpu.memory_space<vmem>>, vector<16xi32>,
      %mul3A_60 = arith.constant 16 : i32
      %mul3A_61 = arith.muli %sub3A_48, %mul3A_60 : i32
      %iota3A = tpu.iota {dimensions = array<i32: 0>} : vector<16xi32>
      %add3A_62 = vector.broadcast %mul3A_61 : i32 to vector<16xi32>
      %add3A_63 = arith.addi %add3A_62, %iota3A : vector<16xi32>
      %jit3A = arith.constant 200 : i32
      %eq3A = arith.constant 0 : i32
      %eq3A_64 = arith.cmpi eq, %jit3A, %eq3A : i32
      %jit3A_65 = arith.constant 1 : i32
      %select_n3A = arith.select %eq3A_64, %jit3A_65, %jit3A : i32
      %rem3A = vector.broadcast %select_n3A : i32 to vector<16xi32>
      %rem3A_66 = arith.remsi %add3A_63, %rem3A : vector<16xi32>
      %ne3A = arith.constant 0 : i32
      %ne3A_67 = vector.broadcast %ne3A : i32 to vector<16xi32>
      %ne3A_68 = arith.cmpi ne, %rem3A_66, %ne3A_67 : vector<16xi32>
      %lt3A = arith.constant 0 : i32
      %lt3A_69 = vector.broadcast %lt3A : i32 to vector<16xi32>
      %lt3A_70 = arith.cmpi slt, %rem3A_66, %lt3A_69 : vector<16xi32>
      %lt3A_71 = arith.constant 0 : i32
      %lt3A_72 = arith.cmpi slt, %select_n3A, %lt3A_71 : i32
      %ne3A_73 = vector.broadcast %lt3A_72 : i1 to vector<16xi1>
      %ne3A_74 = vector.broadcast %ne3A_73 : vector<16xi1> to vector<16xi1>
      %ne3A_75 = arith.xori %lt3A_70, %ne3A_74 : vector<16xi1>
      %and3A = arith.andi %ne3A_75, %ne3A_68 : vector<16xi1>
      %add3A_76 = vector.broadcast %select_n3A : i32 to vector<16xi32>
      %add3A_77 = arith.addi %rem3A_66, %add3A_76 : vector<16xi32>
      %select_n3A_78 = arith.select %and3A, %add3A_77, %rem3A_66 : vector<16xi1>, vector<16xi32>
      %eq3A_79 = arith.constant 0 : i32
      %eq3A_80 = vector.broadcast %eq3A_79 : i32 to vector<16xi32>
      %eq3A_81 = arith.cmpi eq, %select_n3A_78, %eq3A_80 : vector<16xi32>
      %jit3A_82 = arith.constant 0 : i32
      %broadcast_in_dim3A = vector.broadcast %jit3A_82 : i32 to vector<16xi32>
      %select_n3A_83 = arith.select %eq3A_81, %broadcast_in_dim3A, %get3A_59 : vector<16xi1>, vector<16xi32>
      %mul3A_84 = arith.constant 1315423911 : i32
      %mul3A_85 = vector.broadcast %mul3A_84 : i32 to vector<16xi32>
      %mul3A_86 = arith.muli %select_n3A_83, %mul3A_85 : vector<16xi32>
      %add3A_87 = arith.addi %mul3A_86, %get3A_53 : vector<16xi32>
      %and3A_88 = arith.constant 8191 : i32
      %and3A_89 = vector.broadcast %and3A_88 : i32 to vector<16xi32>
      %and3A_90 = arith.andi %add3A_87, %and3A_89 : vector<16xi32>
      %mul3A_91 = arith.constant 16 : i32
      %mul3A_92 = arith.muli %sub3A_48, %mul3A_91 : i32
      %add3A_93 = arith.constant 8 : i32
      %add3A_94 = arith.addi %add3A_93, %mul3A_92 : i32
      %swap3A = arith.index_cast %add3A_94 : i32 to index
      %swap3A_95 = tpu.vector_load %arg5[%swap3A] {strides = array<i32>} : memref<6408xi32, #tpu.memory_space<vmem>>, vector<16xi32>,
      tpu.vector_store %arg5[%swap3A], %and3A_90 {strides = array<i32>} : memref<6408xi32, #tpu.memory_space<vmem>>, vector<16xi32>,
      %scan3A_96 = arith.constant 0 : i32
      scf.yield %scan3A_96 : i32
    }
    %scan3A_8 = arith.constant 400 : i32
    %dma_start3A = arith.constant 8 : i32
    %dma_start3A_9 = tpu.memref_slice %arg5[%dma_start3A] : memref<6408xi32, #tpu.memory_space<vmem>> -> memref<40xi32, #tpu.memory_space<vmem>>
    %dma_start3A_10 = arith.constant 0 : i32
    %dma_start3A_11 = arith.constant 0 : i32
    %dma_start3A_12 = tpu.memref_slice %arg3[%dma_start3A_10, %dma_start3A_11] : memref<8192x512xf32, #tpu.memory_space<hbm>> -> memref<8192x512xf32, #tpu.memory_space<hbm>>
    tpu.enqueue_indirect_dma source(%dma_start3A_12 : memref<8192x512xf32, #tpu.memory_space<hbm>>) target(%arg6 : memref<40x512xf32, #tpu.memory_space<vmem>>) offsets(%dma_start3A_9 : memref<40xi32, #tpu.memory_space<vmem>>) semaphore(%arg12 : memref<!tpu.dma_semaphore, #tpu.memory_space<semaphore_mem>>)
    %dma_start3A_13 = arith.constant 48 : i32
    %dma_start3A_14 = tpu.memref_slice %arg5[%dma_start3A_13] : memref<6408xi32, #tpu.memory_space<vmem>> -> memref<40xi32, #tpu.memory_space<vmem>>
    %dma_start3A_15 = arith.constant 0 : i32
    %dma_start3A_16 = arith.constant 0 : i32
    %dma_start3A_17 = tpu.memref_slice %arg3[%dma_start3A_15, %dma_start3A_16] : memref<8192x512xf32, #tpu.memory_space<hbm>> -> memref<8192x512xf32, #tpu.memory_space<hbm>>
    tpu.enqueue_indirect_dma source(%dma_start3A_17 : memref<8192x512xf32, #tpu.memory_space<hbm>>) target(%arg7 : memref<40x512xf32, #tpu.memory_space<vmem>>) offsets(%dma_start3A_14 : memref<40xi32, #tpu.memory_space<vmem>>) semaphore(%arg13 : memref<!tpu.dma_semaphore, #tpu.memory_space<semaphore_mem>>)
    %dma_start3A_18 = arith.constant 88 : i32
    %dma_start3A_19 = tpu.memref_slice %arg5[%dma_start3A_18] : memref<6408xi32, #tpu.memory_space<vmem>> -> memref<40xi32, #tpu.memory_space<vmem>>
    %dma_start3A_20 = arith.constant 0 : i32
    %dma_start3A_21 = arith.constant 0 : i32
    %dma_start3A_22 = tpu.memref_slice %arg3[%dma_start3A_20, %dma_start3A_21] : memref<8192x512xf32, #tpu.memory_space<hbm>> -> memref<8192x512xf32, #tpu.memory_space<hbm>>
    tpu.enqueue_indirect_dma source(%dma_start3A_22 : memref<8192x512xf32, #tpu.memory_space<hbm>>) target(%arg8 : memref<40x512xf32, #tpu.memory_space<vmem>>) offsets(%dma_start3A_19 : memref<40xi32, #tpu.memory_space<vmem>>) semaphore(%arg14 : memref<!tpu.dma_semaphore, #tpu.memory_space<semaphore_mem>>)
    %dma_start3A_23 = arith.constant 128 : i32
    %dma_start3A_24 = tpu.memref_slice %arg5[%dma_start3A_23] : memref<6408xi32, #tpu.memory_space<vmem>> -> memref<40xi32, #tpu.memory_space<vmem>>
    %dma_start3A_25 = arith.constant 0 : i32
    %dma_start3A_26 = arith.constant 0 : i32
    %dma_start3A_27 = tpu.memref_slice %arg3[%dma_start3A_25, %dma_start3A_26] : memref<8192x512xf32, #tpu.memory_space<hbm>> -> memref<8192x512xf32, #tpu.memory_space<hbm>>
    tpu.enqueue_indirect_dma source(%dma_start3A_27 : memref<8192x512xf32, #tpu.memory_space<hbm>>) target(%arg9 : memref<40x512xf32, #tpu.memory_space<vmem>>) offsets(%dma_start3A_24 : memref<40xi32, #tpu.memory_space<vmem>>) semaphore(%arg15 : memref<!tpu.dma_semaphore, #tpu.memory_space<semaphore_mem>>)
    %scan3A_28 = arith.constant 0 : i32
    %scan3A_29 = arith.constant 0 : i32
    %scan3A_30 = arith.constant 40 : i32
    %scan3A_31 = arith.addi %scan3A_29, %scan3A_30 : i32
    %scan3A_32 = arith.constant 1 : i32
    %scan3A_33 = scf.for %scan3A_46 = %scan3A_29 to %scan3A_31 step %scan3A_32 iter_args(%scan3A_47 = %scan3A_28) -> (i32)  : i32 {
      %mul3A_48 = arith.constant 4 : i32
      %mul3A_49 = arith.muli %scan3A_46, %mul3A_48 : i32
      %add3A_50 = arith.constant 0 : i32
      %add3A_51 = arith.addi %mul3A_49, %add3A_50 : i32
      %dma_wait3A_52 = arith.constant 0 : i32
      %dma_wait3A_53 = arith.constant 0 : i32
      %dma_wait3A_54 = tpu.memref_slice %arg3[%dma_wait3A_52, %dma_wait3A_53] : memref<8192x512xf32, #tpu.memory_space<hbm>> -> memref<40x512xf32, #tpu.memory_space<hbm>>
      %dma_wait3A_55 = arith.constant 0 : i32
      %dma_wait3A_56 = arith.constant 0 : i32
      %dma_wait3A_57 = tpu.memref_slice %arg3[%dma_wait3A_55, %dma_wait3A_56] : memref<8192x512xf32, #tpu.memory_space<hbm>> -> memref<40x512xf32, #tpu.memory_space<hbm>>
      tpu.wait_dma2 semaphore(%arg12 : memref<!tpu.dma_semaphore, #tpu.memory_space<semaphore_mem>>) src(%dma_wait3A_57 : memref<40x512xf32, #tpu.memory_space<hbm>>) dst(%arg6 : memref<40x512xf32, #tpu.memory_space<vmem>>)
      %ge3A = arith.constant 2 : i32
      %ge3A_58 = arith.cmpi sge, %add3A_51, %ge3A : i32
      %convert_element_type3A = arith.extui %ge3A_58 : i1 to i32
      %cond3A = arith.constant 0 : i32
      %cond3A_59 = arith.cmpi ne, %convert_element_type3A, %cond3A : i32
      scf.if %cond3A_59 {
        %dma_wait3A_189 = arith.constant 0 : i32
        %dma_wait3A_190 = arith.constant 0 : i32
        %dma_wait3A_191 = tpu.memref_slice %arg4[%dma_wait3A_189, %dma_wait3A_190] : memref<204800x448xf32, #tpu.memory_space<hbm>> -> memref<40x448xf32, #tpu.memory_space<hbm>>
        %dma_wait3A_192 = arith.constant 0 : i32
        %dma_wait3A_193 = arith.constant 0 : i32
        %dma_wait3A_194 = tpu.memref_slice %arg4[%dma_wait3A_192, %dma_wait3A_193] : memref<204800x448xf32, #tpu.memory_space<hbm>> -> memref<40x448xf32, #tpu.memory_space<hbm>>
        tpu.wait_dma2 semaphore(%arg16 : memref<!tpu.dma_semaphore, #tpu.memory_space<semaphore_mem>>) src(%arg10 : memref<40x448xf32, #tpu.memory_space<vmem>>) dst(%dma_wait3A_194 : memref<40x448xf32, #tpu.memory_space<hbm>>)
      } else {
      }
      %scan3A_60 = arith.constant 0 : i32
      %scan3A_61 = arith.constant 0 : i32
      %scan3A_62 = arith.constant 20 : i32
      %scan3A_63 = arith.addi %scan3A_61, %scan3A_62 : i32
      %scan3A_64 = arith.constant 1 : i32
      %scan3A_65 = scf.for %scan3A_189 = %scan3A_61 to %scan3A_63 step %scan3A_64 iter_args(%scan3A_190 = %scan3A_60) -> (i32)  : i32 {
        %mul3A_191 = arith.constant 2 : i32
        %mul3A_192 = arith.muli %scan3A_189, %mul3A_191 : i32
        %add3A_193 = arith.constant 0 : i32
        %add3A_194 = arith.addi %mul3A_192, %add3A_193 : i32
        %get3A = arith.index_cast %add3A_194 : i32 to index
        %get3A_195 = arith.constant 0 : index
        %get3A_196 = tpu.vector_load %arg6[%get3A, %get3A_195] {strides = array<i32>} : memref<40x512xf32, #tpu.memory_space<vmem>>, vector<16xf32>,
        %mul3A_197 = arith.constant 2 : i32
        %mul3A_198 = arith.muli %scan3A_189, %mul3A_197 : i32
        %add3A_199 = arith.constant 0 : i32
        %add3A_200 = arith.addi %mul3A_198, %add3A_199 : i32
        %swap3A = arith.index_cast %add3A_200 : i32 to index
        %swap3A_201 = arith.constant 0 : index
        %swap3A_202 = tpu.vector_load %arg10[%swap3A, %swap3A_201] {strides = array<i32>} : memref<40x448xf32, #tpu.memory_space<vmem>>, vector<16xf32>,
        tpu.vector_store %arg10[%swap3A, %swap3A_201], %get3A_196 {strides = array<i32>} : memref<40x448xf32, #tpu.memory_space<vmem>>, vector<16xf32>,
        %mul3A_203 = arith.constant 2 : i32
        %mul3A_204 = arith.muli %scan3A_189, %mul3A_203 : i32
        %add3A_205 = arith.constant 0 : i32
        %add3A_206 = arith.addi %mul3A_204, %add3A_205 : i32
        %get3A_207 = arith.index_cast %add3A_206 : i32 to index
        %get3A_208 = arith.constant 16 : index
        %get3A_209 = tpu.vector_load %arg6[%get3A_207, %get3A_208] {strides = array<i32>} : memref<40x512xf32, #tpu.memory_space<vmem>>, vector<16xf32>,
        %mul3A_210 = arith.constant 2 : i32
        %mul3A_211 = arith.muli %scan3A_189, %mul3A_210 : i32
        %add3A_212 = arith.constant 0 : i32
        %add3A_213 = arith.addi %mul3A_211, %add3A_212 : i32
        %swap3A_214 = arith.index_cast %add3A_213 : i32 to index
        %swap3A_215 = arith.constant 16 : index
        %swap3A_216 = tpu.vector_load %arg10[%swap3A_214, %swap3A_215] {strides = array<i32>} : memref<40x448xf32, #tpu.memory_space<vmem>>, vector<16xf32>,
        tpu.vector_store %arg10[%swap3A_214, %swap3A_215], %get3A_209 {strides = array<i32>} : memref<40x448xf32, #tpu.memory_space<vmem>>, vector<16xf32>,
        %mul3A_217 = arith.constant 2 : i32
        %mul3A_218 = arith.muli %scan3A_189, %mul3A_217 : i32
        %add3A_219 = arith.constant 0 : i32
        %add3A_220 = arith.addi %mul3A_218, %add3A_219 : i32
        %get3A_221 = arith.index_cast %add3A_220 : i32 to index
        %get3A_222 = arith.constant 32 : index
        %get3A_223 = tpu.vector_load %arg6[%get3A_221, %get3A_222] {strides = array<i32>} : memref<40x512xf32, #tpu.memory_space<vmem>>, vector<16xf32>,
        %mul3A_224 = arith.constant 2 : i32
        %mul3A_225 = arith.muli %scan3A_189, %mul3A_224 : i32
        %add3A_226 = arith.constant 0 : i32
        %add3A_227 = arith.addi %mul3A_225, %add3A_226 : i32
        %swap3A_228 = arith.index_cast %add3A_227 : i32 to index
        %swap3A_229 = arith.constant 32 : index
        %swap3A_230 = tpu.vector_load %arg10[%swap3A_228, %swap3A_229] {strides = array<i32>} : memref<40x448xf32, #tpu.memory_space<vmem>>, vector<16xf32>,
        tpu.vector_store %arg10[%swap3A_228, %swap3A_229], %get3A_223 {strides = array<i32>} : memref<40x448xf32, #tpu.memory_space<vmem>>, vector<16xf32>,
        %mul3A_231 = arith.constant 2 : i32
        %mul3A_232 = arith.muli %scan3A_189, %mul3A_231 : i32
        %add3A_233 = arith.constant 0 : i32
        %add3A_234 = arith.addi %mul3A_232, %add3A_233 : i32
        %get3A_235 = arith.index_cast %add3A_234 : i32 to index
        %get3A_236 = arith.constant 48 : index
        %get3A_237 = tpu.vector_load %arg6[%get3A_235, %get3A_236] {strides = array<i32>} : memref<40x512xf32, #tpu.memory_space<vmem>>, vector<16xf32>,
        %mul3A_238 = arith.constant 2 : i32
        %mul3A_239 = arith.muli %scan3A_189, %mul3A_238 : i32
        %add3A_240 = arith.constant 0 : i32
        %add3A_241 = arith.addi %mul3A_239, %add3A_240 : i32
        %swap3A_242 = arith.index_cast %add3A_241 : i32 to index
        %swap3A_243 = arith.constant 48 : index
        %swap3A_244 = tpu.vector_load %arg10[%swap3A_242, %swap3A_243] {strides = array<i32>} : memref<40x448xf32, #tpu.memory_space<vmem>>, vector<16xf32>,
        tpu.vector_store %arg10[%swap3A_242, %swap3A_243], %get3A_237 {strides = array<i32>} : memref<40x448xf32, #tpu.memory_space<vmem>>, vector<16xf32>,
        %mul3A_245 = arith.constant 2 : i32
        %mul3A_246 = arith.muli %scan3A_189, %mul3A_245 : i32
        %add3A_247 = arith.constant 0 : i32
        %add3A_248 = arith.addi %mul3A_246, %add3A_247 : i32
        %get3A_249 = arith.index_cast %add3A_248 : i32 to index
        %get3A_250 = arith.constant 64 : index
        %get3A_251 = tpu.vector_load %arg6[%get3A_249, %get3A_250] {strides = array<i32>} : memref<40x512xf32, #tpu.memory_space<vmem>>, vector<16xf32>,
        %mul3A_252 = arith.constant 2 : i32
        %mul3A_253 = arith.muli %scan3A_189, %mul3A_252 : i32
        %add3A_254 = arith.constant 0 : i32
        %add3A_255 = arith.addi %mul3A_253, %add3A_254 : i32
        %swap3A_256 = arith.index_cast %add3A_255 : i32 to index
        %swap3A_257 = arith.constant 64 : index
        %swap3A_258 = tpu.vector_load %arg10[%swap3A_256, %swap3A_257] {strides = array<i32>} : memref<40x448xf32, #tpu.memory_space<vmem>>, vector<16xf32>,
        tpu.vector_store %arg10[%swap3A_256, %swap3A_257], %get3A_251 {strides = array<i32>} : memref<40x448xf32, #tpu.memory_space<vmem>>, vector<16xf32>,
        %mul3A_259 = arith.constant 2 : i32
        %mul3A_260 = arith.muli %scan3A_189, %mul3A_259 : i32
        %add3A_261 = arith.constant 0 : i32
        %add3A_262 = arith.addi %mul3A_260, %add3A_261 : i32
        %get3A_263 = arith.index_cast %add3A_262 : i32 to index
        %get3A_264 = arith.constant 80 : index
        %get3A_265 = tpu.vector_load %arg6[%get3A_263, %get3A_264] {strides = array<i32>} : memref<40x512xf32, #tpu.memory_space<vmem>>, vector<16xf32>,
        %mul3A_266 = arith.constant 2 : i32
        %mul3A_267 = arith.muli %scan3A_189, %mul3A_266 : i32
        %add3A_268 = arith.constant 0 : i32
        %add3A_269 = arith.addi %mul3A_267, %add3A_268 : i32
        %swap3A_270 = arith.index_cast %add3A_269 : i32 to index
        %swap3A_271 = arith.constant 80 : index
        %swap3A_272 = tpu.vector_load %arg10[%swap3A_270, %swap3A_271] {strides = array<i32>} : memref<40x448xf32, #tpu.memory_space<vmem>>, vector<16xf32>,
        tpu.vector_store %arg10[%swap3A_270, %swap3A_271], %get3A_265 {strides = array<i32>} : memref<40x448xf32, #tpu.memory_space<vmem>>, vector<16xf32>,
        %mul3A_273 = arith.constant 2 : i32
        %mul3A_274 = arith.muli %scan3A_189, %mul3A_273 : i32
        %add3A_275 = arith.constant 0 : i32
        %add3A_276 = arith.addi %mul3A_274, %add3A_275 : i32
        %get3A_277 = arith.index_cast %add3A_276 : i32 to index
        %get3A_278 = arith.constant 96 : index
        %get3A_279 = tpu.vector_load %arg6[%get3A_277, %get3A_278] {strides = array<i32>} : memref<40x512xf32, #tpu.memory_space<vmem>>, vector<16xf32>,
        %mul3A_280 = arith.constant 2 : i32
        %mul3A_281 = arith.muli %scan3A_189, %mul3A_280 : i32
        %add3A_282 = arith.constant 0 : i32
        %add3A_283 = arith.addi %mul3A_281, %add3A_282 : i32
        %swap3A_284 = arith.index_cast %add3A_283 : i32 to index
        %swap3A_285 = arith.constant 96 : index
        %swap3A_286 = tpu.vector_load %arg10[%swap3A_284, %swap3A_285] {strides = array<i32>} : memref<40x448xf32, #tpu.memory_space<vmem>>, vector<16xf32>,
        tpu.vector_store %arg10[%swap3A_284, %swap3A_285], %get3A_279 {strides = array<i32>} : memref<40x448xf32, #tpu.memory_space<vmem>>, vector<16xf32>,
        %mul3A_287 = arith.constant 2 : i32
        %mul3A_288 = arith.muli %scan3A_189, %mul3A_287 : i32
        %add3A_289 = arith.constant 0 : i32
        %add3A_290 = arith.addi %mul3A_288, %add3A_289 : i32
        %get3A_291 = arith.index_cast %add3A_290 : i32 to index
        %get3A_292 = arith.constant 112 : index
        %get3A_293 = tpu.vector_load %arg6[%get3A_291, %get3A_292] {strides = array<i32>} : memref<40x512xf32, #tpu.memory_space<vmem>>, vector<16xf32>,
        %mul3A_294 = arith.constant 2 : i32
        %mul3A_295 = arith.muli %scan3A_189, %mul3A_294 : i32
        %add3A_296 = arith.constant 0 : i32
        %add3A_297 = arith.addi %mul3A_295, %add3A_296 : i32
        %swap3A_298 = arith.index_cast %add3A_297 : i32 to index
        %swap3A_299 = arith.constant 112 : index
        %swap3A_300 = tpu.vector_load %arg10[%swap3A_298, %swap3A_299] {strides = array<i32>} : memref<40x448xf32, #tpu.memory_space<vmem>>, vector<16xf32>,
        tpu.vector_store %arg10[%swap3A_298, %swap3A_299], %get3A_293 {strides = array<i32>} : memref<40x448xf32, #tpu.memory_space<vmem>>, vector<16xf32>,
        %mul3A_301 = arith.constant 2 : i32
        %mul3A_302 = arith.muli %scan3A_189, %mul3A_301 : i32
        %add3A_303 = arith.constant 0 : i32
        %add3A_304 = arith.addi %mul3A_302, %add3A_303 : i32
        %get3A_305 = arith.index_cast %add3A_304 : i32 to index
        %get3A_306 = arith.constant 128 : index
        %get3A_307 = tpu.vector_load %arg6[%get3A_305, %get3A_306] {strides = array<i32>} : memref<40x512xf32, #tpu.memory_space<vmem>>, vector<16xf32>,
        %mul3A_308 = arith.constant 2 : i32
        %mul3A_309 = arith.muli %scan3A_189, %mul3A_308 : i32
        %add3A_310 = arith.constant 0 : i32
        %add3A_311 = arith.addi %mul3A_309, %add3A_310 : i32
        %swap3A_312 = arith.index_cast %add3A_311 : i32 to index
        %swap3A_313 = arith.constant 128 : index
        %swap3A_314 = tpu.vector_load %arg10[%swap3A_312, %swap3A_313] {strides = array<i32>} : memref<40x448xf32, #tpu.memory_space<vmem>>, vector<16xf32>,
        tpu.vector_store %arg10[%swap3A_312, %swap3A_313], %get3A_307 {strides = array<i32>} : memref<40x448xf32, #tpu.memory_space<vmem>>, vector<16xf32>,
        %mul3A_315 = arith.constant 2 : i32
        %mul3A_316 = arith.muli %scan3A_189, %mul3A_315 : i32
        %add3A_317 = arith.constant 0 : i32
        %add3A_318 = arith.addi %mul3A_316, %add3A_317 : i32
        %get3A_319 = arith.index_cast %add3A_318 : i32 to index
        %get3A_320 = arith.constant 144 : index
        %get3A_321 = tpu.vector_load %arg6[%get3A_319, %get3A_320] {strides = array<i32>} : memref<40x512xf32, #tpu.memory_space<vmem>>, vector<16xf32>,
        %mul3A_322 = arith.constant 2 : i32
        %mul3A_323 = arith.muli %scan3A_189, %mul3A_322 : i32
        %add3A_324 = arith.constant 0 : i32
        %add3A_325 = arith.addi %mul3A_323, %add3A_324 : i32
        %swap3A_326 = arith.index_cast %add3A_325 : i32 to index
        %swap3A_327 = arith.constant 144 : index
        %swap3A_328 = tpu.vector_load %arg10[%swap3A_326, %swap3A_327] {strides = array<i32>} : memref<40x448xf32, #tpu.memory_space<vmem>>, vector<16xf32>,
        tpu.vector_store %arg10[%swap3A_326, %swap3A_327], %get3A_321 {strides = array<i32>} : memref<40x448xf32, #tpu.memory_space<vmem>>, vector<16xf32>,
        %mul3A_329 = arith.constant 2 : i32
        %mul3A_330 = arith.muli %scan3A_189, %mul3A_329 : i32
        %add3A_331 = arith.constant 0 : i32
        %add3A_332 = arith.addi %mul3A_330, %add3A_331 : i32
        %get3A_333 = arith.index_cast %add3A_332 : i32 to index
        %get3A_334 = arith.constant 160 : index
        %get3A_335 = tpu.vector_load %arg6[%get3A_333, %get3A_334] {strides = array<i32>} : memref<40x512xf32, #tpu.memory_space<vmem>>, vector<16xf32>,
        %mul3A_336 = arith.constant 2 : i32
        %mul3A_337 = arith.muli %scan3A_189, %mul3A_336 : i32
        %add3A_338 = arith.constant 0 : i32
        %add3A_339 = arith.addi %mul3A_337, %add3A_338 : i32
        %swap3A_340 = arith.index_cast %add3A_339 : i32 to index
        %swap3A_341 = arith.constant 160 : index
        %swap3A_342 = tpu.vector_load %arg10[%swap3A_340, %swap3A_341] {strides = array<i32>} : memref<40x448xf32, #tpu.memory_space<vmem>>, vector<16xf32>,
        tpu.vector_store %arg10[%swap3A_340, %swap3A_341], %get3A_335 {strides = array<i32>} : memref<40x448xf32, #tpu.memory_space<vmem>>, vector<16xf32>,
        %mul3A_343 = arith.constant 2 : i32
        %mul3A_344 = arith.muli %scan3A_189, %mul3A_343 : i32
        %add3A_345 = arith.constant 0 : i32
        %add3A_346 = arith.addi %mul3A_344, %add3A_345 : i32
        %get3A_347 = arith.index_cast %add3A_346 : i32 to index
        %get3A_348 = arith.constant 176 : index
        %get3A_349 = tpu.vector_load %arg6[%get3A_347, %get3A_348] {strides = array<i32>} : memref<40x512xf32, #tpu.memory_space<vmem>>, vector<16xf32>,
        %mul3A_350 = arith.constant 2 : i32
        %mul3A_351 = arith.muli %scan3A_189, %mul3A_350 : i32
        %add3A_352 = arith.constant 0 : i32
        %add3A_353 = arith.addi %mul3A_351, %add3A_352 : i32
        %swap3A_354 = arith.index_cast %add3A_353 : i32 to index
        %swap3A_355 = arith.constant 176 : index
        %swap3A_356 = tpu.vector_load %arg10[%swap3A_354, %swap3A_355] {strides = array<i32>} : memref<40x448xf32, #tpu.memory_space<vmem>>, vector<16xf32>,
        tpu.vector_store %arg10[%swap3A_354, %swap3A_355], %get3A_349 {strides = array<i32>} : memref<40x448xf32, #tpu.memory_space<vmem>>, vector<16xf32>,
        %mul3A_357 = arith.constant 2 : i32
        %mul3A_358 = arith.muli %scan3A_189, %mul3A_357 : i32
        %add3A_359 = arith.constant 0 : i32
        %add3A_360 = arith.addi %mul3A_358, %add3A_359 : i32
        %get3A_361 = arith.index_cast %add3A_360 : i32 to index
        %get3A_362 = arith.constant 192 : index
        %get3A_363 = tpu.vector_load %arg6[%get3A_361, %get3A_362] {strides = array<i32>} : memref<40x512xf32, #tpu.memory_space<vmem>>, vector<16xf32>,
        %mul3A_364 = arith.constant 2 : i32
        %mul3A_365 = arith.muli %scan3A_189, %mul3A_364 : i32
        %add3A_366 = arith.constant 0 : i32
        %add3A_367 = arith.addi %mul3A_365, %add3A_366 : i32
        %swap3A_368 = arith.index_cast %add3A_367 : i32 to index
        %swap3A_369 = arith.constant 192 : index
        %swap3A_370 = tpu.vector_load %arg10[%swap3A_368, %swap3A_369] {strides = array<i32>} : memref<40x448xf32, #tpu.memory_space<vmem>>, vector<16xf32>,
        tpu.vector_store %arg10[%swap3A_368, %swap3A_369], %get3A_363 {strides = array<i32>} : memref<40x448xf32, #tpu.memory_space<vmem>>, vector<16xf32>,
        %mul3A_371 = arith.constant 2 : i32
        %mul3A_372 = arith.muli %scan3A_189, %mul3A_371 : i32
        %add3A_373 = arith.constant 0 : i32
        %add3A_374 = arith.addi %mul3A_372, %add3A_373 : i32
        %get3A_375 = arith.index_cast %add3A_374 : i32 to index
        %get3A_376 = arith.constant 208 : index
        %get3A_377 = tpu.vector_load %arg6[%get3A_375, %get3A_376] {strides = array<i32>} : memref<40x512xf32, #tpu.memory_space<vmem>>, vector<16xf32>,
        %mul3A_378 = arith.constant 2 : i32
        %mul3A_379 = arith.muli %scan3A_189, %mul3A_378 : i32
        %add3A_380 = arith.constant 0 : i32
        %add3A_381 = arith.addi %mul3A_379, %add3A_380 : i32
        %swap3A_382 = arith.index_cast %add3A_381 : i32 to index
        %swap3A_383 = arith.constant 208 : index
        %swap3A_384 = tpu.vector_load %arg10[%swap3A_382, %swap3A_383] {strides = array<i32>} : memref<40x448xf32, #tpu.memory_space<vmem>>, vector<16xf32>,
        tpu.vector_store %arg10[%swap3A_382, %swap3A_383], %get3A_377 {strides = array<i32>} : memref<40x448xf32, #tpu.memory_space<vmem>>, vector<16xf32>,
        %mul3A_385 = arith.constant 2 : i32
        %mul3A_386 = arith.muli %scan3A_189, %mul3A_385 : i32
        %add3A_387 = arith.constant 0 : i32
        %add3A_388 = arith.addi %mul3A_386, %add3A_387 : i32
        %get3A_389 = arith.index_cast %add3A_388 : i32 to index
        %get3A_390 = arith.constant 224 : index
        %get3A_391 = tpu.vector_load %arg6[%get3A_389, %get3A_390] {strides = array<i32>} : memref<40x512xf32, #tpu.memory_space<vmem>>, vector<16xf32>,
        %mul3A_392 = arith.constant 2 : i32
        %mul3A_393 = arith.muli %scan3A_189, %mul3A_392 : i32
        %add3A_394 = arith.constant 0 : i32
        %add3A_395 = arith.addi %mul3A_393, %add3A_394 : i32
        %swap3A_396 = arith.index_cast %add3A_395 : i32 to index
        %swap3A_397 = arith.constant 224 : index
        %swap3A_398 = tpu.vector_load %arg10[%swap3A_396, %swap3A_397] {strides = array<i32>} : memref<40x448xf32, #tpu.memory_space<vmem>>, vector<16xf32>,
        tpu.vector_store %arg10[%swap3A_396, %swap3A_397], %get3A_391 {strides = array<i32>} : memref<40x448xf32, #tpu.memory_space<vmem>>, vector<16xf32>,
        %mul3A_399 = arith.constant 2 : i32
        %mul3A_400 = arith.muli %scan3A_189, %mul3A_399 : i32
        %add3A_401 = arith.constant 0 : i32
        %add3A_402 = arith.addi %mul3A_400, %add3A_401 : i32
        %get3A_403 = arith.index_cast %add3A_402 : i32 to index
        %get3A_404 = arith.constant 240 : index
        %get3A_405 = tpu.vector_load %arg6[%get3A_403, %get3A_404] {strides = array<i32>} : memref<40x512xf32, #tpu.memory_space<vmem>>, vector<16xf32>,
        %mul3A_406 = arith.constant 2 : i32
        %mul3A_407 = arith.muli %scan3A_189, %mul3A_406 : i32
        %add3A_408 = arith.constant 0 : i32
        %add3A_409 = arith.addi %mul3A_407, %add3A_408 : i32
        %swap3A_410 = arith.index_cast %add3A_409 : i32 to index
        %swap3A_411 = arith.constant 240 : index
        %swap3A_412 = tpu.vector_load %arg10[%swap3A_410, %swap3A_411] {strides = array<i32>} : memref<40x448xf32, #tpu.memory_space<vmem>>, vector<16xf32>,
        tpu.vector_store %arg10[%swap3A_410, %swap3A_411], %get3A_405 {strides = array<i32>} : memref<40x448xf32, #tpu.memory_space<vmem>>, vector<16xf32>,
        %mul3A_413 = arith.constant 2 : i32
        %mul3A_414 = arith.muli %scan3A_189, %mul3A_413 : i32
        %add3A_415 = arith.constant 0 : i32
        %add3A_416 = arith.addi %mul3A_414, %add3A_415 : i32
        %get3A_417 = arith.index_cast %add3A_416 : i32 to index
        %get3A_418 = arith.constant 256 : index
        %get3A_419 = tpu.vector_load %arg6[%get3A_417, %get3A_418] {strides = array<i32>} : memref<40x512xf32, #tpu.memory_space<vmem>>, vector<16xf32>,
        %mul3A_420 = arith.constant 2 : i32
        %mul3A_421 = arith.muli %scan3A_189, %mul3A_420 : i32
        %add3A_422 = arith.constant 0 : i32
        %add3A_423 = arith.addi %mul3A_421, %add3A_422 : i32
        %swap3A_424 = arith.index_cast %add3A_423 : i32 to index
        %swap3A_425 = arith.constant 256 : index
        %swap3A_426 = tpu.vector_load %arg10[%swap3A_424, %swap3A_425] {strides = array<i32>} : memref<40x448xf32, #tpu.memory_space<vmem>>, vector<16xf32>,
        tpu.vector_store %arg10[%swap3A_424, %swap3A_425], %get3A_419 {strides = array<i32>} : memref<40x448xf32, #tpu.memory_space<vmem>>, vector<16xf32>,
        %mul3A_427 = arith.constant 2 : i32
        %mul3A_428 = arith.muli %scan3A_189, %mul3A_427 : i32
        %add3A_429 = arith.constant 0 : i32
        %add3A_430 = arith.addi %mul3A_428, %add3A_429 : i32
        %get3A_431 = arith.index_cast %add3A_430 : i32 to index
        %get3A_432 = arith.constant 272 : index
        %get3A_433 = tpu.vector_load %arg6[%get3A_431, %get3A_432] {strides = array<i32>} : memref<40x512xf32, #tpu.memory_space<vmem>>, vector<16xf32>,
        %mul3A_434 = arith.constant 2 : i32
        %mul3A_435 = arith.muli %scan3A_189, %mul3A_434 : i32
        %add3A_436 = arith.constant 0 : i32
        %add3A_437 = arith.addi %mul3A_435, %add3A_436 : i32
        %swap3A_438 = arith.index_cast %add3A_437 : i32 to index
        %swap3A_439 = arith.constant 272 : index
        %swap3A_440 = tpu.vector_load %arg10[%swap3A_438, %swap3A_439] {strides = array<i32>} : memref<40x448xf32, #tpu.memory_space<vmem>>, vector<16xf32>,
        tpu.vector_store %arg10[%swap3A_438, %swap3A_439], %get3A_433 {strides = array<i32>} : memref<40x448xf32, #tpu.memory_space<vmem>>, vector<16xf32>,
        %mul3A_441 = arith.constant 2 : i32
        %mul3A_442 = arith.muli %scan3A_189, %mul3A_441 : i32
        %add3A_443 = arith.constant 0 : i32
        %add3A_444 = arith.addi %mul3A_442, %add3A_443 : i32
        %get3A_445 = arith.index_cast %add3A_444 : i32 to index
        %get3A_446 = arith.constant 288 : index
        %get3A_447 = tpu.vector_load %arg6[%get3A_445, %get3A_446] {strides = array<i32>} : memref<40x512xf32, #tpu.memory_space<vmem>>, vector<16xf32>,
        %mul3A_448 = arith.constant 2 : i32
        %mul3A_449 = arith.muli %scan3A_189, %mul3A_448 : i32
        %add3A_450 = arith.constant 0 : i32
        %add3A_451 = arith.addi %mul3A_449, %add3A_450 : i32
        %swap3A_452 = arith.index_cast %add3A_451 : i32 to index
        %swap3A_453 = arith.constant 288 : index
        %swap3A_454 = tpu.vector_load %arg10[%swap3A_452, %swap3A_453] {strides = array<i32>} : memref<40x448xf32, #tpu.memory_space<vmem>>, vector<16xf32>,
        tpu.vector_store %arg10[%swap3A_452, %swap3A_453], %get3A_447 {strides = array<i32>} : memref<40x448xf32, #tpu.memory_space<vmem>>, vector<16xf32>,
        %mul3A_455 = arith.constant 2 : i32
        %mul3A_456 = arith.muli %scan3A_189, %mul3A_455 : i32
        %add3A_457 = arith.constant 0 : i32
        %add3A_458 = arith.addi %mul3A_456, %add3A_457 : i32
        %get3A_459 = arith.index_cast %add3A_458 : i32 to index
        %get3A_460 = arith.constant 304 : index
        %get3A_461 = tpu.vector_load %arg6[%get3A_459, %get3A_460] {strides = array<i32>} : memref<40x512xf32, #tpu.memory_space<vmem>>, vector<16xf32>,
        %mul3A_462 = arith.constant 2 : i32
        %mul3A_463 = arith.muli %scan3A_189, %mul3A_462 : i32
        %add3A_464 = arith.constant 0 : i32
        %add3A_465 = arith.addi %mul3A_463, %add3A_464 : i32
        %swap3A_466 = arith.index_cast %add3A_465 : i32 to index
        %swap3A_467 = arith.constant 304 : index
        %swap3A_468 = tpu.vector_load %arg10[%swap3A_466, %swap3A_467] {strides = array<i32>} : memref<40x448xf32, #tpu.memory_space<vmem>>, vector<16xf32>,
        tpu.vector_store %arg10[%swap3A_466, %swap3A_467], %get3A_461 {strides = array<i32>} : memref<40x448xf32, #tpu.memory_space<vmem>>, vector<16xf32>,
        %mul3A_469 = arith.constant 2 : i32
        %mul3A_470 = arith.muli %scan3A_189, %mul3A_469 : i32
        %add3A_471 = arith.constant 0 : i32
        %add3A_472 = arith.addi %mul3A_470, %add3A_471 : i32
        %get3A_473 = arith.index_cast %add3A_472 : i32 to index
        %get3A_474 = arith.constant 320 : index
        %get3A_475 = tpu.vector_load %arg6[%get3A_473, %get3A_474] {strides = array<i32>} : memref<40x512xf32, #tpu.memory_space<vmem>>, vector<16xf32>,
        %mul3A_476 = arith.constant 2 : i32
        %mul3A_477 = arith.muli %scan3A_189, %mul3A_476 : i32
        %add3A_478 = arith.constant 0 : i32
        %add3A_479 = arith.addi %mul3A_477, %add3A_478 : i32
        %swap3A_480 = arith.index_cast %add3A_479 : i32 to index
        %swap3A_481 = arith.constant 320 : index
        %swap3A_482 = tpu.vector_load %arg10[%swap3A_480, %swap3A_481] {strides = array<i32>} : memref<40x448xf32, #tpu.memory_space<vmem>>, vector<16xf32>,
        tpu.vector_store %arg10[%swap3A_480, %swap3A_481], %get3A_475 {strides = array<i32>} : memref<40x448xf32, #tpu.memory_space<vmem>>, vector<16xf32>,
        %mul3A_483 = arith.constant 2 : i32
        %mul3A_484 = arith.muli %scan3A_189, %mul3A_483 : i32
        %add3A_485 = arith.constant 0 : i32
        %add3A_486 = arith.addi %mul3A_484, %add3A_485 : i32
        %get3A_487 = arith.index_cast %add3A_486 : i32 to index
        %get3A_488 = arith.constant 336 : index
        %get3A_489 = tpu.vector_load %arg6[%get3A_487, %get3A_488] {strides = array<i32>} : memref<40x512xf32, #tpu.memory_space<vmem>>, vector<16xf32>,
        %mul3A_490 = arith.constant 2 : i32
        %mul3A_491 = arith.muli %scan3A_189, %mul3A_490 : i32
        %add3A_492 = arith.constant 0 : i32
        %add3A_493 = arith.addi %mul3A_491, %add3A_492 : i32
        %swap3A_494 = arith.index_cast %add3A_493 : i32 to index
        %swap3A_495 = arith.constant 336 : index
        %swap3A_496 = tpu.vector_load %arg10[%swap3A_494, %swap3A_495] {strides = array<i32>} : memref<40x448xf32, #tpu.memory_space<vmem>>, vector<16xf32>,
        tpu.vector_store %arg10[%swap3A_494, %swap3A_495], %get3A_489 {strides = array<i32>} : memref<40x448xf32, #tpu.memory_space<vmem>>, vector<16xf32>,
        %mul3A_497 = arith.constant 2 : i32
        %mul3A_498 = arith.muli %scan3A_189, %mul3A_497 : i32
        %add3A_499 = arith.constant 0 : i32
        %add3A_500 = arith.addi %mul3A_498, %add3A_499 : i32
        %get3A_501 = arith.index_cast %add3A_500 : i32 to index
        %get3A_502 = arith.constant 352 : index
        %get3A_503 = tpu.vector_load %arg6[%get3A_501, %get3A_502] {strides = array<i32>} : memref<40x512xf32, #tpu.memory_space<vmem>>, vector<16xf32>,
        %mul3A_504 = arith.constant 2 : i32
        %mul3A_505 = arith.muli %scan3A_189, %mul3A_504 : i32
        %add3A_506 = arith.constant 0 : i32
        %add3A_507 = arith.addi %mul3A_505, %add3A_506 : i32
        %swap3A_508 = arith.index_cast %add3A_507 : i32 to index
        %swap3A_509 = arith.constant 352 : index
        %swap3A_510 = tpu.vector_load %arg10[%swap3A_508, %swap3A_509] {strides = array<i32>} : memref<40x448xf32, #tpu.memory_space<vmem>>, vector<16xf32>,
        tpu.vector_store %arg10[%swap3A_508, %swap3A_509], %get3A_503 {strides = array<i32>} : memref<40x448xf32, #tpu.memory_space<vmem>>, vector<16xf32>,
        %mul3A_511 = arith.constant 2 : i32
        %mul3A_512 = arith.muli %scan3A_189, %mul3A_511 : i32
        %add3A_513 = arith.constant 0 : i32
        %add3A_514 = arith.addi %mul3A_512, %add3A_513 : i32
        %get3A_515 = arith.index_cast %add3A_514 : i32 to index
        %get3A_516 = arith.constant 368 : index
        %get3A_517 = tpu.vector_load %arg6[%get3A_515, %get3A_516] {strides = array<i32>} : memref<40x512xf32, #tpu.memory_space<vmem>>, vector<16xf32>,
        %mul3A_518 = arith.constant 2 : i32
        %mul3A_519 = arith.muli %scan3A_189, %mul3A_518 : i32
        %add3A_520 = arith.constant 0 : i32
        %add3A_521 = arith.addi %mul3A_519, %add3A_520 : i32
        %swap3A_522 = arith.index_cast %add3A_521 : i32 to index
        %swap3A_523 = arith.constant 368 : index
        %swap3A_524 = tpu.vector_load %arg10[%swap3A_522, %swap3A_523] {strides = array<i32>} : memref<40x448xf32, #tpu.memory_space<vmem>>, vector<16xf32>,
        tpu.vector_store %arg10[%swap3A_522, %swap3A_523], %get3A_517 {strides = array<i32>} : memref<40x448xf32, #tpu.memory_space<vmem>>, vector<16xf32>,
        %mul3A_525 = arith.constant 2 : i32
        %mul3A_526 = arith.muli %scan3A_189, %mul3A_525 : i32
        %add3A_527 = arith.constant 0 : i32
        %add3A_528 = arith.addi %mul3A_526, %add3A_527 : i32
        %get3A_529 = arith.index_cast %add3A_528 : i32 to index
        %get3A_530 = arith.constant 384 : index
        %get3A_531 = tpu.vector_load %arg6[%get3A_529, %get3A_530] {strides = array<i32>} : memref<40x512xf32, #tpu.memory_space<vmem>>, vector<16xf32>,
        %mul3A_532 = arith.constant 2 : i32
        %mul3A_533 = arith.muli %scan3A_189, %mul3A_532 : i32
        %add3A_534 = arith.constant 0 : i32
        %add3A_535 = arith.addi %mul3A_533, %add3A_534 : i32
        %swap3A_536 = arith.index_cast %add3A_535 : i32 to index
        %swap3A_537 = arith.constant 384 : index
        %swap3A_538 = tpu.vector_load %arg10[%swap3A_536, %swap3A_537] {strides = array<i32>} : memref<40x448xf32, #tpu.memory_space<vmem>>, vector<16xf32>,
        tpu.vector_store %arg10[%swap3A_536, %swap3A_537], %get3A_531 {strides = array<i32>} : memref<40x448xf32, #tpu.memory_space<vmem>>, vector<16xf32>,
        %mul3A_539 = arith.constant 2 : i32
        %mul3A_540 = arith.muli %scan3A_189, %mul3A_539 : i32
        %add3A_541 = arith.constant 0 : i32
        %add3A_542 = arith.addi %mul3A_540, %add3A_541 : i32
        %get3A_543 = arith.index_cast %add3A_542 : i32 to index
        %get3A_544 = arith.constant 400 : index
        %get3A_545 = tpu.vector_load %arg6[%get3A_543, %get3A_544] {strides = array<i32>} : memref<40x512xf32, #tpu.memory_space<vmem>>, vector<16xf32>,
        %mul3A_546 = arith.constant 2 : i32
        %mul3A_547 = arith.muli %scan3A_189, %mul3A_546 : i32
        %add3A_548 = arith.constant 0 : i32
        %add3A_549 = arith.addi %mul3A_547, %add3A_548 : i32
        %swap3A_550 = arith.index_cast %add3A_549 : i32 to index
        %swap3A_551 = arith.constant 400 : index
        %swap3A_552 = tpu.vector_load %arg10[%swap3A_550, %swap3A_551] {strides = array<i32>} : memref<40x448xf32, #tpu.memory_space<vmem>>, vector<16xf32>,
        tpu.vector_store %arg10[%swap3A_550, %swap3A_551], %get3A_545 {strides = array<i32>} : memref<40x448xf32, #tpu.memory_space<vmem>>, vector<16xf32>,
        %mul3A_553 = arith.constant 2 : i32
        %mul3A_554 = arith.muli %scan3A_189, %mul3A_553 : i32
        %add3A_555 = arith.constant 0 : i32
        %add3A_556 = arith.addi %mul3A_554, %add3A_555 : i32
        %get3A_557 = arith.index_cast %add3A_556 : i32 to index
        %get3A_558 = arith.constant 416 : index
        %get3A_559 = tpu.vector_load %arg6[%get3A_557, %get3A_558] {strides = array<i32>} : memref<40x512xf32, #tpu.memory_space<vmem>>, vector<16xf32>,
        %mul3A_560 = arith.constant 2 : i32
        %mul3A_561 = arith.muli %scan3A_189, %mul3A_560 : i32
        %add3A_562 = arith.constant 0 : i32
        %add3A_563 = arith.addi %mul3A_561, %add3A_562 : i32
        %swap3A_564 = arith.index_cast %add3A_563 : i32 to index
        %swap3A_565 = arith.constant 416 : index
        %swap3A_566 = tpu.vector_load %arg10[%swap3A_564, %swap3A_565] {strides = array<i32>} : memref<40x448xf32, #tpu.memory_space<vmem>>, vector<16xf32>,
        tpu.vector_store %arg10[%swap3A_564, %swap3A_565], %get3A_559 {strides = array<i32>} : memref<40x448xf32, #tpu.memory_space<vmem>>, vector<16xf32>,
        %mul3A_567 = arith.constant 2 : i32
        %mul3A_568 = arith.muli %scan3A_189, %mul3A_567 : i32
        %add3A_569 = arith.constant 0 : i32
        %add3A_570 = arith.addi %mul3A_568, %add3A_569 : i32
        %get3A_571 = arith.index_cast %add3A_570 : i32 to index
        %get3A_572 = arith.constant 432 : index
        %get3A_573 = tpu.vector_load %arg6[%get3A_571, %get3A_572] {strides = array<i32>} : memref<40x512xf32, #tpu.memory_space<vmem>>, vector<16xf32>,
        %mul3A_574 = arith.constant 2 : i32
        %mul3A_575 = arith.muli %scan3A_189, %mul3A_574 : i32
        %add3A_576 = arith.constant 0 : i32
        %add3A_577 = arith.addi %mul3A_575, %add3A_576 : i32
        %swap3A_578 = arith.index_cast %add3A_577 : i32 to index
        %swap3A_579 = arith.constant 432 : index
        %swap3A_580 = tpu.vector_load %arg10[%swap3A_578, %swap3A_579] {strides = array<i32>} : memref<40x448xf32, #tpu.memory_space<vmem>>, vector<16xf32>,
        tpu.vector_store %arg10[%swap3A_578, %swap3A_579], %get3A_573 {strides = array<i32>} : memref<40x448xf32, #tpu.memory_space<vmem>>, vector<16xf32>,
        %mul3A_581 = arith.constant 2 : i32
        %mul3A_582 = arith.muli %scan3A_189, %mul3A_581 : i32
        %add3A_583 = arith.constant 1 : i32
        %add3A_584 = arith.addi %mul3A_582, %add3A_583 : i32
        %get3A_585 = arith.index_cast %add3A_584 : i32 to index
        %get3A_586 = arith.constant 0 : index
        %get3A_587 = tpu.vector_load %arg6[%get3A_585, %get3A_586] {strides = array<i32>} : memref<40x512xf32, #tpu.memory_space<vmem>>, vector<16xf32>,
        %mul3A_588 = arith.constant 2 : i32
        %mul3A_589 = arith.muli %scan3A_189, %mul3A_588 : i32
        %add3A_590 = arith.constant 1 : i32
        %add3A_591 = arith.addi %mul3A_589, %add3A_590 : i32
        %swap3A_592 = arith.index_cast %add3A_591 : i32 to index
        %swap3A_593 = arith.constant 0 : index
        %swap3A_594 = tpu.vector_load %arg10[%swap3A_592, %swap3A_593] {strides = array<i32>} : memref<40x448xf32, #tpu.memory_space<vmem>>, vector<16xf32>,
        tpu.vector_store %arg10[%swap3A_592, %swap3A_593], %get3A_587 {strides = array<i32>} : memref<40x448xf32, #tpu.memory_space<vmem>>, vector<16xf32>,
        %mul3A_595 = arith.constant 2 : i32
        %mul3A_596 = arith.muli %scan3A_189, %mul3A_595 : i32
        %add3A_597 = arith.constant 1 : i32
        %add3A_598 = arith.addi %mul3A_596, %add3A_597 : i32
        %get3A_599 = arith.index_cast %add3A_598 : i32 to index
        %get3A_600 = arith.constant 16 : index
        %get3A_601 = tpu.vector_load %arg6[%get3A_599, %get3A_600] {strides = array<i32>} : memref<40x512xf32, #tpu.memory_space<vmem>>, vector<16xf32>,
        %mul3A_602 = arith.constant 2 : i32
        %mul3A_603 = arith.muli %scan3A_189, %mul3A_602 : i32
        %add3A_604 = arith.constant 1 : i32
        %add3A_605 = arith.addi %mul3A_603, %add3A_604 : i32
        %swap3A_606 = arith.index_cast %add3A_605 : i32 to index
        %swap3A_607 = arith.constant 16 : index
        %swap3A_608 = tpu.vector_load %arg10[%swap3A_606, %swap3A_607] {strides = array<i32>} : memref<40x448xf32, #tpu.memory_space<vmem>>, vector<16xf32>,
        tpu.vector_store %arg10[%swap3A_606, %swap3A_607], %get3A_601 {strides = array<i32>} : memref<40x448xf32, #tpu.memory_space<vmem>>, vector<16xf32>,
        %mul3A_609 = arith.constant 2 : i32
        %mul3A_610 = arith.muli %scan3A_189, %mul3A_609 : i32
        %add3A_611 = arith.constant 1 : i32
        %add3A_612 = arith.addi %mul3A_610, %add3A_611 : i32
        %get3A_613 = arith.index_cast %add3A_612 : i32 to index
        %get3A_614 = arith.constant 32 : index
        %get3A_615 = tpu.vector_load %arg6[%get3A_613, %get3A_614] {strides = array<i32>} : memref<40x512xf32, #tpu.memory_space<vmem>>, vector<16xf32>,
        %mul3A_616 = arith.constant 2 : i32
        %mul3A_617 = arith.muli %scan3A_189, %mul3A_616 : i32
        %add3A_618 = arith.constant 1 : i32
        %add3A_619 = arith.addi %mul3A_617, %add3A_618 : i32
        %swap3A_620 = arith.index_cast %add3A_619 : i32 to index
        %swap3A_621 = arith.constant 32 : index
        %swap3A_622 = tpu.vector_load %arg10[%swap3A_620, %swap3A_621] {strides = array<i32>} : memref<40x448xf32, #tpu.memory_space<vmem>>, vector<16xf32>,
        tpu.vector_store %arg10[%swap3A_620, %swap3A_621], %get3A_615 {strides = array<i32>} : memref<40x448xf32, #tpu.memory_space<vmem>>, vector<16xf32>,
        %mul3A_623 = arith.constant 2 : i32
        %mul3A_624 = arith.muli %scan3A_189, %mul3A_623 : i32
        %add3A_625 = arith.constant 1 : i32
        %add3A_626 = arith.addi %mul3A_624, %add3A_625 : i32
        %get3A_627 = arith.index_cast %add3A_626 : i32 to index
        %get3A_628 = arith.constant 48 : index
        %get3A_629 = tpu.vector_load %arg6[%get3A_627, %get3A_628] {strides = array<i32>} : memref<40x512xf32, #tpu.memory_space<vmem>>, vector<16xf32>,
        %mul3A_630 = arith.constant 2 : i32
        %mul3A_631 = arith.muli %scan3A_189, %mul3A_630 : i32
        %add3A_632 = arith.constant 1 : i32
        %add3A_633 = arith.addi %mul3A_631, %add3A_632 : i32
        %swap3A_634 = arith.index_cast %add3A_633 : i32 to index
        %swap3A_635 = arith.constant 48 : index
        %swap3A_636 = tpu.vector_load %arg10[%swap3A_634, %swap3A_635] {strides = array<i32>} : memref<40x448xf32, #tpu.memory_space<vmem>>, vector<16xf32>,
        tpu.vector_store %arg10[%swap3A_634, %swap3A_635], %get3A_629 {strides = array<i32>} : memref<40x448xf32, #tpu.memory_space<vmem>>, vector<16xf32>,
        %mul3A_637 = arith.constant 2 : i32
        %mul3A_638 = arith.muli %scan3A_189, %mul3A_637 : i32
        %add3A_639 = arith.constant 1 : i32
        %add3A_640 = arith.addi %mul3A_638, %add3A_639 : i32
        %get3A_641 = arith.index_cast %add3A_640 : i32 to index
        %get3A_642 = arith.constant 64 : index
        %get3A_643 = tpu.vector_load %arg6[%get3A_641, %get3A_642] {strides = array<i32>} : memref<40x512xf32, #tpu.memory_space<vmem>>, vector<16xf32>,
        %mul3A_644 = arith.constant 2 : i32
        %mul3A_645 = arith.muli %scan3A_189, %mul3A_644 : i32
        %add3A_646 = arith.constant 1 : i32
        %add3A_647 = arith.addi %mul3A_645, %add3A_646 : i32
        %swap3A_648 = arith.index_cast %add3A_647 : i32 to index
        %swap3A_649 = arith.constant 64 : index
        %swap3A_650 = tpu.vector_load %arg10[%swap3A_648, %swap3A_649] {strides = array<i32>} : memref<40x448xf32, #tpu.memory_space<vmem>>, vector<16xf32>,
        tpu.vector_store %arg10[%swap3A_648, %swap3A_649], %get3A_643 {strides = array<i32>} : memref<40x448xf32, #tpu.memory_space<vmem>>, vector<16xf32>,
        %mul3A_651 = arith.constant 2 : i32
        %mul3A_652 = arith.muli %scan3A_189, %mul3A_651 : i32
        %add3A_653 = arith.constant 1 : i32
        %add3A_654 = arith.addi %mul3A_652, %add3A_653 : i32
        %get3A_655 = arith.index_cast %add3A_654 : i32 to index
        %get3A_656 = arith.constant 80 : index
        %get3A_657 = tpu.vector_load %arg6[%get3A_655, %get3A_656] {strides = array<i32>} : memref<40x512xf32, #tpu.memory_space<vmem>>, vector<16xf32>,
        %mul3A_658 = arith.constant 2 : i32
        %mul3A_659 = arith.muli %scan3A_189, %mul3A_658 : i32
        %add3A_660 = arith.constant 1 : i32
        %add3A_661 = arith.addi %mul3A_659, %add3A_660 : i32
        %swap3A_662 = arith.index_cast %add3A_661 : i32 to index
        %swap3A_663 = arith.constant 80 : index
        %swap3A_664 = tpu.vector_load %arg10[%swap3A_662, %swap3A_663] {strides = array<i32>} : memref<40x448xf32, #tpu.memory_space<vmem>>, vector<16xf32>,
        tpu.vector_store %arg10[%swap3A_662, %swap3A_663], %get3A_657 {strides = array<i32>} : memref<40x448xf32, #tpu.memory_space<vmem>>, vector<16xf32>,
        %mul3A_665 = arith.constant 2 : i32
        %mul3A_666 = arith.muli %scan3A_189, %mul3A_665 : i32
        %add3A_667 = arith.constant 1 : i32
        %add3A_668 = arith.addi %mul3A_666, %add3A_667 : i32
        %get3A_669 = arith.index_cast %add3A_668 : i32 to index
        %get3A_670 = arith.constant 96 : index
        %get3A_671 = tpu.vector_load %arg6[%get3A_669, %get3A_670] {strides = array<i32>} : memref<40x512xf32, #tpu.memory_space<vmem>>, vector<16xf32>,
        %mul3A_672 = arith.constant 2 : i32
        %mul3A_673 = arith.muli %scan3A_189, %mul3A_672 : i32
        %add3A_674 = arith.constant 1 : i32
        %add3A_675 = arith.addi %mul3A_673, %add3A_674 : i32
        %swap3A_676 = arith.index_cast %add3A_675 : i32 to index
        %swap3A_677 = arith.constant 96 : index
        %swap3A_678 = tpu.vector_load %arg10[%swap3A_676, %swap3A_677] {strides = array<i32>} : memref<40x448xf32, #tpu.memory_space<vmem>>, vector<16xf32>,
        tpu.vector_store %arg10[%swap3A_676, %swap3A_677], %get3A_671 {strides = array<i32>} : memref<40x448xf32, #tpu.memory_space<vmem>>, vector<16xf32>,
        %mul3A_679 = arith.constant 2 : i32
        %mul3A_680 = arith.muli %scan3A_189, %mul3A_679 : i32
        %add3A_681 = arith.constant 1 : i32
        %add3A_682 = arith.addi %mul3A_680, %add3A_681 : i32
        %get3A_683 = arith.index_cast %add3A_682 : i32 to index
        %get3A_684 = arith.constant 112 : index
        %get3A_685 = tpu.vector_load %arg6[%get3A_683, %get3A_684] {strides = array<i32>} : memref<40x512xf32, #tpu.memory_space<vmem>>, vector<16xf32>,
        %mul3A_686 = arith.constant 2 : i32
        %mul3A_687 = arith.muli %scan3A_189, %mul3A_686 : i32
        %add3A_688 = arith.constant 1 : i32
        %add3A_689 = arith.addi %mul3A_687, %add3A_688 : i32
        %swap3A_690 = arith.index_cast %add3A_689 : i32 to index
        %swap3A_691 = arith.constant 112 : index
        %swap3A_692 = tpu.vector_load %arg10[%swap3A_690, %swap3A_691] {strides = array<i32>} : memref<40x448xf32, #tpu.memory_space<vmem>>, vector<16xf32>,
        tpu.vector_store %arg10[%swap3A_690, %swap3A_691], %get3A_685 {strides = array<i32>} : memref<40x448xf32, #tpu.memory_space<vmem>>, vector<16xf32>,
        %mul3A_693 = arith.constant 2 : i32
        %mul3A_694 = arith.muli %scan3A_189, %mul3A_693 : i32
        %add3A_695 = arith.constant 1 : i32
        %add3A_696 = arith.addi %mul3A_694, %add3A_695 : i32
        %get3A_697 = arith.index_cast %add3A_696 : i32 to index
        %get3A_698 = arith.constant 128 : index
        %get3A_699 = tpu.vector_load %arg6[%get3A_697, %get3A_698] {strides = array<i32>} : memref<40x512xf32, #tpu.memory_space<vmem>>, vector<16xf32>,
        %mul3A_700 = arith.constant 2 : i32
        %mul3A_701 = arith.muli %scan3A_189, %mul3A_700 : i32
        %add3A_702 = arith.constant 1 : i32
        %add3A_703 = arith.addi %mul3A_701, %add3A_702 : i32
        %swap3A_704 = arith.index_cast %add3A_703 : i32 to index
        %swap3A_705 = arith.constant 128 : index
        %swap3A_706 = tpu.vector_load %arg10[%swap3A_704, %swap3A_705] {strides = array<i32>} : memref<40x448xf32, #tpu.memory_space<vmem>>, vector<16xf32>,
        tpu.vector_store %arg10[%swap3A_704, %swap3A_705], %get3A_699 {strides = array<i32>} : memref<40x448xf32, #tpu.memory_space<vmem>>, vector<16xf32>,
        %mul3A_707 = arith.constant 2 : i32
        %mul3A_708 = arith.muli %scan3A_189, %mul3A_707 : i32
        %add3A_709 = arith.constant 1 : i32
        %add3A_710 = arith.addi %mul3A_708, %add3A_709 : i32
        %get3A_711 = arith.index_cast %add3A_710 : i32 to index
        %get3A_712 = arith.constant 144 : index
        %get3A_713 = tpu.vector_load %arg6[%get3A_711, %get3A_712] {strides = array<i32>} : memref<40x512xf32, #tpu.memory_space<vmem>>, vector<16xf32>,
        %mul3A_714 = arith.constant 2 : i32
        %mul3A_715 = arith.muli %scan3A_189, %mul3A_714 : i32
        %add3A_716 = arith.constant 1 : i32
        %add3A_717 = arith.addi %mul3A_715, %add3A_716 : i32
        %swap3A_718 = arith.index_cast %add3A_717 : i32 to index
        %swap3A_719 = arith.constant 144 : index
        %swap3A_720 = tpu.vector_load %arg10[%swap3A_718, %swap3A_719] {strides = array<i32>} : memref<40x448xf32, #tpu.memory_space<vmem>>, vector<16xf32>,
        tpu.vector_store %arg10[%swap3A_718, %swap3A_719], %get3A_713 {strides = array<i32>} : memref<40x448xf32, #tpu.memory_space<vmem>>, vector<16xf32>,
        %mul3A_721 = arith.constant 2 : i32
        %mul3A_722 = arith.muli %scan3A_189, %mul3A_721 : i32
        %add3A_723 = arith.constant 1 : i32
        %add3A_724 = arith.addi %mul3A_722, %add3A_723 : i32
        %get3A_725 = arith.index_cast %add3A_724 : i32 to index
        %get3A_726 = arith.constant 160 : index
        %get3A_727 = tpu.vector_load %arg6[%get3A_725, %get3A_726] {strides = array<i32>} : memref<40x512xf32, #tpu.memory_space<vmem>>, vector<16xf32>,
        %mul3A_728 = arith.constant 2 : i32
        %mul3A_729 = arith.muli %scan3A_189, %mul3A_728 : i32
        %add3A_730 = arith.constant 1 : i32
        %add3A_731 = arith.addi %mul3A_729, %add3A_730 : i32
        %swap3A_732 = arith.index_cast %add3A_731 : i32 to index
        %swap3A_733 = arith.constant 160 : index
        %swap3A_734 = tpu.vector_load %arg10[%swap3A_732, %swap3A_733] {strides = array<i32>} : memref<40x448xf32, #tpu.memory_space<vmem>>, vector<16xf32>,
        tpu.vector_store %arg10[%swap3A_732, %swap3A_733], %get3A_727 {strides = array<i32>} : memref<40x448xf32, #tpu.memory_space<vmem>>, vector<16xf32>,
        %mul3A_735 = arith.constant 2 : i32
        %mul3A_736 = arith.muli %scan3A_189, %mul3A_735 : i32
        %add3A_737 = arith.constant 1 : i32
        %add3A_738 = arith.addi %mul3A_736, %add3A_737 : i32
        %get3A_739 = arith.index_cast %add3A_738 : i32 to index
        %get3A_740 = arith.constant 176 : index
        %get3A_741 = tpu.vector_load %arg6[%get3A_739, %get3A_740] {strides = array<i32>} : memref<40x512xf32, #tpu.memory_space<vmem>>, vector<16xf32>,
        %mul3A_742 = arith.constant 2 : i32
        %mul3A_743 = arith.muli %scan3A_189, %mul3A_742 : i32
        %add3A_744 = arith.constant 1 : i32
        %add3A_745 = arith.addi %mul3A_743, %add3A_744 : i32
        %swap3A_746 = arith.index_cast %add3A_745 : i32 to index
        %swap3A_747 = arith.constant 176 : index
        %swap3A_748 = tpu.vector_load %arg10[%swap3A_746, %swap3A_747] {strides = array<i32>} : memref<40x448xf32, #tpu.memory_space<vmem>>, vector<16xf32>,
        tpu.vector_store %arg10[%swap3A_746, %swap3A_747], %get3A_741 {strides = array<i32>} : memref<40x448xf32, #tpu.memory_space<vmem>>, vector<16xf32>,
        %mul3A_749 = arith.constant 2 : i32
        %mul3A_750 = arith.muli %scan3A_189, %mul3A_749 : i32
        %add3A_751 = arith.constant 1 : i32
        %add3A_752 = arith.addi %mul3A_750, %add3A_751 : i32
        %get3A_753 = arith.index_cast %add3A_752 : i32 to index
        %get3A_754 = arith.constant 192 : index
        %get3A_755 = tpu.vector_load %arg6[%get3A_753, %get3A_754] {strides = array<i32>} : memref<40x512xf32, #tpu.memory_space<vmem>>, vector<16xf32>,
        %mul3A_756 = arith.constant 2 : i32
        %mul3A_757 = arith.muli %scan3A_189, %mul3A_756 : i32
        %add3A_758 = arith.constant 1 : i32
        %add3A_759 = arith.addi %mul3A_757, %add3A_758 : i32
        %swap3A_760 = arith.index_cast %add3A_759 : i32 to index
        %swap3A_761 = arith.constant 192 : index
        %swap3A_762 = tpu.vector_load %arg10[%swap3A_760, %swap3A_761] {strides = array<i32>} : memref<40x448xf32, #tpu.memory_space<vmem>>, vector<16xf32>,
        tpu.vector_store %arg10[%swap3A_760, %swap3A_761], %get3A_755 {strides = array<i32>} : memref<40x448xf32, #tpu.memory_space<vmem>>, vector<16xf32>,
        %mul3A_763 = arith.constant 2 : i32
        %mul3A_764 = arith.muli %scan3A_189, %mul3A_763 : i32
        %add3A_765 = arith.constant 1 : i32
        %add3A_766 = arith.addi %mul3A_764, %add3A_765 : i32
        %get3A_767 = arith.index_cast %add3A_766 : i32 to index
        %get3A_768 = arith.constant 208 : index
        %get3A_769 = tpu.vector_load %arg6[%get3A_767, %get3A_768] {strides = array<i32>} : memref<40x512xf32, #tpu.memory_space<vmem>>, vector<16xf32>,
        %mul3A_770 = arith.constant 2 : i32
        %mul3A_771 = arith.muli %scan3A_189, %mul3A_770 : i32
        %add3A_772 = arith.constant 1 : i32
        %add3A_773 = arith.addi %mul3A_771, %add3A_772 : i32
        %swap3A_774 = arith.index_cast %add3A_773 : i32 to index
        %swap3A_775 = arith.constant 208 : index
        %swap3A_776 = tpu.vector_load %arg10[%swap3A_774, %swap3A_775] {strides = array<i32>} : memref<40x448xf32, #tpu.memory_space<vmem>>, vector<16xf32>,
        tpu.vector_store %arg10[%swap3A_774, %swap3A_775], %get3A_769 {strides = array<i32>} : memref<40x448xf32, #tpu.memory_space<vmem>>, vector<16xf32>,
        %mul3A_777 = arith.constant 2 : i32
        %mul3A_778 = arith.muli %scan3A_189, %mul3A_777 : i32
        %add3A_779 = arith.constant 1 : i32
        %add3A_780 = arith.addi %mul3A_778, %add3A_779 : i32
        %get3A_781 = arith.index_cast %add3A_780 : i32 to index
        %get3A_782 = arith.constant 224 : index
        %get3A_783 = tpu.vector_load %arg6[%get3A_781, %get3A_782] {strides = array<i32>} : memref<40x512xf32, #tpu.memory_space<vmem>>, vector<16xf32>,
        %mul3A_784 = arith.constant 2 : i32
        %mul3A_785 = arith.muli %scan3A_189, %mul3A_784 : i32
        %add3A_786 = arith.constant 1 : i32
        %add3A_787 = arith.addi %mul3A_785, %add3A_786 : i32
        %swap3A_788 = arith.index_cast %add3A_787 : i32 to index
        %swap3A_789 = arith.constant 224 : index
        %swap3A_790 = tpu.vector_load %arg10[%swap3A_788, %swap3A_789] {strides = array<i32>} : memref<40x448xf32, #tpu.memory_space<vmem>>, vector<16xf32>,
        tpu.vector_store %arg10[%swap3A_788, %swap3A_789], %get3A_783 {strides = array<i32>} : memref<40x448xf32, #tpu.memory_space<vmem>>, vector<16xf32>,
        %mul3A_791 = arith.constant 2 : i32
        %mul3A_792 = arith.muli %scan3A_189, %mul3A_791 : i32
        %add3A_793 = arith.constant 1 : i32
        %add3A_794 = arith.addi %mul3A_792, %add3A_793 : i32
        %get3A_795 = arith.index_cast %add3A_794 : i32 to index
        %get3A_796 = arith.constant 240 : index
        %get3A_797 = tpu.vector_load %arg6[%get3A_795, %get3A_796] {strides = array<i32>} : memref<40x512xf32, #tpu.memory_space<vmem>>, vector<16xf32>,
        %mul3A_798 = arith.constant 2 : i32
        %mul3A_799 = arith.muli %scan3A_189, %mul3A_798 : i32
        %add3A_800 = arith.constant 1 : i32
        %add3A_801 = arith.addi %mul3A_799, %add3A_800 : i32
        %swap3A_802 = arith.index_cast %add3A_801 : i32 to index
        %swap3A_803 = arith.constant 240 : index
        %swap3A_804 = tpu.vector_load %arg10[%swap3A_802, %swap3A_803] {strides = array<i32>} : memref<40x448xf32, #tpu.memory_space<vmem>>, vector<16xf32>,
        tpu.vector_store %arg10[%swap3A_802, %swap3A_803], %get3A_797 {strides = array<i32>} : memref<40x448xf32, #tpu.memory_space<vmem>>, vector<16xf32>,
        %mul3A_805 = arith.constant 2 : i32
        %mul3A_806 = arith.muli %scan3A_189, %mul3A_805 : i32
        %add3A_807 = arith.constant 1 : i32
        %add3A_808 = arith.addi %mul3A_806, %add3A_807 : i32
        %get3A_809 = arith.index_cast %add3A_808 : i32 to index
        %get3A_810 = arith.constant 256 : index
        %get3A_811 = tpu.vector_load %arg6[%get3A_809, %get3A_810] {strides = array<i32>} : memref<40x512xf32, #tpu.memory_space<vmem>>, vector<16xf32>,
        %mul3A_812 = arith.constant 2 : i32
        %mul3A_813 = arith.muli %scan3A_189, %mul3A_812 : i32
        %add3A_814 = arith.constant 1 : i32
        %add3A_815 = arith.addi %mul3A_813, %add3A_814 : i32
        %swap3A_816 = arith.index_cast %add3A_815 : i32 to index
        %swap3A_817 = arith.constant 256 : index
        %swap3A_818 = tpu.vector_load %arg10[%swap3A_816, %swap3A_817] {strides = array<i32>} : memref<40x448xf32, #tpu.memory_space<vmem>>, vector<16xf32>,
        tpu.vector_store %arg10[%swap3A_816, %swap3A_817], %get3A_811 {strides = array<i32>} : memref<40x448xf32, #tpu.memory_space<vmem>>, vector<16xf32>,
        %mul3A_819 = arith.constant 2 : i32
        %mul3A_820 = arith.muli %scan3A_189, %mul3A_819 : i32
        %add3A_821 = arith.constant 1 : i32
        %add3A_822 = arith.addi %mul3A_820, %add3A_821 : i32
        %get3A_823 = arith.index_cast %add3A_822 : i32 to index
        %get3A_824 = arith.constant 272 : index
        %get3A_825 = tpu.vector_load %arg6[%get3A_823, %get3A_824] {strides = array<i32>} : memref<40x512xf32, #tpu.memory_space<vmem>>, vector<16xf32>,
        %mul3A_826 = arith.constant 2 : i32
        %mul3A_827 = arith.muli %scan3A_189, %mul3A_826 : i32
        %add3A_828 = arith.constant 1 : i32
        %add3A_829 = arith.addi %mul3A_827, %add3A_828 : i32
        %swap3A_830 = arith.index_cast %add3A_829 : i32 to index
        %swap3A_831 = arith.constant 272 : index
        %swap3A_832 = tpu.vector_load %arg10[%swap3A_830, %swap3A_831] {strides = array<i32>} : memref<40x448xf32, #tpu.memory_space<vmem>>, vector<16xf32>,
        tpu.vector_store %arg10[%swap3A_830, %swap3A_831], %get3A_825 {strides = array<i32>} : memref<40x448xf32, #tpu.memory_space<vmem>>, vector<16xf32>,
        %mul3A_833 = arith.constant 2 : i32
        %mul3A_834 = arith.muli %scan3A_189, %mul3A_833 : i32
        %add3A_835 = arith.constant 1 : i32
        %add3A_836 = arith.addi %mul3A_834, %add3A_835 : i32
        %get3A_837 = arith.index_cast %add3A_836 : i32 to index
        %get3A_838 = arith.constant 288 : index
        %get3A_839 = tpu.vector_load %arg6[%get3A_837, %get3A_838] {strides = array<i32>} : memref<40x512xf32, #tpu.memory_space<vmem>>, vector<16xf32>,
        %mul3A_840 = arith.constant 2 : i32
        %mul3A_841 = arith.muli %scan3A_189, %mul3A_840 : i32
        %add3A_842 = arith.constant 1 : i32
        %add3A_843 = arith.addi %mul3A_841, %add3A_842 : i32
        %swap3A_844 = arith.index_cast %add3A_843 : i32 to index
        %swap3A_845 = arith.constant 288 : index
        %swap3A_846 = tpu.vector_load %arg10[%swap3A_844, %swap3A_845] {strides = array<i32>} : memref<40x448xf32, #tpu.memory_space<vmem>>, vector<16xf32>,
        tpu.vector_store %arg10[%swap3A_844, %swap3A_845], %get3A_839 {strides = array<i32>} : memref<40x448xf32, #tpu.memory_space<vmem>>, vector<16xf32>,
        %mul3A_847 = arith.constant 2 : i32
        %mul3A_848 = arith.muli %scan3A_189, %mul3A_847 : i32
        %add3A_849 = arith.constant 1 : i32
        %add3A_850 = arith.addi %mul3A_848, %add3A_849 : i32
        %get3A_851 = arith.index_cast %add3A_850 : i32 to index
        %get3A_852 = arith.constant 304 : index
        %get3A_853 = tpu.vector_load %arg6[%get3A_851, %get3A_852] {strides = array<i32>} : memref<40x512xf32, #tpu.memory_space<vmem>>, vector<16xf32>,
        %mul3A_854 = arith.constant 2 : i32
        %mul3A_855 = arith.muli %scan3A_189, %mul3A_854 : i32
        %add3A_856 = arith.constant 1 : i32
        %add3A_857 = arith.addi %mul3A_855, %add3A_856 : i32
        %swap3A_858 = arith.index_cast %add3A_857 : i32 to index
        %swap3A_859 = arith.constant 304 : index
        %swap3A_860 = tpu.vector_load %arg10[%swap3A_858, %swap3A_859] {strides = array<i32>} : memref<40x448xf32, #tpu.memory_space<vmem>>, vector<16xf32>,
        tpu.vector_store %arg10[%swap3A_858, %swap3A_859], %get3A_853 {strides = array<i32>} : memref<40x448xf32, #tpu.memory_space<vmem>>, vector<16xf32>,
        %mul3A_861 = arith.constant 2 : i32
        %mul3A_862 = arith.muli %scan3A_189, %mul3A_861 : i32
        %add3A_863 = arith.constant 1 : i32
        %add3A_864 = arith.addi %mul3A_862, %add3A_863 : i32
        %get3A_865 = arith.index_cast %add3A_864 : i32 to index
        %get3A_866 = arith.constant 320 : index
        %get3A_867 = tpu.vector_load %arg6[%get3A_865, %get3A_866] {strides = array<i32>} : memref<40x512xf32, #tpu.memory_space<vmem>>, vector<16xf32>,
        %mul3A_868 = arith.constant 2 : i32
        %mul3A_869 = arith.muli %scan3A_189, %mul3A_868 : i32
        %add3A_870 = arith.constant 1 : i32
        %add3A_871 = arith.addi %mul3A_869, %add3A_870 : i32
        %swap3A_872 = arith.index_cast %add3A_871 : i32 to index
        %swap3A_873 = arith.constant 320 : index
        %swap3A_874 = tpu.vector_load %arg10[%swap3A_872, %swap3A_873] {strides = array<i32>} : memref<40x448xf32, #tpu.memory_space<vmem>>, vector<16xf32>,
        tpu.vector_store %arg10[%swap3A_872, %swap3A_873], %get3A_867 {strides = array<i32>} : memref<40x448xf32, #tpu.memory_space<vmem>>, vector<16xf32>,
        %mul3A_875 = arith.constant 2 : i32
        %mul3A_876 = arith.muli %scan3A_189, %mul3A_875 : i32
        %add3A_877 = arith.constant 1 : i32
        %add3A_878 = arith.addi %mul3A_876, %add3A_877 : i32
        %get3A_879 = arith.index_cast %add3A_878 : i32 to index
        %get3A_880 = arith.constant 336 : index
        %get3A_881 = tpu.vector_load %arg6[%get3A_879, %get3A_880] {strides = array<i32>} : memref<40x512xf32, #tpu.memory_space<vmem>>, vector<16xf32>,
        %mul3A_882 = arith.constant 2 : i32
        %mul3A_883 = arith.muli %scan3A_189, %mul3A_882 : i32
        %add3A_884 = arith.constant 1 : i32
        %add3A_885 = arith.addi %mul3A_883, %add3A_884 : i32
        %swap3A_886 = arith.index_cast %add3A_885 : i32 to index
        %swap3A_887 = arith.constant 336 : index
        %swap3A_888 = tpu.vector_load %arg10[%swap3A_886, %swap3A_887] {strides = array<i32>} : memref<40x448xf32, #tpu.memory_space<vmem>>, vector<16xf32>,
        tpu.vector_store %arg10[%swap3A_886, %swap3A_887], %get3A_881 {strides = array<i32>} : memref<40x448xf32, #tpu.memory_space<vmem>>, vector<16xf32>,
        %mul3A_889 = arith.constant 2 : i32
        %mul3A_890 = arith.muli %scan3A_189, %mul3A_889 : i32
        %add3A_891 = arith.constant 1 : i32
        %add3A_892 = arith.addi %mul3A_890, %add3A_891 : i32
        %get3A_893 = arith.index_cast %add3A_892 : i32 to index
        %get3A_894 = arith.constant 352 : index
        %get3A_895 = tpu.vector_load %arg6[%get3A_893, %get3A_894] {strides = array<i32>} : memref<40x512xf32, #tpu.memory_space<vmem>>, vector<16xf32>,
        %mul3A_896 = arith.constant 2 : i32
        %mul3A_897 = arith.muli %scan3A_189, %mul3A_896 : i32
        %add3A_898 = arith.constant 1 : i32
        %add3A_899 = arith.addi %mul3A_897, %add3A_898 : i32
        %swap3A_900 = arith.index_cast %add3A_899 : i32 to index
        %swap3A_901 = arith.constant 352 : index
        %swap3A_902 = tpu.vector_load %arg10[%swap3A_900, %swap3A_901] {strides = array<i32>} : memref<40x448xf32, #tpu.memory_space<vmem>>, vector<16xf32>,
        tpu.vector_store %arg10[%swap3A_900, %swap3A_901], %get3A_895 {strides = array<i32>} : memref<40x448xf32, #tpu.memory_space<vmem>>, vector<16xf32>,
        %mul3A_903 = arith.constant 2 : i32
        %mul3A_904 = arith.muli %scan3A_189, %mul3A_903 : i32
        %add3A_905 = arith.constant 1 : i32
        %add3A_906 = arith.addi %mul3A_904, %add3A_905 : i32
        %get3A_907 = arith.index_cast %add3A_906 : i32 to index
        %get3A_908 = arith.constant 368 : index
        %get3A_909 = tpu.vector_load %arg6[%get3A_907, %get3A_908] {strides = array<i32>} : memref<40x512xf32, #tpu.memory_space<vmem>>, vector<16xf32>,
        %mul3A_910 = arith.constant 2 : i32
        %mul3A_911 = arith.muli %scan3A_189, %mul3A_910 : i32
        %add3A_912 = arith.constant 1 : i32
        %add3A_913 = arith.addi %mul3A_911, %add3A_912 : i32
        %swap3A_914 = arith.index_cast %add3A_913 : i32 to index
        %swap3A_915 = arith.constant 368 : index
        %swap3A_916 = tpu.vector_load %arg10[%swap3A_914, %swap3A_915] {strides = array<i32>} : memref<40x448xf32, #tpu.memory_space<vmem>>, vector<16xf32>,
        tpu.vector_store %arg10[%swap3A_914, %swap3A_915], %get3A_909 {strides = array<i32>} : memref<40x448xf32, #tpu.memory_space<vmem>>, vector<16xf32>,
        %mul3A_917 = arith.constant 2 : i32
        %mul3A_918 = arith.muli %scan3A_189, %mul3A_917 : i32
        %add3A_919 = arith.constant 1 : i32
        %add3A_920 = arith.addi %mul3A_918, %add3A_919 : i32
        %get3A_921 = arith.index_cast %add3A_920 : i32 to index
        %get3A_922 = arith.constant 384 : index
        %get3A_923 = tpu.vector_load %arg6[%get3A_921, %get3A_922] {strides = array<i32>} : memref<40x512xf32, #tpu.memory_space<vmem>>, vector<16xf32>,
        %mul3A_924 = arith.constant 2 : i32
        %mul3A_925 = arith.muli %scan3A_189, %mul3A_924 : i32
        %add3A_926 = arith.constant 1 : i32
        %add3A_927 = arith.addi %mul3A_925, %add3A_926 : i32
        %swap3A_928 = arith.index_cast %add3A_927 : i32 to index
        %swap3A_929 = arith.constant 384 : index
        %swap3A_930 = tpu.vector_load %arg10[%swap3A_928, %swap3A_929] {strides = array<i32>} : memref<40x448xf32, #tpu.memory_space<vmem>>, vector<16xf32>,
        tpu.vector_store %arg10[%swap3A_928, %swap3A_929], %get3A_923 {strides = array<i32>} : memref<40x448xf32, #tpu.memory_space<vmem>>, vector<16xf32>,
        %mul3A_931 = arith.constant 2 : i32
        %mul3A_932 = arith.muli %scan3A_189, %mul3A_931 : i32
        %add3A_933 = arith.constant 1 : i32
        %add3A_934 = arith.addi %mul3A_932, %add3A_933 : i32
        %get3A_935 = arith.index_cast %add3A_934 : i32 to index
        %get3A_936 = arith.constant 400 : index
        %get3A_937 = tpu.vector_load %arg6[%get3A_935, %get3A_936] {strides = array<i32>} : memref<40x512xf32, #tpu.memory_space<vmem>>, vector<16xf32>,
        %mul3A_938 = arith.constant 2 : i32
        %mul3A_939 = arith.muli %scan3A_189, %mul3A_938 : i32
        %add3A_940 = arith.constant 1 : i32
        %add3A_941 = arith.addi %mul3A_939, %add3A_940 : i32
        %swap3A_942 = arith.index_cast %add3A_941 : i32 to index
        %swap3A_943 = arith.constant 400 : index
        %swap3A_944 = tpu.vector_load %arg10[%swap3A_942, %swap3A_943] {strides = array<i32>} : memref<40x448xf32, #tpu.memory_space<vmem>>, vector<16xf32>,
        tpu.vector_store %arg10[%swap3A_942, %swap3A_943], %get3A_937 {strides = array<i32>} : memref<40x448xf32, #tpu.memory_space<vmem>>, vector<16xf32>,
        %mul3A_945 = arith.constant 2 : i32
        %mul3A_946 = arith.muli %scan3A_189, %mul3A_945 : i32
        %add3A_947 = arith.constant 1 : i32
        %add3A_948 = arith.addi %mul3A_946, %add3A_947 : i32
        %get3A_949 = arith.index_cast %add3A_948 : i32 to index
        %get3A_950 = arith.constant 416 : index
        %get3A_951 = tpu.vector_load %arg6[%get3A_949, %get3A_950] {strides = array<i32>} : memref<40x512xf32, #tpu.memory_space<vmem>>, vector<16xf32>,
        %mul3A_952 = arith.constant 2 : i32
        %mul3A_953 = arith.muli %scan3A_189, %mul3A_952 : i32
        %add3A_954 = arith.constant 1 : i32
        %add3A_955 = arith.addi %mul3A_953, %add3A_954 : i32
        %swap3A_956 = arith.index_cast %add3A_955 : i32 to index
        %swap3A_957 = arith.constant 416 : index
        %swap3A_958 = tpu.vector_load %arg10[%swap3A_956, %swap3A_957] {strides = array<i32>} : memref<40x448xf32, #tpu.memory_space<vmem>>, vector<16xf32>,
        tpu.vector_store %arg10[%swap3A_956, %swap3A_957], %get3A_951 {strides = array<i32>} : memref<40x448xf32, #tpu.memory_space<vmem>>, vector<16xf32>,
        %mul3A_959 = arith.constant 2 : i32
        %mul3A_960 = arith.muli %scan3A_189, %mul3A_959 : i32
        %add3A_961 = arith.constant 1 : i32
        %add3A_962 = arith.addi %mul3A_960, %add3A_961 : i32
        %get3A_963 = arith.index_cast %add3A_962 : i32 to index
        %get3A_964 = arith.constant 432 : index
        %get3A_965 = tpu.vector_load %arg6[%get3A_963, %get3A_964] {strides = array<i32>} : memref<40x512xf32, #tpu.memory_space<vmem>>, vector<16xf32>,
        %mul3A_966 = arith.constant 2 : i32
        %mul3A_967 = arith.muli %scan3A_189, %mul3A_966 : i32
        %add3A_968 = arith.constant 1 : i32
        %add3A_969 = arith.addi %mul3A_967, %add3A_968 : i32
        %swap3A_970 = arith.index_cast %add3A_969 : i32 to index
        %swap3A_971 = arith.constant 432 : index
        %swap3A_972 = tpu.vector_load %arg10[%swap3A_970, %swap3A_971] {strides = array<i32>} : memref<40x448xf32, #tpu.memory_space<vmem>>, vector<16xf32>,
        tpu.vector_store %arg10[%swap3A_970, %swap3A_971], %get3A_965 {strides = array<i32>} : memref<40x448xf32, #tpu.memory_space<vmem>>, vector<16xf32>,
        %scan3A_973 = arith.constant 0 : i32
        scf.yield %scan3A_973 : i32
      }
      %scan3A_66 = arith.constant 20 : i32
      %mul3A_67 = arith.constant 40 : i32
      %mul3A_68 = arith.muli %add3A_51, %mul3A_67 : i32
      %add3A_69 = arith.addi %mul3A_2, %mul3A_68 : i32
      %dma_start3A_70 = arith.constant 0 : i32
      %dma_start3A_71 = tpu.memref_slice %arg4[%add3A_69, %dma_start3A_70] : memref<204800x448xf32, #tpu.memory_space<hbm>> -> memref<40x448xf32, #tpu.memory_space<hbm>>
      %dma_start3A_72 = arith.constant 0 : i32
      %dma_start3A_73 = tpu.memref_slice %arg4[%add3A_69, %dma_start3A_72] : memref<204800x448xf32, #tpu.memory_space<hbm>> -> memref<40x448xf32, #tpu.memory_space<hbm>>
      tpu.enqueue_dma source(%arg10 : memref<40x448xf32, #tpu.memory_space<vmem>>) target(%dma_start3A_73 : memref<40x448xf32, #tpu.memory_space<hbm>>) target_semaphore(%arg16 : memref<!tpu.dma_semaphore, #tpu.memory_space<semaphore_mem>>)
      %add3A_74 = arith.constant 4 : i32
      %add3A_75 = arith.addi %add3A_51, %add3A_74 : i32
      %lt3A = arith.constant 160 : i32
      %lt3A_76 = arith.cmpi slt, %add3A_75, %lt3A : i32
      %convert_element_type3A_77 = arith.extui %lt3A_76 : i1 to i32
      %cond3A_78 = arith.constant 0 : i32
      %cond3A_79 = arith.cmpi ne, %convert_element_type3A_77, %cond3A_78 : i32
      scf.if %cond3A_79 {
        %add3A_189 = arith.constant 4 : i32
        %add3A_190 = arith.addi %add3A_51, %add3A_189 : i32
        %mul3A_191 = arith.constant 40 : i32
        %mul3A_192 = arith.muli %add3A_190, %mul3A_191 : i32
        %add3A_193 = arith.constant 8 : i32
        %add3A_194 = arith.addi %add3A_193, %mul3A_192 : i32
        %dma_start3A_195 = tpu.memref_slice %arg5[%add3A_194] : memref<6408xi32, #tpu.memory_space<vmem>> -> memref<40xi32, #tpu.memory_space<vmem>>
        %dma_start3A_196 = arith.constant 0 : i32
        %dma_start3A_197 = arith.constant 0 : i32
        %dma_start3A_198 = tpu.memref_slice %arg3[%dma_start3A_196, %dma_start3A_197] : memref<8192x512xf32, #tpu.memory_space<hbm>> -> memref<8192x512xf32, #tpu.memory_space<hbm>>
        tpu.enqueue_indirect_dma source(%dma_start3A_198 : memref<8192x512xf32, #tpu.memory_space<hbm>>) target(%arg6 : memref<40x512xf32, #tpu.memory_space<vmem>>) offsets(%dma_start3A_195 : memref<40xi32, #tpu.memory_space<vmem>>) semaphore(%arg12 : memref<!tpu.dma_semaphore, #tpu.memory_space<semaphore_mem>>)
      } else {
      }
      %mul3A_80 = arith.constant 4 : i32
      %mul3A_81 = arith.muli %scan3A_46, %mul3A_80 : i32
      %add3A_82 = arith.constant 1 : i32
      %add3A_83 = arith.addi %mul3A_81, %add3A_82 : i32
      %dma_wait3A_84 = arith.constant 0 : i32
      %dma_wait3A_85 = arith.constant 0 : i32
      %dma_wait3A_86 = tpu.memref_slice %arg3[%dma_wait3A_84, %dma_wait3A_85] : memref<8192x512xf32, #tpu.memory_space<hbm>> -> memref<40x512xf32, #tpu.memory_space<hbm>>
      %dma_wait3A_87 = arith.constant 0 : i32
      %dma_wait3A_88 = arith.constant 0 : i32
      %dma_wait3A_89 = tpu.memref_slice %arg3[%dma_wait3A_87, %dma_wait3A_88] : memref<8192x512xf32, #tpu.memory_space<hbm>> -> memref<40x512xf32, #tpu.memory_space<hbm>>
      tpu.wait_dma2 semaphore(%arg13 : memref<!tpu.dma_semaphore, #tpu.memory_space<semaphore_mem>>) src(%dma_wait3A_89 : memref<40x512xf32, #tpu.memory_space<hbm>>) dst(%arg7 : memref<40x512xf32, #tpu.memory_space<vmem>>)
      %ge3A_90 = arith.constant 2 : i32
      %ge3A_91 = arith.cmpi sge, %add3A_83, %ge3A_90 : i32
      %convert_element_type3A_92 = arith.extui %ge3A_91 : i1 to i32
      %cond3A_93 = arith.constant 0 : i32
      %cond3A_94 = arith.cmpi ne, %convert_element_type3A_92, %cond3A_93 : i32
      scf.if %cond3A_94 {
        %dma_wait3A_189 = arith.constant 0 : i32
        %dma_wait3A_190 = arith.constant 0 : i32
        %dma_wait3A_191 = tpu.memref_slice %arg4[%dma_wait3A_189, %dma_wait3A_190] : memref<204800x448xf32, #tpu.memory_space<hbm>> -> memref<40x448xf32, #tpu.memory_space<hbm>>
        %dma_wait3A_192 = arith.constant 0 : i32
        %dma_wait3A_193 = arith.constant 0 : i32
        %dma_wait3A_194 = tpu.memref_slice %arg4[%dma_wait3A_192, %dma_wait3A_193] : memref<204800x448xf32, #tpu.memory_space<hbm>> -> memref<40x448xf32, #tpu.memory_space<hbm>>
        tpu.wait_dma2 semaphore(%arg17 : memref<!tpu.dma_semaphore, #tpu.memory_space<semaphore_mem>>) src(%arg11 : memref<40x448xf32, #tpu.memory_space<vmem>>) dst(%dma_wait3A_194 : memref<40x448xf32, #tpu.memory_space<hbm>>)
      } else {
      }
      %scan3A_95 = arith.constant 0 : i32
      %scan3A_96 = arith.constant 0 : i32
      %scan3A_97 = arith.constant 20 : i32
      %scan3A_98 = arith.addi %scan3A_96, %scan3A_97 : i32
      %scan3A_99 = arith.constant 1 : i32
      %scan3A_100 = scf.for %scan3A_189 = %scan3A_96 to %scan3A_98 step %scan3A_99 iter_args(%scan3A_190 = %scan3A_95) -> (i32)  : i32 {
        %mul3A_191 = arith.constant 2 : i32
        %mul3A_192 = arith.muli %scan3A_189, %mul3A_191 : i32
        %add3A_193 = arith.constant 0 : i32
        %add3A_194 = arith.addi %mul3A_192, %add3A_193 : i32
        %get3A = arith.index_cast %add3A_194 : i32 to index
        %get3A_195 = arith.constant 0 : index
        %get3A_196 = tpu.vector_load %arg7[%get3A, %get3A_195] {strides = array<i32>} : memref<40x512xf32, #tpu.memory_space<vmem>>, vector<16xf32>,
        %mul3A_197 = arith.constant 2 : i32
        %mul3A_198 = arith.muli %scan3A_189, %mul3A_197 : i32
        %add3A_199 = arith.constant 0 : i32
        %add3A_200 = arith.addi %mul3A_198, %add3A_199 : i32
        %swap3A = arith.index_cast %add3A_200 : i32 to index
        %swap3A_201 = arith.constant 0 : index
        %swap3A_202 = tpu.vector_load %arg11[%swap3A, %swap3A_201] {strides = array<i32>} : memref<40x448xf32, #tpu.memory_space<vmem>>, vector<16xf32>,
        tpu.vector_store %arg11[%swap3A, %swap3A_201], %get3A_196 {strides = array<i32>} : memref<40x448xf32, #tpu.memory_space<vmem>>, vector<16xf32>,
        %mul3A_203 = arith.constant 2 : i32
        %mul3A_204 = arith.muli %scan3A_189, %mul3A_203 : i32
        %add3A_205 = arith.constant 0 : i32
        %add3A_206 = arith.addi %mul3A_204, %add3A_205 : i32
        %get3A_207 = arith.index_cast %add3A_206 : i32 to index
        %get3A_208 = arith.constant 16 : index
        %get3A_209 = tpu.vector_load %arg7[%get3A_207, %get3A_208] {strides = array<i32>} : memref<40x512xf32, #tpu.memory_space<vmem>>, vector<16xf32>,
        %mul3A_210 = arith.constant 2 : i32
        %mul3A_211 = arith.muli %scan3A_189, %mul3A_210 : i32
        %add3A_212 = arith.constant 0 : i32
        %add3A_213 = arith.addi %mul3A_211, %add3A_212 : i32
        %swap3A_214 = arith.index_cast %add3A_213 : i32 to index
        %swap3A_215 = arith.constant 16 : index
        %swap3A_216 = tpu.vector_load %arg11[%swap3A_214, %swap3A_215] {strides = array<i32>} : memref<40x448xf32, #tpu.memory_space<vmem>>, vector<16xf32>,
        tpu.vector_store %arg11[%swap3A_214, %swap3A_215], %get3A_209 {strides = array<i32>} : memref<40x448xf32, #tpu.memory_space<vmem>>, vector<16xf32>,
        %mul3A_217 = arith.constant 2 : i32
        %mul3A_218 = arith.muli %scan3A_189, %mul3A_217 : i32
        %add3A_219 = arith.constant 0 : i32
        %add3A_220 = arith.addi %mul3A_218, %add3A_219 : i32
        %get3A_221 = arith.index_cast %add3A_220 : i32 to index
        %get3A_222 = arith.constant 32 : index
        %get3A_223 = tpu.vector_load %arg7[%get3A_221, %get3A_222] {strides = array<i32>} : memref<40x512xf32, #tpu.memory_space<vmem>>, vector<16xf32>,
        %mul3A_224 = arith.constant 2 : i32
        %mul3A_225 = arith.muli %scan3A_189, %mul3A_224 : i32
        %add3A_226 = arith.constant 0 : i32
        %add3A_227 = arith.addi %mul3A_225, %add3A_226 : i32
        %swap3A_228 = arith.index_cast %add3A_227 : i32 to index
        %swap3A_229 = arith.constant 32 : index
        %swap3A_230 = tpu.vector_load %arg11[%swap3A_228, %swap3A_229] {strides = array<i32>} : memref<40x448xf32, #tpu.memory_space<vmem>>, vector<16xf32>,
        tpu.vector_store %arg11[%swap3A_228, %swap3A_229], %get3A_223 {strides = array<i32>} : memref<40x448xf32, #tpu.memory_space<vmem>>, vector<16xf32>,
        %mul3A_231 = arith.constant 2 : i32
        %mul3A_232 = arith.muli %scan3A_189, %mul3A_231 : i32
        %add3A_233 = arith.constant 0 : i32
        %add3A_234 = arith.addi %mul3A_232, %add3A_233 : i32
        %get3A_235 = arith.index_cast %add3A_234 : i32 to index
        %get3A_236 = arith.constant 48 : index
        %get3A_237 = tpu.vector_load %arg7[%get3A_235, %get3A_236] {strides = array<i32>} : memref<40x512xf32, #tpu.memory_space<vmem>>, vector<16xf32>,
        %mul3A_238 = arith.constant 2 : i32
        %mul3A_239 = arith.muli %scan3A_189, %mul3A_238 : i32
        %add3A_240 = arith.constant 0 : i32
        %add3A_241 = arith.addi %mul3A_239, %add3A_240 : i32
        %swap3A_242 = arith.index_cast %add3A_241 : i32 to index
        %swap3A_243 = arith.constant 48 : index
        %swap3A_244 = tpu.vector_load %arg11[%swap3A_242, %swap3A_243] {strides = array<i32>} : memref<40x448xf32, #tpu.memory_space<vmem>>, vector<16xf32>,
        tpu.vector_store %arg11[%swap3A_242, %swap3A_243], %get3A_237 {strides = array<i32>} : memref<40x448xf32, #tpu.memory_space<vmem>>, vector<16xf32>,
        %mul3A_245 = arith.constant 2 : i32
        %mul3A_246 = arith.muli %scan3A_189, %mul3A_245 : i32
        %add3A_247 = arith.constant 0 : i32
        %add3A_248 = arith.addi %mul3A_246, %add3A_247 : i32
        %get3A_249 = arith.index_cast %add3A_248 : i32 to index
        %get3A_250 = arith.constant 64 : index
        %get3A_251 = tpu.vector_load %arg7[%get3A_249, %get3A_250] {strides = array<i32>} : memref<40x512xf32, #tpu.memory_space<vmem>>, vector<16xf32>,
        %mul3A_252 = arith.constant 2 : i32
        %mul3A_253 = arith.muli %scan3A_189, %mul3A_252 : i32
        %add3A_254 = arith.constant 0 : i32
        %add3A_255 = arith.addi %mul3A_253, %add3A_254 : i32
        %swap3A_256 = arith.index_cast %add3A_255 : i32 to index
        %swap3A_257 = arith.constant 64 : index
        %swap3A_258 = tpu.vector_load %arg11[%swap3A_256, %swap3A_257] {strides = array<i32>} : memref<40x448xf32, #tpu.memory_space<vmem>>, vector<16xf32>,
        tpu.vector_store %arg11[%swap3A_256, %swap3A_257], %get3A_251 {strides = array<i32>} : memref<40x448xf32, #tpu.memory_space<vmem>>, vector<16xf32>,
        %mul3A_259 = arith.constant 2 : i32
        %mul3A_260 = arith.muli %scan3A_189, %mul3A_259 : i32
        %add3A_261 = arith.constant 0 : i32
        %add3A_262 = arith.addi %mul3A_260, %add3A_261 : i32
        %get3A_263 = arith.index_cast %add3A_262 : i32 to index
        %get3A_264 = arith.constant 80 : index
        %get3A_265 = tpu.vector_load %arg7[%get3A_263, %get3A_264] {strides = array<i32>} : memref<40x512xf32, #tpu.memory_space<vmem>>, vector<16xf32>,
        %mul3A_266 = arith.constant 2 : i32
        %mul3A_267 = arith.muli %scan3A_189, %mul3A_266 : i32
        %add3A_268 = arith.constant 0 : i32
        %add3A_269 = arith.addi %mul3A_267, %add3A_268 : i32
        %swap3A_270 = arith.index_cast %add3A_269 : i32 to index
        %swap3A_271 = arith.constant 80 : index
        %swap3A_272 = tpu.vector_load %arg11[%swap3A_270, %swap3A_271] {strides = array<i32>} : memref<40x448xf32, #tpu.memory_space<vmem>>, vector<16xf32>,
        tpu.vector_store %arg11[%swap3A_270, %swap3A_271], %get3A_265 {strides = array<i32>} : memref<40x448xf32, #tpu.memory_space<vmem>>, vector<16xf32>,
        %mul3A_273 = arith.constant 2 : i32
        %mul3A_274 = arith.muli %scan3A_189, %mul3A_273 : i32
        %add3A_275 = arith.constant 0 : i32
        %add3A_276 = arith.addi %mul3A_274, %add3A_275 : i32
        %get3A_277 = arith.index_cast %add3A_276 : i32 to index
        %get3A_278 = arith.constant 96 : index
        %get3A_279 = tpu.vector_load %arg7[%get3A_277, %get3A_278] {strides = array<i32>} : memref<40x512xf32, #tpu.memory_space<vmem>>, vector<16xf32>,
        %mul3A_280 = arith.constant 2 : i32
        %mul3A_281 = arith.muli %scan3A_189, %mul3A_280 : i32
        %add3A_282 = arith.constant 0 : i32
        %add3A_283 = arith.addi %mul3A_281, %add3A_282 : i32
        %swap3A_284 = arith.index_cast %add3A_283 : i32 to index
        %swap3A_285 = arith.constant 96 : index
        %swap3A_286 = tpu.vector_load %arg11[%swap3A_284, %swap3A_285] {strides = array<i32>} : memref<40x448xf32, #tpu.memory_space<vmem>>, vector<16xf32>,
        tpu.vector_store %arg11[%swap3A_284, %swap3A_285], %get3A_279 {strides = array<i32>} : memref<40x448xf32, #tpu.memory_space<vmem>>, vector<16xf32>,
        %mul3A_287 = arith.constant 2 : i32
        %mul3A_288 = arith.muli %scan3A_189, %mul3A_287 : i32
        %add3A_289 = arith.constant 0 : i32
        %add3A_290 = arith.addi %mul3A_288, %add3A_289 : i32
        %get3A_291 = arith.index_cast %add3A_290 : i32 to index
        %get3A_292 = arith.constant 112 : index
        %get3A_293 = tpu.vector_load %arg7[%get3A_291, %get3A_292] {strides = array<i32>} : memref<40x512xf32, #tpu.memory_space<vmem>>, vector<16xf32>,
        %mul3A_294 = arith.constant 2 : i32
        %mul3A_295 = arith.muli %scan3A_189, %mul3A_294 : i32
        %add3A_296 = arith.constant 0 : i32
        %add3A_297 = arith.addi %mul3A_295, %add3A_296 : i32
        %swap3A_298 = arith.index_cast %add3A_297 : i32 to index
        %swap3A_299 = arith.constant 112 : index
        %swap3A_300 = tpu.vector_load %arg11[%swap3A_298, %swap3A_299] {strides = array<i32>} : memref<40x448xf32, #tpu.memory_space<vmem>>, vector<16xf32>,
        tpu.vector_store %arg11[%swap3A_298, %swap3A_299], %get3A_293 {strides = array<i32>} : memref<40x448xf32, #tpu.memory_space<vmem>>, vector<16xf32>,
        %mul3A_301 = arith.constant 2 : i32
        %mul3A_302 = arith.muli %scan3A_189, %mul3A_301 : i32
        %add3A_303 = arith.constant 0 : i32
        %add3A_304 = arith.addi %mul3A_302, %add3A_303 : i32
        %get3A_305 = arith.index_cast %add3A_304 : i32 to index
        %get3A_306 = arith.constant 128 : index
        %get3A_307 = tpu.vector_load %arg7[%get3A_305, %get3A_306] {strides = array<i32>} : memref<40x512xf32, #tpu.memory_space<vmem>>, vector<16xf32>,
        %mul3A_308 = arith.constant 2 : i32
        %mul3A_309 = arith.muli %scan3A_189, %mul3A_308 : i32
        %add3A_310 = arith.constant 0 : i32
        %add3A_311 = arith.addi %mul3A_309, %add3A_310 : i32
        %swap3A_312 = arith.index_cast %add3A_311 : i32 to index
        %swap3A_313 = arith.constant 128 : index
        %swap3A_314 = tpu.vector_load %arg11[%swap3A_312, %swap3A_313] {strides = array<i32>} : memref<40x448xf32, #tpu.memory_space<vmem>>, vector<16xf32>,
        tpu.vector_store %arg11[%swap3A_312, %swap3A_313], %get3A_307 {strides = array<i32>} : memref<40x448xf32, #tpu.memory_space<vmem>>, vector<16xf32>,
        %mul3A_315 = arith.constant 2 : i32
        %mul3A_316 = arith.muli %scan3A_189, %mul3A_315 : i32
        %add3A_317 = arith.constant 0 : i32
        %add3A_318 = arith.addi %mul3A_316, %add3A_317 : i32
        %get3A_319 = arith.index_cast %add3A_318 : i32 to index
        %get3A_320 = arith.constant 144 : index
        %get3A_321 = tpu.vector_load %arg7[%get3A_319, %get3A_320] {strides = array<i32>} : memref<40x512xf32, #tpu.memory_space<vmem>>, vector<16xf32>,
        %mul3A_322 = arith.constant 2 : i32
        %mul3A_323 = arith.muli %scan3A_189, %mul3A_322 : i32
        %add3A_324 = arith.constant 0 : i32
        %add3A_325 = arith.addi %mul3A_323, %add3A_324 : i32
        %swap3A_326 = arith.index_cast %add3A_325 : i32 to index
        %swap3A_327 = arith.constant 144 : index
        %swap3A_328 = tpu.vector_load %arg11[%swap3A_326, %swap3A_327] {strides = array<i32>} : memref<40x448xf32, #tpu.memory_space<vmem>>, vector<16xf32>,
        tpu.vector_store %arg11[%swap3A_326, %swap3A_327], %get3A_321 {strides = array<i32>} : memref<40x448xf32, #tpu.memory_space<vmem>>, vector<16xf32>,
        %mul3A_329 = arith.constant 2 : i32
        %mul3A_330 = arith.muli %scan3A_189, %mul3A_329 : i32
        %add3A_331 = arith.constant 0 : i32
        %add3A_332 = arith.addi %mul3A_330, %add3A_331 : i32
        %get3A_333 = arith.index_cast %add3A_332 : i32 to index
        %get3A_334 = arith.constant 160 : index
        %get3A_335 = tpu.vector_load %arg7[%get3A_333, %get3A_334] {strides = array<i32>} : memref<40x512xf32, #tpu.memory_space<vmem>>, vector<16xf32>,
        %mul3A_336 = arith.constant 2 : i32
        %mul3A_337 = arith.muli %scan3A_189, %mul3A_336 : i32
        %add3A_338 = arith.constant 0 : i32
        %add3A_339 = arith.addi %mul3A_337, %add3A_338 : i32
        %swap3A_340 = arith.index_cast %add3A_339 : i32 to index
        %swap3A_341 = arith.constant 160 : index
        %swap3A_342 = tpu.vector_load %arg11[%swap3A_340, %swap3A_341] {strides = array<i32>} : memref<40x448xf32, #tpu.memory_space<vmem>>, vector<16xf32>,
        tpu.vector_store %arg11[%swap3A_340, %swap3A_341], %get3A_335 {strides = array<i32>} : memref<40x448xf32, #tpu.memory_space<vmem>>, vector<16xf32>,
        %mul3A_343 = arith.constant 2 : i32
        %mul3A_344 = arith.muli %scan3A_189, %mul3A_343 : i32
        %add3A_345 = arith.constant 0 : i32
        %add3A_346 = arith.addi %mul3A_344, %add3A_345 : i32
        %get3A_347 = arith.index_cast %add3A_346 : i32 to index
        %get3A_348 = arith.constant 176 : index
        %get3A_349 = tpu.vector_load %arg7[%get3A_347, %get3A_348] {strides = array<i32>} : memref<40x512xf32, #tpu.memory_space<vmem>>, vector<16xf32>,
        %mul3A_350 = arith.constant 2 : i32
        %mul3A_351 = arith.muli %scan3A_189, %mul3A_350 : i32
        %add3A_352 = arith.constant 0 : i32
        %add3A_353 = arith.addi %mul3A_351, %add3A_352 : i32
        %swap3A_354 = arith.index_cast %add3A_353 : i32 to index
        %swap3A_355 = arith.constant 176 : index
        %swap3A_356 = tpu.vector_load %arg11[%swap3A_354, %swap3A_355] {strides = array<i32>} : memref<40x448xf32, #tpu.memory_space<vmem>>, vector<16xf32>,
        tpu.vector_store %arg11[%swap3A_354, %swap3A_355], %get3A_349 {strides = array<i32>} : memref<40x448xf32, #tpu.memory_space<vmem>>, vector<16xf32>,
        %mul3A_357 = arith.constant 2 : i32
        %mul3A_358 = arith.muli %scan3A_189, %mul3A_357 : i32
        %add3A_359 = arith.constant 0 : i32
        %add3A_360 = arith.addi %mul3A_358, %add3A_359 : i32
        %get3A_361 = arith.index_cast %add3A_360 : i32 to index
        %get3A_362 = arith.constant 192 : index
        %get3A_363 = tpu.vector_load %arg7[%get3A_361, %get3A_362] {strides = array<i32>} : memref<40x512xf32, #tpu.memory_space<vmem>>, vector<16xf32>,
        %mul3A_364 = arith.constant 2 : i32
        %mul3A_365 = arith.muli %scan3A_189, %mul3A_364 : i32
        %add3A_366 = arith.constant 0 : i32
        %add3A_367 = arith.addi %mul3A_365, %add3A_366 : i32
        %swap3A_368 = arith.index_cast %add3A_367 : i32 to index
        %swap3A_369 = arith.constant 192 : index
        %swap3A_370 = tpu.vector_load %arg11[%swap3A_368, %swap3A_369] {strides = array<i32>} : memref<40x448xf32, #tpu.memory_space<vmem>>, vector<16xf32>,
        tpu.vector_store %arg11[%swap3A_368, %swap3A_369], %get3A_363 {strides = array<i32>} : memref<40x448xf32, #tpu.memory_space<vmem>>, vector<16xf32>,
        %mul3A_371 = arith.constant 2 : i32
        %mul3A_372 = arith.muli %scan3A_189, %mul3A_371 : i32
        %add3A_373 = arith.constant 0 : i32
        %add3A_374 = arith.addi %mul3A_372, %add3A_373 : i32
        %get3A_375 = arith.index_cast %add3A_374 : i32 to index
        %get3A_376 = arith.constant 208 : index
        %get3A_377 = tpu.vector_load %arg7[%get3A_375, %get3A_376] {strides = array<i32>} : memref<40x512xf32, #tpu.memory_space<vmem>>, vector<16xf32>,
        %mul3A_378 = arith.constant 2 : i32
        %mul3A_379 = arith.muli %scan3A_189, %mul3A_378 : i32
        %add3A_380 = arith.constant 0 : i32
        %add3A_381 = arith.addi %mul3A_379, %add3A_380 : i32
        %swap3A_382 = arith.index_cast %add3A_381 : i32 to index
        %swap3A_383 = arith.constant 208 : index
        %swap3A_384 = tpu.vector_load %arg11[%swap3A_382, %swap3A_383] {strides = array<i32>} : memref<40x448xf32, #tpu.memory_space<vmem>>, vector<16xf32>,
        tpu.vector_store %arg11[%swap3A_382, %swap3A_383], %get3A_377 {strides = array<i32>} : memref<40x448xf32, #tpu.memory_space<vmem>>, vector<16xf32>,
        %mul3A_385 = arith.constant 2 : i32
        %mul3A_386 = arith.muli %scan3A_189, %mul3A_385 : i32
        %add3A_387 = arith.constant 0 : i32
        %add3A_388 = arith.addi %mul3A_386, %add3A_387 : i32
        %get3A_389 = arith.index_cast %add3A_388 : i32 to index
        %get3A_390 = arith.constant 224 : index
        %get3A_391 = tpu.vector_load %arg7[%get3A_389, %get3A_390] {strides = array<i32>} : memref<40x512xf32, #tpu.memory_space<vmem>>, vector<16xf32>,
        %mul3A_392 = arith.constant 2 : i32
        %mul3A_393 = arith.muli %scan3A_189, %mul3A_392 : i32
        %add3A_394 = arith.constant 0 : i32
        %add3A_395 = arith.addi %mul3A_393, %add3A_394 : i32
        %swap3A_396 = arith.index_cast %add3A_395 : i32 to index
        %swap3A_397 = arith.constant 224 : index
        %swap3A_398 = tpu.vector_load %arg11[%swap3A_396, %swap3A_397] {strides = array<i32>} : memref<40x448xf32, #tpu.memory_space<vmem>>, vector<16xf32>,
        tpu.vector_store %arg11[%swap3A_396, %swap3A_397], %get3A_391 {strides = array<i32>} : memref<40x448xf32, #tpu.memory_space<vmem>>, vector<16xf32>,
        %mul3A_399 = arith.constant 2 : i32
        %mul3A_400 = arith.muli %scan3A_189, %mul3A_399 : i32
        %add3A_401 = arith.constant 0 : i32
        %add3A_402 = arith.addi %mul3A_400, %add3A_401 : i32
        %get3A_403 = arith.index_cast %add3A_402 : i32 to index
        %get3A_404 = arith.constant 240 : index
        %get3A_405 = tpu.vector_load %arg7[%get3A_403, %get3A_404] {strides = array<i32>} : memref<40x512xf32, #tpu.memory_space<vmem>>, vector<16xf32>,
        %mul3A_406 = arith.constant 2 : i32
        %mul3A_407 = arith.muli %scan3A_189, %mul3A_406 : i32
        %add3A_408 = arith.constant 0 : i32
        %add3A_409 = arith.addi %mul3A_407, %add3A_408 : i32
        %swap3A_410 = arith.index_cast %add3A_409 : i32 to index
        %swap3A_411 = arith.constant 240 : index
        %swap3A_412 = tpu.vector_load %arg11[%swap3A_410, %swap3A_411] {strides = array<i32>} : memref<40x448xf32, #tpu.memory_space<vmem>>, vector<16xf32>,
        tpu.vector_store %arg11[%swap3A_410, %swap3A_411], %get3A_405 {strides = array<i32>} : memref<40x448xf32, #tpu.memory_space<vmem>>, vector<16xf32>,
        %mul3A_413 = arith.constant 2 : i32
        %mul3A_414 = arith.muli %scan3A_189, %mul3A_413 : i32
        %add3A_415 = arith.constant 0 : i32
        %add3A_416 = arith.addi %mul3A_414, %add3A_415 : i32
        %get3A_417 = arith.index_cast %add3A_416 : i32 to index
        %get3A_418 = arith.constant 256 : index
        %get3A_419 = tpu.vector_load %arg7[%get3A_417, %get3A_418] {strides = array<i32>} : memref<40x512xf32, #tpu.memory_space<vmem>>, vector<16xf32>,
        %mul3A_420 = arith.constant 2 : i32
        %mul3A_421 = arith.muli %scan3A_189, %mul3A_420 : i32
        %add3A_422 = arith.constant 0 : i32
        %add3A_423 = arith.addi %mul3A_421, %add3A_422 : i32
        %swap3A_424 = arith.index_cast %add3A_423 : i32 to index
        %swap3A_425 = arith.constant 256 : index
        %swap3A_426 = tpu.vector_load %arg11[%swap3A_424, %swap3A_425] {strides = array<i32>} : memref<40x448xf32, #tpu.memory_space<vmem>>, vector<16xf32>,
        tpu.vector_store %arg11[%swap3A_424, %swap3A_425], %get3A_419 {strides = array<i32>} : memref<40x448xf32, #tpu.memory_space<vmem>>, vector<16xf32>,
        %mul3A_427 = arith.constant 2 : i32
        %mul3A_428 = arith.muli %scan3A_189, %mul3A_427 : i32
        %add3A_429 = arith.constant 0 : i32
        %add3A_430 = arith.addi %mul3A_428, %add3A_429 : i32
        %get3A_431 = arith.index_cast %add3A_430 : i32 to index
        %get3A_432 = arith.constant 272 : index
        %get3A_433 = tpu.vector_load %arg7[%get3A_431, %get3A_432] {strides = array<i32>} : memref<40x512xf32, #tpu.memory_space<vmem>>, vector<16xf32>,
        %mul3A_434 = arith.constant 2 : i32
        %mul3A_435 = arith.muli %scan3A_189, %mul3A_434 : i32
        %add3A_436 = arith.constant 0 : i32
        %add3A_437 = arith.addi %mul3A_435, %add3A_436 : i32
        %swap3A_438 = arith.index_cast %add3A_437 : i32 to index
        %swap3A_439 = arith.constant 272 : index
        %swap3A_440 = tpu.vector_load %arg11[%swap3A_438, %swap3A_439] {strides = array<i32>} : memref<40x448xf32, #tpu.memory_space<vmem>>, vector<16xf32>,
        tpu.vector_store %arg11[%swap3A_438, %swap3A_439], %get3A_433 {strides = array<i32>} : memref<40x448xf32, #tpu.memory_space<vmem>>, vector<16xf32>,
        %mul3A_441 = arith.constant 2 : i32
        %mul3A_442 = arith.muli %scan3A_189, %mul3A_441 : i32
        %add3A_443 = arith.constant 0 : i32
        %add3A_444 = arith.addi %mul3A_442, %add3A_443 : i32
        %get3A_445 = arith.index_cast %add3A_444 : i32 to index
        %get3A_446 = arith.constant 288 : index
        %get3A_447 = tpu.vector_load %arg7[%get3A_445, %get3A_446] {strides = array<i32>} : memref<40x512xf32, #tpu.memory_space<vmem>>, vector<16xf32>,
        %mul3A_448 = arith.constant 2 : i32
        %mul3A_449 = arith.muli %scan3A_189, %mul3A_448 : i32
        %add3A_450 = arith.constant 0 : i32
        %add3A_451 = arith.addi %mul3A_449, %add3A_450 : i32
        %swap3A_452 = arith.index_cast %add3A_451 : i32 to index
        %swap3A_453 = arith.constant 288 : index
        %swap3A_454 = tpu.vector_load %arg11[%swap3A_452, %swap3A_453] {strides = array<i32>} : memref<40x448xf32, #tpu.memory_space<vmem>>, vector<16xf32>,
        tpu.vector_store %arg11[%swap3A_452, %swap3A_453], %get3A_447 {strides = array<i32>} : memref<40x448xf32, #tpu.memory_space<vmem>>, vector<16xf32>,
        %mul3A_455 = arith.constant 2 : i32
        %mul3A_456 = arith.muli %scan3A_189, %mul3A_455 : i32
        %add3A_457 = arith.constant 0 : i32
        %add3A_458 = arith.addi %mul3A_456, %add3A_457 : i32
        %get3A_459 = arith.index_cast %add3A_458 : i32 to index
        %get3A_460 = arith.constant 304 : index
        %get3A_461 = tpu.vector_load %arg7[%get3A_459, %get3A_460] {strides = array<i32>} : memref<40x512xf32, #tpu.memory_space<vmem>>, vector<16xf32>,
        %mul3A_462 = arith.constant 2 : i32
        %mul3A_463 = arith.muli %scan3A_189, %mul3A_462 : i32
        %add3A_464 = arith.constant 0 : i32
        %add3A_465 = arith.addi %mul3A_463, %add3A_464 : i32
        %swap3A_466 = arith.index_cast %add3A_465 : i32 to index
        %swap3A_467 = arith.constant 304 : index
        %swap3A_468 = tpu.vector_load %arg11[%swap3A_466, %swap3A_467] {strides = array<i32>} : memref<40x448xf32, #tpu.memory_space<vmem>>, vector<16xf32>,
        tpu.vector_store %arg11[%swap3A_466, %swap3A_467], %get3A_461 {strides = array<i32>} : memref<40x448xf32, #tpu.memory_space<vmem>>, vector<16xf32>,
        %mul3A_469 = arith.constant 2 : i32
        %mul3A_470 = arith.muli %scan3A_189, %mul3A_469 : i32
        %add3A_471 = arith.constant 0 : i32
        %add3A_472 = arith.addi %mul3A_470, %add3A_471 : i32
        %get3A_473 = arith.index_cast %add3A_472 : i32 to index
        %get3A_474 = arith.constant 320 : index
        %get3A_475 = tpu.vector_load %arg7[%get3A_473, %get3A_474] {strides = array<i32>} : memref<40x512xf32, #tpu.memory_space<vmem>>, vector<16xf32>,
        %mul3A_476 = arith.constant 2 : i32
        %mul3A_477 = arith.muli %scan3A_189, %mul3A_476 : i32
        %add3A_478 = arith.constant 0 : i32
        %add3A_479 = arith.addi %mul3A_477, %add3A_478 : i32
        %swap3A_480 = arith.index_cast %add3A_479 : i32 to index
        %swap3A_481 = arith.constant 320 : index
        %swap3A_482 = tpu.vector_load %arg11[%swap3A_480, %swap3A_481] {strides = array<i32>} : memref<40x448xf32, #tpu.memory_space<vmem>>, vector<16xf32>,
        tpu.vector_store %arg11[%swap3A_480, %swap3A_481], %get3A_475 {strides = array<i32>} : memref<40x448xf32, #tpu.memory_space<vmem>>, vector<16xf32>,
        %mul3A_483 = arith.constant 2 : i32
        %mul3A_484 = arith.muli %scan3A_189, %mul3A_483 : i32
        %add3A_485 = arith.constant 0 : i32
        %add3A_486 = arith.addi %mul3A_484, %add3A_485 : i32
        %get3A_487 = arith.index_cast %add3A_486 : i32 to index
        %get3A_488 = arith.constant 336 : index
        %get3A_489 = tpu.vector_load %arg7[%get3A_487, %get3A_488] {strides = array<i32>} : memref<40x512xf32, #tpu.memory_space<vmem>>, vector<16xf32>,
        %mul3A_490 = arith.constant 2 : i32
        %mul3A_491 = arith.muli %scan3A_189, %mul3A_490 : i32
        %add3A_492 = arith.constant 0 : i32
        %add3A_493 = arith.addi %mul3A_491, %add3A_492 : i32
        %swap3A_494 = arith.index_cast %add3A_493 : i32 to index
        %swap3A_495 = arith.constant 336 : index
        %swap3A_496 = tpu.vector_load %arg11[%swap3A_494, %swap3A_495] {strides = array<i32>} : memref<40x448xf32, #tpu.memory_space<vmem>>, vector<16xf32>,
        tpu.vector_store %arg11[%swap3A_494, %swap3A_495], %get3A_489 {strides = array<i32>} : memref<40x448xf32, #tpu.memory_space<vmem>>, vector<16xf32>,
        %mul3A_497 = arith.constant 2 : i32
        %mul3A_498 = arith.muli %scan3A_189, %mul3A_497 : i32
        %add3A_499 = arith.constant 0 : i32
        %add3A_500 = arith.addi %mul3A_498, %add3A_499 : i32
        %get3A_501 = arith.index_cast %add3A_500 : i32 to index
        %get3A_502 = arith.constant 352 : index
        %get3A_503 = tpu.vector_load %arg7[%get3A_501, %get3A_502] {strides = array<i32>} : memref<40x512xf32, #tpu.memory_space<vmem>>, vector<16xf32>,
        %mul3A_504 = arith.constant 2 : i32
        %mul3A_505 = arith.muli %scan3A_189, %mul3A_504 : i32
        %add3A_506 = arith.constant 0 : i32
        %add3A_507 = arith.addi %mul3A_505, %add3A_506 : i32
        %swap3A_508 = arith.index_cast %add3A_507 : i32 to index
        %swap3A_509 = arith.constant 352 : index
        %swap3A_510 = tpu.vector_load %arg11[%swap3A_508, %swap3A_509] {strides = array<i32>} : memref<40x448xf32, #tpu.memory_space<vmem>>, vector<16xf32>,
        tpu.vector_store %arg11[%swap3A_508, %swap3A_509], %get3A_503 {strides = array<i32>} : memref<40x448xf32, #tpu.memory_space<vmem>>, vector<16xf32>,
        %mul3A_511 = arith.constant 2 : i32
        %mul3A_512 = arith.muli %scan3A_189, %mul3A_511 : i32
        %add3A_513 = arith.constant 0 : i32
        %add3A_514 = arith.addi %mul3A_512, %add3A_513 : i32
        %get3A_515 = arith.index_cast %add3A_514 : i32 to index
        %get3A_516 = arith.constant 368 : index
        %get3A_517 = tpu.vector_load %arg7[%get3A_515, %get3A_516] {strides = array<i32>} : memref<40x512xf32, #tpu.memory_space<vmem>>, vector<16xf32>,
        %mul3A_518 = arith.constant 2 : i32
        %mul3A_519 = arith.muli %scan3A_189, %mul3A_518 : i32
        %add3A_520 = arith.constant 0 : i32
        %add3A_521 = arith.addi %mul3A_519, %add3A_520 : i32
        %swap3A_522 = arith.index_cast %add3A_521 : i32 to index
        %swap3A_523 = arith.constant 368 : index
        %swap3A_524 = tpu.vector_load %arg11[%swap3A_522, %swap3A_523] {strides = array<i32>} : memref<40x448xf32, #tpu.memory_space<vmem>>, vector<16xf32>,
        tpu.vector_store %arg11[%swap3A_522, %swap3A_523], %get3A_517 {strides = array<i32>} : memref<40x448xf32, #tpu.memory_space<vmem>>, vector<16xf32>,
        %mul3A_525 = arith.constant 2 : i32
        %mul3A_526 = arith.muli %scan3A_189, %mul3A_525 : i32
        %add3A_527 = arith.constant 0 : i32
        %add3A_528 = arith.addi %mul3A_526, %add3A_527 : i32
        %get3A_529 = arith.index_cast %add3A_528 : i32 to index
        %get3A_530 = arith.constant 384 : index
        %get3A_531 = tpu.vector_load %arg7[%get3A_529, %get3A_530] {strides = array<i32>} : memref<40x512xf32, #tpu.memory_space<vmem>>, vector<16xf32>,
        %mul3A_532 = arith.constant 2 : i32
        %mul3A_533 = arith.muli %scan3A_189, %mul3A_532 : i32
        %add3A_534 = arith.constant 0 : i32
        %add3A_535 = arith.addi %mul3A_533, %add3A_534 : i32
        %swap3A_536 = arith.index_cast %add3A_535 : i32 to index
        %swap3A_537 = arith.constant 384 : index
        %swap3A_538 = tpu.vector_load %arg11[%swap3A_536, %swap3A_537] {strides = array<i32>} : memref<40x448xf32, #tpu.memory_space<vmem>>, vector<16xf32>,
        tpu.vector_store %arg11[%swap3A_536, %swap3A_537], %get3A_531 {strides = array<i32>} : memref<40x448xf32, #tpu.memory_space<vmem>>, vector<16xf32>,
        %mul3A_539 = arith.constant 2 : i32
        %mul3A_540 = arith.muli %scan3A_189, %mul3A_539 : i32
        %add3A_541 = arith.constant 0 : i32
        %add3A_542 = arith.addi %mul3A_540, %add3A_541 : i32
        %get3A_543 = arith.index_cast %add3A_542 : i32 to index
        %get3A_544 = arith.constant 400 : index
        %get3A_545 = tpu.vector_load %arg7[%get3A_543, %get3A_544] {strides = array<i32>} : memref<40x512xf32, #tpu.memory_space<vmem>>, vector<16xf32>,
        %mul3A_546 = arith.constant 2 : i32
        %mul3A_547 = arith.muli %scan3A_189, %mul3A_546 : i32
        %add3A_548 = arith.constant 0 : i32
        %add3A_549 = arith.addi %mul3A_547, %add3A_548 : i32
        %swap3A_550 = arith.index_cast %add3A_549 : i32 to index
        %swap3A_551 = arith.constant 400 : index
        %swap3A_552 = tpu.vector_load %arg11[%swap3A_550, %swap3A_551] {strides = array<i32>} : memref<40x448xf32, #tpu.memory_space<vmem>>, vector<16xf32>,
        tpu.vector_store %arg11[%swap3A_550, %swap3A_551], %get3A_545 {strides = array<i32>} : memref<40x448xf32, #tpu.memory_space<vmem>>, vector<16xf32>,
        %mul3A_553 = arith.constant 2 : i32
        %mul3A_554 = arith.muli %scan3A_189, %mul3A_553 : i32
        %add3A_555 = arith.constant 0 : i32
        %add3A_556 = arith.addi %mul3A_554, %add3A_555 : i32
        %get3A_557 = arith.index_cast %add3A_556 : i32 to index
        %get3A_558 = arith.constant 416 : index
        %get3A_559 = tpu.vector_load %arg7[%get3A_557, %get3A_558] {strides = array<i32>} : memref<40x512xf32, #tpu.memory_space<vmem>>, vector<16xf32>,
        %mul3A_560 = arith.constant 2 : i32
        %mul3A_561 = arith.muli %scan3A_189, %mul3A_560 : i32
        %add3A_562 = arith.constant 0 : i32
        %add3A_563 = arith.addi %mul3A_561, %add3A_562 : i32
        %swap3A_564 = arith.index_cast %add3A_563 : i32 to index
        %swap3A_565 = arith.constant 416 : index
        %swap3A_566 = tpu.vector_load %arg11[%swap3A_564, %swap3A_565] {strides = array<i32>} : memref<40x448xf32, #tpu.memory_space<vmem>>, vector<16xf32>,
        tpu.vector_store %arg11[%swap3A_564, %swap3A_565], %get3A_559 {strides = array<i32>} : memref<40x448xf32, #tpu.memory_space<vmem>>, vector<16xf32>,
        %mul3A_567 = arith.constant 2 : i32
        %mul3A_568 = arith.muli %scan3A_189, %mul3A_567 : i32
        %add3A_569 = arith.constant 0 : i32
        %add3A_570 = arith.addi %mul3A_568, %add3A_569 : i32
        %get3A_571 = arith.index_cast %add3A_570 : i32 to index
        %get3A_572 = arith.constant 432 : index
        %get3A_573 = tpu.vector_load %arg7[%get3A_571, %get3A_572] {strides = array<i32>} : memref<40x512xf32, #tpu.memory_space<vmem>>, vector<16xf32>,
        %mul3A_574 = arith.constant 2 : i32
        %mul3A_575 = arith.muli %scan3A_189, %mul3A_574 : i32
        %add3A_576 = arith.constant 0 : i32
        %add3A_577 = arith.addi %mul3A_575, %add3A_576 : i32
        %swap3A_578 = arith.index_cast %add3A_577 : i32 to index
        %swap3A_579 = arith.constant 432 : index
        %swap3A_580 = tpu.vector_load %arg11[%swap3A_578, %swap3A_579] {strides = array<i32>} : memref<40x448xf32, #tpu.memory_space<vmem>>, vector<16xf32>,
        tpu.vector_store %arg11[%swap3A_578, %swap3A_579], %get3A_573 {strides = array<i32>} : memref<40x448xf32, #tpu.memory_space<vmem>>, vector<16xf32>,
        %mul3A_581 = arith.constant 2 : i32
        %mul3A_582 = arith.muli %scan3A_189, %mul3A_581 : i32
        %add3A_583 = arith.constant 1 : i32
        %add3A_584 = arith.addi %mul3A_582, %add3A_583 : i32
        %get3A_585 = arith.index_cast %add3A_584 : i32 to index
        %get3A_586 = arith.constant 0 : index
        %get3A_587 = tpu.vector_load %arg7[%get3A_585, %get3A_586] {strides = array<i32>} : memref<40x512xf32, #tpu.memory_space<vmem>>, vector<16xf32>,
        %mul3A_588 = arith.constant 2 : i32
        %mul3A_589 = arith.muli %scan3A_189, %mul3A_588 : i32
        %add3A_590 = arith.constant 1 : i32
        %add3A_591 = arith.addi %mul3A_589, %add3A_590 : i32
        %swap3A_592 = arith.index_cast %add3A_591 : i32 to index
        %swap3A_593 = arith.constant 0 : index
        %swap3A_594 = tpu.vector_load %arg11[%swap3A_592, %swap3A_593] {strides = array<i32>} : memref<40x448xf32, #tpu.memory_space<vmem>>, vector<16xf32>,
        tpu.vector_store %arg11[%swap3A_592, %swap3A_593], %get3A_587 {strides = array<i32>} : memref<40x448xf32, #tpu.memory_space<vmem>>, vector<16xf32>,
        %mul3A_595 = arith.constant 2 : i32
        %mul3A_596 = arith.muli %scan3A_189, %mul3A_595 : i32
        %add3A_597 = arith.constant 1 : i32
        %add3A_598 = arith.addi %mul3A_596, %add3A_597 : i32
        %get3A_599 = arith.index_cast %add3A_598 : i32 to index
        %get3A_600 = arith.constant 16 : index
        %get3A_601 = tpu.vector_load %arg7[%get3A_599, %get3A_600] {strides = array<i32>} : memref<40x512xf32, #tpu.memory_space<vmem>>, vector<16xf32>,
        %mul3A_602 = arith.constant 2 : i32
        %mul3A_603 = arith.muli %scan3A_189, %mul3A_602 : i32
        %add3A_604 = arith.constant 1 : i32
        %add3A_605 = arith.addi %mul3A_603, %add3A_604 : i32
        %swap3A_606 = arith.index_cast %add3A_605 : i32 to index
        %swap3A_607 = arith.constant 16 : index
        %swap3A_608 = tpu.vector_load %arg11[%swap3A_606, %swap3A_607] {strides = array<i32>} : memref<40x448xf32, #tpu.memory_space<vmem>>, vector<16xf32>,
        tpu.vector_store %arg11[%swap3A_606, %swap3A_607], %get3A_601 {strides = array<i32>} : memref<40x448xf32, #tpu.memory_space<vmem>>, vector<16xf32>,
        %mul3A_609 = arith.constant 2 : i32
        %mul3A_610 = arith.muli %scan3A_189, %mul3A_609 : i32
        %add3A_611 = arith.constant 1 : i32
        %add3A_612 = arith.addi %mul3A_610, %add3A_611 : i32
        %get3A_613 = arith.index_cast %add3A_612 : i32 to index
        %get3A_614 = arith.constant 32 : index
        %get3A_615 = tpu.vector_load %arg7[%get3A_613, %get3A_614] {strides = array<i32>} : memref<40x512xf32, #tpu.memory_space<vmem>>, vector<16xf32>,
        %mul3A_616 = arith.constant 2 : i32
        %mul3A_617 = arith.muli %scan3A_189, %mul3A_616 : i32
        %add3A_618 = arith.constant 1 : i32
        %add3A_619 = arith.addi %mul3A_617, %add3A_618 : i32
        %swap3A_620 = arith.index_cast %add3A_619 : i32 to index
        %swap3A_621 = arith.constant 32 : index
        %swap3A_622 = tpu.vector_load %arg11[%swap3A_620, %swap3A_621] {strides = array<i32>} : memref<40x448xf32, #tpu.memory_space<vmem>>, vector<16xf32>,
        tpu.vector_store %arg11[%swap3A_620, %swap3A_621], %get3A_615 {strides = array<i32>} : memref<40x448xf32, #tpu.memory_space<vmem>>, vector<16xf32>,
        %mul3A_623 = arith.constant 2 : i32
        %mul3A_624 = arith.muli %scan3A_189, %mul3A_623 : i32
        %add3A_625 = arith.constant 1 : i32
        %add3A_626 = arith.addi %mul3A_624, %add3A_625 : i32
        %get3A_627 = arith.index_cast %add3A_626 : i32 to index
        %get3A_628 = arith.constant 48 : index
        %get3A_629 = tpu.vector_load %arg7[%get3A_627, %get3A_628] {strides = array<i32>} : memref<40x512xf32, #tpu.memory_space<vmem>>, vector<16xf32>,
        %mul3A_630 = arith.constant 2 : i32
        %mul3A_631 = arith.muli %scan3A_189, %mul3A_630 : i32
        %add3A_632 = arith.constant 1 : i32
        %add3A_633 = arith.addi %mul3A_631, %add3A_632 : i32
        %swap3A_634 = arith.index_cast %add3A_633 : i32 to index
        %swap3A_635 = arith.constant 48 : index
        %swap3A_636 = tpu.vector_load %arg11[%swap3A_634, %swap3A_635] {strides = array<i32>} : memref<40x448xf32, #tpu.memory_space<vmem>>, vector<16xf32>,
        tpu.vector_store %arg11[%swap3A_634, %swap3A_635], %get3A_629 {strides = array<i32>} : memref<40x448xf32, #tpu.memory_space<vmem>>, vector<16xf32>,
        %mul3A_637 = arith.constant 2 : i32
        %mul3A_638 = arith.muli %scan3A_189, %mul3A_637 : i32
        %add3A_639 = arith.constant 1 : i32
        %add3A_640 = arith.addi %mul3A_638, %add3A_639 : i32
        %get3A_641 = arith.index_cast %add3A_640 : i32 to index
        %get3A_642 = arith.constant 64 : index
        %get3A_643 = tpu.vector_load %arg7[%get3A_641, %get3A_642] {strides = array<i32>} : memref<40x512xf32, #tpu.memory_space<vmem>>, vector<16xf32>,
        %mul3A_644 = arith.constant 2 : i32
        %mul3A_645 = arith.muli %scan3A_189, %mul3A_644 : i32
        %add3A_646 = arith.constant 1 : i32
        %add3A_647 = arith.addi %mul3A_645, %add3A_646 : i32
        %swap3A_648 = arith.index_cast %add3A_647 : i32 to index
        %swap3A_649 = arith.constant 64 : index
        %swap3A_650 = tpu.vector_load %arg11[%swap3A_648, %swap3A_649] {strides = array<i32>} : memref<40x448xf32, #tpu.memory_space<vmem>>, vector<16xf32>,
        tpu.vector_store %arg11[%swap3A_648, %swap3A_649], %get3A_643 {strides = array<i32>} : memref<40x448xf32, #tpu.memory_space<vmem>>, vector<16xf32>,
        %mul3A_651 = arith.constant 2 : i32
        %mul3A_652 = arith.muli %scan3A_189, %mul3A_651 : i32
        %add3A_653 = arith.constant 1 : i32
        %add3A_654 = arith.addi %mul3A_652, %add3A_653 : i32
        %get3A_655 = arith.index_cast %add3A_654 : i32 to index
        %get3A_656 = arith.constant 80 : index
        %get3A_657 = tpu.vector_load %arg7[%get3A_655, %get3A_656] {strides = array<i32>} : memref<40x512xf32, #tpu.memory_space<vmem>>, vector<16xf32>,
        %mul3A_658 = arith.constant 2 : i32
        %mul3A_659 = arith.muli %scan3A_189, %mul3A_658 : i32
        %add3A_660 = arith.constant 1 : i32
        %add3A_661 = arith.addi %mul3A_659, %add3A_660 : i32
        %swap3A_662 = arith.index_cast %add3A_661 : i32 to index
        %swap3A_663 = arith.constant 80 : index
        %swap3A_664 = tpu.vector_load %arg11[%swap3A_662, %swap3A_663] {strides = array<i32>} : memref<40x448xf32, #tpu.memory_space<vmem>>, vector<16xf32>,
        tpu.vector_store %arg11[%swap3A_662, %swap3A_663], %get3A_657 {strides = array<i32>} : memref<40x448xf32, #tpu.memory_space<vmem>>, vector<16xf32>,
        %mul3A_665 = arith.constant 2 : i32
        %mul3A_666 = arith.muli %scan3A_189, %mul3A_665 : i32
        %add3A_667 = arith.constant 1 : i32
        %add3A_668 = arith.addi %mul3A_666, %add3A_667 : i32
        %get3A_669 = arith.index_cast %add3A_668 : i32 to index
        %get3A_670 = arith.constant 96 : index
        %get3A_671 = tpu.vector_load %arg7[%get3A_669, %get3A_670] {strides = array<i32>} : memref<40x512xf32, #tpu.memory_space<vmem>>, vector<16xf32>,
        %mul3A_672 = arith.constant 2 : i32
        %mul3A_673 = arith.muli %scan3A_189, %mul3A_672 : i32
        %add3A_674 = arith.constant 1 : i32
        %add3A_675 = arith.addi %mul3A_673, %add3A_674 : i32
        %swap3A_676 = arith.index_cast %add3A_675 : i32 to index
        %swap3A_677 = arith.constant 96 : index
        %swap3A_678 = tpu.vector_load %arg11[%swap3A_676, %swap3A_677] {strides = array<i32>} : memref<40x448xf32, #tpu.memory_space<vmem>>, vector<16xf32>,
        tpu.vector_store %arg11[%swap3A_676, %swap3A_677], %get3A_671 {strides = array<i32>} : memref<40x448xf32, #tpu.memory_space<vmem>>, vector<16xf32>,
        %mul3A_679 = arith.constant 2 : i32
        %mul3A_680 = arith.muli %scan3A_189, %mul3A_679 : i32
        %add3A_681 = arith.constant 1 : i32
        %add3A_682 = arith.addi %mul3A_680, %add3A_681 : i32
        %get3A_683 = arith.index_cast %add3A_682 : i32 to index
        %get3A_684 = arith.constant 112 : index
        %get3A_685 = tpu.vector_load %arg7[%get3A_683, %get3A_684] {strides = array<i32>} : memref<40x512xf32, #tpu.memory_space<vmem>>, vector<16xf32>,
        %mul3A_686 = arith.constant 2 : i32
        %mul3A_687 = arith.muli %scan3A_189, %mul3A_686 : i32
        %add3A_688 = arith.constant 1 : i32
        %add3A_689 = arith.addi %mul3A_687, %add3A_688 : i32
        %swap3A_690 = arith.index_cast %add3A_689 : i32 to index
        %swap3A_691 = arith.constant 112 : index
        %swap3A_692 = tpu.vector_load %arg11[%swap3A_690, %swap3A_691] {strides = array<i32>} : memref<40x448xf32, #tpu.memory_space<vmem>>, vector<16xf32>,
        tpu.vector_store %arg11[%swap3A_690, %swap3A_691], %get3A_685 {strides = array<i32>} : memref<40x448xf32, #tpu.memory_space<vmem>>, vector<16xf32>,
        %mul3A_693 = arith.constant 2 : i32
        %mul3A_694 = arith.muli %scan3A_189, %mul3A_693 : i32
        %add3A_695 = arith.constant 1 : i32
        %add3A_696 = arith.addi %mul3A_694, %add3A_695 : i32
        %get3A_697 = arith.index_cast %add3A_696 : i32 to index
        %get3A_698 = arith.constant 128 : index
        %get3A_699 = tpu.vector_load %arg7[%get3A_697, %get3A_698] {strides = array<i32>} : memref<40x512xf32, #tpu.memory_space<vmem>>, vector<16xf32>,
        %mul3A_700 = arith.constant 2 : i32
        %mul3A_701 = arith.muli %scan3A_189, %mul3A_700 : i32
        %add3A_702 = arith.constant 1 : i32
        %add3A_703 = arith.addi %mul3A_701, %add3A_702 : i32
        %swap3A_704 = arith.index_cast %add3A_703 : i32 to index
        %swap3A_705 = arith.constant 128 : index
        %swap3A_706 = tpu.vector_load %arg11[%swap3A_704, %swap3A_705] {strides = array<i32>} : memref<40x448xf32, #tpu.memory_space<vmem>>, vector<16xf32>,
        tpu.vector_store %arg11[%swap3A_704, %swap3A_705], %get3A_699 {strides = array<i32>} : memref<40x448xf32, #tpu.memory_space<vmem>>, vector<16xf32>,
        %mul3A_707 = arith.constant 2 : i32
        %mul3A_708 = arith.muli %scan3A_189, %mul3A_707 : i32
        %add3A_709 = arith.constant 1 : i32
        %add3A_710 = arith.addi %mul3A_708, %add3A_709 : i32
        %get3A_711 = arith.index_cast %add3A_710 : i32 to index
        %get3A_712 = arith.constant 144 : index
        %get3A_713 = tpu.vector_load %arg7[%get3A_711, %get3A_712] {strides = array<i32>} : memref<40x512xf32, #tpu.memory_space<vmem>>, vector<16xf32>,
        %mul3A_714 = arith.constant 2 : i32
        %mul3A_715 = arith.muli %scan3A_189, %mul3A_714 : i32
        %add3A_716 = arith.constant 1 : i32
        %add3A_717 = arith.addi %mul3A_715, %add3A_716 : i32
        %swap3A_718 = arith.index_cast %add3A_717 : i32 to index
        %swap3A_719 = arith.constant 144 : index
        %swap3A_720 = tpu.vector_load %arg11[%swap3A_718, %swap3A_719] {strides = array<i32>} : memref<40x448xf32, #tpu.memory_space<vmem>>, vector<16xf32>,
        tpu.vector_store %arg11[%swap3A_718, %swap3A_719], %get3A_713 {strides = array<i32>} : memref<40x448xf32, #tpu.memory_space<vmem>>, vector<16xf32>,
        %mul3A_721 = arith.constant 2 : i32
        %mul3A_722 = arith.muli %scan3A_189, %mul3A_721 : i32
        %add3A_723 = arith.constant 1 : i32
        %add3A_724 = arith.addi %mul3A_722, %add3A_723 : i32
        %get3A_725 = arith.index_cast %add3A_724 : i32 to index
        %get3A_726 = arith.constant 160 : index
        %get3A_727 = tpu.vector_load %arg7[%get3A_725, %get3A_726] {strides = array<i32>} : memref<40x512xf32, #tpu.memory_space<vmem>>, vector<16xf32>,
        %mul3A_728 = arith.constant 2 : i32
        %mul3A_729 = arith.muli %scan3A_189, %mul3A_728 : i32
        %add3A_730 = arith.constant 1 : i32
        %add3A_731 = arith.addi %mul3A_729, %add3A_730 : i32
        %swap3A_732 = arith.index_cast %add3A_731 : i32 to index
        %swap3A_733 = arith.constant 160 : index
        %swap3A_734 = tpu.vector_load %arg11[%swap3A_732, %swap3A_733] {strides = array<i32>} : memref<40x448xf32, #tpu.memory_space<vmem>>, vector<16xf32>,
        tpu.vector_store %arg11[%swap3A_732, %swap3A_733], %get3A_727 {strides = array<i32>} : memref<40x448xf32, #tpu.memory_space<vmem>>, vector<16xf32>,
        %mul3A_735 = arith.constant 2 : i32
        %mul3A_736 = arith.muli %scan3A_189, %mul3A_735 : i32
        %add3A_737 = arith.constant 1 : i32
        %add3A_738 = arith.addi %mul3A_736, %add3A_737 : i32
        %get3A_739 = arith.index_cast %add3A_738 : i32 to index
        %get3A_740 = arith.constant 176 : index
        %get3A_741 = tpu.vector_load %arg7[%get3A_739, %get3A_740] {strides = array<i32>} : memref<40x512xf32, #tpu.memory_space<vmem>>, vector<16xf32>,
        %mul3A_742 = arith.constant 2 : i32
        %mul3A_743 = arith.muli %scan3A_189, %mul3A_742 : i32
        %add3A_744 = arith.constant 1 : i32
        %add3A_745 = arith.addi %mul3A_743, %add3A_744 : i32
        %swap3A_746 = arith.index_cast %add3A_745 : i32 to index
        %swap3A_747 = arith.constant 176 : index
        %swap3A_748 = tpu.vector_load %arg11[%swap3A_746, %swap3A_747] {strides = array<i32>} : memref<40x448xf32, #tpu.memory_space<vmem>>, vector<16xf32>,
        tpu.vector_store %arg11[%swap3A_746, %swap3A_747], %get3A_741 {strides = array<i32>} : memref<40x448xf32, #tpu.memory_space<vmem>>, vector<16xf32>,
        %mul3A_749 = arith.constant 2 : i32
        %mul3A_750 = arith.muli %scan3A_189, %mul3A_749 : i32
        %add3A_751 = arith.constant 1 : i32
        %add3A_752 = arith.addi %mul3A_750, %add3A_751 : i32
        %get3A_753 = arith.index_cast %add3A_752 : i32 to index
        %get3A_754 = arith.constant 192 : index
        %get3A_755 = tpu.vector_load %arg7[%get3A_753, %get3A_754] {strides = array<i32>} : memref<40x512xf32, #tpu.memory_space<vmem>>, vector<16xf32>,
        %mul3A_756 = arith.constant 2 : i32
        %mul3A_757 = arith.muli %scan3A_189, %mul3A_756 : i32
        %add3A_758 = arith.constant 1 : i32
        %add3A_759 = arith.addi %mul3A_757, %add3A_758 : i32
        %swap3A_760 = arith.index_cast %add3A_759 : i32 to index
        %swap3A_761 = arith.constant 192 : index
        %swap3A_762 = tpu.vector_load %arg11[%swap3A_760, %swap3A_761] {strides = array<i32>} : memref<40x448xf32, #tpu.memory_space<vmem>>, vector<16xf32>,
        tpu.vector_store %arg11[%swap3A_760, %swap3A_761], %get3A_755 {strides = array<i32>} : memref<40x448xf32, #tpu.memory_space<vmem>>, vector<16xf32>,
        %mul3A_763 = arith.constant 2 : i32
        %mul3A_764 = arith.muli %scan3A_189, %mul3A_763 : i32
        %add3A_765 = arith.constant 1 : i32
        %add3A_766 = arith.addi %mul3A_764, %add3A_765 : i32
        %get3A_767 = arith.index_cast %add3A_766 : i32 to index
        %get3A_768 = arith.constant 208 : index
        %get3A_769 = tpu.vector_load %arg7[%get3A_767, %get3A_768] {strides = array<i32>} : memref<40x512xf32, #tpu.memory_space<vmem>>, vector<16xf32>,
        %mul3A_770 = arith.constant 2 : i32
        %mul3A_771 = arith.muli %scan3A_189, %mul3A_770 : i32
        %add3A_772 = arith.constant 1 : i32
        %add3A_773 = arith.addi %mul3A_771, %add3A_772 : i32
        %swap3A_774 = arith.index_cast %add3A_773 : i32 to index
        %swap3A_775 = arith.constant 208 : index
        %swap3A_776 = tpu.vector_load %arg11[%swap3A_774, %swap3A_775] {strides = array<i32>} : memref<40x448xf32, #tpu.memory_space<vmem>>, vector<16xf32>,
        tpu.vector_store %arg11[%swap3A_774, %swap3A_775], %get3A_769 {strides = array<i32>} : memref<40x448xf32, #tpu.memory_space<vmem>>, vector<16xf32>,
        %mul3A_777 = arith.constant 2 : i32
        %mul3A_778 = arith.muli %scan3A_189, %mul3A_777 : i32
        %add3A_779 = arith.constant 1 : i32
        %add3A_780 = arith.addi %mul3A_778, %add3A_779 : i32
        %get3A_781 = arith.index_cast %add3A_780 : i32 to index
        %get3A_782 = arith.constant 224 : index
        %get3A_783 = tpu.vector_load %arg7[%get3A_781, %get3A_782] {strides = array<i32>} : memref<40x512xf32, #tpu.memory_space<vmem>>, vector<16xf32>,
        %mul3A_784 = arith.constant 2 : i32
        %mul3A_785 = arith.muli %scan3A_189, %mul3A_784 : i32
        %add3A_786 = arith.constant 1 : i32
        %add3A_787 = arith.addi %mul3A_785, %add3A_786 : i32
        %swap3A_788 = arith.index_cast %add3A_787 : i32 to index
        %swap3A_789 = arith.constant 224 : index
        %swap3A_790 = tpu.vector_load %arg11[%swap3A_788, %swap3A_789] {strides = array<i32>} : memref<40x448xf32, #tpu.memory_space<vmem>>, vector<16xf32>,
        tpu.vector_store %arg11[%swap3A_788, %swap3A_789], %get3A_783 {strides = array<i32>} : memref<40x448xf32, #tpu.memory_space<vmem>>, vector<16xf32>,
        %mul3A_791 = arith.constant 2 : i32
        %mul3A_792 = arith.muli %scan3A_189, %mul3A_791 : i32
        %add3A_793 = arith.constant 1 : i32
        %add3A_794 = arith.addi %mul3A_792, %add3A_793 : i32
        %get3A_795 = arith.index_cast %add3A_794 : i32 to index
        %get3A_796 = arith.constant 240 : index
        %get3A_797 = tpu.vector_load %arg7[%get3A_795, %get3A_796] {strides = array<i32>} : memref<40x512xf32, #tpu.memory_space<vmem>>, vector<16xf32>,
        %mul3A_798 = arith.constant 2 : i32
        %mul3A_799 = arith.muli %scan3A_189, %mul3A_798 : i32
        %add3A_800 = arith.constant 1 : i32
        %add3A_801 = arith.addi %mul3A_799, %add3A_800 : i32
        %swap3A_802 = arith.index_cast %add3A_801 : i32 to index
        %swap3A_803 = arith.constant 240 : index
        %swap3A_804 = tpu.vector_load %arg11[%swap3A_802, %swap3A_803] {strides = array<i32>} : memref<40x448xf32, #tpu.memory_space<vmem>>, vector<16xf32>,
        tpu.vector_store %arg11[%swap3A_802, %swap3A_803], %get3A_797 {strides = array<i32>} : memref<40x448xf32, #tpu.memory_space<vmem>>, vector<16xf32>,
        %mul3A_805 = arith.constant 2 : i32
        %mul3A_806 = arith.muli %scan3A_189, %mul3A_805 : i32
        %add3A_807 = arith.constant 1 : i32
        %add3A_808 = arith.addi %mul3A_806, %add3A_807 : i32
        %get3A_809 = arith.index_cast %add3A_808 : i32 to index
        %get3A_810 = arith.constant 256 : index
        %get3A_811 = tpu.vector_load %arg7[%get3A_809, %get3A_810] {strides = array<i32>} : memref<40x512xf32, #tpu.memory_space<vmem>>, vector<16xf32>,
        %mul3A_812 = arith.constant 2 : i32
        %mul3A_813 = arith.muli %scan3A_189, %mul3A_812 : i32
        %add3A_814 = arith.constant 1 : i32
        %add3A_815 = arith.addi %mul3A_813, %add3A_814 : i32
        %swap3A_816 = arith.index_cast %add3A_815 : i32 to index
        %swap3A_817 = arith.constant 256 : index
        %swap3A_818 = tpu.vector_load %arg11[%swap3A_816, %swap3A_817] {strides = array<i32>} : memref<40x448xf32, #tpu.memory_space<vmem>>, vector<16xf32>,
        tpu.vector_store %arg11[%swap3A_816, %swap3A_817], %get3A_811 {strides = array<i32>} : memref<40x448xf32, #tpu.memory_space<vmem>>, vector<16xf32>,
        %mul3A_819 = arith.constant 2 : i32
        %mul3A_820 = arith.muli %scan3A_189, %mul3A_819 : i32
        %add3A_821 = arith.constant 1 : i32
        %add3A_822 = arith.addi %mul3A_820, %add3A_821 : i32
        %get3A_823 = arith.index_cast %add3A_822 : i32 to index
        %get3A_824 = arith.constant 272 : index
        %get3A_825 = tpu.vector_load %arg7[%get3A_823, %get3A_824] {strides = array<i32>} : memref<40x512xf32, #tpu.memory_space<vmem>>, vector<16xf32>,
        %mul3A_826 = arith.constant 2 : i32
        %mul3A_827 = arith.muli %scan3A_189, %mul3A_826 : i32
        %add3A_828 = arith.constant 1 : i32
        %add3A_829 = arith.addi %mul3A_827, %add3A_828 : i32
        %swap3A_830 = arith.index_cast %add3A_829 : i32 to index
        %swap3A_831 = arith.constant 272 : index
        %swap3A_832 = tpu.vector_load %arg11[%swap3A_830, %swap3A_831] {strides = array<i32>} : memref<40x448xf32, #tpu.memory_space<vmem>>, vector<16xf32>,
        tpu.vector_store %arg11[%swap3A_830, %swap3A_831], %get3A_825 {strides = array<i32>} : memref<40x448xf32, #tpu.memory_space<vmem>>, vector<16xf32>,
        %mul3A_833 = arith.constant 2 : i32
        %mul3A_834 = arith.muli %scan3A_189, %mul3A_833 : i32
        %add3A_835 = arith.constant 1 : i32
        %add3A_836 = arith.addi %mul3A_834, %add3A_835 : i32
        %get3A_837 = arith.index_cast %add3A_836 : i32 to index
        %get3A_838 = arith.constant 288 : index
        %get3A_839 = tpu.vector_load %arg7[%get3A_837, %get3A_838] {strides = array<i32>} : memref<40x512xf32, #tpu.memory_space<vmem>>, vector<16xf32>,
        %mul3A_840 = arith.constant 2 : i32
        %mul3A_841 = arith.muli %scan3A_189, %mul3A_840 : i32
        %add3A_842 = arith.constant 1 : i32
        %add3A_843 = arith.addi %mul3A_841, %add3A_842 : i32
        %swap3A_844 = arith.index_cast %add3A_843 : i32 to index
        %swap3A_845 = arith.constant 288 : index
        %swap3A_846 = tpu.vector_load %arg11[%swap3A_844, %swap3A_845] {strides = array<i32>} : memref<40x448xf32, #tpu.memory_space<vmem>>, vector<16xf32>,
        tpu.vector_store %arg11[%swap3A_844, %swap3A_845], %get3A_839 {strides = array<i32>} : memref<40x448xf32, #tpu.memory_space<vmem>>, vector<16xf32>,
        %mul3A_847 = arith.constant 2 : i32
        %mul3A_848 = arith.muli %scan3A_189, %mul3A_847 : i32
        %add3A_849 = arith.constant 1 : i32
        %add3A_850 = arith.addi %mul3A_848, %add3A_849 : i32
        %get3A_851 = arith.index_cast %add3A_850 : i32 to index
        %get3A_852 = arith.constant 304 : index
        %get3A_853 = tpu.vector_load %arg7[%get3A_851, %get3A_852] {strides = array<i32>} : memref<40x512xf32, #tpu.memory_space<vmem>>, vector<16xf32>,
        %mul3A_854 = arith.constant 2 : i32
        %mul3A_855 = arith.muli %scan3A_189, %mul3A_854 : i32
        %add3A_856 = arith.constant 1 : i32
        %add3A_857 = arith.addi %mul3A_855, %add3A_856 : i32
        %swap3A_858 = arith.index_cast %add3A_857 : i32 to index
        %swap3A_859 = arith.constant 304 : index
        %swap3A_860 = tpu.vector_load %arg11[%swap3A_858, %swap3A_859] {strides = array<i32>} : memref<40x448xf32, #tpu.memory_space<vmem>>, vector<16xf32>,
        tpu.vector_store %arg11[%swap3A_858, %swap3A_859], %get3A_853 {strides = array<i32>} : memref<40x448xf32, #tpu.memory_space<vmem>>, vector<16xf32>,
        %mul3A_861 = arith.constant 2 : i32
        %mul3A_862 = arith.muli %scan3A_189, %mul3A_861 : i32
        %add3A_863 = arith.constant 1 : i32
        %add3A_864 = arith.addi %mul3A_862, %add3A_863 : i32
        %get3A_865 = arith.index_cast %add3A_864 : i32 to index
        %get3A_866 = arith.constant 320 : index
        %get3A_867 = tpu.vector_load %arg7[%get3A_865, %get3A_866] {strides = array<i32>} : memref<40x512xf32, #tpu.memory_space<vmem>>, vector<16xf32>,
        %mul3A_868 = arith.constant 2 : i32
        %mul3A_869 = arith.muli %scan3A_189, %mul3A_868 : i32
        %add3A_870 = arith.constant 1 : i32
        %add3A_871 = arith.addi %mul3A_869, %add3A_870 : i32
        %swap3A_872 = arith.index_cast %add3A_871 : i32 to index
        %swap3A_873 = arith.constant 320 : index
        %swap3A_874 = tpu.vector_load %arg11[%swap3A_872, %swap3A_873] {strides = array<i32>} : memref<40x448xf32, #tpu.memory_space<vmem>>, vector<16xf32>,
        tpu.vector_store %arg11[%swap3A_872, %swap3A_873], %get3A_867 {strides = array<i32>} : memref<40x448xf32, #tpu.memory_space<vmem>>, vector<16xf32>,
        %mul3A_875 = arith.constant 2 : i32
        %mul3A_876 = arith.muli %scan3A_189, %mul3A_875 : i32
        %add3A_877 = arith.constant 1 : i32
        %add3A_878 = arith.addi %mul3A_876, %add3A_877 : i32
        %get3A_879 = arith.index_cast %add3A_878 : i32 to index
        %get3A_880 = arith.constant 336 : index
        %get3A_881 = tpu.vector_load %arg7[%get3A_879, %get3A_880] {strides = array<i32>} : memref<40x512xf32, #tpu.memory_space<vmem>>, vector<16xf32>,
        %mul3A_882 = arith.constant 2 : i32
        %mul3A_883 = arith.muli %scan3A_189, %mul3A_882 : i32
        %add3A_884 = arith.constant 1 : i32
        %add3A_885 = arith.addi %mul3A_883, %add3A_884 : i32
        %swap3A_886 = arith.index_cast %add3A_885 : i32 to index
        %swap3A_887 = arith.constant 336 : index
        %swap3A_888 = tpu.vector_load %arg11[%swap3A_886, %swap3A_887] {strides = array<i32>} : memref<40x448xf32, #tpu.memory_space<vmem>>, vector<16xf32>,
        tpu.vector_store %arg11[%swap3A_886, %swap3A_887], %get3A_881 {strides = array<i32>} : memref<40x448xf32, #tpu.memory_space<vmem>>, vector<16xf32>,
        %mul3A_889 = arith.constant 2 : i32
        %mul3A_890 = arith.muli %scan3A_189, %mul3A_889 : i32
        %add3A_891 = arith.constant 1 : i32
        %add3A_892 = arith.addi %mul3A_890, %add3A_891 : i32
        %get3A_893 = arith.index_cast %add3A_892 : i32 to index
        %get3A_894 = arith.constant 352 : index
        %get3A_895 = tpu.vector_load %arg7[%get3A_893, %get3A_894] {strides = array<i32>} : memref<40x512xf32, #tpu.memory_space<vmem>>, vector<16xf32>,
        %mul3A_896 = arith.constant 2 : i32
        %mul3A_897 = arith.muli %scan3A_189, %mul3A_896 : i32
        %add3A_898 = arith.constant 1 : i32
        %add3A_899 = arith.addi %mul3A_897, %add3A_898 : i32
        %swap3A_900 = arith.index_cast %add3A_899 : i32 to index
        %swap3A_901 = arith.constant 352 : index
        %swap3A_902 = tpu.vector_load %arg11[%swap3A_900, %swap3A_901] {strides = array<i32>} : memref<40x448xf32, #tpu.memory_space<vmem>>, vector<16xf32>,
        tpu.vector_store %arg11[%swap3A_900, %swap3A_901], %get3A_895 {strides = array<i32>} : memref<40x448xf32, #tpu.memory_space<vmem>>, vector<16xf32>,
        %mul3A_903 = arith.constant 2 : i32
        %mul3A_904 = arith.muli %scan3A_189, %mul3A_903 : i32
        %add3A_905 = arith.constant 1 : i32
        %add3A_906 = arith.addi %mul3A_904, %add3A_905 : i32
        %get3A_907 = arith.index_cast %add3A_906 : i32 to index
        %get3A_908 = arith.constant 368 : index
        %get3A_909 = tpu.vector_load %arg7[%get3A_907, %get3A_908] {strides = array<i32>} : memref<40x512xf32, #tpu.memory_space<vmem>>, vector<16xf32>,
        %mul3A_910 = arith.constant 2 : i32
        %mul3A_911 = arith.muli %scan3A_189, %mul3A_910 : i32
        %add3A_912 = arith.constant 1 : i32
        %add3A_913 = arith.addi %mul3A_911, %add3A_912 : i32
        %swap3A_914 = arith.index_cast %add3A_913 : i32 to index
        %swap3A_915 = arith.constant 368 : index
        %swap3A_916 = tpu.vector_load %arg11[%swap3A_914, %swap3A_915] {strides = array<i32>} : memref<40x448xf32, #tpu.memory_space<vmem>>, vector<16xf32>,
        tpu.vector_store %arg11[%swap3A_914, %swap3A_915], %get3A_909 {strides = array<i32>} : memref<40x448xf32, #tpu.memory_space<vmem>>, vector<16xf32>,
        %mul3A_917 = arith.constant 2 : i32
        %mul3A_918 = arith.muli %scan3A_189, %mul3A_917 : i32
        %add3A_919 = arith.constant 1 : i32
        %add3A_920 = arith.addi %mul3A_918, %add3A_919 : i32
        %get3A_921 = arith.index_cast %add3A_920 : i32 to index
        %get3A_922 = arith.constant 384 : index
        %get3A_923 = tpu.vector_load %arg7[%get3A_921, %get3A_922] {strides = array<i32>} : memref<40x512xf32, #tpu.memory_space<vmem>>, vector<16xf32>,
        %mul3A_924 = arith.constant 2 : i32
        %mul3A_925 = arith.muli %scan3A_189, %mul3A_924 : i32
        %add3A_926 = arith.constant 1 : i32
        %add3A_927 = arith.addi %mul3A_925, %add3A_926 : i32
        %swap3A_928 = arith.index_cast %add3A_927 : i32 to index
        %swap3A_929 = arith.constant 384 : index
        %swap3A_930 = tpu.vector_load %arg11[%swap3A_928, %swap3A_929] {strides = array<i32>} : memref<40x448xf32, #tpu.memory_space<vmem>>, vector<16xf32>,
        tpu.vector_store %arg11[%swap3A_928, %swap3A_929], %get3A_923 {strides = array<i32>} : memref<40x448xf32, #tpu.memory_space<vmem>>, vector<16xf32>,
        %mul3A_931 = arith.constant 2 : i32
        %mul3A_932 = arith.muli %scan3A_189, %mul3A_931 : i32
        %add3A_933 = arith.constant 1 : i32
        %add3A_934 = arith.addi %mul3A_932, %add3A_933 : i32
        %get3A_935 = arith.index_cast %add3A_934 : i32 to index
        %get3A_936 = arith.constant 400 : index
        %get3A_937 = tpu.vector_load %arg7[%get3A_935, %get3A_936] {strides = array<i32>} : memref<40x512xf32, #tpu.memory_space<vmem>>, vector<16xf32>,
        %mul3A_938 = arith.constant 2 : i32
        %mul3A_939 = arith.muli %scan3A_189, %mul3A_938 : i32
        %add3A_940 = arith.constant 1 : i32
        %add3A_941 = arith.addi %mul3A_939, %add3A_940 : i32
        %swap3A_942 = arith.index_cast %add3A_941 : i32 to index
        %swap3A_943 = arith.constant 400 : index
        %swap3A_944 = tpu.vector_load %arg11[%swap3A_942, %swap3A_943] {strides = array<i32>} : memref<40x448xf32, #tpu.memory_space<vmem>>, vector<16xf32>,
        tpu.vector_store %arg11[%swap3A_942, %swap3A_943], %get3A_937 {strides = array<i32>} : memref<40x448xf32, #tpu.memory_space<vmem>>, vector<16xf32>,
        %mul3A_945 = arith.constant 2 : i32
        %mul3A_946 = arith.muli %scan3A_189, %mul3A_945 : i32
        %add3A_947 = arith.constant 1 : i32
        %add3A_948 = arith.addi %mul3A_946, %add3A_947 : i32
        %get3A_949 = arith.index_cast %add3A_948 : i32 to index
        %get3A_950 = arith.constant 416 : index
        %get3A_951 = tpu.vector_load %arg7[%get3A_949, %get3A_950] {strides = array<i32>} : memref<40x512xf32, #tpu.memory_space<vmem>>, vector<16xf32>,
        %mul3A_952 = arith.constant 2 : i32
        %mul3A_953 = arith.muli %scan3A_189, %mul3A_952 : i32
        %add3A_954 = arith.constant 1 : i32
        %add3A_955 = arith.addi %mul3A_953, %add3A_954 : i32
        %swap3A_956 = arith.index_cast %add3A_955 : i32 to index
        %swap3A_957 = arith.constant 416 : index
        %swap3A_958 = tpu.vector_load %arg11[%swap3A_956, %swap3A_957] {strides = array<i32>} : memref<40x448xf32, #tpu.memory_space<vmem>>, vector<16xf32>,
        tpu.vector_store %arg11[%swap3A_956, %swap3A_957], %get3A_951 {strides = array<i32>} : memref<40x448xf32, #tpu.memory_space<vmem>>, vector<16xf32>,
        %mul3A_959 = arith.constant 2 : i32
        %mul3A_960 = arith.muli %scan3A_189, %mul3A_959 : i32
        %add3A_961 = arith.constant 1 : i32
        %add3A_962 = arith.addi %mul3A_960, %add3A_961 : i32
        %get3A_963 = arith.index_cast %add3A_962 : i32 to index
        %get3A_964 = arith.constant 432 : index
        %get3A_965 = tpu.vector_load %arg7[%get3A_963, %get3A_964] {strides = array<i32>} : memref<40x512xf32, #tpu.memory_space<vmem>>, vector<16xf32>,
        %mul3A_966 = arith.constant 2 : i32
        %mul3A_967 = arith.muli %scan3A_189, %mul3A_966 : i32
        %add3A_968 = arith.constant 1 : i32
        %add3A_969 = arith.addi %mul3A_967, %add3A_968 : i32
        %swap3A_970 = arith.index_cast %add3A_969 : i32 to index
        %swap3A_971 = arith.constant 432 : index
        %swap3A_972 = tpu.vector_load %arg11[%swap3A_970, %swap3A_971] {strides = array<i32>} : memref<40x448xf32, #tpu.memory_space<vmem>>, vector<16xf32>,
        tpu.vector_store %arg11[%swap3A_970, %swap3A_971], %get3A_965 {strides = array<i32>} : memref<40x448xf32, #tpu.memory_space<vmem>>, vector<16xf32>,
        %scan3A_973 = arith.constant 0 : i32
        scf.yield %scan3A_973 : i32
      }
      %scan3A_101 = arith.constant 20 : i32
      %mul3A_102 = arith.constant 40 : i32
      %mul3A_103 = arith.muli %add3A_83, %mul3A_102 : i32
      %add3A_104 = arith.addi %mul3A_2, %mul3A_103 : i32
      %dma_start3A_105 = arith.constant 0 : i32
      %dma_start3A_106 = tpu.memref_slice %arg4[%add3A_104, %dma_start3A_105] : memref<204800x448xf32, #tpu.memory_space<hbm>> -> memref<40x448xf32, #tpu.memory_space<hbm>>
      %dma_start3A_107 = arith.constant 0 : i32
      %dma_start3A_108 = tpu.memref_slice %arg4[%add3A_104, %dma_start3A_107] : memref<204800x448xf32, #tpu.memory_space<hbm>> -> memref<40x448xf32, #tpu.memory_space<hbm>>
      tpu.enqueue_dma source(%arg11 : memref<40x448xf32, #tpu.memory_space<vmem>>) target(%dma_start3A_108 : memref<40x448xf32, #tpu.memory_space<hbm>>) target_semaphore(%arg17 : memref<!tpu.dma_semaphore, #tpu.memory_space<semaphore_mem>>)
      %add3A_109 = arith.constant 4 : i32
      %add3A_110 = arith.addi %add3A_83, %add3A_109 : i32
      %lt3A_111 = arith.constant 160 : i32
      %lt3A_112 = arith.cmpi slt, %add3A_110, %lt3A_111 : i32
      %convert_element_type3A_113 = arith.extui %lt3A_112 : i1 to i32
      %cond3A_114 = arith.constant 0 : i32
      %cond3A_115 = arith.cmpi ne, %convert_element_type3A_113, %cond3A_114 : i32
      scf.if %cond3A_115 {
        %add3A_189 = arith.constant 4 : i32
        %add3A_190 = arith.addi %add3A_83, %add3A_189 : i32
        %mul3A_191 = arith.constant 40 : i32
        %mul3A_192 = arith.muli %add3A_190, %mul3A_191 : i32
        %add3A_193 = arith.constant 8 : i32
        %add3A_194 = arith.addi %add3A_193, %mul3A_192 : i32
        %dma_start3A_195 = tpu.memref_slice %arg5[%add3A_194] : memref<6408xi32, #tpu.memory_space<vmem>> -> memref<40xi32, #tpu.memory_space<vmem>>
        %dma_start3A_196 = arith.constant 0 : i32
        %dma_start3A_197 = arith.constant 0 : i32
        %dma_start3A_198 = tpu.memref_slice %arg3[%dma_start3A_196, %dma_start3A_197] : memref<8192x512xf32, #tpu.memory_space<hbm>> -> memref<8192x512xf32, #tpu.memory_space<hbm>>
        tpu.enqueue_indirect_dma source(%dma_start3A_198 : memref<8192x512xf32, #tpu.memory_space<hbm>>) target(%arg7 : memref<40x512xf32, #tpu.memory_space<vmem>>) offsets(%dma_start3A_195 : memref<40xi32, #tpu.memory_space<vmem>>) semaphore(%arg13 : memref<!tpu.dma_semaphore, #tpu.memory_space<semaphore_mem>>)
      } else {
      }
      %mul3A_116 = arith.constant 4 : i32
      %mul3A_117 = arith.muli %scan3A_46, %mul3A_116 : i32
      %add3A_118 = arith.constant 2 : i32
      %add3A_119 = arith.addi %mul3A_117, %add3A_118 : i32
      %dma_wait3A_120 = arith.constant 0 : i32
      %dma_wait3A_121 = arith.constant 0 : i32
      %dma_wait3A_122 = tpu.memref_slice %arg3[%dma_wait3A_120, %dma_wait3A_121] : memref<8192x512xf32, #tpu.memory_space<hbm>> -> memref<40x512xf32, #tpu.memory_space<hbm>>
      %dma_wait3A_123 = arith.constant 0 : i32
      %dma_wait3A_124 = arith.constant 0 : i32
      %dma_wait3A_125 = tpu.memref_slice %arg3[%dma_wait3A_123, %dma_wait3A_124] : memref<8192x512xf32, #tpu.memory_space<hbm>> -> memref<40x512xf32, #tpu.memory_space<hbm>>
      tpu.wait_dma2 semaphore(%arg14 : memref<!tpu.dma_semaphore, #tpu.memory_space<semaphore_mem>>) src(%dma_wait3A_125 : memref<40x512xf32, #tpu.memory_space<hbm>>) dst(%arg8 : memref<40x512xf32, #tpu.memory_space<vmem>>)
      %ge3A_126 = arith.constant 2 : i32
      %ge3A_127 = arith.cmpi sge, %add3A_119, %ge3A_126 : i32
      %convert_element_type3A_128 = arith.extui %ge3A_127 : i1 to i32
      %cond3A_129 = arith.constant 0 : i32
      %cond3A_130 = arith.cmpi ne, %convert_element_type3A_128, %cond3A_129 : i32
      scf.if %cond3A_130 {
        %dma_wait3A_189 = arith.constant 0 : i32
        %dma_wait3A_190 = arith.constant 0 : i32
        %dma_wait3A_191 = tpu.memref_slice %arg4[%dma_wait3A_189, %dma_wait3A_190] : memref<204800x448xf32, #tpu.memory_space<hbm>> -> memref<40x448xf32, #tpu.memory_space<hbm>>
        %dma_wait3A_192 = arith.constant 0 : i32
        %dma_wait3A_193 = arith.constant 0 : i32
        %dma_wait3A_194 = tpu.memref_slice %arg4[%dma_wait3A_192, %dma_wait3A_193] : memref<204800x448xf32, #tpu.memory_space<hbm>> -> memref<40x448xf32, #tpu.memory_space<hbm>>
        tpu.wait_dma2 semaphore(%arg16 : memref<!tpu.dma_semaphore, #tpu.memory_space<semaphore_mem>>) src(%arg10 : memref<40x448xf32, #tpu.memory_space<vmem>>) dst(%dma_wait3A_194 : memref<40x448xf32, #tpu.memory_space<hbm>>)
      } else {
      }
      %scan3A_131 = arith.constant 0 : i32
      %scan3A_132 = arith.constant 0 : i32
      %scan3A_133 = arith.constant 20 : i32
      %scan3A_134 = arith.addi %scan3A_132, %scan3A_133 : i32
      %scan3A_135 = arith.constant 1 : i32
      %scan3A_136 = scf.for %scan3A_189 = %scan3A_132 to %scan3A_134 step %scan3A_135 iter_args(%scan3A_190 = %scan3A_131) -> (i32)  : i32 {
        %mul3A_191 = arith.constant 2 : i32
        %mul3A_192 = arith.muli %scan3A_189, %mul3A_191 : i32
        %add3A_193 = arith.constant 0 : i32
        %add3A_194 = arith.addi %mul3A_192, %add3A_193 : i32
        %get3A = arith.index_cast %add3A_194 : i32 to index
        %get3A_195 = arith.constant 0 : index
        %get3A_196 = tpu.vector_load %arg8[%get3A, %get3A_195] {strides = array<i32>} : memref<40x512xf32, #tpu.memory_space<vmem>>, vector<16xf32>,
        %mul3A_197 = arith.constant 2 : i32
        %mul3A_198 = arith.muli %scan3A_189, %mul3A_197 : i32
        %add3A_199 = arith.constant 0 : i32
        %add3A_200 = arith.addi %mul3A_198, %add3A_199 : i32
        %swap3A = arith.index_cast %add3A_200 : i32 to index
        %swap3A_201 = arith.constant 0 : index
        %swap3A_202 = tpu.vector_load %arg10[%swap3A, %swap3A_201] {strides = array<i32>} : memref<40x448xf32, #tpu.memory_space<vmem>>, vector<16xf32>,
        tpu.vector_store %arg10[%swap3A, %swap3A_201], %get3A_196 {strides = array<i32>} : memref<40x448xf32, #tpu.memory_space<vmem>>, vector<16xf32>,
        %mul3A_203 = arith.constant 2 : i32
        %mul3A_204 = arith.muli %scan3A_189, %mul3A_203 : i32
        %add3A_205 = arith.constant 0 : i32
        %add3A_206 = arith.addi %mul3A_204, %add3A_205 : i32
        %get3A_207 = arith.index_cast %add3A_206 : i32 to index
        %get3A_208 = arith.constant 16 : index
        %get3A_209 = tpu.vector_load %arg8[%get3A_207, %get3A_208] {strides = array<i32>} : memref<40x512xf32, #tpu.memory_space<vmem>>, vector<16xf32>,
        %mul3A_210 = arith.constant 2 : i32
        %mul3A_211 = arith.muli %scan3A_189, %mul3A_210 : i32
        %add3A_212 = arith.constant 0 : i32
        %add3A_213 = arith.addi %mul3A_211, %add3A_212 : i32
        %swap3A_214 = arith.index_cast %add3A_213 : i32 to index
        %swap3A_215 = arith.constant 16 : index
        %swap3A_216 = tpu.vector_load %arg10[%swap3A_214, %swap3A_215] {strides = array<i32>} : memref<40x448xf32, #tpu.memory_space<vmem>>, vector<16xf32>,
        tpu.vector_store %arg10[%swap3A_214, %swap3A_215], %get3A_209 {strides = array<i32>} : memref<40x448xf32, #tpu.memory_space<vmem>>, vector<16xf32>,
        %mul3A_217 = arith.constant 2 : i32
        %mul3A_218 = arith.muli %scan3A_189, %mul3A_217 : i32
        %add3A_219 = arith.constant 0 : i32
        %add3A_220 = arith.addi %mul3A_218, %add3A_219 : i32
        %get3A_221 = arith.index_cast %add3A_220 : i32 to index
        %get3A_222 = arith.constant 32 : index
        %get3A_223 = tpu.vector_load %arg8[%get3A_221, %get3A_222] {strides = array<i32>} : memref<40x512xf32, #tpu.memory_space<vmem>>, vector<16xf32>,
        %mul3A_224 = arith.constant 2 : i32
        %mul3A_225 = arith.muli %scan3A_189, %mul3A_224 : i32
        %add3A_226 = arith.constant 0 : i32
        %add3A_227 = arith.addi %mul3A_225, %add3A_226 : i32
        %swap3A_228 = arith.index_cast %add3A_227 : i32 to index
        %swap3A_229 = arith.constant 32 : index
        %swap3A_230 = tpu.vector_load %arg10[%swap3A_228, %swap3A_229] {strides = array<i32>} : memref<40x448xf32, #tpu.memory_space<vmem>>, vector<16xf32>,
        tpu.vector_store %arg10[%swap3A_228, %swap3A_229], %get3A_223 {strides = array<i32>} : memref<40x448xf32, #tpu.memory_space<vmem>>, vector<16xf32>,
        %mul3A_231 = arith.constant 2 : i32
        %mul3A_232 = arith.muli %scan3A_189, %mul3A_231 : i32
        %add3A_233 = arith.constant 0 : i32
        %add3A_234 = arith.addi %mul3A_232, %add3A_233 : i32
        %get3A_235 = arith.index_cast %add3A_234 : i32 to index
        %get3A_236 = arith.constant 48 : index
        %get3A_237 = tpu.vector_load %arg8[%get3A_235, %get3A_236] {strides = array<i32>} : memref<40x512xf32, #tpu.memory_space<vmem>>, vector<16xf32>,
        %mul3A_238 = arith.constant 2 : i32
        %mul3A_239 = arith.muli %scan3A_189, %mul3A_238 : i32
        %add3A_240 = arith.constant 0 : i32
        %add3A_241 = arith.addi %mul3A_239, %add3A_240 : i32
        %swap3A_242 = arith.index_cast %add3A_241 : i32 to index
        %swap3A_243 = arith.constant 48 : index
        %swap3A_244 = tpu.vector_load %arg10[%swap3A_242, %swap3A_243] {strides = array<i32>} : memref<40x448xf32, #tpu.memory_space<vmem>>, vector<16xf32>,
        tpu.vector_store %arg10[%swap3A_242, %swap3A_243], %get3A_237 {strides = array<i32>} : memref<40x448xf32, #tpu.memory_space<vmem>>, vector<16xf32>,
        %mul3A_245 = arith.constant 2 : i32
        %mul3A_246 = arith.muli %scan3A_189, %mul3A_245 : i32
        %add3A_247 = arith.constant 0 : i32
        %add3A_248 = arith.addi %mul3A_246, %add3A_247 : i32
        %get3A_249 = arith.index_cast %add3A_248 : i32 to index
        %get3A_250 = arith.constant 64 : index
        %get3A_251 = tpu.vector_load %arg8[%get3A_249, %get3A_250] {strides = array<i32>} : memref<40x512xf32, #tpu.memory_space<vmem>>, vector<16xf32>,
        %mul3A_252 = arith.constant 2 : i32
        %mul3A_253 = arith.muli %scan3A_189, %mul3A_252 : i32
        %add3A_254 = arith.constant 0 : i32
        %add3A_255 = arith.addi %mul3A_253, %add3A_254 : i32
        %swap3A_256 = arith.index_cast %add3A_255 : i32 to index
        %swap3A_257 = arith.constant 64 : index
        %swap3A_258 = tpu.vector_load %arg10[%swap3A_256, %swap3A_257] {strides = array<i32>} : memref<40x448xf32, #tpu.memory_space<vmem>>, vector<16xf32>,
        tpu.vector_store %arg10[%swap3A_256, %swap3A_257], %get3A_251 {strides = array<i32>} : memref<40x448xf32, #tpu.memory_space<vmem>>, vector<16xf32>,
        %mul3A_259 = arith.constant 2 : i32
        %mul3A_260 = arith.muli %scan3A_189, %mul3A_259 : i32
        %add3A_261 = arith.constant 0 : i32
        %add3A_262 = arith.addi %mul3A_260, %add3A_261 : i32
        %get3A_263 = arith.index_cast %add3A_262 : i32 to index
        %get3A_264 = arith.constant 80 : index
        %get3A_265 = tpu.vector_load %arg8[%get3A_263, %get3A_264] {strides = array<i32>} : memref<40x512xf32, #tpu.memory_space<vmem>>, vector<16xf32>,
        %mul3A_266 = arith.constant 2 : i32
        %mul3A_267 = arith.muli %scan3A_189, %mul3A_266 : i32
        %add3A_268 = arith.constant 0 : i32
        %add3A_269 = arith.addi %mul3A_267, %add3A_268 : i32
        %swap3A_270 = arith.index_cast %add3A_269 : i32 to index
        %swap3A_271 = arith.constant 80 : index
        %swap3A_272 = tpu.vector_load %arg10[%swap3A_270, %swap3A_271] {strides = array<i32>} : memref<40x448xf32, #tpu.memory_space<vmem>>, vector<16xf32>,
        tpu.vector_store %arg10[%swap3A_270, %swap3A_271], %get3A_265 {strides = array<i32>} : memref<40x448xf32, #tpu.memory_space<vmem>>, vector<16xf32>,
        %mul3A_273 = arith.constant 2 : i32
        %mul3A_274 = arith.muli %scan3A_189, %mul3A_273 : i32
        %add3A_275 = arith.constant 0 : i32
        %add3A_276 = arith.addi %mul3A_274, %add3A_275 : i32
        %get3A_277 = arith.index_cast %add3A_276 : i32 to index
        %get3A_278 = arith.constant 96 : index
        %get3A_279 = tpu.vector_load %arg8[%get3A_277, %get3A_278] {strides = array<i32>} : memref<40x512xf32, #tpu.memory_space<vmem>>, vector<16xf32>,
        %mul3A_280 = arith.constant 2 : i32
        %mul3A_281 = arith.muli %scan3A_189, %mul3A_280 : i32
        %add3A_282 = arith.constant 0 : i32
        %add3A_283 = arith.addi %mul3A_281, %add3A_282 : i32
        %swap3A_284 = arith.index_cast %add3A_283 : i32 to index
        %swap3A_285 = arith.constant 96 : index
        %swap3A_286 = tpu.vector_load %arg10[%swap3A_284, %swap3A_285] {strides = array<i32>} : memref<40x448xf32, #tpu.memory_space<vmem>>, vector<16xf32>,
        tpu.vector_store %arg10[%swap3A_284, %swap3A_285], %get3A_279 {strides = array<i32>} : memref<40x448xf32, #tpu.memory_space<vmem>>, vector<16xf32>,
        %mul3A_287 = arith.constant 2 : i32
        %mul3A_288 = arith.muli %scan3A_189, %mul3A_287 : i32
        %add3A_289 = arith.constant 0 : i32
        %add3A_290 = arith.addi %mul3A_288, %add3A_289 : i32
        %get3A_291 = arith.index_cast %add3A_290 : i32 to index
        %get3A_292 = arith.constant 112 : index
        %get3A_293 = tpu.vector_load %arg8[%get3A_291, %get3A_292] {strides = array<i32>} : memref<40x512xf32, #tpu.memory_space<vmem>>, vector<16xf32>,
        %mul3A_294 = arith.constant 2 : i32
        %mul3A_295 = arith.muli %scan3A_189, %mul3A_294 : i32
        %add3A_296 = arith.constant 0 : i32
        %add3A_297 = arith.addi %mul3A_295, %add3A_296 : i32
        %swap3A_298 = arith.index_cast %add3A_297 : i32 to index
        %swap3A_299 = arith.constant 112 : index
        %swap3A_300 = tpu.vector_load %arg10[%swap3A_298, %swap3A_299] {strides = array<i32>} : memref<40x448xf32, #tpu.memory_space<vmem>>, vector<16xf32>,
        tpu.vector_store %arg10[%swap3A_298, %swap3A_299], %get3A_293 {strides = array<i32>} : memref<40x448xf32, #tpu.memory_space<vmem>>, vector<16xf32>,
        %mul3A_301 = arith.constant 2 : i32
        %mul3A_302 = arith.muli %scan3A_189, %mul3A_301 : i32
        %add3A_303 = arith.constant 0 : i32
        %add3A_304 = arith.addi %mul3A_302, %add3A_303 : i32
        %get3A_305 = arith.index_cast %add3A_304 : i32 to index
        %get3A_306 = arith.constant 128 : index
        %get3A_307 = tpu.vector_load %arg8[%get3A_305, %get3A_306] {strides = array<i32>} : memref<40x512xf32, #tpu.memory_space<vmem>>, vector<16xf32>,
        %mul3A_308 = arith.constant 2 : i32
        %mul3A_309 = arith.muli %scan3A_189, %mul3A_308 : i32
        %add3A_310 = arith.constant 0 : i32
        %add3A_311 = arith.addi %mul3A_309, %add3A_310 : i32
        %swap3A_312 = arith.index_cast %add3A_311 : i32 to index
        %swap3A_313 = arith.constant 128 : index
        %swap3A_314 = tpu.vector_load %arg10[%swap3A_312, %swap3A_313] {strides = array<i32>} : memref<40x448xf32, #tpu.memory_space<vmem>>, vector<16xf32>,
        tpu.vector_store %arg10[%swap3A_312, %swap3A_313], %get3A_307 {strides = array<i32>} : memref<40x448xf32, #tpu.memory_space<vmem>>, vector<16xf32>,
        %mul3A_315 = arith.constant 2 : i32
        %mul3A_316 = arith.muli %scan3A_189, %mul3A_315 : i32
        %add3A_317 = arith.constant 0 : i32
        %add3A_318 = arith.addi %mul3A_316, %add3A_317 : i32
        %get3A_319 = arith.index_cast %add3A_318 : i32 to index
        %get3A_320 = arith.constant 144 : index
        %get3A_321 = tpu.vector_load %arg8[%get3A_319, %get3A_320] {strides = array<i32>} : memref<40x512xf32, #tpu.memory_space<vmem>>, vector<16xf32>,
        %mul3A_322 = arith.constant 2 : i32
        %mul3A_323 = arith.muli %scan3A_189, %mul3A_322 : i32
        %add3A_324 = arith.constant 0 : i32
        %add3A_325 = arith.addi %mul3A_323, %add3A_324 : i32
        %swap3A_326 = arith.index_cast %add3A_325 : i32 to index
        %swap3A_327 = arith.constant 144 : index
        %swap3A_328 = tpu.vector_load %arg10[%swap3A_326, %swap3A_327] {strides = array<i32>} : memref<40x448xf32, #tpu.memory_space<vmem>>, vector<16xf32>,
        tpu.vector_store %arg10[%swap3A_326, %swap3A_327], %get3A_321 {strides = array<i32>} : memref<40x448xf32, #tpu.memory_space<vmem>>, vector<16xf32>,
        %mul3A_329 = arith.constant 2 : i32
        %mul3A_330 = arith.muli %scan3A_189, %mul3A_329 : i32
        %add3A_331 = arith.constant 0 : i32
        %add3A_332 = arith.addi %mul3A_330, %add3A_331 : i32
        %get3A_333 = arith.index_cast %add3A_332 : i32 to index
        %get3A_334 = arith.constant 160 : index
        %get3A_335 = tpu.vector_load %arg8[%get3A_333, %get3A_334] {strides = array<i32>} : memref<40x512xf32, #tpu.memory_space<vmem>>, vector<16xf32>,
        %mul3A_336 = arith.constant 2 : i32
        %mul3A_337 = arith.muli %scan3A_189, %mul3A_336 : i32
        %add3A_338 = arith.constant 0 : i32
        %add3A_339 = arith.addi %mul3A_337, %add3A_338 : i32
        %swap3A_340 = arith.index_cast %add3A_339 : i32 to index
        %swap3A_341 = arith.constant 160 : index
        %swap3A_342 = tpu.vector_load %arg10[%swap3A_340, %swap3A_341] {strides = array<i32>} : memref<40x448xf32, #tpu.memory_space<vmem>>, vector<16xf32>,
        tpu.vector_store %arg10[%swap3A_340, %swap3A_341], %get3A_335 {strides = array<i32>} : memref<40x448xf32, #tpu.memory_space<vmem>>, vector<16xf32>,
        %mul3A_343 = arith.constant 2 : i32
        %mul3A_344 = arith.muli %scan3A_189, %mul3A_343 : i32
        %add3A_345 = arith.constant 0 : i32
        %add3A_346 = arith.addi %mul3A_344, %add3A_345 : i32
        %get3A_347 = arith.index_cast %add3A_346 : i32 to index
        %get3A_348 = arith.constant 176 : index
        %get3A_349 = tpu.vector_load %arg8[%get3A_347, %get3A_348] {strides = array<i32>} : memref<40x512xf32, #tpu.memory_space<vmem>>, vector<16xf32>,
        %mul3A_350 = arith.constant 2 : i32
        %mul3A_351 = arith.muli %scan3A_189, %mul3A_350 : i32
        %add3A_352 = arith.constant 0 : i32
        %add3A_353 = arith.addi %mul3A_351, %add3A_352 : i32
        %swap3A_354 = arith.index_cast %add3A_353 : i32 to index
        %swap3A_355 = arith.constant 176 : index
        %swap3A_356 = tpu.vector_load %arg10[%swap3A_354, %swap3A_355] {strides = array<i32>} : memref<40x448xf32, #tpu.memory_space<vmem>>, vector<16xf32>,
        tpu.vector_store %arg10[%swap3A_354, %swap3A_355], %get3A_349 {strides = array<i32>} : memref<40x448xf32, #tpu.memory_space<vmem>>, vector<16xf32>,
        %mul3A_357 = arith.constant 2 : i32
        %mul3A_358 = arith.muli %scan3A_189, %mul3A_357 : i32
        %add3A_359 = arith.constant 0 : i32
        %add3A_360 = arith.addi %mul3A_358, %add3A_359 : i32
        %get3A_361 = arith.index_cast %add3A_360 : i32 to index
        %get3A_362 = arith.constant 192 : index
        %get3A_363 = tpu.vector_load %arg8[%get3A_361, %get3A_362] {strides = array<i32>} : memref<40x512xf32, #tpu.memory_space<vmem>>, vector<16xf32>,
        %mul3A_364 = arith.constant 2 : i32
        %mul3A_365 = arith.muli %scan3A_189, %mul3A_364 : i32
        %add3A_366 = arith.constant 0 : i32
        %add3A_367 = arith.addi %mul3A_365, %add3A_366 : i32
        %swap3A_368 = arith.index_cast %add3A_367 : i32 to index
        %swap3A_369 = arith.constant 192 : index
        %swap3A_370 = tpu.vector_load %arg10[%swap3A_368, %swap3A_369] {strides = array<i32>} : memref<40x448xf32, #tpu.memory_space<vmem>>, vector<16xf32>,
        tpu.vector_store %arg10[%swap3A_368, %swap3A_369], %get3A_363 {strides = array<i32>} : memref<40x448xf32, #tpu.memory_space<vmem>>, vector<16xf32>,
        %mul3A_371 = arith.constant 2 : i32
        %mul3A_372 = arith.muli %scan3A_189, %mul3A_371 : i32
        %add3A_373 = arith.constant 0 : i32
        %add3A_374 = arith.addi %mul3A_372, %add3A_373 : i32
        %get3A_375 = arith.index_cast %add3A_374 : i32 to index
        %get3A_376 = arith.constant 208 : index
        %get3A_377 = tpu.vector_load %arg8[%get3A_375, %get3A_376] {strides = array<i32>} : memref<40x512xf32, #tpu.memory_space<vmem>>, vector<16xf32>,
        %mul3A_378 = arith.constant 2 : i32
        %mul3A_379 = arith.muli %scan3A_189, %mul3A_378 : i32
        %add3A_380 = arith.constant 0 : i32
        %add3A_381 = arith.addi %mul3A_379, %add3A_380 : i32
        %swap3A_382 = arith.index_cast %add3A_381 : i32 to index
        %swap3A_383 = arith.constant 208 : index
        %swap3A_384 = tpu.vector_load %arg10[%swap3A_382, %swap3A_383] {strides = array<i32>} : memref<40x448xf32, #tpu.memory_space<vmem>>, vector<16xf32>,
        tpu.vector_store %arg10[%swap3A_382, %swap3A_383], %get3A_377 {strides = array<i32>} : memref<40x448xf32, #tpu.memory_space<vmem>>, vector<16xf32>,
        %mul3A_385 = arith.constant 2 : i32
        %mul3A_386 = arith.muli %scan3A_189, %mul3A_385 : i32
        %add3A_387 = arith.constant 0 : i32
        %add3A_388 = arith.addi %mul3A_386, %add3A_387 : i32
        %get3A_389 = arith.index_cast %add3A_388 : i32 to index
        %get3A_390 = arith.constant 224 : index
        %get3A_391 = tpu.vector_load %arg8[%get3A_389, %get3A_390] {strides = array<i32>} : memref<40x512xf32, #tpu.memory_space<vmem>>, vector<16xf32>,
        %mul3A_392 = arith.constant 2 : i32
        %mul3A_393 = arith.muli %scan3A_189, %mul3A_392 : i32
        %add3A_394 = arith.constant 0 : i32
        %add3A_395 = arith.addi %mul3A_393, %add3A_394 : i32
        %swap3A_396 = arith.index_cast %add3A_395 : i32 to index
        %swap3A_397 = arith.constant 224 : index
        %swap3A_398 = tpu.vector_load %arg10[%swap3A_396, %swap3A_397] {strides = array<i32>} : memref<40x448xf32, #tpu.memory_space<vmem>>, vector<16xf32>,
        tpu.vector_store %arg10[%swap3A_396, %swap3A_397], %get3A_391 {strides = array<i32>} : memref<40x448xf32, #tpu.memory_space<vmem>>, vector<16xf32>,
        %mul3A_399 = arith.constant 2 : i32
        %mul3A_400 = arith.muli %scan3A_189, %mul3A_399 : i32
        %add3A_401 = arith.constant 0 : i32
        %add3A_402 = arith.addi %mul3A_400, %add3A_401 : i32
        %get3A_403 = arith.index_cast %add3A_402 : i32 to index
        %get3A_404 = arith.constant 240 : index
        %get3A_405 = tpu.vector_load %arg8[%get3A_403, %get3A_404] {strides = array<i32>} : memref<40x512xf32, #tpu.memory_space<vmem>>, vector<16xf32>,
        %mul3A_406 = arith.constant 2 : i32
        %mul3A_407 = arith.muli %scan3A_189, %mul3A_406 : i32
        %add3A_408 = arith.constant 0 : i32
        %add3A_409 = arith.addi %mul3A_407, %add3A_408 : i32
        %swap3A_410 = arith.index_cast %add3A_409 : i32 to index
        %swap3A_411 = arith.constant 240 : index
        %swap3A_412 = tpu.vector_load %arg10[%swap3A_410, %swap3A_411] {strides = array<i32>} : memref<40x448xf32, #tpu.memory_space<vmem>>, vector<16xf32>,
        tpu.vector_store %arg10[%swap3A_410, %swap3A_411], %get3A_405 {strides = array<i32>} : memref<40x448xf32, #tpu.memory_space<vmem>>, vector<16xf32>,
        %mul3A_413 = arith.constant 2 : i32
        %mul3A_414 = arith.muli %scan3A_189, %mul3A_413 : i32
        %add3A_415 = arith.constant 0 : i32
        %add3A_416 = arith.addi %mul3A_414, %add3A_415 : i32
        %get3A_417 = arith.index_cast %add3A_416 : i32 to index
        %get3A_418 = arith.constant 256 : index
        %get3A_419 = tpu.vector_load %arg8[%get3A_417, %get3A_418] {strides = array<i32>} : memref<40x512xf32, #tpu.memory_space<vmem>>, vector<16xf32>,
        %mul3A_420 = arith.constant 2 : i32
        %mul3A_421 = arith.muli %scan3A_189, %mul3A_420 : i32
        %add3A_422 = arith.constant 0 : i32
        %add3A_423 = arith.addi %mul3A_421, %add3A_422 : i32
        %swap3A_424 = arith.index_cast %add3A_423 : i32 to index
        %swap3A_425 = arith.constant 256 : index
        %swap3A_426 = tpu.vector_load %arg10[%swap3A_424, %swap3A_425] {strides = array<i32>} : memref<40x448xf32, #tpu.memory_space<vmem>>, vector<16xf32>,
        tpu.vector_store %arg10[%swap3A_424, %swap3A_425], %get3A_419 {strides = array<i32>} : memref<40x448xf32, #tpu.memory_space<vmem>>, vector<16xf32>,
        %mul3A_427 = arith.constant 2 : i32
        %mul3A_428 = arith.muli %scan3A_189, %mul3A_427 : i32
        %add3A_429 = arith.constant 0 : i32
        %add3A_430 = arith.addi %mul3A_428, %add3A_429 : i32
        %get3A_431 = arith.index_cast %add3A_430 : i32 to index
        %get3A_432 = arith.constant 272 : index
        %get3A_433 = tpu.vector_load %arg8[%get3A_431, %get3A_432] {strides = array<i32>} : memref<40x512xf32, #tpu.memory_space<vmem>>, vector<16xf32>,
        %mul3A_434 = arith.constant 2 : i32
        %mul3A_435 = arith.muli %scan3A_189, %mul3A_434 : i32
        %add3A_436 = arith.constant 0 : i32
        %add3A_437 = arith.addi %mul3A_435, %add3A_436 : i32
        %swap3A_438 = arith.index_cast %add3A_437 : i32 to index
        %swap3A_439 = arith.constant 272 : index
        %swap3A_440 = tpu.vector_load %arg10[%swap3A_438, %swap3A_439] {strides = array<i32>} : memref<40x448xf32, #tpu.memory_space<vmem>>, vector<16xf32>,
        tpu.vector_store %arg10[%swap3A_438, %swap3A_439], %get3A_433 {strides = array<i32>} : memref<40x448xf32, #tpu.memory_space<vmem>>, vector<16xf32>,
        %mul3A_441 = arith.constant 2 : i32
        %mul3A_442 = arith.muli %scan3A_189, %mul3A_441 : i32
        %add3A_443 = arith.constant 0 : i32
        %add3A_444 = arith.addi %mul3A_442, %add3A_443 : i32
        %get3A_445 = arith.index_cast %add3A_444 : i32 to index
        %get3A_446 = arith.constant 288 : index
        %get3A_447 = tpu.vector_load %arg8[%get3A_445, %get3A_446] {strides = array<i32>} : memref<40x512xf32, #tpu.memory_space<vmem>>, vector<16xf32>,
        %mul3A_448 = arith.constant 2 : i32
        %mul3A_449 = arith.muli %scan3A_189, %mul3A_448 : i32
        %add3A_450 = arith.constant 0 : i32
        %add3A_451 = arith.addi %mul3A_449, %add3A_450 : i32
        %swap3A_452 = arith.index_cast %add3A_451 : i32 to index
        %swap3A_453 = arith.constant 288 : index
        %swap3A_454 = tpu.vector_load %arg10[%swap3A_452, %swap3A_453] {strides = array<i32>} : memref<40x448xf32, #tpu.memory_space<vmem>>, vector<16xf32>,
        tpu.vector_store %arg10[%swap3A_452, %swap3A_453], %get3A_447 {strides = array<i32>} : memref<40x448xf32, #tpu.memory_space<vmem>>, vector<16xf32>,
        %mul3A_455 = arith.constant 2 : i32
        %mul3A_456 = arith.muli %scan3A_189, %mul3A_455 : i32
        %add3A_457 = arith.constant 0 : i32
        %add3A_458 = arith.addi %mul3A_456, %add3A_457 : i32
        %get3A_459 = arith.index_cast %add3A_458 : i32 to index
        %get3A_460 = arith.constant 304 : index
        %get3A_461 = tpu.vector_load %arg8[%get3A_459, %get3A_460] {strides = array<i32>} : memref<40x512xf32, #tpu.memory_space<vmem>>, vector<16xf32>,
        %mul3A_462 = arith.constant 2 : i32
        %mul3A_463 = arith.muli %scan3A_189, %mul3A_462 : i32
        %add3A_464 = arith.constant 0 : i32
        %add3A_465 = arith.addi %mul3A_463, %add3A_464 : i32
        %swap3A_466 = arith.index_cast %add3A_465 : i32 to index
        %swap3A_467 = arith.constant 304 : index
        %swap3A_468 = tpu.vector_load %arg10[%swap3A_466, %swap3A_467] {strides = array<i32>} : memref<40x448xf32, #tpu.memory_space<vmem>>, vector<16xf32>,
        tpu.vector_store %arg10[%swap3A_466, %swap3A_467], %get3A_461 {strides = array<i32>} : memref<40x448xf32, #tpu.memory_space<vmem>>, vector<16xf32>,
        %mul3A_469 = arith.constant 2 : i32
        %mul3A_470 = arith.muli %scan3A_189, %mul3A_469 : i32
        %add3A_471 = arith.constant 0 : i32
        %add3A_472 = arith.addi %mul3A_470, %add3A_471 : i32
        %get3A_473 = arith.index_cast %add3A_472 : i32 to index
        %get3A_474 = arith.constant 320 : index
        %get3A_475 = tpu.vector_load %arg8[%get3A_473, %get3A_474] {strides = array<i32>} : memref<40x512xf32, #tpu.memory_space<vmem>>, vector<16xf32>,
        %mul3A_476 = arith.constant 2 : i32
        %mul3A_477 = arith.muli %scan3A_189, %mul3A_476 : i32
        %add3A_478 = arith.constant 0 : i32
        %add3A_479 = arith.addi %mul3A_477, %add3A_478 : i32
        %swap3A_480 = arith.index_cast %add3A_479 : i32 to index
        %swap3A_481 = arith.constant 320 : index
        %swap3A_482 = tpu.vector_load %arg10[%swap3A_480, %swap3A_481] {strides = array<i32>} : memref<40x448xf32, #tpu.memory_space<vmem>>, vector<16xf32>,
        tpu.vector_store %arg10[%swap3A_480, %swap3A_481], %get3A_475 {strides = array<i32>} : memref<40x448xf32, #tpu.memory_space<vmem>>, vector<16xf32>,
        %mul3A_483 = arith.constant 2 : i32
        %mul3A_484 = arith.muli %scan3A_189, %mul3A_483 : i32
        %add3A_485 = arith.constant 0 : i32
        %add3A_486 = arith.addi %mul3A_484, %add3A_485 : i32
        %get3A_487 = arith.index_cast %add3A_486 : i32 to index
        %get3A_488 = arith.constant 336 : index
        %get3A_489 = tpu.vector_load %arg8[%get3A_487, %get3A_488] {strides = array<i32>} : memref<40x512xf32, #tpu.memory_space<vmem>>, vector<16xf32>,
        %mul3A_490 = arith.constant 2 : i32
        %mul3A_491 = arith.muli %scan3A_189, %mul3A_490 : i32
        %add3A_492 = arith.constant 0 : i32
        %add3A_493 = arith.addi %mul3A_491, %add3A_492 : i32
        %swap3A_494 = arith.index_cast %add3A_493 : i32 to index
        %swap3A_495 = arith.constant 336 : index
        %swap3A_496 = tpu.vector_load %arg10[%swap3A_494, %swap3A_495] {strides = array<i32>} : memref<40x448xf32, #tpu.memory_space<vmem>>, vector<16xf32>,
        tpu.vector_store %arg10[%swap3A_494, %swap3A_495], %get3A_489 {strides = array<i32>} : memref<40x448xf32, #tpu.memory_space<vmem>>, vector<16xf32>,
        %mul3A_497 = arith.constant 2 : i32
        %mul3A_498 = arith.muli %scan3A_189, %mul3A_497 : i32
        %add3A_499 = arith.constant 0 : i32
        %add3A_500 = arith.addi %mul3A_498, %add3A_499 : i32
        %get3A_501 = arith.index_cast %add3A_500 : i32 to index
        %get3A_502 = arith.constant 352 : index
        %get3A_503 = tpu.vector_load %arg8[%get3A_501, %get3A_502] {strides = array<i32>} : memref<40x512xf32, #tpu.memory_space<vmem>>, vector<16xf32>,
        %mul3A_504 = arith.constant 2 : i32
        %mul3A_505 = arith.muli %scan3A_189, %mul3A_504 : i32
        %add3A_506 = arith.constant 0 : i32
        %add3A_507 = arith.addi %mul3A_505, %add3A_506 : i32
        %swap3A_508 = arith.index_cast %add3A_507 : i32 to index
        %swap3A_509 = arith.constant 352 : index
        %swap3A_510 = tpu.vector_load %arg10[%swap3A_508, %swap3A_509] {strides = array<i32>} : memref<40x448xf32, #tpu.memory_space<vmem>>, vector<16xf32>,
        tpu.vector_store %arg10[%swap3A_508, %swap3A_509], %get3A_503 {strides = array<i32>} : memref<40x448xf32, #tpu.memory_space<vmem>>, vector<16xf32>,
        %mul3A_511 = arith.constant 2 : i32
        %mul3A_512 = arith.muli %scan3A_189, %mul3A_511 : i32
        %add3A_513 = arith.constant 0 : i32
        %add3A_514 = arith.addi %mul3A_512, %add3A_513 : i32
        %get3A_515 = arith.index_cast %add3A_514 : i32 to index
        %get3A_516 = arith.constant 368 : index
        %get3A_517 = tpu.vector_load %arg8[%get3A_515, %get3A_516] {strides = array<i32>} : memref<40x512xf32, #tpu.memory_space<vmem>>, vector<16xf32>,
        %mul3A_518 = arith.constant 2 : i32
        %mul3A_519 = arith.muli %scan3A_189, %mul3A_518 : i32
        %add3A_520 = arith.constant 0 : i32
        %add3A_521 = arith.addi %mul3A_519, %add3A_520 : i32
        %swap3A_522 = arith.index_cast %add3A_521 : i32 to index
        %swap3A_523 = arith.constant 368 : index
        %swap3A_524 = tpu.vector_load %arg10[%swap3A_522, %swap3A_523] {strides = array<i32>} : memref<40x448xf32, #tpu.memory_space<vmem>>, vector<16xf32>,
        tpu.vector_store %arg10[%swap3A_522, %swap3A_523], %get3A_517 {strides = array<i32>} : memref<40x448xf32, #tpu.memory_space<vmem>>, vector<16xf32>,
        %mul3A_525 = arith.constant 2 : i32
        %mul3A_526 = arith.muli %scan3A_189, %mul3A_525 : i32
        %add3A_527 = arith.constant 0 : i32
        %add3A_528 = arith.addi %mul3A_526, %add3A_527 : i32
        %get3A_529 = arith.index_cast %add3A_528 : i32 to index
        %get3A_530 = arith.constant 384 : index
        %get3A_531 = tpu.vector_load %arg8[%get3A_529, %get3A_530] {strides = array<i32>} : memref<40x512xf32, #tpu.memory_space<vmem>>, vector<16xf32>,
        %mul3A_532 = arith.constant 2 : i32
        %mul3A_533 = arith.muli %scan3A_189, %mul3A_532 : i32
        %add3A_534 = arith.constant 0 : i32
        %add3A_535 = arith.addi %mul3A_533, %add3A_534 : i32
        %swap3A_536 = arith.index_cast %add3A_535 : i32 to index
        %swap3A_537 = arith.constant 384 : index
        %swap3A_538 = tpu.vector_load %arg10[%swap3A_536, %swap3A_537] {strides = array<i32>} : memref<40x448xf32, #tpu.memory_space<vmem>>, vector<16xf32>,
        tpu.vector_store %arg10[%swap3A_536, %swap3A_537], %get3A_531 {strides = array<i32>} : memref<40x448xf32, #tpu.memory_space<vmem>>, vector<16xf32>,
        %mul3A_539 = arith.constant 2 : i32
        %mul3A_540 = arith.muli %scan3A_189, %mul3A_539 : i32
        %add3A_541 = arith.constant 0 : i32
        %add3A_542 = arith.addi %mul3A_540, %add3A_541 : i32
        %get3A_543 = arith.index_cast %add3A_542 : i32 to index
        %get3A_544 = arith.constant 400 : index
        %get3A_545 = tpu.vector_load %arg8[%get3A_543, %get3A_544] {strides = array<i32>} : memref<40x512xf32, #tpu.memory_space<vmem>>, vector<16xf32>,
        %mul3A_546 = arith.constant 2 : i32
        %mul3A_547 = arith.muli %scan3A_189, %mul3A_546 : i32
        %add3A_548 = arith.constant 0 : i32
        %add3A_549 = arith.addi %mul3A_547, %add3A_548 : i32
        %swap3A_550 = arith.index_cast %add3A_549 : i32 to index
        %swap3A_551 = arith.constant 400 : index
        %swap3A_552 = tpu.vector_load %arg10[%swap3A_550, %swap3A_551] {strides = array<i32>} : memref<40x448xf32, #tpu.memory_space<vmem>>, vector<16xf32>,
        tpu.vector_store %arg10[%swap3A_550, %swap3A_551], %get3A_545 {strides = array<i32>} : memref<40x448xf32, #tpu.memory_space<vmem>>, vector<16xf32>,
        %mul3A_553 = arith.constant 2 : i32
        %mul3A_554 = arith.muli %scan3A_189, %mul3A_553 : i32
        %add3A_555 = arith.constant 0 : i32
        %add3A_556 = arith.addi %mul3A_554, %add3A_555 : i32
        %get3A_557 = arith.index_cast %add3A_556 : i32 to index
        %get3A_558 = arith.constant 416 : index
        %get3A_559 = tpu.vector_load %arg8[%get3A_557, %get3A_558] {strides = array<i32>} : memref<40x512xf32, #tpu.memory_space<vmem>>, vector<16xf32>,
        %mul3A_560 = arith.constant 2 : i32
        %mul3A_561 = arith.muli %scan3A_189, %mul3A_560 : i32
        %add3A_562 = arith.constant 0 : i32
        %add3A_563 = arith.addi %mul3A_561, %add3A_562 : i32
        %swap3A_564 = arith.index_cast %add3A_563 : i32 to index
        %swap3A_565 = arith.constant 416 : index
        %swap3A_566 = tpu.vector_load %arg10[%swap3A_564, %swap3A_565] {strides = array<i32>} : memref<40x448xf32, #tpu.memory_space<vmem>>, vector<16xf32>,
        tpu.vector_store %arg10[%swap3A_564, %swap3A_565], %get3A_559 {strides = array<i32>} : memref<40x448xf32, #tpu.memory_space<vmem>>, vector<16xf32>,
        %mul3A_567 = arith.constant 2 : i32
        %mul3A_568 = arith.muli %scan3A_189, %mul3A_567 : i32
        %add3A_569 = arith.constant 0 : i32
        %add3A_570 = arith.addi %mul3A_568, %add3A_569 : i32
        %get3A_571 = arith.index_cast %add3A_570 : i32 to index
        %get3A_572 = arith.constant 432 : index
        %get3A_573 = tpu.vector_load %arg8[%get3A_571, %get3A_572] {strides = array<i32>} : memref<40x512xf32, #tpu.memory_space<vmem>>, vector<16xf32>,
        %mul3A_574 = arith.constant 2 : i32
        %mul3A_575 = arith.muli %scan3A_189, %mul3A_574 : i32
        %add3A_576 = arith.constant 0 : i32
        %add3A_577 = arith.addi %mul3A_575, %add3A_576 : i32
        %swap3A_578 = arith.index_cast %add3A_577 : i32 to index
        %swap3A_579 = arith.constant 432 : index
        %swap3A_580 = tpu.vector_load %arg10[%swap3A_578, %swap3A_579] {strides = array<i32>} : memref<40x448xf32, #tpu.memory_space<vmem>>, vector<16xf32>,
        tpu.vector_store %arg10[%swap3A_578, %swap3A_579], %get3A_573 {strides = array<i32>} : memref<40x448xf32, #tpu.memory_space<vmem>>, vector<16xf32>,
        %mul3A_581 = arith.constant 2 : i32
        %mul3A_582 = arith.muli %scan3A_189, %mul3A_581 : i32
        %add3A_583 = arith.constant 1 : i32
        %add3A_584 = arith.addi %mul3A_582, %add3A_583 : i32
        %get3A_585 = arith.index_cast %add3A_584 : i32 to index
        %get3A_586 = arith.constant 0 : index
        %get3A_587 = tpu.vector_load %arg8[%get3A_585, %get3A_586] {strides = array<i32>} : memref<40x512xf32, #tpu.memory_space<vmem>>, vector<16xf32>,
        %mul3A_588 = arith.constant 2 : i32
        %mul3A_589 = arith.muli %scan3A_189, %mul3A_588 : i32
        %add3A_590 = arith.constant 1 : i32
        %add3A_591 = arith.addi %mul3A_589, %add3A_590 : i32
        %swap3A_592 = arith.index_cast %add3A_591 : i32 to index
        %swap3A_593 = arith.constant 0 : index
        %swap3A_594 = tpu.vector_load %arg10[%swap3A_592, %swap3A_593] {strides = array<i32>} : memref<40x448xf32, #tpu.memory_space<vmem>>, vector<16xf32>,
        tpu.vector_store %arg10[%swap3A_592, %swap3A_593], %get3A_587 {strides = array<i32>} : memref<40x448xf32, #tpu.memory_space<vmem>>, vector<16xf32>,
        %mul3A_595 = arith.constant 2 : i32
        %mul3A_596 = arith.muli %scan3A_189, %mul3A_595 : i32
        %add3A_597 = arith.constant 1 : i32
        %add3A_598 = arith.addi %mul3A_596, %add3A_597 : i32
        %get3A_599 = arith.index_cast %add3A_598 : i32 to index
        %get3A_600 = arith.constant 16 : index
        %get3A_601 = tpu.vector_load %arg8[%get3A_599, %get3A_600] {strides = array<i32>} : memref<40x512xf32, #tpu.memory_space<vmem>>, vector<16xf32>,
        %mul3A_602 = arith.constant 2 : i32
        %mul3A_603 = arith.muli %scan3A_189, %mul3A_602 : i32
        %add3A_604 = arith.constant 1 : i32
        %add3A_605 = arith.addi %mul3A_603, %add3A_604 : i32
        %swap3A_606 = arith.index_cast %add3A_605 : i32 to index
        %swap3A_607 = arith.constant 16 : index
        %swap3A_608 = tpu.vector_load %arg10[%swap3A_606, %swap3A_607] {strides = array<i32>} : memref<40x448xf32, #tpu.memory_space<vmem>>, vector<16xf32>,
        tpu.vector_store %arg10[%swap3A_606, %swap3A_607], %get3A_601 {strides = array<i32>} : memref<40x448xf32, #tpu.memory_space<vmem>>, vector<16xf32>,
        %mul3A_609 = arith.constant 2 : i32
        %mul3A_610 = arith.muli %scan3A_189, %mul3A_609 : i32
        %add3A_611 = arith.constant 1 : i32
        %add3A_612 = arith.addi %mul3A_610, %add3A_611 : i32
        %get3A_613 = arith.index_cast %add3A_612 : i32 to index
        %get3A_614 = arith.constant 32 : index
        %get3A_615 = tpu.vector_load %arg8[%get3A_613, %get3A_614] {strides = array<i32>} : memref<40x512xf32, #tpu.memory_space<vmem>>, vector<16xf32>,
        %mul3A_616 = arith.constant 2 : i32
        %mul3A_617 = arith.muli %scan3A_189, %mul3A_616 : i32
        %add3A_618 = arith.constant 1 : i32
        %add3A_619 = arith.addi %mul3A_617, %add3A_618 : i32
        %swap3A_620 = arith.index_cast %add3A_619 : i32 to index
        %swap3A_621 = arith.constant 32 : index
        %swap3A_622 = tpu.vector_load %arg10[%swap3A_620, %swap3A_621] {strides = array<i32>} : memref<40x448xf32, #tpu.memory_space<vmem>>, vector<16xf32>,
        tpu.vector_store %arg10[%swap3A_620, %swap3A_621], %get3A_615 {strides = array<i32>} : memref<40x448xf32, #tpu.memory_space<vmem>>, vector<16xf32>,
        %mul3A_623 = arith.constant 2 : i32
        %mul3A_624 = arith.muli %scan3A_189, %mul3A_623 : i32
        %add3A_625 = arith.constant 1 : i32
        %add3A_626 = arith.addi %mul3A_624, %add3A_625 : i32
        %get3A_627 = arith.index_cast %add3A_626 : i32 to index
        %get3A_628 = arith.constant 48 : index
        %get3A_629 = tpu.vector_load %arg8[%get3A_627, %get3A_628] {strides = array<i32>} : memref<40x512xf32, #tpu.memory_space<vmem>>, vector<16xf32>,
        %mul3A_630 = arith.constant 2 : i32
        %mul3A_631 = arith.muli %scan3A_189, %mul3A_630 : i32
        %add3A_632 = arith.constant 1 : i32
        %add3A_633 = arith.addi %mul3A_631, %add3A_632 : i32
        %swap3A_634 = arith.index_cast %add3A_633 : i32 to index
        %swap3A_635 = arith.constant 48 : index
        %swap3A_636 = tpu.vector_load %arg10[%swap3A_634, %swap3A_635] {strides = array<i32>} : memref<40x448xf32, #tpu.memory_space<vmem>>, vector<16xf32>,
        tpu.vector_store %arg10[%swap3A_634, %swap3A_635], %get3A_629 {strides = array<i32>} : memref<40x448xf32, #tpu.memory_space<vmem>>, vector<16xf32>,
        %mul3A_637 = arith.constant 2 : i32
        %mul3A_638 = arith.muli %scan3A_189, %mul3A_637 : i32
        %add3A_639 = arith.constant 1 : i32
        %add3A_640 = arith.addi %mul3A_638, %add3A_639 : i32
        %get3A_641 = arith.index_cast %add3A_640 : i32 to index
        %get3A_642 = arith.constant 64 : index
        %get3A_643 = tpu.vector_load %arg8[%get3A_641, %get3A_642] {strides = array<i32>} : memref<40x512xf32, #tpu.memory_space<vmem>>, vector<16xf32>,
        %mul3A_644 = arith.constant 2 : i32
        %mul3A_645 = arith.muli %scan3A_189, %mul3A_644 : i32
        %add3A_646 = arith.constant 1 : i32
        %add3A_647 = arith.addi %mul3A_645, %add3A_646 : i32
        %swap3A_648 = arith.index_cast %add3A_647 : i32 to index
        %swap3A_649 = arith.constant 64 : index
        %swap3A_650 = tpu.vector_load %arg10[%swap3A_648, %swap3A_649] {strides = array<i32>} : memref<40x448xf32, #tpu.memory_space<vmem>>, vector<16xf32>,
        tpu.vector_store %arg10[%swap3A_648, %swap3A_649], %get3A_643 {strides = array<i32>} : memref<40x448xf32, #tpu.memory_space<vmem>>, vector<16xf32>,
        %mul3A_651 = arith.constant 2 : i32
        %mul3A_652 = arith.muli %scan3A_189, %mul3A_651 : i32
        %add3A_653 = arith.constant 1 : i32
        %add3A_654 = arith.addi %mul3A_652, %add3A_653 : i32
        %get3A_655 = arith.index_cast %add3A_654 : i32 to index
        %get3A_656 = arith.constant 80 : index
        %get3A_657 = tpu.vector_load %arg8[%get3A_655, %get3A_656] {strides = array<i32>} : memref<40x512xf32, #tpu.memory_space<vmem>>, vector<16xf32>,
        %mul3A_658 = arith.constant 2 : i32
        %mul3A_659 = arith.muli %scan3A_189, %mul3A_658 : i32
        %add3A_660 = arith.constant 1 : i32
        %add3A_661 = arith.addi %mul3A_659, %add3A_660 : i32
        %swap3A_662 = arith.index_cast %add3A_661 : i32 to index
        %swap3A_663 = arith.constant 80 : index
        %swap3A_664 = tpu.vector_load %arg10[%swap3A_662, %swap3A_663] {strides = array<i32>} : memref<40x448xf32, #tpu.memory_space<vmem>>, vector<16xf32>,
        tpu.vector_store %arg10[%swap3A_662, %swap3A_663], %get3A_657 {strides = array<i32>} : memref<40x448xf32, #tpu.memory_space<vmem>>, vector<16xf32>,
        %mul3A_665 = arith.constant 2 : i32
        %mul3A_666 = arith.muli %scan3A_189, %mul3A_665 : i32
        %add3A_667 = arith.constant 1 : i32
        %add3A_668 = arith.addi %mul3A_666, %add3A_667 : i32
        %get3A_669 = arith.index_cast %add3A_668 : i32 to index
        %get3A_670 = arith.constant 96 : index
        %get3A_671 = tpu.vector_load %arg8[%get3A_669, %get3A_670] {strides = array<i32>} : memref<40x512xf32, #tpu.memory_space<vmem>>, vector<16xf32>,
        %mul3A_672 = arith.constant 2 : i32
        %mul3A_673 = arith.muli %scan3A_189, %mul3A_672 : i32
        %add3A_674 = arith.constant 1 : i32
        %add3A_675 = arith.addi %mul3A_673, %add3A_674 : i32
        %swap3A_676 = arith.index_cast %add3A_675 : i32 to index
        %swap3A_677 = arith.constant 96 : index
        %swap3A_678 = tpu.vector_load %arg10[%swap3A_676, %swap3A_677] {strides = array<i32>} : memref<40x448xf32, #tpu.memory_space<vmem>>, vector<16xf32>,
        tpu.vector_store %arg10[%swap3A_676, %swap3A_677], %get3A_671 {strides = array<i32>} : memref<40x448xf32, #tpu.memory_space<vmem>>, vector<16xf32>,
        %mul3A_679 = arith.constant 2 : i32
        %mul3A_680 = arith.muli %scan3A_189, %mul3A_679 : i32
        %add3A_681 = arith.constant 1 : i32
        %add3A_682 = arith.addi %mul3A_680, %add3A_681 : i32
        %get3A_683 = arith.index_cast %add3A_682 : i32 to index
        %get3A_684 = arith.constant 112 : index
        %get3A_685 = tpu.vector_load %arg8[%get3A_683, %get3A_684] {strides = array<i32>} : memref<40x512xf32, #tpu.memory_space<vmem>>, vector<16xf32>,
        %mul3A_686 = arith.constant 2 : i32
        %mul3A_687 = arith.muli %scan3A_189, %mul3A_686 : i32
        %add3A_688 = arith.constant 1 : i32
        %add3A_689 = arith.addi %mul3A_687, %add3A_688 : i32
        %swap3A_690 = arith.index_cast %add3A_689 : i32 to index
        %swap3A_691 = arith.constant 112 : index
        %swap3A_692 = tpu.vector_load %arg10[%swap3A_690, %swap3A_691] {strides = array<i32>} : memref<40x448xf32, #tpu.memory_space<vmem>>, vector<16xf32>,
        tpu.vector_store %arg10[%swap3A_690, %swap3A_691], %get3A_685 {strides = array<i32>} : memref<40x448xf32, #tpu.memory_space<vmem>>, vector<16xf32>,
        %mul3A_693 = arith.constant 2 : i32
        %mul3A_694 = arith.muli %scan3A_189, %mul3A_693 : i32
        %add3A_695 = arith.constant 1 : i32
        %add3A_696 = arith.addi %mul3A_694, %add3A_695 : i32
        %get3A_697 = arith.index_cast %add3A_696 : i32 to index
        %get3A_698 = arith.constant 128 : index
        %get3A_699 = tpu.vector_load %arg8[%get3A_697, %get3A_698] {strides = array<i32>} : memref<40x512xf32, #tpu.memory_space<vmem>>, vector<16xf32>,
        %mul3A_700 = arith.constant 2 : i32
        %mul3A_701 = arith.muli %scan3A_189, %mul3A_700 : i32
        %add3A_702 = arith.constant 1 : i32
        %add3A_703 = arith.addi %mul3A_701, %add3A_702 : i32
        %swap3A_704 = arith.index_cast %add3A_703 : i32 to index
        %swap3A_705 = arith.constant 128 : index
        %swap3A_706 = tpu.vector_load %arg10[%swap3A_704, %swap3A_705] {strides = array<i32>} : memref<40x448xf32, #tpu.memory_space<vmem>>, vector<16xf32>,
        tpu.vector_store %arg10[%swap3A_704, %swap3A_705], %get3A_699 {strides = array<i32>} : memref<40x448xf32, #tpu.memory_space<vmem>>, vector<16xf32>,
        %mul3A_707 = arith.constant 2 : i32
        %mul3A_708 = arith.muli %scan3A_189, %mul3A_707 : i32
        %add3A_709 = arith.constant 1 : i32
        %add3A_710 = arith.addi %mul3A_708, %add3A_709 : i32
        %get3A_711 = arith.index_cast %add3A_710 : i32 to index
        %get3A_712 = arith.constant 144 : index
        %get3A_713 = tpu.vector_load %arg8[%get3A_711, %get3A_712] {strides = array<i32>} : memref<40x512xf32, #tpu.memory_space<vmem>>, vector<16xf32>,
        %mul3A_714 = arith.constant 2 : i32
        %mul3A_715 = arith.muli %scan3A_189, %mul3A_714 : i32
        %add3A_716 = arith.constant 1 : i32
        %add3A_717 = arith.addi %mul3A_715, %add3A_716 : i32
        %swap3A_718 = arith.index_cast %add3A_717 : i32 to index
        %swap3A_719 = arith.constant 144 : index
        %swap3A_720 = tpu.vector_load %arg10[%swap3A_718, %swap3A_719] {strides = array<i32>} : memref<40x448xf32, #tpu.memory_space<vmem>>, vector<16xf32>,
        tpu.vector_store %arg10[%swap3A_718, %swap3A_719], %get3A_713 {strides = array<i32>} : memref<40x448xf32, #tpu.memory_space<vmem>>, vector<16xf32>,
        %mul3A_721 = arith.constant 2 : i32
        %mul3A_722 = arith.muli %scan3A_189, %mul3A_721 : i32
        %add3A_723 = arith.constant 1 : i32
        %add3A_724 = arith.addi %mul3A_722, %add3A_723 : i32
        %get3A_725 = arith.index_cast %add3A_724 : i32 to index
        %get3A_726 = arith.constant 160 : index
        %get3A_727 = tpu.vector_load %arg8[%get3A_725, %get3A_726] {strides = array<i32>} : memref<40x512xf32, #tpu.memory_space<vmem>>, vector<16xf32>,
        %mul3A_728 = arith.constant 2 : i32
        %mul3A_729 = arith.muli %scan3A_189, %mul3A_728 : i32
        %add3A_730 = arith.constant 1 : i32
        %add3A_731 = arith.addi %mul3A_729, %add3A_730 : i32
        %swap3A_732 = arith.index_cast %add3A_731 : i32 to index
        %swap3A_733 = arith.constant 160 : index
        %swap3A_734 = tpu.vector_load %arg10[%swap3A_732, %swap3A_733] {strides = array<i32>} : memref<40x448xf32, #tpu.memory_space<vmem>>, vector<16xf32>,
        tpu.vector_store %arg10[%swap3A_732, %swap3A_733], %get3A_727 {strides = array<i32>} : memref<40x448xf32, #tpu.memory_space<vmem>>, vector<16xf32>,
        %mul3A_735 = arith.constant 2 : i32
        %mul3A_736 = arith.muli %scan3A_189, %mul3A_735 : i32
        %add3A_737 = arith.constant 1 : i32
        %add3A_738 = arith.addi %mul3A_736, %add3A_737 : i32
        %get3A_739 = arith.index_cast %add3A_738 : i32 to index
        %get3A_740 = arith.constant 176 : index
        %get3A_741 = tpu.vector_load %arg8[%get3A_739, %get3A_740] {strides = array<i32>} : memref<40x512xf32, #tpu.memory_space<vmem>>, vector<16xf32>,
        %mul3A_742 = arith.constant 2 : i32
        %mul3A_743 = arith.muli %scan3A_189, %mul3A_742 : i32
        %add3A_744 = arith.constant 1 : i32
        %add3A_745 = arith.addi %mul3A_743, %add3A_744 : i32
        %swap3A_746 = arith.index_cast %add3A_745 : i32 to index
        %swap3A_747 = arith.constant 176 : index
        %swap3A_748 = tpu.vector_load %arg10[%swap3A_746, %swap3A_747] {strides = array<i32>} : memref<40x448xf32, #tpu.memory_space<vmem>>, vector<16xf32>,
        tpu.vector_store %arg10[%swap3A_746, %swap3A_747], %get3A_741 {strides = array<i32>} : memref<40x448xf32, #tpu.memory_space<vmem>>, vector<16xf32>,
        %mul3A_749 = arith.constant 2 : i32
        %mul3A_750 = arith.muli %scan3A_189, %mul3A_749 : i32
        %add3A_751 = arith.constant 1 : i32
        %add3A_752 = arith.addi %mul3A_750, %add3A_751 : i32
        %get3A_753 = arith.index_cast %add3A_752 : i32 to index
        %get3A_754 = arith.constant 192 : index
        %get3A_755 = tpu.vector_load %arg8[%get3A_753, %get3A_754] {strides = array<i32>} : memref<40x512xf32, #tpu.memory_space<vmem>>, vector<16xf32>,
        %mul3A_756 = arith.constant 2 : i32
        %mul3A_757 = arith.muli %scan3A_189, %mul3A_756 : i32
        %add3A_758 = arith.constant 1 : i32
        %add3A_759 = arith.addi %mul3A_757, %add3A_758 : i32
        %swap3A_760 = arith.index_cast %add3A_759 : i32 to index
        %swap3A_761 = arith.constant 192 : index
        %swap3A_762 = tpu.vector_load %arg10[%swap3A_760, %swap3A_761] {strides = array<i32>} : memref<40x448xf32, #tpu.memory_space<vmem>>, vector<16xf32>,
        tpu.vector_store %arg10[%swap3A_760, %swap3A_761], %get3A_755 {strides = array<i32>} : memref<40x448xf32, #tpu.memory_space<vmem>>, vector<16xf32>,
        %mul3A_763 = arith.constant 2 : i32
        %mul3A_764 = arith.muli %scan3A_189, %mul3A_763 : i32
        %add3A_765 = arith.constant 1 : i32
        %add3A_766 = arith.addi %mul3A_764, %add3A_765 : i32
        %get3A_767 = arith.index_cast %add3A_766 : i32 to index
        %get3A_768 = arith.constant 208 : index
        %get3A_769 = tpu.vector_load %arg8[%get3A_767, %get3A_768] {strides = array<i32>} : memref<40x512xf32, #tpu.memory_space<vmem>>, vector<16xf32>,
        %mul3A_770 = arith.constant 2 : i32
        %mul3A_771 = arith.muli %scan3A_189, %mul3A_770 : i32
        %add3A_772 = arith.constant 1 : i32
        %add3A_773 = arith.addi %mul3A_771, %add3A_772 : i32
        %swap3A_774 = arith.index_cast %add3A_773 : i32 to index
        %swap3A_775 = arith.constant 208 : index
        %swap3A_776 = tpu.vector_load %arg10[%swap3A_774, %swap3A_775] {strides = array<i32>} : memref<40x448xf32, #tpu.memory_space<vmem>>, vector<16xf32>,
        tpu.vector_store %arg10[%swap3A_774, %swap3A_775], %get3A_769 {strides = array<i32>} : memref<40x448xf32, #tpu.memory_space<vmem>>, vector<16xf32>,
        %mul3A_777 = arith.constant 2 : i32
        %mul3A_778 = arith.muli %scan3A_189, %mul3A_777 : i32
        %add3A_779 = arith.constant 1 : i32
        %add3A_780 = arith.addi %mul3A_778, %add3A_779 : i32
        %get3A_781 = arith.index_cast %add3A_780 : i32 to index
        %get3A_782 = arith.constant 224 : index
        %get3A_783 = tpu.vector_load %arg8[%get3A_781, %get3A_782] {strides = array<i32>} : memref<40x512xf32, #tpu.memory_space<vmem>>, vector<16xf32>,
        %mul3A_784 = arith.constant 2 : i32
        %mul3A_785 = arith.muli %scan3A_189, %mul3A_784 : i32
        %add3A_786 = arith.constant 1 : i32
        %add3A_787 = arith.addi %mul3A_785, %add3A_786 : i32
        %swap3A_788 = arith.index_cast %add3A_787 : i32 to index
        %swap3A_789 = arith.constant 224 : index
        %swap3A_790 = tpu.vector_load %arg10[%swap3A_788, %swap3A_789] {strides = array<i32>} : memref<40x448xf32, #tpu.memory_space<vmem>>, vector<16xf32>,
        tpu.vector_store %arg10[%swap3A_788, %swap3A_789], %get3A_783 {strides = array<i32>} : memref<40x448xf32, #tpu.memory_space<vmem>>, vector<16xf32>,
        %mul3A_791 = arith.constant 2 : i32
        %mul3A_792 = arith.muli %scan3A_189, %mul3A_791 : i32
        %add3A_793 = arith.constant 1 : i32
        %add3A_794 = arith.addi %mul3A_792, %add3A_793 : i32
        %get3A_795 = arith.index_cast %add3A_794 : i32 to index
        %get3A_796 = arith.constant 240 : index
        %get3A_797 = tpu.vector_load %arg8[%get3A_795, %get3A_796] {strides = array<i32>} : memref<40x512xf32, #tpu.memory_space<vmem>>, vector<16xf32>,
        %mul3A_798 = arith.constant 2 : i32
        %mul3A_799 = arith.muli %scan3A_189, %mul3A_798 : i32
        %add3A_800 = arith.constant 1 : i32
        %add3A_801 = arith.addi %mul3A_799, %add3A_800 : i32
        %swap3A_802 = arith.index_cast %add3A_801 : i32 to index
        %swap3A_803 = arith.constant 240 : index
        %swap3A_804 = tpu.vector_load %arg10[%swap3A_802, %swap3A_803] {strides = array<i32>} : memref<40x448xf32, #tpu.memory_space<vmem>>, vector<16xf32>,
        tpu.vector_store %arg10[%swap3A_802, %swap3A_803], %get3A_797 {strides = array<i32>} : memref<40x448xf32, #tpu.memory_space<vmem>>, vector<16xf32>,
        %mul3A_805 = arith.constant 2 : i32
        %mul3A_806 = arith.muli %scan3A_189, %mul3A_805 : i32
        %add3A_807 = arith.constant 1 : i32
        %add3A_808 = arith.addi %mul3A_806, %add3A_807 : i32
        %get3A_809 = arith.index_cast %add3A_808 : i32 to index
        %get3A_810 = arith.constant 256 : index
        %get3A_811 = tpu.vector_load %arg8[%get3A_809, %get3A_810] {strides = array<i32>} : memref<40x512xf32, #tpu.memory_space<vmem>>, vector<16xf32>,
        %mul3A_812 = arith.constant 2 : i32
        %mul3A_813 = arith.muli %scan3A_189, %mul3A_812 : i32
        %add3A_814 = arith.constant 1 : i32
        %add3A_815 = arith.addi %mul3A_813, %add3A_814 : i32
        %swap3A_816 = arith.index_cast %add3A_815 : i32 to index
        %swap3A_817 = arith.constant 256 : index
        %swap3A_818 = tpu.vector_load %arg10[%swap3A_816, %swap3A_817] {strides = array<i32>} : memref<40x448xf32, #tpu.memory_space<vmem>>, vector<16xf32>,
        tpu.vector_store %arg10[%swap3A_816, %swap3A_817], %get3A_811 {strides = array<i32>} : memref<40x448xf32, #tpu.memory_space<vmem>>, vector<16xf32>,
        %mul3A_819 = arith.constant 2 : i32
        %mul3A_820 = arith.muli %scan3A_189, %mul3A_819 : i32
        %add3A_821 = arith.constant 1 : i32
        %add3A_822 = arith.addi %mul3A_820, %add3A_821 : i32
        %get3A_823 = arith.index_cast %add3A_822 : i32 to index
        %get3A_824 = arith.constant 272 : index
        %get3A_825 = tpu.vector_load %arg8[%get3A_823, %get3A_824] {strides = array<i32>} : memref<40x512xf32, #tpu.memory_space<vmem>>, vector<16xf32>,
        %mul3A_826 = arith.constant 2 : i32
        %mul3A_827 = arith.muli %scan3A_189, %mul3A_826 : i32
        %add3A_828 = arith.constant 1 : i32
        %add3A_829 = arith.addi %mul3A_827, %add3A_828 : i32
        %swap3A_830 = arith.index_cast %add3A_829 : i32 to index
        %swap3A_831 = arith.constant 272 : index
        %swap3A_832 = tpu.vector_load %arg10[%swap3A_830, %swap3A_831] {strides = array<i32>} : memref<40x448xf32, #tpu.memory_space<vmem>>, vector<16xf32>,
        tpu.vector_store %arg10[%swap3A_830, %swap3A_831], %get3A_825 {strides = array<i32>} : memref<40x448xf32, #tpu.memory_space<vmem>>, vector<16xf32>,
        %mul3A_833 = arith.constant 2 : i32
        %mul3A_834 = arith.muli %scan3A_189, %mul3A_833 : i32
        %add3A_835 = arith.constant 1 : i32
        %add3A_836 = arith.addi %mul3A_834, %add3A_835 : i32
        %get3A_837 = arith.index_cast %add3A_836 : i32 to index
        %get3A_838 = arith.constant 288 : index
        %get3A_839 = tpu.vector_load %arg8[%get3A_837, %get3A_838] {strides = array<i32>} : memref<40x512xf32, #tpu.memory_space<vmem>>, vector<16xf32>,
        %mul3A_840 = arith.constant 2 : i32
        %mul3A_841 = arith.muli %scan3A_189, %mul3A_840 : i32
        %add3A_842 = arith.constant 1 : i32
        %add3A_843 = arith.addi %mul3A_841, %add3A_842 : i32
        %swap3A_844 = arith.index_cast %add3A_843 : i32 to index
        %swap3A_845 = arith.constant 288 : index
        %swap3A_846 = tpu.vector_load %arg10[%swap3A_844, %swap3A_845] {strides = array<i32>} : memref<40x448xf32, #tpu.memory_space<vmem>>, vector<16xf32>,
        tpu.vector_store %arg10[%swap3A_844, %swap3A_845], %get3A_839 {strides = array<i32>} : memref<40x448xf32, #tpu.memory_space<vmem>>, vector<16xf32>,
        %mul3A_847 = arith.constant 2 : i32
        %mul3A_848 = arith.muli %scan3A_189, %mul3A_847 : i32
        %add3A_849 = arith.constant 1 : i32
        %add3A_850 = arith.addi %mul3A_848, %add3A_849 : i32
        %get3A_851 = arith.index_cast %add3A_850 : i32 to index
        %get3A_852 = arith.constant 304 : index
        %get3A_853 = tpu.vector_load %arg8[%get3A_851, %get3A_852] {strides = array<i32>} : memref<40x512xf32, #tpu.memory_space<vmem>>, vector<16xf32>,
        %mul3A_854 = arith.constant 2 : i32
        %mul3A_855 = arith.muli %scan3A_189, %mul3A_854 : i32
        %add3A_856 = arith.constant 1 : i32
        %add3A_857 = arith.addi %mul3A_855, %add3A_856 : i32
        %swap3A_858 = arith.index_cast %add3A_857 : i32 to index
        %swap3A_859 = arith.constant 304 : index
        %swap3A_860 = tpu.vector_load %arg10[%swap3A_858, %swap3A_859] {strides = array<i32>} : memref<40x448xf32, #tpu.memory_space<vmem>>, vector<16xf32>,
        tpu.vector_store %arg10[%swap3A_858, %swap3A_859], %get3A_853 {strides = array<i32>} : memref<40x448xf32, #tpu.memory_space<vmem>>, vector<16xf32>,
        %mul3A_861 = arith.constant 2 : i32
        %mul3A_862 = arith.muli %scan3A_189, %mul3A_861 : i32
        %add3A_863 = arith.constant 1 : i32
        %add3A_864 = arith.addi %mul3A_862, %add3A_863 : i32
        %get3A_865 = arith.index_cast %add3A_864 : i32 to index
        %get3A_866 = arith.constant 320 : index
        %get3A_867 = tpu.vector_load %arg8[%get3A_865, %get3A_866] {strides = array<i32>} : memref<40x512xf32, #tpu.memory_space<vmem>>, vector<16xf32>,
        %mul3A_868 = arith.constant 2 : i32
        %mul3A_869 = arith.muli %scan3A_189, %mul3A_868 : i32
        %add3A_870 = arith.constant 1 : i32
        %add3A_871 = arith.addi %mul3A_869, %add3A_870 : i32
        %swap3A_872 = arith.index_cast %add3A_871 : i32 to index
        %swap3A_873 = arith.constant 320 : index
        %swap3A_874 = tpu.vector_load %arg10[%swap3A_872, %swap3A_873] {strides = array<i32>} : memref<40x448xf32, #tpu.memory_space<vmem>>, vector<16xf32>,
        tpu.vector_store %arg10[%swap3A_872, %swap3A_873], %get3A_867 {strides = array<i32>} : memref<40x448xf32, #tpu.memory_space<vmem>>, vector<16xf32>,
        %mul3A_875 = arith.constant 2 : i32
        %mul3A_876 = arith.muli %scan3A_189, %mul3A_875 : i32
        %add3A_877 = arith.constant 1 : i32
        %add3A_878 = arith.addi %mul3A_876, %add3A_877 : i32
        %get3A_879 = arith.index_cast %add3A_878 : i32 to index
        %get3A_880 = arith.constant 336 : index
        %get3A_881 = tpu.vector_load %arg8[%get3A_879, %get3A_880] {strides = array<i32>} : memref<40x512xf32, #tpu.memory_space<vmem>>, vector<16xf32>,
        %mul3A_882 = arith.constant 2 : i32
        %mul3A_883 = arith.muli %scan3A_189, %mul3A_882 : i32
        %add3A_884 = arith.constant 1 : i32
        %add3A_885 = arith.addi %mul3A_883, %add3A_884 : i32
        %swap3A_886 = arith.index_cast %add3A_885 : i32 to index
        %swap3A_887 = arith.constant 336 : index
        %swap3A_888 = tpu.vector_load %arg10[%swap3A_886, %swap3A_887] {strides = array<i32>} : memref<40x448xf32, #tpu.memory_space<vmem>>, vector<16xf32>,
        tpu.vector_store %arg10[%swap3A_886, %swap3A_887], %get3A_881 {strides = array<i32>} : memref<40x448xf32, #tpu.memory_space<vmem>>, vector<16xf32>,
        %mul3A_889 = arith.constant 2 : i32
        %mul3A_890 = arith.muli %scan3A_189, %mul3A_889 : i32
        %add3A_891 = arith.constant 1 : i32
        %add3A_892 = arith.addi %mul3A_890, %add3A_891 : i32
        %get3A_893 = arith.index_cast %add3A_892 : i32 to index
        %get3A_894 = arith.constant 352 : index
        %get3A_895 = tpu.vector_load %arg8[%get3A_893, %get3A_894] {strides = array<i32>} : memref<40x512xf32, #tpu.memory_space<vmem>>, vector<16xf32>,
        %mul3A_896 = arith.constant 2 : i32
        %mul3A_897 = arith.muli %scan3A_189, %mul3A_896 : i32
        %add3A_898 = arith.constant 1 : i32
        %add3A_899 = arith.addi %mul3A_897, %add3A_898 : i32
        %swap3A_900 = arith.index_cast %add3A_899 : i32 to index
        %swap3A_901 = arith.constant 352 : index
        %swap3A_902 = tpu.vector_load %arg10[%swap3A_900, %swap3A_901] {strides = array<i32>} : memref<40x448xf32, #tpu.memory_space<vmem>>, vector<16xf32>,
        tpu.vector_store %arg10[%swap3A_900, %swap3A_901], %get3A_895 {strides = array<i32>} : memref<40x448xf32, #tpu.memory_space<vmem>>, vector<16xf32>,
        %mul3A_903 = arith.constant 2 : i32
        %mul3A_904 = arith.muli %scan3A_189, %mul3A_903 : i32
        %add3A_905 = arith.constant 1 : i32
        %add3A_906 = arith.addi %mul3A_904, %add3A_905 : i32
        %get3A_907 = arith.index_cast %add3A_906 : i32 to index
        %get3A_908 = arith.constant 368 : index
        %get3A_909 = tpu.vector_load %arg8[%get3A_907, %get3A_908] {strides = array<i32>} : memref<40x512xf32, #tpu.memory_space<vmem>>, vector<16xf32>,
        %mul3A_910 = arith.constant 2 : i32
        %mul3A_911 = arith.muli %scan3A_189, %mul3A_910 : i32
        %add3A_912 = arith.constant 1 : i32
        %add3A_913 = arith.addi %mul3A_911, %add3A_912 : i32
        %swap3A_914 = arith.index_cast %add3A_913 : i32 to index
        %swap3A_915 = arith.constant 368 : index
        %swap3A_916 = tpu.vector_load %arg10[%swap3A_914, %swap3A_915] {strides = array<i32>} : memref<40x448xf32, #tpu.memory_space<vmem>>, vector<16xf32>,
        tpu.vector_store %arg10[%swap3A_914, %swap3A_915], %get3A_909 {strides = array<i32>} : memref<40x448xf32, #tpu.memory_space<vmem>>, vector<16xf32>,
        %mul3A_917 = arith.constant 2 : i32
        %mul3A_918 = arith.muli %scan3A_189, %mul3A_917 : i32
        %add3A_919 = arith.constant 1 : i32
        %add3A_920 = arith.addi %mul3A_918, %add3A_919 : i32
        %get3A_921 = arith.index_cast %add3A_920 : i32 to index
        %get3A_922 = arith.constant 384 : index
        %get3A_923 = tpu.vector_load %arg8[%get3A_921, %get3A_922] {strides = array<i32>} : memref<40x512xf32, #tpu.memory_space<vmem>>, vector<16xf32>,
        %mul3A_924 = arith.constant 2 : i32
        %mul3A_925 = arith.muli %scan3A_189, %mul3A_924 : i32
        %add3A_926 = arith.constant 1 : i32
        %add3A_927 = arith.addi %mul3A_925, %add3A_926 : i32
        %swap3A_928 = arith.index_cast %add3A_927 : i32 to index
        %swap3A_929 = arith.constant 384 : index
        %swap3A_930 = tpu.vector_load %arg10[%swap3A_928, %swap3A_929] {strides = array<i32>} : memref<40x448xf32, #tpu.memory_space<vmem>>, vector<16xf32>,
        tpu.vector_store %arg10[%swap3A_928, %swap3A_929], %get3A_923 {strides = array<i32>} : memref<40x448xf32, #tpu.memory_space<vmem>>, vector<16xf32>,
        %mul3A_931 = arith.constant 2 : i32
        %mul3A_932 = arith.muli %scan3A_189, %mul3A_931 : i32
        %add3A_933 = arith.constant 1 : i32
        %add3A_934 = arith.addi %mul3A_932, %add3A_933 : i32
        %get3A_935 = arith.index_cast %add3A_934 : i32 to index
        %get3A_936 = arith.constant 400 : index
        %get3A_937 = tpu.vector_load %arg8[%get3A_935, %get3A_936] {strides = array<i32>} : memref<40x512xf32, #tpu.memory_space<vmem>>, vector<16xf32>,
        %mul3A_938 = arith.constant 2 : i32
        %mul3A_939 = arith.muli %scan3A_189, %mul3A_938 : i32
        %add3A_940 = arith.constant 1 : i32
        %add3A_941 = arith.addi %mul3A_939, %add3A_940 : i32
        %swap3A_942 = arith.index_cast %add3A_941 : i32 to index
        %swap3A_943 = arith.constant 400 : index
        %swap3A_944 = tpu.vector_load %arg10[%swap3A_942, %swap3A_943] {strides = array<i32>} : memref<40x448xf32, #tpu.memory_space<vmem>>, vector<16xf32>,
        tpu.vector_store %arg10[%swap3A_942, %swap3A_943], %get3A_937 {strides = array<i32>} : memref<40x448xf32, #tpu.memory_space<vmem>>, vector<16xf32>,
        %mul3A_945 = arith.constant 2 : i32
        %mul3A_946 = arith.muli %scan3A_189, %mul3A_945 : i32
        %add3A_947 = arith.constant 1 : i32
        %add3A_948 = arith.addi %mul3A_946, %add3A_947 : i32
        %get3A_949 = arith.index_cast %add3A_948 : i32 to index
        %get3A_950 = arith.constant 416 : index
        %get3A_951 = tpu.vector_load %arg8[%get3A_949, %get3A_950] {strides = array<i32>} : memref<40x512xf32, #tpu.memory_space<vmem>>, vector<16xf32>,
        %mul3A_952 = arith.constant 2 : i32
        %mul3A_953 = arith.muli %scan3A_189, %mul3A_952 : i32
        %add3A_954 = arith.constant 1 : i32
        %add3A_955 = arith.addi %mul3A_953, %add3A_954 : i32
        %swap3A_956 = arith.index_cast %add3A_955 : i32 to index
        %swap3A_957 = arith.constant 416 : index
        %swap3A_958 = tpu.vector_load %arg10[%swap3A_956, %swap3A_957] {strides = array<i32>} : memref<40x448xf32, #tpu.memory_space<vmem>>, vector<16xf32>,
        tpu.vector_store %arg10[%swap3A_956, %swap3A_957], %get3A_951 {strides = array<i32>} : memref<40x448xf32, #tpu.memory_space<vmem>>, vector<16xf32>,
        %mul3A_959 = arith.constant 2 : i32
        %mul3A_960 = arith.muli %scan3A_189, %mul3A_959 : i32
        %add3A_961 = arith.constant 1 : i32
        %add3A_962 = arith.addi %mul3A_960, %add3A_961 : i32
        %get3A_963 = arith.index_cast %add3A_962 : i32 to index
        %get3A_964 = arith.constant 432 : index
        %get3A_965 = tpu.vector_load %arg8[%get3A_963, %get3A_964] {strides = array<i32>} : memref<40x512xf32, #tpu.memory_space<vmem>>, vector<16xf32>,
        %mul3A_966 = arith.constant 2 : i32
        %mul3A_967 = arith.muli %scan3A_189, %mul3A_966 : i32
        %add3A_968 = arith.constant 1 : i32
        %add3A_969 = arith.addi %mul3A_967, %add3A_968 : i32
        %swap3A_970 = arith.index_cast %add3A_969 : i32 to index
        %swap3A_971 = arith.constant 432 : index
        %swap3A_972 = tpu.vector_load %arg10[%swap3A_970, %swap3A_971] {strides = array<i32>} : memref<40x448xf32, #tpu.memory_space<vmem>>, vector<16xf32>,
        tpu.vector_store %arg10[%swap3A_970, %swap3A_971], %get3A_965 {strides = array<i32>} : memref<40x448xf32, #tpu.memory_space<vmem>>, vector<16xf32>,
        %scan3A_973 = arith.constant 0 : i32
        scf.yield %scan3A_973 : i32
      }
      %scan3A_137 = arith.constant 20 : i32
      %mul3A_138 = arith.constant 40 : i32
      %mul3A_139 = arith.muli %add3A_119, %mul3A_138 : i32
      %add3A_140 = arith.addi %mul3A_2, %mul3A_139 : i32
      %dma_start3A_141 = arith.constant 0 : i32
      %dma_start3A_142 = tpu.memref_slice %arg4[%add3A_140, %dma_start3A_141] : memref<204800x448xf32, #tpu.memory_space<hbm>> -> memref<40x448xf32, #tpu.memory_space<hbm>>
      %dma_start3A_143 = arith.constant 0 : i32
      %dma_start3A_144 = tpu.memref_slice %arg4[%add3A_140, %dma_start3A_143] : memref<204800x448xf32, #tpu.memory_space<hbm>> -> memref<40x448xf32, #tpu.memory_space<hbm>>
      tpu.enqueue_dma source(%arg10 : memref<40x448xf32, #tpu.memory_space<vmem>>) target(%dma_start3A_144 : memref<40x448xf32, #tpu.memory_space<hbm>>) target_semaphore(%arg16 : memref<!tpu.dma_semaphore, #tpu.memory_space<semaphore_mem>>)
      %add3A_145 = arith.constant 4 : i32
      %add3A_146 = arith.addi %add3A_119, %add3A_145 : i32
      %lt3A_147 = arith.constant 160 : i32
      %lt3A_148 = arith.cmpi slt, %add3A_146, %lt3A_147 : i32
      %convert_element_type3A_149 = arith.extui %lt3A_148 : i1 to i32
      %cond3A_150 = arith.constant 0 : i32
      %cond3A_151 = arith.cmpi ne, %convert_element_type3A_149, %cond3A_150 : i32
      scf.if %cond3A_151 {
        %add3A_189 = arith.constant 4 : i32
        %add3A_190 = arith.addi %add3A_119, %add3A_189 : i32
        %mul3A_191 = arith.constant 40 : i32
        %mul3A_192 = arith.muli %add3A_190, %mul3A_191 : i32
        %add3A_193 = arith.constant 8 : i32
        %add3A_194 = arith.addi %add3A_193, %mul3A_192 : i32
        %dma_start3A_195 = tpu.memref_slice %arg5[%add3A_194] : memref<6408xi32, #tpu.memory_space<vmem>> -> memref<40xi32, #tpu.memory_space<vmem>>
        %dma_start3A_196 = arith.constant 0 : i32
        %dma_start3A_197 = arith.constant 0 : i32
        %dma_start3A_198 = tpu.memref_slice %arg3[%dma_start3A_196, %dma_start3A_197] : memref<8192x512xf32, #tpu.memory_space<hbm>> -> memref<8192x512xf32, #tpu.memory_space<hbm>>
        tpu.enqueue_indirect_dma source(%dma_start3A_198 : memref<8192x512xf32, #tpu.memory_space<hbm>>) target(%arg8 : memref<40x512xf32, #tpu.memory_space<vmem>>) offsets(%dma_start3A_195 : memref<40xi32, #tpu.memory_space<vmem>>) semaphore(%arg14 : memref<!tpu.dma_semaphore, #tpu.memory_space<semaphore_mem>>)
      } else {
      }
      %mul3A_152 = arith.constant 4 : i32
      %mul3A_153 = arith.muli %scan3A_46, %mul3A_152 : i32
      %add3A_154 = arith.constant 3 : i32
      %add3A_155 = arith.addi %mul3A_153, %add3A_154 : i32
      %dma_wait3A_156 = arith.constant 0 : i32
      %dma_wait3A_157 = arith.constant 0 : i32
      %dma_wait3A_158 = tpu.memref_slice %arg3[%dma_wait3A_156, %dma_wait3A_157] : memref<8192x512xf32, #tpu.memory_space<hbm>> -> memref<40x512xf32, #tpu.memory_space<hbm>>
      %dma_wait3A_159 = arith.constant 0 : i32
      %dma_wait3A_160 = arith.constant 0 : i32
      %dma_wait3A_161 = tpu.memref_slice %arg3[%dma_wait3A_159, %dma_wait3A_160] : memref<8192x512xf32, #tpu.memory_space<hbm>> -> memref<40x512xf32, #tpu.memory_space<hbm>>
      tpu.wait_dma2 semaphore(%arg15 : memref<!tpu.dma_semaphore, #tpu.memory_space<semaphore_mem>>) src(%dma_wait3A_161 : memref<40x512xf32, #tpu.memory_space<hbm>>) dst(%arg9 : memref<40x512xf32, #tpu.memory_space<vmem>>)
      %ge3A_162 = arith.constant 2 : i32
      %ge3A_163 = arith.cmpi sge, %add3A_155, %ge3A_162 : i32
      %convert_element_type3A_164 = arith.extui %ge3A_163 : i1 to i32
      %cond3A_165 = arith.constant 0 : i32
      %cond3A_166 = arith.cmpi ne, %convert_element_type3A_164, %cond3A_165 : i32
      scf.if %cond3A_166 {
        %dma_wait3A_189 = arith.constant 0 : i32
        %dma_wait3A_190 = arith.constant 0 : i32
        %dma_wait3A_191 = tpu.memref_slice %arg4[%dma_wait3A_189, %dma_wait3A_190] : memref<204800x448xf32, #tpu.memory_space<hbm>> -> memref<40x448xf32, #tpu.memory_space<hbm>>
        %dma_wait3A_192 = arith.constant 0 : i32
        %dma_wait3A_193 = arith.constant 0 : i32
        %dma_wait3A_194 = tpu.memref_slice %arg4[%dma_wait3A_192, %dma_wait3A_193] : memref<204800x448xf32, #tpu.memory_space<hbm>> -> memref<40x448xf32, #tpu.memory_space<hbm>>
        tpu.wait_dma2 semaphore(%arg17 : memref<!tpu.dma_semaphore, #tpu.memory_space<semaphore_mem>>) src(%arg11 : memref<40x448xf32, #tpu.memory_space<vmem>>) dst(%dma_wait3A_194 : memref<40x448xf32, #tpu.memory_space<hbm>>)
      } else {
      }
      %scan3A_167 = arith.constant 0 : i32
      %scan3A_168 = arith.constant 0 : i32
      %scan3A_169 = arith.constant 20 : i32
      %scan3A_170 = arith.addi %scan3A_168, %scan3A_169 : i32
      %scan3A_171 = arith.constant 1 : i32
      %scan3A_172 = scf.for %scan3A_189 = %scan3A_168 to %scan3A_170 step %scan3A_171 iter_args(%scan3A_190 = %scan3A_167) -> (i32)  : i32 {
        %mul3A_191 = arith.constant 2 : i32
        %mul3A_192 = arith.muli %scan3A_189, %mul3A_191 : i32
        %add3A_193 = arith.constant 0 : i32
        %add3A_194 = arith.addi %mul3A_192, %add3A_193 : i32
        %get3A = arith.index_cast %add3A_194 : i32 to index
        %get3A_195 = arith.constant 0 : index
        %get3A_196 = tpu.vector_load %arg9[%get3A, %get3A_195] {strides = array<i32>} : memref<40x512xf32, #tpu.memory_space<vmem>>, vector<16xf32>,
        %mul3A_197 = arith.constant 2 : i32
        %mul3A_198 = arith.muli %scan3A_189, %mul3A_197 : i32
        %add3A_199 = arith.constant 0 : i32
        %add3A_200 = arith.addi %mul3A_198, %add3A_199 : i32
        %swap3A = arith.index_cast %add3A_200 : i32 to index
        %swap3A_201 = arith.constant 0 : index
        %swap3A_202 = tpu.vector_load %arg11[%swap3A, %swap3A_201] {strides = array<i32>} : memref<40x448xf32, #tpu.memory_space<vmem>>, vector<16xf32>,
        tpu.vector_store %arg11[%swap3A, %swap3A_201], %get3A_196 {strides = array<i32>} : memref<40x448xf32, #tpu.memory_space<vmem>>, vector<16xf32>,
        %mul3A_203 = arith.constant 2 : i32
        %mul3A_204 = arith.muli %scan3A_189, %mul3A_203 : i32
        %add3A_205 = arith.constant 0 : i32
        %add3A_206 = arith.addi %mul3A_204, %add3A_205 : i32
        %get3A_207 = arith.index_cast %add3A_206 : i32 to index
        %get3A_208 = arith.constant 16 : index
        %get3A_209 = tpu.vector_load %arg9[%get3A_207, %get3A_208] {strides = array<i32>} : memref<40x512xf32, #tpu.memory_space<vmem>>, vector<16xf32>,
        %mul3A_210 = arith.constant 2 : i32
        %mul3A_211 = arith.muli %scan3A_189, %mul3A_210 : i32
        %add3A_212 = arith.constant 0 : i32
        %add3A_213 = arith.addi %mul3A_211, %add3A_212 : i32
        %swap3A_214 = arith.index_cast %add3A_213 : i32 to index
        %swap3A_215 = arith.constant 16 : index
        %swap3A_216 = tpu.vector_load %arg11[%swap3A_214, %swap3A_215] {strides = array<i32>} : memref<40x448xf32, #tpu.memory_space<vmem>>, vector<16xf32>,
        tpu.vector_store %arg11[%swap3A_214, %swap3A_215], %get3A_209 {strides = array<i32>} : memref<40x448xf32, #tpu.memory_space<vmem>>, vector<16xf32>,
        %mul3A_217 = arith.constant 2 : i32
        %mul3A_218 = arith.muli %scan3A_189, %mul3A_217 : i32
        %add3A_219 = arith.constant 0 : i32
        %add3A_220 = arith.addi %mul3A_218, %add3A_219 : i32
        %get3A_221 = arith.index_cast %add3A_220 : i32 to index
        %get3A_222 = arith.constant 32 : index
        %get3A_223 = tpu.vector_load %arg9[%get3A_221, %get3A_222] {strides = array<i32>} : memref<40x512xf32, #tpu.memory_space<vmem>>, vector<16xf32>,
        %mul3A_224 = arith.constant 2 : i32
        %mul3A_225 = arith.muli %scan3A_189, %mul3A_224 : i32
        %add3A_226 = arith.constant 0 : i32
        %add3A_227 = arith.addi %mul3A_225, %add3A_226 : i32
        %swap3A_228 = arith.index_cast %add3A_227 : i32 to index
        %swap3A_229 = arith.constant 32 : index
        %swap3A_230 = tpu.vector_load %arg11[%swap3A_228, %swap3A_229] {strides = array<i32>} : memref<40x448xf32, #tpu.memory_space<vmem>>, vector<16xf32>,
        tpu.vector_store %arg11[%swap3A_228, %swap3A_229], %get3A_223 {strides = array<i32>} : memref<40x448xf32, #tpu.memory_space<vmem>>, vector<16xf32>,
        %mul3A_231 = arith.constant 2 : i32
        %mul3A_232 = arith.muli %scan3A_189, %mul3A_231 : i32
        %add3A_233 = arith.constant 0 : i32
        %add3A_234 = arith.addi %mul3A_232, %add3A_233 : i32
        %get3A_235 = arith.index_cast %add3A_234 : i32 to index
        %get3A_236 = arith.constant 48 : index
        %get3A_237 = tpu.vector_load %arg9[%get3A_235, %get3A_236] {strides = array<i32>} : memref<40x512xf32, #tpu.memory_space<vmem>>, vector<16xf32>,
        %mul3A_238 = arith.constant 2 : i32
        %mul3A_239 = arith.muli %scan3A_189, %mul3A_238 : i32
        %add3A_240 = arith.constant 0 : i32
        %add3A_241 = arith.addi %mul3A_239, %add3A_240 : i32
        %swap3A_242 = arith.index_cast %add3A_241 : i32 to index
        %swap3A_243 = arith.constant 48 : index
        %swap3A_244 = tpu.vector_load %arg11[%swap3A_242, %swap3A_243] {strides = array<i32>} : memref<40x448xf32, #tpu.memory_space<vmem>>, vector<16xf32>,
        tpu.vector_store %arg11[%swap3A_242, %swap3A_243], %get3A_237 {strides = array<i32>} : memref<40x448xf32, #tpu.memory_space<vmem>>, vector<16xf32>,
        %mul3A_245 = arith.constant 2 : i32
        %mul3A_246 = arith.muli %scan3A_189, %mul3A_245 : i32
        %add3A_247 = arith.constant 0 : i32
        %add3A_248 = arith.addi %mul3A_246, %add3A_247 : i32
        %get3A_249 = arith.index_cast %add3A_248 : i32 to index
        %get3A_250 = arith.constant 64 : index
        %get3A_251 = tpu.vector_load %arg9[%get3A_249, %get3A_250] {strides = array<i32>} : memref<40x512xf32, #tpu.memory_space<vmem>>, vector<16xf32>,
        %mul3A_252 = arith.constant 2 : i32
        %mul3A_253 = arith.muli %scan3A_189, %mul3A_252 : i32
        %add3A_254 = arith.constant 0 : i32
        %add3A_255 = arith.addi %mul3A_253, %add3A_254 : i32
        %swap3A_256 = arith.index_cast %add3A_255 : i32 to index
        %swap3A_257 = arith.constant 64 : index
        %swap3A_258 = tpu.vector_load %arg11[%swap3A_256, %swap3A_257] {strides = array<i32>} : memref<40x448xf32, #tpu.memory_space<vmem>>, vector<16xf32>,
        tpu.vector_store %arg11[%swap3A_256, %swap3A_257], %get3A_251 {strides = array<i32>} : memref<40x448xf32, #tpu.memory_space<vmem>>, vector<16xf32>,
        %mul3A_259 = arith.constant 2 : i32
        %mul3A_260 = arith.muli %scan3A_189, %mul3A_259 : i32
        %add3A_261 = arith.constant 0 : i32
        %add3A_262 = arith.addi %mul3A_260, %add3A_261 : i32
        %get3A_263 = arith.index_cast %add3A_262 : i32 to index
        %get3A_264 = arith.constant 80 : index
        %get3A_265 = tpu.vector_load %arg9[%get3A_263, %get3A_264] {strides = array<i32>} : memref<40x512xf32, #tpu.memory_space<vmem>>, vector<16xf32>,
        %mul3A_266 = arith.constant 2 : i32
        %mul3A_267 = arith.muli %scan3A_189, %mul3A_266 : i32
        %add3A_268 = arith.constant 0 : i32
        %add3A_269 = arith.addi %mul3A_267, %add3A_268 : i32
        %swap3A_270 = arith.index_cast %add3A_269 : i32 to index
        %swap3A_271 = arith.constant 80 : index
        %swap3A_272 = tpu.vector_load %arg11[%swap3A_270, %swap3A_271] {strides = array<i32>} : memref<40x448xf32, #tpu.memory_space<vmem>>, vector<16xf32>,
        tpu.vector_store %arg11[%swap3A_270, %swap3A_271], %get3A_265 {strides = array<i32>} : memref<40x448xf32, #tpu.memory_space<vmem>>, vector<16xf32>,
        %mul3A_273 = arith.constant 2 : i32
        %mul3A_274 = arith.muli %scan3A_189, %mul3A_273 : i32
        %add3A_275 = arith.constant 0 : i32
        %add3A_276 = arith.addi %mul3A_274, %add3A_275 : i32
        %get3A_277 = arith.index_cast %add3A_276 : i32 to index
        %get3A_278 = arith.constant 96 : index
        %get3A_279 = tpu.vector_load %arg9[%get3A_277, %get3A_278] {strides = array<i32>} : memref<40x512xf32, #tpu.memory_space<vmem>>, vector<16xf32>,
        %mul3A_280 = arith.constant 2 : i32
        %mul3A_281 = arith.muli %scan3A_189, %mul3A_280 : i32
        %add3A_282 = arith.constant 0 : i32
        %add3A_283 = arith.addi %mul3A_281, %add3A_282 : i32
        %swap3A_284 = arith.index_cast %add3A_283 : i32 to index
        %swap3A_285 = arith.constant 96 : index
        %swap3A_286 = tpu.vector_load %arg11[%swap3A_284, %swap3A_285] {strides = array<i32>} : memref<40x448xf32, #tpu.memory_space<vmem>>, vector<16xf32>,
        tpu.vector_store %arg11[%swap3A_284, %swap3A_285], %get3A_279 {strides = array<i32>} : memref<40x448xf32, #tpu.memory_space<vmem>>, vector<16xf32>,
        %mul3A_287 = arith.constant 2 : i32
        %mul3A_288 = arith.muli %scan3A_189, %mul3A_287 : i32
        %add3A_289 = arith.constant 0 : i32
        %add3A_290 = arith.addi %mul3A_288, %add3A_289 : i32
        %get3A_291 = arith.index_cast %add3A_290 : i32 to index
        %get3A_292 = arith.constant 112 : index
        %get3A_293 = tpu.vector_load %arg9[%get3A_291, %get3A_292] {strides = array<i32>} : memref<40x512xf32, #tpu.memory_space<vmem>>, vector<16xf32>,
        %mul3A_294 = arith.constant 2 : i32
        %mul3A_295 = arith.muli %scan3A_189, %mul3A_294 : i32
        %add3A_296 = arith.constant 0 : i32
        %add3A_297 = arith.addi %mul3A_295, %add3A_296 : i32
        %swap3A_298 = arith.index_cast %add3A_297 : i32 to index
        %swap3A_299 = arith.constant 112 : index
        %swap3A_300 = tpu.vector_load %arg11[%swap3A_298, %swap3A_299] {strides = array<i32>} : memref<40x448xf32, #tpu.memory_space<vmem>>, vector<16xf32>,
        tpu.vector_store %arg11[%swap3A_298, %swap3A_299], %get3A_293 {strides = array<i32>} : memref<40x448xf32, #tpu.memory_space<vmem>>, vector<16xf32>,
        %mul3A_301 = arith.constant 2 : i32
        %mul3A_302 = arith.muli %scan3A_189, %mul3A_301 : i32
        %add3A_303 = arith.constant 0 : i32
        %add3A_304 = arith.addi %mul3A_302, %add3A_303 : i32
        %get3A_305 = arith.index_cast %add3A_304 : i32 to index
        %get3A_306 = arith.constant 128 : index
        %get3A_307 = tpu.vector_load %arg9[%get3A_305, %get3A_306] {strides = array<i32>} : memref<40x512xf32, #tpu.memory_space<vmem>>, vector<16xf32>,
        %mul3A_308 = arith.constant 2 : i32
        %mul3A_309 = arith.muli %scan3A_189, %mul3A_308 : i32
        %add3A_310 = arith.constant 0 : i32
        %add3A_311 = arith.addi %mul3A_309, %add3A_310 : i32
        %swap3A_312 = arith.index_cast %add3A_311 : i32 to index
        %swap3A_313 = arith.constant 128 : index
        %swap3A_314 = tpu.vector_load %arg11[%swap3A_312, %swap3A_313] {strides = array<i32>} : memref<40x448xf32, #tpu.memory_space<vmem>>, vector<16xf32>,
        tpu.vector_store %arg11[%swap3A_312, %swap3A_313], %get3A_307 {strides = array<i32>} : memref<40x448xf32, #tpu.memory_space<vmem>>, vector<16xf32>,
        %mul3A_315 = arith.constant 2 : i32
        %mul3A_316 = arith.muli %scan3A_189, %mul3A_315 : i32
        %add3A_317 = arith.constant 0 : i32
        %add3A_318 = arith.addi %mul3A_316, %add3A_317 : i32
        %get3A_319 = arith.index_cast %add3A_318 : i32 to index
        %get3A_320 = arith.constant 144 : index
        %get3A_321 = tpu.vector_load %arg9[%get3A_319, %get3A_320] {strides = array<i32>} : memref<40x512xf32, #tpu.memory_space<vmem>>, vector<16xf32>,
        %mul3A_322 = arith.constant 2 : i32
        %mul3A_323 = arith.muli %scan3A_189, %mul3A_322 : i32
        %add3A_324 = arith.constant 0 : i32
        %add3A_325 = arith.addi %mul3A_323, %add3A_324 : i32
        %swap3A_326 = arith.index_cast %add3A_325 : i32 to index
        %swap3A_327 = arith.constant 144 : index
        %swap3A_328 = tpu.vector_load %arg11[%swap3A_326, %swap3A_327] {strides = array<i32>} : memref<40x448xf32, #tpu.memory_space<vmem>>, vector<16xf32>,
        tpu.vector_store %arg11[%swap3A_326, %swap3A_327], %get3A_321 {strides = array<i32>} : memref<40x448xf32, #tpu.memory_space<vmem>>, vector<16xf32>,
        %mul3A_329 = arith.constant 2 : i32
        %mul3A_330 = arith.muli %scan3A_189, %mul3A_329 : i32
        %add3A_331 = arith.constant 0 : i32
        %add3A_332 = arith.addi %mul3A_330, %add3A_331 : i32
        %get3A_333 = arith.index_cast %add3A_332 : i32 to index
        %get3A_334 = arith.constant 160 : index
        %get3A_335 = tpu.vector_load %arg9[%get3A_333, %get3A_334] {strides = array<i32>} : memref<40x512xf32, #tpu.memory_space<vmem>>, vector<16xf32>,
        %mul3A_336 = arith.constant 2 : i32
        %mul3A_337 = arith.muli %scan3A_189, %mul3A_336 : i32
        %add3A_338 = arith.constant 0 : i32
        %add3A_339 = arith.addi %mul3A_337, %add3A_338 : i32
        %swap3A_340 = arith.index_cast %add3A_339 : i32 to index
        %swap3A_341 = arith.constant 160 : index
        %swap3A_342 = tpu.vector_load %arg11[%swap3A_340, %swap3A_341] {strides = array<i32>} : memref<40x448xf32, #tpu.memory_space<vmem>>, vector<16xf32>,
        tpu.vector_store %arg11[%swap3A_340, %swap3A_341], %get3A_335 {strides = array<i32>} : memref<40x448xf32, #tpu.memory_space<vmem>>, vector<16xf32>,
        %mul3A_343 = arith.constant 2 : i32
        %mul3A_344 = arith.muli %scan3A_189, %mul3A_343 : i32
        %add3A_345 = arith.constant 0 : i32
        %add3A_346 = arith.addi %mul3A_344, %add3A_345 : i32
        %get3A_347 = arith.index_cast %add3A_346 : i32 to index
        %get3A_348 = arith.constant 176 : index
        %get3A_349 = tpu.vector_load %arg9[%get3A_347, %get3A_348] {strides = array<i32>} : memref<40x512xf32, #tpu.memory_space<vmem>>, vector<16xf32>,
        %mul3A_350 = arith.constant 2 : i32
        %mul3A_351 = arith.muli %scan3A_189, %mul3A_350 : i32
        %add3A_352 = arith.constant 0 : i32
        %add3A_353 = arith.addi %mul3A_351, %add3A_352 : i32
        %swap3A_354 = arith.index_cast %add3A_353 : i32 to index
        %swap3A_355 = arith.constant 176 : index
        %swap3A_356 = tpu.vector_load %arg11[%swap3A_354, %swap3A_355] {strides = array<i32>} : memref<40x448xf32, #tpu.memory_space<vmem>>, vector<16xf32>,
        tpu.vector_store %arg11[%swap3A_354, %swap3A_355], %get3A_349 {strides = array<i32>} : memref<40x448xf32, #tpu.memory_space<vmem>>, vector<16xf32>,
        %mul3A_357 = arith.constant 2 : i32
        %mul3A_358 = arith.muli %scan3A_189, %mul3A_357 : i32
        %add3A_359 = arith.constant 0 : i32
        %add3A_360 = arith.addi %mul3A_358, %add3A_359 : i32
        %get3A_361 = arith.index_cast %add3A_360 : i32 to index
        %get3A_362 = arith.constant 192 : index
        %get3A_363 = tpu.vector_load %arg9[%get3A_361, %get3A_362] {strides = array<i32>} : memref<40x512xf32, #tpu.memory_space<vmem>>, vector<16xf32>,
        %mul3A_364 = arith.constant 2 : i32
        %mul3A_365 = arith.muli %scan3A_189, %mul3A_364 : i32
        %add3A_366 = arith.constant 0 : i32
        %add3A_367 = arith.addi %mul3A_365, %add3A_366 : i32
        %swap3A_368 = arith.index_cast %add3A_367 : i32 to index
        %swap3A_369 = arith.constant 192 : index
        %swap3A_370 = tpu.vector_load %arg11[%swap3A_368, %swap3A_369] {strides = array<i32>} : memref<40x448xf32, #tpu.memory_space<vmem>>, vector<16xf32>,
        tpu.vector_store %arg11[%swap3A_368, %swap3A_369], %get3A_363 {strides = array<i32>} : memref<40x448xf32, #tpu.memory_space<vmem>>, vector<16xf32>,
        %mul3A_371 = arith.constant 2 : i32
        %mul3A_372 = arith.muli %scan3A_189, %mul3A_371 : i32
        %add3A_373 = arith.constant 0 : i32
        %add3A_374 = arith.addi %mul3A_372, %add3A_373 : i32
        %get3A_375 = arith.index_cast %add3A_374 : i32 to index
        %get3A_376 = arith.constant 208 : index
        %get3A_377 = tpu.vector_load %arg9[%get3A_375, %get3A_376] {strides = array<i32>} : memref<40x512xf32, #tpu.memory_space<vmem>>, vector<16xf32>,
        %mul3A_378 = arith.constant 2 : i32
        %mul3A_379 = arith.muli %scan3A_189, %mul3A_378 : i32
        %add3A_380 = arith.constant 0 : i32
        %add3A_381 = arith.addi %mul3A_379, %add3A_380 : i32
        %swap3A_382 = arith.index_cast %add3A_381 : i32 to index
        %swap3A_383 = arith.constant 208 : index
        %swap3A_384 = tpu.vector_load %arg11[%swap3A_382, %swap3A_383] {strides = array<i32>} : memref<40x448xf32, #tpu.memory_space<vmem>>, vector<16xf32>,
        tpu.vector_store %arg11[%swap3A_382, %swap3A_383], %get3A_377 {strides = array<i32>} : memref<40x448xf32, #tpu.memory_space<vmem>>, vector<16xf32>,
        %mul3A_385 = arith.constant 2 : i32
        %mul3A_386 = arith.muli %scan3A_189, %mul3A_385 : i32
        %add3A_387 = arith.constant 0 : i32
        %add3A_388 = arith.addi %mul3A_386, %add3A_387 : i32
        %get3A_389 = arith.index_cast %add3A_388 : i32 to index
        %get3A_390 = arith.constant 224 : index
        %get3A_391 = tpu.vector_load %arg9[%get3A_389, %get3A_390] {strides = array<i32>} : memref<40x512xf32, #tpu.memory_space<vmem>>, vector<16xf32>,
        %mul3A_392 = arith.constant 2 : i32
        %mul3A_393 = arith.muli %scan3A_189, %mul3A_392 : i32
        %add3A_394 = arith.constant 0 : i32
        %add3A_395 = arith.addi %mul3A_393, %add3A_394 : i32
        %swap3A_396 = arith.index_cast %add3A_395 : i32 to index
        %swap3A_397 = arith.constant 224 : index
        %swap3A_398 = tpu.vector_load %arg11[%swap3A_396, %swap3A_397] {strides = array<i32>} : memref<40x448xf32, #tpu.memory_space<vmem>>, vector<16xf32>,
        tpu.vector_store %arg11[%swap3A_396, %swap3A_397], %get3A_391 {strides = array<i32>} : memref<40x448xf32, #tpu.memory_space<vmem>>, vector<16xf32>,
        %mul3A_399 = arith.constant 2 : i32
        %mul3A_400 = arith.muli %scan3A_189, %mul3A_399 : i32
        %add3A_401 = arith.constant 0 : i32
        %add3A_402 = arith.addi %mul3A_400, %add3A_401 : i32
        %get3A_403 = arith.index_cast %add3A_402 : i32 to index
        %get3A_404 = arith.constant 240 : index
        %get3A_405 = tpu.vector_load %arg9[%get3A_403, %get3A_404] {strides = array<i32>} : memref<40x512xf32, #tpu.memory_space<vmem>>, vector<16xf32>,
        %mul3A_406 = arith.constant 2 : i32
        %mul3A_407 = arith.muli %scan3A_189, %mul3A_406 : i32
        %add3A_408 = arith.constant 0 : i32
        %add3A_409 = arith.addi %mul3A_407, %add3A_408 : i32
        %swap3A_410 = arith.index_cast %add3A_409 : i32 to index
        %swap3A_411 = arith.constant 240 : index
        %swap3A_412 = tpu.vector_load %arg11[%swap3A_410, %swap3A_411] {strides = array<i32>} : memref<40x448xf32, #tpu.memory_space<vmem>>, vector<16xf32>,
        tpu.vector_store %arg11[%swap3A_410, %swap3A_411], %get3A_405 {strides = array<i32>} : memref<40x448xf32, #tpu.memory_space<vmem>>, vector<16xf32>,
        %mul3A_413 = arith.constant 2 : i32
        %mul3A_414 = arith.muli %scan3A_189, %mul3A_413 : i32
        %add3A_415 = arith.constant 0 : i32
        %add3A_416 = arith.addi %mul3A_414, %add3A_415 : i32
        %get3A_417 = arith.index_cast %add3A_416 : i32 to index
        %get3A_418 = arith.constant 256 : index
        %get3A_419 = tpu.vector_load %arg9[%get3A_417, %get3A_418] {strides = array<i32>} : memref<40x512xf32, #tpu.memory_space<vmem>>, vector<16xf32>,
        %mul3A_420 = arith.constant 2 : i32
        %mul3A_421 = arith.muli %scan3A_189, %mul3A_420 : i32
        %add3A_422 = arith.constant 0 : i32
        %add3A_423 = arith.addi %mul3A_421, %add3A_422 : i32
        %swap3A_424 = arith.index_cast %add3A_423 : i32 to index
        %swap3A_425 = arith.constant 256 : index
        %swap3A_426 = tpu.vector_load %arg11[%swap3A_424, %swap3A_425] {strides = array<i32>} : memref<40x448xf32, #tpu.memory_space<vmem>>, vector<16xf32>,
        tpu.vector_store %arg11[%swap3A_424, %swap3A_425], %get3A_419 {strides = array<i32>} : memref<40x448xf32, #tpu.memory_space<vmem>>, vector<16xf32>,
        %mul3A_427 = arith.constant 2 : i32
        %mul3A_428 = arith.muli %scan3A_189, %mul3A_427 : i32
        %add3A_429 = arith.constant 0 : i32
        %add3A_430 = arith.addi %mul3A_428, %add3A_429 : i32
        %get3A_431 = arith.index_cast %add3A_430 : i32 to index
        %get3A_432 = arith.constant 272 : index
        %get3A_433 = tpu.vector_load %arg9[%get3A_431, %get3A_432] {strides = array<i32>} : memref<40x512xf32, #tpu.memory_space<vmem>>, vector<16xf32>,
        %mul3A_434 = arith.constant 2 : i32
        %mul3A_435 = arith.muli %scan3A_189, %mul3A_434 : i32
        %add3A_436 = arith.constant 0 : i32
        %add3A_437 = arith.addi %mul3A_435, %add3A_436 : i32
        %swap3A_438 = arith.index_cast %add3A_437 : i32 to index
        %swap3A_439 = arith.constant 272 : index
        %swap3A_440 = tpu.vector_load %arg11[%swap3A_438, %swap3A_439] {strides = array<i32>} : memref<40x448xf32, #tpu.memory_space<vmem>>, vector<16xf32>,
        tpu.vector_store %arg11[%swap3A_438, %swap3A_439], %get3A_433 {strides = array<i32>} : memref<40x448xf32, #tpu.memory_space<vmem>>, vector<16xf32>,
        %mul3A_441 = arith.constant 2 : i32
        %mul3A_442 = arith.muli %scan3A_189, %mul3A_441 : i32
        %add3A_443 = arith.constant 0 : i32
        %add3A_444 = arith.addi %mul3A_442, %add3A_443 : i32
        %get3A_445 = arith.index_cast %add3A_444 : i32 to index
        %get3A_446 = arith.constant 288 : index
        %get3A_447 = tpu.vector_load %arg9[%get3A_445, %get3A_446] {strides = array<i32>} : memref<40x512xf32, #tpu.memory_space<vmem>>, vector<16xf32>,
        %mul3A_448 = arith.constant 2 : i32
        %mul3A_449 = arith.muli %scan3A_189, %mul3A_448 : i32
        %add3A_450 = arith.constant 0 : i32
        %add3A_451 = arith.addi %mul3A_449, %add3A_450 : i32
        %swap3A_452 = arith.index_cast %add3A_451 : i32 to index
        %swap3A_453 = arith.constant 288 : index
        %swap3A_454 = tpu.vector_load %arg11[%swap3A_452, %swap3A_453] {strides = array<i32>} : memref<40x448xf32, #tpu.memory_space<vmem>>, vector<16xf32>,
        tpu.vector_store %arg11[%swap3A_452, %swap3A_453], %get3A_447 {strides = array<i32>} : memref<40x448xf32, #tpu.memory_space<vmem>>, vector<16xf32>,
        %mul3A_455 = arith.constant 2 : i32
        %mul3A_456 = arith.muli %scan3A_189, %mul3A_455 : i32
        %add3A_457 = arith.constant 0 : i32
        %add3A_458 = arith.addi %mul3A_456, %add3A_457 : i32
        %get3A_459 = arith.index_cast %add3A_458 : i32 to index
        %get3A_460 = arith.constant 304 : index
        %get3A_461 = tpu.vector_load %arg9[%get3A_459, %get3A_460] {strides = array<i32>} : memref<40x512xf32, #tpu.memory_space<vmem>>, vector<16xf32>,
        %mul3A_462 = arith.constant 2 : i32
        %mul3A_463 = arith.muli %scan3A_189, %mul3A_462 : i32
        %add3A_464 = arith.constant 0 : i32
        %add3A_465 = arith.addi %mul3A_463, %add3A_464 : i32
        %swap3A_466 = arith.index_cast %add3A_465 : i32 to index
        %swap3A_467 = arith.constant 304 : index
        %swap3A_468 = tpu.vector_load %arg11[%swap3A_466, %swap3A_467] {strides = array<i32>} : memref<40x448xf32, #tpu.memory_space<vmem>>, vector<16xf32>,
        tpu.vector_store %arg11[%swap3A_466, %swap3A_467], %get3A_461 {strides = array<i32>} : memref<40x448xf32, #tpu.memory_space<vmem>>, vector<16xf32>,
        %mul3A_469 = arith.constant 2 : i32
        %mul3A_470 = arith.muli %scan3A_189, %mul3A_469 : i32
        %add3A_471 = arith.constant 0 : i32
        %add3A_472 = arith.addi %mul3A_470, %add3A_471 : i32
        %get3A_473 = arith.index_cast %add3A_472 : i32 to index
        %get3A_474 = arith.constant 320 : index
        %get3A_475 = tpu.vector_load %arg9[%get3A_473, %get3A_474] {strides = array<i32>} : memref<40x512xf32, #tpu.memory_space<vmem>>, vector<16xf32>,
        %mul3A_476 = arith.constant 2 : i32
        %mul3A_477 = arith.muli %scan3A_189, %mul3A_476 : i32
        %add3A_478 = arith.constant 0 : i32
        %add3A_479 = arith.addi %mul3A_477, %add3A_478 : i32
        %swap3A_480 = arith.index_cast %add3A_479 : i32 to index
        %swap3A_481 = arith.constant 320 : index
        %swap3A_482 = tpu.vector_load %arg11[%swap3A_480, %swap3A_481] {strides = array<i32>} : memref<40x448xf32, #tpu.memory_space<vmem>>, vector<16xf32>,
        tpu.vector_store %arg11[%swap3A_480, %swap3A_481], %get3A_475 {strides = array<i32>} : memref<40x448xf32, #tpu.memory_space<vmem>>, vector<16xf32>,
        %mul3A_483 = arith.constant 2 : i32
        %mul3A_484 = arith.muli %scan3A_189, %mul3A_483 : i32
        %add3A_485 = arith.constant 0 : i32
        %add3A_486 = arith.addi %mul3A_484, %add3A_485 : i32
        %get3A_487 = arith.index_cast %add3A_486 : i32 to index
        %get3A_488 = arith.constant 336 : index
        %get3A_489 = tpu.vector_load %arg9[%get3A_487, %get3A_488] {strides = array<i32>} : memref<40x512xf32, #tpu.memory_space<vmem>>, vector<16xf32>,
        %mul3A_490 = arith.constant 2 : i32
        %mul3A_491 = arith.muli %scan3A_189, %mul3A_490 : i32
        %add3A_492 = arith.constant 0 : i32
        %add3A_493 = arith.addi %mul3A_491, %add3A_492 : i32
        %swap3A_494 = arith.index_cast %add3A_493 : i32 to index
        %swap3A_495 = arith.constant 336 : index
        %swap3A_496 = tpu.vector_load %arg11[%swap3A_494, %swap3A_495] {strides = array<i32>} : memref<40x448xf32, #tpu.memory_space<vmem>>, vector<16xf32>,
        tpu.vector_store %arg11[%swap3A_494, %swap3A_495], %get3A_489 {strides = array<i32>} : memref<40x448xf32, #tpu.memory_space<vmem>>, vector<16xf32>,
        %mul3A_497 = arith.constant 2 : i32
        %mul3A_498 = arith.muli %scan3A_189, %mul3A_497 : i32
        %add3A_499 = arith.constant 0 : i32
        %add3A_500 = arith.addi %mul3A_498, %add3A_499 : i32
        %get3A_501 = arith.index_cast %add3A_500 : i32 to index
        %get3A_502 = arith.constant 352 : index
        %get3A_503 = tpu.vector_load %arg9[%get3A_501, %get3A_502] {strides = array<i32>} : memref<40x512xf32, #tpu.memory_space<vmem>>, vector<16xf32>,
        %mul3A_504 = arith.constant 2 : i32
        %mul3A_505 = arith.muli %scan3A_189, %mul3A_504 : i32
        %add3A_506 = arith.constant 0 : i32
        %add3A_507 = arith.addi %mul3A_505, %add3A_506 : i32
        %swap3A_508 = arith.index_cast %add3A_507 : i32 to index
        %swap3A_509 = arith.constant 352 : index
        %swap3A_510 = tpu.vector_load %arg11[%swap3A_508, %swap3A_509] {strides = array<i32>} : memref<40x448xf32, #tpu.memory_space<vmem>>, vector<16xf32>,
        tpu.vector_store %arg11[%swap3A_508, %swap3A_509], %get3A_503 {strides = array<i32>} : memref<40x448xf32, #tpu.memory_space<vmem>>, vector<16xf32>,
        %mul3A_511 = arith.constant 2 : i32
        %mul3A_512 = arith.muli %scan3A_189, %mul3A_511 : i32
        %add3A_513 = arith.constant 0 : i32
        %add3A_514 = arith.addi %mul3A_512, %add3A_513 : i32
        %get3A_515 = arith.index_cast %add3A_514 : i32 to index
        %get3A_516 = arith.constant 368 : index
        %get3A_517 = tpu.vector_load %arg9[%get3A_515, %get3A_516] {strides = array<i32>} : memref<40x512xf32, #tpu.memory_space<vmem>>, vector<16xf32>,
        %mul3A_518 = arith.constant 2 : i32
        %mul3A_519 = arith.muli %scan3A_189, %mul3A_518 : i32
        %add3A_520 = arith.constant 0 : i32
        %add3A_521 = arith.addi %mul3A_519, %add3A_520 : i32
        %swap3A_522 = arith.index_cast %add3A_521 : i32 to index
        %swap3A_523 = arith.constant 368 : index
        %swap3A_524 = tpu.vector_load %arg11[%swap3A_522, %swap3A_523] {strides = array<i32>} : memref<40x448xf32, #tpu.memory_space<vmem>>, vector<16xf32>,
        tpu.vector_store %arg11[%swap3A_522, %swap3A_523], %get3A_517 {strides = array<i32>} : memref<40x448xf32, #tpu.memory_space<vmem>>, vector<16xf32>,
        %mul3A_525 = arith.constant 2 : i32
        %mul3A_526 = arith.muli %scan3A_189, %mul3A_525 : i32
        %add3A_527 = arith.constant 0 : i32
        %add3A_528 = arith.addi %mul3A_526, %add3A_527 : i32
        %get3A_529 = arith.index_cast %add3A_528 : i32 to index
        %get3A_530 = arith.constant 384 : index
        %get3A_531 = tpu.vector_load %arg9[%get3A_529, %get3A_530] {strides = array<i32>} : memref<40x512xf32, #tpu.memory_space<vmem>>, vector<16xf32>,
        %mul3A_532 = arith.constant 2 : i32
        %mul3A_533 = arith.muli %scan3A_189, %mul3A_532 : i32
        %add3A_534 = arith.constant 0 : i32
        %add3A_535 = arith.addi %mul3A_533, %add3A_534 : i32
        %swap3A_536 = arith.index_cast %add3A_535 : i32 to index
        %swap3A_537 = arith.constant 384 : index
        %swap3A_538 = tpu.vector_load %arg11[%swap3A_536, %swap3A_537] {strides = array<i32>} : memref<40x448xf32, #tpu.memory_space<vmem>>, vector<16xf32>,
        tpu.vector_store %arg11[%swap3A_536, %swap3A_537], %get3A_531 {strides = array<i32>} : memref<40x448xf32, #tpu.memory_space<vmem>>, vector<16xf32>,
        %mul3A_539 = arith.constant 2 : i32
        %mul3A_540 = arith.muli %scan3A_189, %mul3A_539 : i32
        %add3A_541 = arith.constant 0 : i32
        %add3A_542 = arith.addi %mul3A_540, %add3A_541 : i32
        %get3A_543 = arith.index_cast %add3A_542 : i32 to index
        %get3A_544 = arith.constant 400 : index
        %get3A_545 = tpu.vector_load %arg9[%get3A_543, %get3A_544] {strides = array<i32>} : memref<40x512xf32, #tpu.memory_space<vmem>>, vector<16xf32>,
        %mul3A_546 = arith.constant 2 : i32
        %mul3A_547 = arith.muli %scan3A_189, %mul3A_546 : i32
        %add3A_548 = arith.constant 0 : i32
        %add3A_549 = arith.addi %mul3A_547, %add3A_548 : i32
        %swap3A_550 = arith.index_cast %add3A_549 : i32 to index
        %swap3A_551 = arith.constant 400 : index
        %swap3A_552 = tpu.vector_load %arg11[%swap3A_550, %swap3A_551] {strides = array<i32>} : memref<40x448xf32, #tpu.memory_space<vmem>>, vector<16xf32>,
        tpu.vector_store %arg11[%swap3A_550, %swap3A_551], %get3A_545 {strides = array<i32>} : memref<40x448xf32, #tpu.memory_space<vmem>>, vector<16xf32>,
        %mul3A_553 = arith.constant 2 : i32
        %mul3A_554 = arith.muli %scan3A_189, %mul3A_553 : i32
        %add3A_555 = arith.constant 0 : i32
        %add3A_556 = arith.addi %mul3A_554, %add3A_555 : i32
        %get3A_557 = arith.index_cast %add3A_556 : i32 to index
        %get3A_558 = arith.constant 416 : index
        %get3A_559 = tpu.vector_load %arg9[%get3A_557, %get3A_558] {strides = array<i32>} : memref<40x512xf32, #tpu.memory_space<vmem>>, vector<16xf32>,
        %mul3A_560 = arith.constant 2 : i32
        %mul3A_561 = arith.muli %scan3A_189, %mul3A_560 : i32
        %add3A_562 = arith.constant 0 : i32
        %add3A_563 = arith.addi %mul3A_561, %add3A_562 : i32
        %swap3A_564 = arith.index_cast %add3A_563 : i32 to index
        %swap3A_565 = arith.constant 416 : index
        %swap3A_566 = tpu.vector_load %arg11[%swap3A_564, %swap3A_565] {strides = array<i32>} : memref<40x448xf32, #tpu.memory_space<vmem>>, vector<16xf32>,
        tpu.vector_store %arg11[%swap3A_564, %swap3A_565], %get3A_559 {strides = array<i32>} : memref<40x448xf32, #tpu.memory_space<vmem>>, vector<16xf32>,
        %mul3A_567 = arith.constant 2 : i32
        %mul3A_568 = arith.muli %scan3A_189, %mul3A_567 : i32
        %add3A_569 = arith.constant 0 : i32
        %add3A_570 = arith.addi %mul3A_568, %add3A_569 : i32
        %get3A_571 = arith.index_cast %add3A_570 : i32 to index
        %get3A_572 = arith.constant 432 : index
        %get3A_573 = tpu.vector_load %arg9[%get3A_571, %get3A_572] {strides = array<i32>} : memref<40x512xf32, #tpu.memory_space<vmem>>, vector<16xf32>,
        %mul3A_574 = arith.constant 2 : i32
        %mul3A_575 = arith.muli %scan3A_189, %mul3A_574 : i32
        %add3A_576 = arith.constant 0 : i32
        %add3A_577 = arith.addi %mul3A_575, %add3A_576 : i32
        %swap3A_578 = arith.index_cast %add3A_577 : i32 to index
        %swap3A_579 = arith.constant 432 : index
        %swap3A_580 = tpu.vector_load %arg11[%swap3A_578, %swap3A_579] {strides = array<i32>} : memref<40x448xf32, #tpu.memory_space<vmem>>, vector<16xf32>,
        tpu.vector_store %arg11[%swap3A_578, %swap3A_579], %get3A_573 {strides = array<i32>} : memref<40x448xf32, #tpu.memory_space<vmem>>, vector<16xf32>,
        %mul3A_581 = arith.constant 2 : i32
        %mul3A_582 = arith.muli %scan3A_189, %mul3A_581 : i32
        %add3A_583 = arith.constant 1 : i32
        %add3A_584 = arith.addi %mul3A_582, %add3A_583 : i32
        %get3A_585 = arith.index_cast %add3A_584 : i32 to index
        %get3A_586 = arith.constant 0 : index
        %get3A_587 = tpu.vector_load %arg9[%get3A_585, %get3A_586] {strides = array<i32>} : memref<40x512xf32, #tpu.memory_space<vmem>>, vector<16xf32>,
        %mul3A_588 = arith.constant 2 : i32
        %mul3A_589 = arith.muli %scan3A_189, %mul3A_588 : i32
        %add3A_590 = arith.constant 1 : i32
        %add3A_591 = arith.addi %mul3A_589, %add3A_590 : i32
        %swap3A_592 = arith.index_cast %add3A_591 : i32 to index
        %swap3A_593 = arith.constant 0 : index
        %swap3A_594 = tpu.vector_load %arg11[%swap3A_592, %swap3A_593] {strides = array<i32>} : memref<40x448xf32, #tpu.memory_space<vmem>>, vector<16xf32>,
        tpu.vector_store %arg11[%swap3A_592, %swap3A_593], %get3A_587 {strides = array<i32>} : memref<40x448xf32, #tpu.memory_space<vmem>>, vector<16xf32>,
        %mul3A_595 = arith.constant 2 : i32
        %mul3A_596 = arith.muli %scan3A_189, %mul3A_595 : i32
        %add3A_597 = arith.constant 1 : i32
        %add3A_598 = arith.addi %mul3A_596, %add3A_597 : i32
        %get3A_599 = arith.index_cast %add3A_598 : i32 to index
        %get3A_600 = arith.constant 16 : index
        %get3A_601 = tpu.vector_load %arg9[%get3A_599, %get3A_600] {strides = array<i32>} : memref<40x512xf32, #tpu.memory_space<vmem>>, vector<16xf32>,
        %mul3A_602 = arith.constant 2 : i32
        %mul3A_603 = arith.muli %scan3A_189, %mul3A_602 : i32
        %add3A_604 = arith.constant 1 : i32
        %add3A_605 = arith.addi %mul3A_603, %add3A_604 : i32
        %swap3A_606 = arith.index_cast %add3A_605 : i32 to index
        %swap3A_607 = arith.constant 16 : index
        %swap3A_608 = tpu.vector_load %arg11[%swap3A_606, %swap3A_607] {strides = array<i32>} : memref<40x448xf32, #tpu.memory_space<vmem>>, vector<16xf32>,
        tpu.vector_store %arg11[%swap3A_606, %swap3A_607], %get3A_601 {strides = array<i32>} : memref<40x448xf32, #tpu.memory_space<vmem>>, vector<16xf32>,
        %mul3A_609 = arith.constant 2 : i32
        %mul3A_610 = arith.muli %scan3A_189, %mul3A_609 : i32
        %add3A_611 = arith.constant 1 : i32
        %add3A_612 = arith.addi %mul3A_610, %add3A_611 : i32
        %get3A_613 = arith.index_cast %add3A_612 : i32 to index
        %get3A_614 = arith.constant 32 : index
        %get3A_615 = tpu.vector_load %arg9[%get3A_613, %get3A_614] {strides = array<i32>} : memref<40x512xf32, #tpu.memory_space<vmem>>, vector<16xf32>,
        %mul3A_616 = arith.constant 2 : i32
        %mul3A_617 = arith.muli %scan3A_189, %mul3A_616 : i32
        %add3A_618 = arith.constant 1 : i32
        %add3A_619 = arith.addi %mul3A_617, %add3A_618 : i32
        %swap3A_620 = arith.index_cast %add3A_619 : i32 to index
        %swap3A_621 = arith.constant 32 : index
        %swap3A_622 = tpu.vector_load %arg11[%swap3A_620, %swap3A_621] {strides = array<i32>} : memref<40x448xf32, #tpu.memory_space<vmem>>, vector<16xf32>,
        tpu.vector_store %arg11[%swap3A_620, %swap3A_621], %get3A_615 {strides = array<i32>} : memref<40x448xf32, #tpu.memory_space<vmem>>, vector<16xf32>,
        %mul3A_623 = arith.constant 2 : i32
        %mul3A_624 = arith.muli %scan3A_189, %mul3A_623 : i32
        %add3A_625 = arith.constant 1 : i32
        %add3A_626 = arith.addi %mul3A_624, %add3A_625 : i32
        %get3A_627 = arith.index_cast %add3A_626 : i32 to index
        %get3A_628 = arith.constant 48 : index
        %get3A_629 = tpu.vector_load %arg9[%get3A_627, %get3A_628] {strides = array<i32>} : memref<40x512xf32, #tpu.memory_space<vmem>>, vector<16xf32>,
        %mul3A_630 = arith.constant 2 : i32
        %mul3A_631 = arith.muli %scan3A_189, %mul3A_630 : i32
        %add3A_632 = arith.constant 1 : i32
        %add3A_633 = arith.addi %mul3A_631, %add3A_632 : i32
        %swap3A_634 = arith.index_cast %add3A_633 : i32 to index
        %swap3A_635 = arith.constant 48 : index
        %swap3A_636 = tpu.vector_load %arg11[%swap3A_634, %swap3A_635] {strides = array<i32>} : memref<40x448xf32, #tpu.memory_space<vmem>>, vector<16xf32>,
        tpu.vector_store %arg11[%swap3A_634, %swap3A_635], %get3A_629 {strides = array<i32>} : memref<40x448xf32, #tpu.memory_space<vmem>>, vector<16xf32>,
        %mul3A_637 = arith.constant 2 : i32
        %mul3A_638 = arith.muli %scan3A_189, %mul3A_637 : i32
        %add3A_639 = arith.constant 1 : i32
        %add3A_640 = arith.addi %mul3A_638, %add3A_639 : i32
        %get3A_641 = arith.index_cast %add3A_640 : i32 to index
        %get3A_642 = arith.constant 64 : index
        %get3A_643 = tpu.vector_load %arg9[%get3A_641, %get3A_642] {strides = array<i32>} : memref<40x512xf32, #tpu.memory_space<vmem>>, vector<16xf32>,
        %mul3A_644 = arith.constant 2 : i32
        %mul3A_645 = arith.muli %scan3A_189, %mul3A_644 : i32
        %add3A_646 = arith.constant 1 : i32
        %add3A_647 = arith.addi %mul3A_645, %add3A_646 : i32
        %swap3A_648 = arith.index_cast %add3A_647 : i32 to index
        %swap3A_649 = arith.constant 64 : index
        %swap3A_650 = tpu.vector_load %arg11[%swap3A_648, %swap3A_649] {strides = array<i32>} : memref<40x448xf32, #tpu.memory_space<vmem>>, vector<16xf32>,
        tpu.vector_store %arg11[%swap3A_648, %swap3A_649], %get3A_643 {strides = array<i32>} : memref<40x448xf32, #tpu.memory_space<vmem>>, vector<16xf32>,
        %mul3A_651 = arith.constant 2 : i32
        %mul3A_652 = arith.muli %scan3A_189, %mul3A_651 : i32
        %add3A_653 = arith.constant 1 : i32
        %add3A_654 = arith.addi %mul3A_652, %add3A_653 : i32
        %get3A_655 = arith.index_cast %add3A_654 : i32 to index
        %get3A_656 = arith.constant 80 : index
        %get3A_657 = tpu.vector_load %arg9[%get3A_655, %get3A_656] {strides = array<i32>} : memref<40x512xf32, #tpu.memory_space<vmem>>, vector<16xf32>,
        %mul3A_658 = arith.constant 2 : i32
        %mul3A_659 = arith.muli %scan3A_189, %mul3A_658 : i32
        %add3A_660 = arith.constant 1 : i32
        %add3A_661 = arith.addi %mul3A_659, %add3A_660 : i32
        %swap3A_662 = arith.index_cast %add3A_661 : i32 to index
        %swap3A_663 = arith.constant 80 : index
        %swap3A_664 = tpu.vector_load %arg11[%swap3A_662, %swap3A_663] {strides = array<i32>} : memref<40x448xf32, #tpu.memory_space<vmem>>, vector<16xf32>,
        tpu.vector_store %arg11[%swap3A_662, %swap3A_663], %get3A_657 {strides = array<i32>} : memref<40x448xf32, #tpu.memory_space<vmem>>, vector<16xf32>,
        %mul3A_665 = arith.constant 2 : i32
        %mul3A_666 = arith.muli %scan3A_189, %mul3A_665 : i32
        %add3A_667 = arith.constant 1 : i32
        %add3A_668 = arith.addi %mul3A_666, %add3A_667 : i32
        %get3A_669 = arith.index_cast %add3A_668 : i32 to index
        %get3A_670 = arith.constant 96 : index
        %get3A_671 = tpu.vector_load %arg9[%get3A_669, %get3A_670] {strides = array<i32>} : memref<40x512xf32, #tpu.memory_space<vmem>>, vector<16xf32>,
        %mul3A_672 = arith.constant 2 : i32
        %mul3A_673 = arith.muli %scan3A_189, %mul3A_672 : i32
        %add3A_674 = arith.constant 1 : i32
        %add3A_675 = arith.addi %mul3A_673, %add3A_674 : i32
        %swap3A_676 = arith.index_cast %add3A_675 : i32 to index
        %swap3A_677 = arith.constant 96 : index
        %swap3A_678 = tpu.vector_load %arg11[%swap3A_676, %swap3A_677] {strides = array<i32>} : memref<40x448xf32, #tpu.memory_space<vmem>>, vector<16xf32>,
        tpu.vector_store %arg11[%swap3A_676, %swap3A_677], %get3A_671 {strides = array<i32>} : memref<40x448xf32, #tpu.memory_space<vmem>>, vector<16xf32>,
        %mul3A_679 = arith.constant 2 : i32
        %mul3A_680 = arith.muli %scan3A_189, %mul3A_679 : i32
        %add3A_681 = arith.constant 1 : i32
        %add3A_682 = arith.addi %mul3A_680, %add3A_681 : i32
        %get3A_683 = arith.index_cast %add3A_682 : i32 to index
        %get3A_684 = arith.constant 112 : index
        %get3A_685 = tpu.vector_load %arg9[%get3A_683, %get3A_684] {strides = array<i32>} : memref<40x512xf32, #tpu.memory_space<vmem>>, vector<16xf32>,
        %mul3A_686 = arith.constant 2 : i32
        %mul3A_687 = arith.muli %scan3A_189, %mul3A_686 : i32
        %add3A_688 = arith.constant 1 : i32
        %add3A_689 = arith.addi %mul3A_687, %add3A_688 : i32
        %swap3A_690 = arith.index_cast %add3A_689 : i32 to index
        %swap3A_691 = arith.constant 112 : index
        %swap3A_692 = tpu.vector_load %arg11[%swap3A_690, %swap3A_691] {strides = array<i32>} : memref<40x448xf32, #tpu.memory_space<vmem>>, vector<16xf32>,
        tpu.vector_store %arg11[%swap3A_690, %swap3A_691], %get3A_685 {strides = array<i32>} : memref<40x448xf32, #tpu.memory_space<vmem>>, vector<16xf32>,
        %mul3A_693 = arith.constant 2 : i32
        %mul3A_694 = arith.muli %scan3A_189, %mul3A_693 : i32
        %add3A_695 = arith.constant 1 : i32
        %add3A_696 = arith.addi %mul3A_694, %add3A_695 : i32
        %get3A_697 = arith.index_cast %add3A_696 : i32 to index
        %get3A_698 = arith.constant 128 : index
        %get3A_699 = tpu.vector_load %arg9[%get3A_697, %get3A_698] {strides = array<i32>} : memref<40x512xf32, #tpu.memory_space<vmem>>, vector<16xf32>,
        %mul3A_700 = arith.constant 2 : i32
        %mul3A_701 = arith.muli %scan3A_189, %mul3A_700 : i32
        %add3A_702 = arith.constant 1 : i32
        %add3A_703 = arith.addi %mul3A_701, %add3A_702 : i32
        %swap3A_704 = arith.index_cast %add3A_703 : i32 to index
        %swap3A_705 = arith.constant 128 : index
        %swap3A_706 = tpu.vector_load %arg11[%swap3A_704, %swap3A_705] {strides = array<i32>} : memref<40x448xf32, #tpu.memory_space<vmem>>, vector<16xf32>,
        tpu.vector_store %arg11[%swap3A_704, %swap3A_705], %get3A_699 {strides = array<i32>} : memref<40x448xf32, #tpu.memory_space<vmem>>, vector<16xf32>,
        %mul3A_707 = arith.constant 2 : i32
        %mul3A_708 = arith.muli %scan3A_189, %mul3A_707 : i32
        %add3A_709 = arith.constant 1 : i32
        %add3A_710 = arith.addi %mul3A_708, %add3A_709 : i32
        %get3A_711 = arith.index_cast %add3A_710 : i32 to index
        %get3A_712 = arith.constant 144 : index
        %get3A_713 = tpu.vector_load %arg9[%get3A_711, %get3A_712] {strides = array<i32>} : memref<40x512xf32, #tpu.memory_space<vmem>>, vector<16xf32>,
        %mul3A_714 = arith.constant 2 : i32
        %mul3A_715 = arith.muli %scan3A_189, %mul3A_714 : i32
        %add3A_716 = arith.constant 1 : i32
        %add3A_717 = arith.addi %mul3A_715, %add3A_716 : i32
        %swap3A_718 = arith.index_cast %add3A_717 : i32 to index
        %swap3A_719 = arith.constant 144 : index
        %swap3A_720 = tpu.vector_load %arg11[%swap3A_718, %swap3A_719] {strides = array<i32>} : memref<40x448xf32, #tpu.memory_space<vmem>>, vector<16xf32>,
        tpu.vector_store %arg11[%swap3A_718, %swap3A_719], %get3A_713 {strides = array<i32>} : memref<40x448xf32, #tpu.memory_space<vmem>>, vector<16xf32>,
        %mul3A_721 = arith.constant 2 : i32
        %mul3A_722 = arith.muli %scan3A_189, %mul3A_721 : i32
        %add3A_723 = arith.constant 1 : i32
        %add3A_724 = arith.addi %mul3A_722, %add3A_723 : i32
        %get3A_725 = arith.index_cast %add3A_724 : i32 to index
        %get3A_726 = arith.constant 160 : index
        %get3A_727 = tpu.vector_load %arg9[%get3A_725, %get3A_726] {strides = array<i32>} : memref<40x512xf32, #tpu.memory_space<vmem>>, vector<16xf32>,
        %mul3A_728 = arith.constant 2 : i32
        %mul3A_729 = arith.muli %scan3A_189, %mul3A_728 : i32
        %add3A_730 = arith.constant 1 : i32
        %add3A_731 = arith.addi %mul3A_729, %add3A_730 : i32
        %swap3A_732 = arith.index_cast %add3A_731 : i32 to index
        %swap3A_733 = arith.constant 160 : index
        %swap3A_734 = tpu.vector_load %arg11[%swap3A_732, %swap3A_733] {strides = array<i32>} : memref<40x448xf32, #tpu.memory_space<vmem>>, vector<16xf32>,
        tpu.vector_store %arg11[%swap3A_732, %swap3A_733], %get3A_727 {strides = array<i32>} : memref<40x448xf32, #tpu.memory_space<vmem>>, vector<16xf32>,
        %mul3A_735 = arith.constant 2 : i32
        %mul3A_736 = arith.muli %scan3A_189, %mul3A_735 : i32
        %add3A_737 = arith.constant 1 : i32
        %add3A_738 = arith.addi %mul3A_736, %add3A_737 : i32
        %get3A_739 = arith.index_cast %add3A_738 : i32 to index
        %get3A_740 = arith.constant 176 : index
        %get3A_741 = tpu.vector_load %arg9[%get3A_739, %get3A_740] {strides = array<i32>} : memref<40x512xf32, #tpu.memory_space<vmem>>, vector<16xf32>,
        %mul3A_742 = arith.constant 2 : i32
        %mul3A_743 = arith.muli %scan3A_189, %mul3A_742 : i32
        %add3A_744 = arith.constant 1 : i32
        %add3A_745 = arith.addi %mul3A_743, %add3A_744 : i32
        %swap3A_746 = arith.index_cast %add3A_745 : i32 to index
        %swap3A_747 = arith.constant 176 : index
        %swap3A_748 = tpu.vector_load %arg11[%swap3A_746, %swap3A_747] {strides = array<i32>} : memref<40x448xf32, #tpu.memory_space<vmem>>, vector<16xf32>,
        tpu.vector_store %arg11[%swap3A_746, %swap3A_747], %get3A_741 {strides = array<i32>} : memref<40x448xf32, #tpu.memory_space<vmem>>, vector<16xf32>,
        %mul3A_749 = arith.constant 2 : i32
        %mul3A_750 = arith.muli %scan3A_189, %mul3A_749 : i32
        %add3A_751 = arith.constant 1 : i32
        %add3A_752 = arith.addi %mul3A_750, %add3A_751 : i32
        %get3A_753 = arith.index_cast %add3A_752 : i32 to index
        %get3A_754 = arith.constant 192 : index
        %get3A_755 = tpu.vector_load %arg9[%get3A_753, %get3A_754] {strides = array<i32>} : memref<40x512xf32, #tpu.memory_space<vmem>>, vector<16xf32>,
        %mul3A_756 = arith.constant 2 : i32
        %mul3A_757 = arith.muli %scan3A_189, %mul3A_756 : i32
        %add3A_758 = arith.constant 1 : i32
        %add3A_759 = arith.addi %mul3A_757, %add3A_758 : i32
        %swap3A_760 = arith.index_cast %add3A_759 : i32 to index
        %swap3A_761 = arith.constant 192 : index
        %swap3A_762 = tpu.vector_load %arg11[%swap3A_760, %swap3A_761] {strides = array<i32>} : memref<40x448xf32, #tpu.memory_space<vmem>>, vector<16xf32>,
        tpu.vector_store %arg11[%swap3A_760, %swap3A_761], %get3A_755 {strides = array<i32>} : memref<40x448xf32, #tpu.memory_space<vmem>>, vector<16xf32>,
        %mul3A_763 = arith.constant 2 : i32
        %mul3A_764 = arith.muli %scan3A_189, %mul3A_763 : i32
        %add3A_765 = arith.constant 1 : i32
        %add3A_766 = arith.addi %mul3A_764, %add3A_765 : i32
        %get3A_767 = arith.index_cast %add3A_766 : i32 to index
        %get3A_768 = arith.constant 208 : index
        %get3A_769 = tpu.vector_load %arg9[%get3A_767, %get3A_768] {strides = array<i32>} : memref<40x512xf32, #tpu.memory_space<vmem>>, vector<16xf32>,
        %mul3A_770 = arith.constant 2 : i32
        %mul3A_771 = arith.muli %scan3A_189, %mul3A_770 : i32
        %add3A_772 = arith.constant 1 : i32
        %add3A_773 = arith.addi %mul3A_771, %add3A_772 : i32
        %swap3A_774 = arith.index_cast %add3A_773 : i32 to index
        %swap3A_775 = arith.constant 208 : index
        %swap3A_776 = tpu.vector_load %arg11[%swap3A_774, %swap3A_775] {strides = array<i32>} : memref<40x448xf32, #tpu.memory_space<vmem>>, vector<16xf32>,
        tpu.vector_store %arg11[%swap3A_774, %swap3A_775], %get3A_769 {strides = array<i32>} : memref<40x448xf32, #tpu.memory_space<vmem>>, vector<16xf32>,
        %mul3A_777 = arith.constant 2 : i32
        %mul3A_778 = arith.muli %scan3A_189, %mul3A_777 : i32
        %add3A_779 = arith.constant 1 : i32
        %add3A_780 = arith.addi %mul3A_778, %add3A_779 : i32
        %get3A_781 = arith.index_cast %add3A_780 : i32 to index
        %get3A_782 = arith.constant 224 : index
        %get3A_783 = tpu.vector_load %arg9[%get3A_781, %get3A_782] {strides = array<i32>} : memref<40x512xf32, #tpu.memory_space<vmem>>, vector<16xf32>,
        %mul3A_784 = arith.constant 2 : i32
        %mul3A_785 = arith.muli %scan3A_189, %mul3A_784 : i32
        %add3A_786 = arith.constant 1 : i32
        %add3A_787 = arith.addi %mul3A_785, %add3A_786 : i32
        %swap3A_788 = arith.index_cast %add3A_787 : i32 to index
        %swap3A_789 = arith.constant 224 : index
        %swap3A_790 = tpu.vector_load %arg11[%swap3A_788, %swap3A_789] {strides = array<i32>} : memref<40x448xf32, #tpu.memory_space<vmem>>, vector<16xf32>,
        tpu.vector_store %arg11[%swap3A_788, %swap3A_789], %get3A_783 {strides = array<i32>} : memref<40x448xf32, #tpu.memory_space<vmem>>, vector<16xf32>,
        %mul3A_791 = arith.constant 2 : i32
        %mul3A_792 = arith.muli %scan3A_189, %mul3A_791 : i32
        %add3A_793 = arith.constant 1 : i32
        %add3A_794 = arith.addi %mul3A_792, %add3A_793 : i32
        %get3A_795 = arith.index_cast %add3A_794 : i32 to index
        %get3A_796 = arith.constant 240 : index
        %get3A_797 = tpu.vector_load %arg9[%get3A_795, %get3A_796] {strides = array<i32>} : memref<40x512xf32, #tpu.memory_space<vmem>>, vector<16xf32>,
        %mul3A_798 = arith.constant 2 : i32
        %mul3A_799 = arith.muli %scan3A_189, %mul3A_798 : i32
        %add3A_800 = arith.constant 1 : i32
        %add3A_801 = arith.addi %mul3A_799, %add3A_800 : i32
        %swap3A_802 = arith.index_cast %add3A_801 : i32 to index
        %swap3A_803 = arith.constant 240 : index
        %swap3A_804 = tpu.vector_load %arg11[%swap3A_802, %swap3A_803] {strides = array<i32>} : memref<40x448xf32, #tpu.memory_space<vmem>>, vector<16xf32>,
        tpu.vector_store %arg11[%swap3A_802, %swap3A_803], %get3A_797 {strides = array<i32>} : memref<40x448xf32, #tpu.memory_space<vmem>>, vector<16xf32>,
        %mul3A_805 = arith.constant 2 : i32
        %mul3A_806 = arith.muli %scan3A_189, %mul3A_805 : i32
        %add3A_807 = arith.constant 1 : i32
        %add3A_808 = arith.addi %mul3A_806, %add3A_807 : i32
        %get3A_809 = arith.index_cast %add3A_808 : i32 to index
        %get3A_810 = arith.constant 256 : index
        %get3A_811 = tpu.vector_load %arg9[%get3A_809, %get3A_810] {strides = array<i32>} : memref<40x512xf32, #tpu.memory_space<vmem>>, vector<16xf32>,
        %mul3A_812 = arith.constant 2 : i32
        %mul3A_813 = arith.muli %scan3A_189, %mul3A_812 : i32
        %add3A_814 = arith.constant 1 : i32
        %add3A_815 = arith.addi %mul3A_813, %add3A_814 : i32
        %swap3A_816 = arith.index_cast %add3A_815 : i32 to index
        %swap3A_817 = arith.constant 256 : index
        %swap3A_818 = tpu.vector_load %arg11[%swap3A_816, %swap3A_817] {strides = array<i32>} : memref<40x448xf32, #tpu.memory_space<vmem>>, vector<16xf32>,
        tpu.vector_store %arg11[%swap3A_816, %swap3A_817], %get3A_811 {strides = array<i32>} : memref<40x448xf32, #tpu.memory_space<vmem>>, vector<16xf32>,
        %mul3A_819 = arith.constant 2 : i32
        %mul3A_820 = arith.muli %scan3A_189, %mul3A_819 : i32
        %add3A_821 = arith.constant 1 : i32
        %add3A_822 = arith.addi %mul3A_820, %add3A_821 : i32
        %get3A_823 = arith.index_cast %add3A_822 : i32 to index
        %get3A_824 = arith.constant 272 : index
        %get3A_825 = tpu.vector_load %arg9[%get3A_823, %get3A_824] {strides = array<i32>} : memref<40x512xf32, #tpu.memory_space<vmem>>, vector<16xf32>,
        %mul3A_826 = arith.constant 2 : i32
        %mul3A_827 = arith.muli %scan3A_189, %mul3A_826 : i32
        %add3A_828 = arith.constant 1 : i32
        %add3A_829 = arith.addi %mul3A_827, %add3A_828 : i32
        %swap3A_830 = arith.index_cast %add3A_829 : i32 to index
        %swap3A_831 = arith.constant 272 : index
        %swap3A_832 = tpu.vector_load %arg11[%swap3A_830, %swap3A_831] {strides = array<i32>} : memref<40x448xf32, #tpu.memory_space<vmem>>, vector<16xf32>,
        tpu.vector_store %arg11[%swap3A_830, %swap3A_831], %get3A_825 {strides = array<i32>} : memref<40x448xf32, #tpu.memory_space<vmem>>, vector<16xf32>,
        %mul3A_833 = arith.constant 2 : i32
        %mul3A_834 = arith.muli %scan3A_189, %mul3A_833 : i32
        %add3A_835 = arith.constant 1 : i32
        %add3A_836 = arith.addi %mul3A_834, %add3A_835 : i32
        %get3A_837 = arith.index_cast %add3A_836 : i32 to index
        %get3A_838 = arith.constant 288 : index
        %get3A_839 = tpu.vector_load %arg9[%get3A_837, %get3A_838] {strides = array<i32>} : memref<40x512xf32, #tpu.memory_space<vmem>>, vector<16xf32>,
        %mul3A_840 = arith.constant 2 : i32
        %mul3A_841 = arith.muli %scan3A_189, %mul3A_840 : i32
        %add3A_842 = arith.constant 1 : i32
        %add3A_843 = arith.addi %mul3A_841, %add3A_842 : i32
        %swap3A_844 = arith.index_cast %add3A_843 : i32 to index
        %swap3A_845 = arith.constant 288 : index
        %swap3A_846 = tpu.vector_load %arg11[%swap3A_844, %swap3A_845] {strides = array<i32>} : memref<40x448xf32, #tpu.memory_space<vmem>>, vector<16xf32>,
        tpu.vector_store %arg11[%swap3A_844, %swap3A_845], %get3A_839 {strides = array<i32>} : memref<40x448xf32, #tpu.memory_space<vmem>>, vector<16xf32>,
        %mul3A_847 = arith.constant 2 : i32
        %mul3A_848 = arith.muli %scan3A_189, %mul3A_847 : i32
        %add3A_849 = arith.constant 1 : i32
        %add3A_850 = arith.addi %mul3A_848, %add3A_849 : i32
        %get3A_851 = arith.index_cast %add3A_850 : i32 to index
        %get3A_852 = arith.constant 304 : index
        %get3A_853 = tpu.vector_load %arg9[%get3A_851, %get3A_852] {strides = array<i32>} : memref<40x512xf32, #tpu.memory_space<vmem>>, vector<16xf32>,
        %mul3A_854 = arith.constant 2 : i32
        %mul3A_855 = arith.muli %scan3A_189, %mul3A_854 : i32
        %add3A_856 = arith.constant 1 : i32
        %add3A_857 = arith.addi %mul3A_855, %add3A_856 : i32
        %swap3A_858 = arith.index_cast %add3A_857 : i32 to index
        %swap3A_859 = arith.constant 304 : index
        %swap3A_860 = tpu.vector_load %arg11[%swap3A_858, %swap3A_859] {strides = array<i32>} : memref<40x448xf32, #tpu.memory_space<vmem>>, vector<16xf32>,
        tpu.vector_store %arg11[%swap3A_858, %swap3A_859], %get3A_853 {strides = array<i32>} : memref<40x448xf32, #tpu.memory_space<vmem>>, vector<16xf32>,
        %mul3A_861 = arith.constant 2 : i32
        %mul3A_862 = arith.muli %scan3A_189, %mul3A_861 : i32
        %add3A_863 = arith.constant 1 : i32
        %add3A_864 = arith.addi %mul3A_862, %add3A_863 : i32
        %get3A_865 = arith.index_cast %add3A_864 : i32 to index
        %get3A_866 = arith.constant 320 : index
        %get3A_867 = tpu.vector_load %arg9[%get3A_865, %get3A_866] {strides = array<i32>} : memref<40x512xf32, #tpu.memory_space<vmem>>, vector<16xf32>,
        %mul3A_868 = arith.constant 2 : i32
        %mul3A_869 = arith.muli %scan3A_189, %mul3A_868 : i32
        %add3A_870 = arith.constant 1 : i32
        %add3A_871 = arith.addi %mul3A_869, %add3A_870 : i32
        %swap3A_872 = arith.index_cast %add3A_871 : i32 to index
        %swap3A_873 = arith.constant 320 : index
        %swap3A_874 = tpu.vector_load %arg11[%swap3A_872, %swap3A_873] {strides = array<i32>} : memref<40x448xf32, #tpu.memory_space<vmem>>, vector<16xf32>,
        tpu.vector_store %arg11[%swap3A_872, %swap3A_873], %get3A_867 {strides = array<i32>} : memref<40x448xf32, #tpu.memory_space<vmem>>, vector<16xf32>,
        %mul3A_875 = arith.constant 2 : i32
        %mul3A_876 = arith.muli %scan3A_189, %mul3A_875 : i32
        %add3A_877 = arith.constant 1 : i32
        %add3A_878 = arith.addi %mul3A_876, %add3A_877 : i32
        %get3A_879 = arith.index_cast %add3A_878 : i32 to index
        %get3A_880 = arith.constant 336 : index
        %get3A_881 = tpu.vector_load %arg9[%get3A_879, %get3A_880] {strides = array<i32>} : memref<40x512xf32, #tpu.memory_space<vmem>>, vector<16xf32>,
        %mul3A_882 = arith.constant 2 : i32
        %mul3A_883 = arith.muli %scan3A_189, %mul3A_882 : i32
        %add3A_884 = arith.constant 1 : i32
        %add3A_885 = arith.addi %mul3A_883, %add3A_884 : i32
        %swap3A_886 = arith.index_cast %add3A_885 : i32 to index
        %swap3A_887 = arith.constant 336 : index
        %swap3A_888 = tpu.vector_load %arg11[%swap3A_886, %swap3A_887] {strides = array<i32>} : memref<40x448xf32, #tpu.memory_space<vmem>>, vector<16xf32>,
        tpu.vector_store %arg11[%swap3A_886, %swap3A_887], %get3A_881 {strides = array<i32>} : memref<40x448xf32, #tpu.memory_space<vmem>>, vector<16xf32>,
        %mul3A_889 = arith.constant 2 : i32
        %mul3A_890 = arith.muli %scan3A_189, %mul3A_889 : i32
        %add3A_891 = arith.constant 1 : i32
        %add3A_892 = arith.addi %mul3A_890, %add3A_891 : i32
        %get3A_893 = arith.index_cast %add3A_892 : i32 to index
        %get3A_894 = arith.constant 352 : index
        %get3A_895 = tpu.vector_load %arg9[%get3A_893, %get3A_894] {strides = array<i32>} : memref<40x512xf32, #tpu.memory_space<vmem>>, vector<16xf32>,
        %mul3A_896 = arith.constant 2 : i32
        %mul3A_897 = arith.muli %scan3A_189, %mul3A_896 : i32
        %add3A_898 = arith.constant 1 : i32
        %add3A_899 = arith.addi %mul3A_897, %add3A_898 : i32
        %swap3A_900 = arith.index_cast %add3A_899 : i32 to index
        %swap3A_901 = arith.constant 352 : index
        %swap3A_902 = tpu.vector_load %arg11[%swap3A_900, %swap3A_901] {strides = array<i32>} : memref<40x448xf32, #tpu.memory_space<vmem>>, vector<16xf32>,
        tpu.vector_store %arg11[%swap3A_900, %swap3A_901], %get3A_895 {strides = array<i32>} : memref<40x448xf32, #tpu.memory_space<vmem>>, vector<16xf32>,
        %mul3A_903 = arith.constant 2 : i32
        %mul3A_904 = arith.muli %scan3A_189, %mul3A_903 : i32
        %add3A_905 = arith.constant 1 : i32
        %add3A_906 = arith.addi %mul3A_904, %add3A_905 : i32
        %get3A_907 = arith.index_cast %add3A_906 : i32 to index
        %get3A_908 = arith.constant 368 : index
        %get3A_909 = tpu.vector_load %arg9[%get3A_907, %get3A_908] {strides = array<i32>} : memref<40x512xf32, #tpu.memory_space<vmem>>, vector<16xf32>,
        %mul3A_910 = arith.constant 2 : i32
        %mul3A_911 = arith.muli %scan3A_189, %mul3A_910 : i32
        %add3A_912 = arith.constant 1 : i32
        %add3A_913 = arith.addi %mul3A_911, %add3A_912 : i32
        %swap3A_914 = arith.index_cast %add3A_913 : i32 to index
        %swap3A_915 = arith.constant 368 : index
        %swap3A_916 = tpu.vector_load %arg11[%swap3A_914, %swap3A_915] {strides = array<i32>} : memref<40x448xf32, #tpu.memory_space<vmem>>, vector<16xf32>,
        tpu.vector_store %arg11[%swap3A_914, %swap3A_915], %get3A_909 {strides = array<i32>} : memref<40x448xf32, #tpu.memory_space<vmem>>, vector<16xf32>,
        %mul3A_917 = arith.constant 2 : i32
        %mul3A_918 = arith.muli %scan3A_189, %mul3A_917 : i32
        %add3A_919 = arith.constant 1 : i32
        %add3A_920 = arith.addi %mul3A_918, %add3A_919 : i32
        %get3A_921 = arith.index_cast %add3A_920 : i32 to index
        %get3A_922 = arith.constant 384 : index
        %get3A_923 = tpu.vector_load %arg9[%get3A_921, %get3A_922] {strides = array<i32>} : memref<40x512xf32, #tpu.memory_space<vmem>>, vector<16xf32>,
        %mul3A_924 = arith.constant 2 : i32
        %mul3A_925 = arith.muli %scan3A_189, %mul3A_924 : i32
        %add3A_926 = arith.constant 1 : i32
        %add3A_927 = arith.addi %mul3A_925, %add3A_926 : i32
        %swap3A_928 = arith.index_cast %add3A_927 : i32 to index
        %swap3A_929 = arith.constant 384 : index
        %swap3A_930 = tpu.vector_load %arg11[%swap3A_928, %swap3A_929] {strides = array<i32>} : memref<40x448xf32, #tpu.memory_space<vmem>>, vector<16xf32>,
        tpu.vector_store %arg11[%swap3A_928, %swap3A_929], %get3A_923 {strides = array<i32>} : memref<40x448xf32, #tpu.memory_space<vmem>>, vector<16xf32>,
        %mul3A_931 = arith.constant 2 : i32
        %mul3A_932 = arith.muli %scan3A_189, %mul3A_931 : i32
        %add3A_933 = arith.constant 1 : i32
        %add3A_934 = arith.addi %mul3A_932, %add3A_933 : i32
        %get3A_935 = arith.index_cast %add3A_934 : i32 to index
        %get3A_936 = arith.constant 400 : index
        %get3A_937 = tpu.vector_load %arg9[%get3A_935, %get3A_936] {strides = array<i32>} : memref<40x512xf32, #tpu.memory_space<vmem>>, vector<16xf32>,
        %mul3A_938 = arith.constant 2 : i32
        %mul3A_939 = arith.muli %scan3A_189, %mul3A_938 : i32
        %add3A_940 = arith.constant 1 : i32
        %add3A_941 = arith.addi %mul3A_939, %add3A_940 : i32
        %swap3A_942 = arith.index_cast %add3A_941 : i32 to index
        %swap3A_943 = arith.constant 400 : index
        %swap3A_944 = tpu.vector_load %arg11[%swap3A_942, %swap3A_943] {strides = array<i32>} : memref<40x448xf32, #tpu.memory_space<vmem>>, vector<16xf32>,
        tpu.vector_store %arg11[%swap3A_942, %swap3A_943], %get3A_937 {strides = array<i32>} : memref<40x448xf32, #tpu.memory_space<vmem>>, vector<16xf32>,
        %mul3A_945 = arith.constant 2 : i32
        %mul3A_946 = arith.muli %scan3A_189, %mul3A_945 : i32
        %add3A_947 = arith.constant 1 : i32
        %add3A_948 = arith.addi %mul3A_946, %add3A_947 : i32
        %get3A_949 = arith.index_cast %add3A_948 : i32 to index
        %get3A_950 = arith.constant 416 : index
        %get3A_951 = tpu.vector_load %arg9[%get3A_949, %get3A_950] {strides = array<i32>} : memref<40x512xf32, #tpu.memory_space<vmem>>, vector<16xf32>,
        %mul3A_952 = arith.constant 2 : i32
        %mul3A_953 = arith.muli %scan3A_189, %mul3A_952 : i32
        %add3A_954 = arith.constant 1 : i32
        %add3A_955 = arith.addi %mul3A_953, %add3A_954 : i32
        %swap3A_956 = arith.index_cast %add3A_955 : i32 to index
        %swap3A_957 = arith.constant 416 : index
        %swap3A_958 = tpu.vector_load %arg11[%swap3A_956, %swap3A_957] {strides = array<i32>} : memref<40x448xf32, #tpu.memory_space<vmem>>, vector<16xf32>,
        tpu.vector_store %arg11[%swap3A_956, %swap3A_957], %get3A_951 {strides = array<i32>} : memref<40x448xf32, #tpu.memory_space<vmem>>, vector<16xf32>,
        %mul3A_959 = arith.constant 2 : i32
        %mul3A_960 = arith.muli %scan3A_189, %mul3A_959 : i32
        %add3A_961 = arith.constant 1 : i32
        %add3A_962 = arith.addi %mul3A_960, %add3A_961 : i32
        %get3A_963 = arith.index_cast %add3A_962 : i32 to index
        %get3A_964 = arith.constant 432 : index
        %get3A_965 = tpu.vector_load %arg9[%get3A_963, %get3A_964] {strides = array<i32>} : memref<40x512xf32, #tpu.memory_space<vmem>>, vector<16xf32>,
        %mul3A_966 = arith.constant 2 : i32
        %mul3A_967 = arith.muli %scan3A_189, %mul3A_966 : i32
        %add3A_968 = arith.constant 1 : i32
        %add3A_969 = arith.addi %mul3A_967, %add3A_968 : i32
        %swap3A_970 = arith.index_cast %add3A_969 : i32 to index
        %swap3A_971 = arith.constant 432 : index
        %swap3A_972 = tpu.vector_load %arg11[%swap3A_970, %swap3A_971] {strides = array<i32>} : memref<40x448xf32, #tpu.memory_space<vmem>>, vector<16xf32>,
        tpu.vector_store %arg11[%swap3A_970, %swap3A_971], %get3A_965 {strides = array<i32>} : memref<40x448xf32, #tpu.memory_space<vmem>>, vector<16xf32>,
        %scan3A_973 = arith.constant 0 : i32
        scf.yield %scan3A_973 : i32
      }
      %scan3A_173 = arith.constant 20 : i32
      %mul3A_174 = arith.constant 40 : i32
      %mul3A_175 = arith.muli %add3A_155, %mul3A_174 : i32
      %add3A_176 = arith.addi %mul3A_2, %mul3A_175 : i32
      %dma_start3A_177 = arith.constant 0 : i32
      %dma_start3A_178 = tpu.memref_slice %arg4[%add3A_176, %dma_start3A_177] : memref<204800x448xf32, #tpu.memory_space<hbm>> -> memref<40x448xf32, #tpu.memory_space<hbm>>
      %dma_start3A_179 = arith.constant 0 : i32
      %dma_start3A_180 = tpu.memref_slice %arg4[%add3A_176, %dma_start3A_179] : memref<204800x448xf32, #tpu.memory_space<hbm>> -> memref<40x448xf32, #tpu.memory_space<hbm>>
      tpu.enqueue_dma source(%arg11 : memref<40x448xf32, #tpu.memory_space<vmem>>) target(%dma_start3A_180 : memref<40x448xf32, #tpu.memory_space<hbm>>) target_semaphore(%arg17 : memref<!tpu.dma_semaphore, #tpu.memory_space<semaphore_mem>>)
      %add3A_181 = arith.constant 4 : i32
      %add3A_182 = arith.addi %add3A_155, %add3A_181 : i32
      %lt3A_183 = arith.constant 160 : i32
      %lt3A_184 = arith.cmpi slt, %add3A_182, %lt3A_183 : i32
      %convert_element_type3A_185 = arith.extui %lt3A_184 : i1 to i32
      %cond3A_186 = arith.constant 0 : i32
      %cond3A_187 = arith.cmpi ne, %convert_element_type3A_185, %cond3A_186 : i32
      scf.if %cond3A_187 {
        %add3A_189 = arith.constant 4 : i32
        %add3A_190 = arith.addi %add3A_155, %add3A_189 : i32
        %mul3A_191 = arith.constant 40 : i32
        %mul3A_192 = arith.muli %add3A_190, %mul3A_191 : i32
        %add3A_193 = arith.constant 8 : i32
        %add3A_194 = arith.addi %add3A_193, %mul3A_192 : i32
        %dma_start3A_195 = tpu.memref_slice %arg5[%add3A_194] : memref<6408xi32, #tpu.memory_space<vmem>> -> memref<40xi32, #tpu.memory_space<vmem>>
        %dma_start3A_196 = arith.constant 0 : i32
        %dma_start3A_197 = arith.constant 0 : i32
        %dma_start3A_198 = tpu.memref_slice %arg3[%dma_start3A_196, %dma_start3A_197] : memref<8192x512xf32, #tpu.memory_space<hbm>> -> memref<8192x512xf32, #tpu.memory_space<hbm>>
        tpu.enqueue_indirect_dma source(%dma_start3A_198 : memref<8192x512xf32, #tpu.memory_space<hbm>>) target(%arg9 : memref<40x512xf32, #tpu.memory_space<vmem>>) offsets(%dma_start3A_195 : memref<40xi32, #tpu.memory_space<vmem>>) semaphore(%arg15 : memref<!tpu.dma_semaphore, #tpu.memory_space<semaphore_mem>>)
      } else {
      }
      %scan3A_188 = arith.constant 0 : i32
      scf.yield %scan3A_188 : i32
    }
    %scan3A_34 = arith.constant 40 : i32
    %dma_wait3A = arith.constant 0 : i32
    %dma_wait3A_35 = arith.constant 0 : i32
    %dma_wait3A_36 = tpu.memref_slice %arg4[%dma_wait3A, %dma_wait3A_35] : memref<204800x448xf32, #tpu.memory_space<hbm>> -> memref<40x448xf32, #tpu.memory_space<hbm>>
    %dma_wait3A_37 = arith.constant 0 : i32
    %dma_wait3A_38 = arith.constant 0 : i32
    %dma_wait3A_39 = tpu.memref_slice %arg4[%dma_wait3A_37, %dma_wait3A_38] : memref<204800x448xf32, #tpu.memory_space<hbm>> -> memref<40x448xf32, #tpu.memory_space<hbm>>
    tpu.wait_dma2 semaphore(%arg16 : memref<!tpu.dma_semaphore, #tpu.memory_space<semaphore_mem>>) src(%arg10 : memref<40x448xf32, #tpu.memory_space<vmem>>) dst(%dma_wait3A_39 : memref<40x448xf32, #tpu.memory_space<hbm>>)
    %dma_wait3A_40 = arith.constant 0 : i32
    %dma_wait3A_41 = arith.constant 0 : i32
    %dma_wait3A_42 = tpu.memref_slice %arg4[%dma_wait3A_40, %dma_wait3A_41] : memref<204800x448xf32, #tpu.memory_space<hbm>> -> memref<40x448xf32, #tpu.memory_space<hbm>>
    %dma_wait3A_43 = arith.constant 0 : i32
    %dma_wait3A_44 = arith.constant 0 : i32
    %dma_wait3A_45 = tpu.memref_slice %arg4[%dma_wait3A_43, %dma_wait3A_44] : memref<204800x448xf32, #tpu.memory_space<hbm>> -> memref<40x448xf32, #tpu.memory_space<hbm>>
    tpu.wait_dma2 semaphore(%arg17 : memref<!tpu.dma_semaphore, #tpu.memory_space<semaphore_mem>>) src(%arg11 : memref<40x448xf32, #tpu.memory_space<vmem>>) dst(%dma_wait3A_45 : memref<40x448xf32, #tpu.memory_space<hbm>>)
    return
  }
}

module attributes {stable_mosaic.version = 14 : i64} {
  func.func @_scale_body(%arg0: i32, %arg1: memref<512x448xf32, #tpu.memory_space<vmem>>, %arg2: memref<1x448xf32, #tpu.memory_space<vmem>>, %arg3: memref<512x512xf32, #tpu.memory_space<vmem>>) attributes {dimension_semantics = [#tpu.dimension_semantics<arbitrary>], iteration_bounds = array<i64: 16>, scalar_prefetch = 0 : i64, scratch_operands = 0 : i64, tpu.core_type = #tpu.core_type<tc>, window_params = [{transform_indices = @transform_0, window_bounds = array<i64: 512, 448>}, {pipeline_mode = #tpu.pipeline_mode<synchronous>, transform_indices = @transform_1, window_bounds = array<i64: 1, 448>}, {transform_indices = @transform_2, window_bounds = array<i64: 512, 512>}]} {
    %get3A = arith.constant 0 : index
    %get3A_0 = arith.constant 0 : index
    %get3A_1 = vector.load %arg1[%get3A, %get3A_0] : memref<512x448xf32, #tpu.memory_space<vmem>>, vector<512x448xf32>
    %get3A_2 = arith.constant 0 : index
    %get3A_3 = arith.constant 0 : index
    %get3A_4 = vector.load %arg2[%get3A_2, %get3A_3] : memref<1x448xf32, #tpu.memory_space<vmem>>, vector<1x448xf32>
    %logistic3A = arith.negf %get3A_4 : vector<1x448xf32>
    %logistic3A_5 = math.exp %logistic3A : vector<1x448xf32>
    %logistic3A_6 = arith.constant 1.000000e+00 : f32
    %logistic3A_7 = vector.broadcast %logistic3A_6 : f32 to vector<1x448xf32>
    %logistic3A_8 = arith.addf %logistic3A_7, %logistic3A_5 : vector<1x448xf32>
    %logistic3A_9 = arith.divf %logistic3A_7, %logistic3A_8 : vector<1x448xf32>
    %mul3A = vector.broadcast %logistic3A_9 : vector<1x448xf32> to vector<512x448xf32>
    %mul3A_10 = arith.mulf %get3A_1, %mul3A : vector<512x448xf32>
    %swap3A = arith.constant 0 : index
    %swap3A_11 = arith.constant 0 : index
    %swap3A_12 = vector.load %arg3[%swap3A, %swap3A_11] : memref<512x512xf32, #tpu.memory_space<vmem>>, vector<512x448xf32>
    tpu.vector_store %arg3[%swap3A, %swap3A_11], %mul3A_10 {strides = array<i32>} : memref<512x512xf32, #tpu.memory_space<vmem>>, vector<512x448xf32>,
    %broadcast_in_dim3A = arith.constant 0.000000e+00 : f32
    %broadcast_in_dim3A_13 = vector.broadcast %broadcast_in_dim3A : f32 to vector<512x64xf32>
    %swap3A_14 = arith.constant 0 : index
    %swap3A_15 = arith.constant 448 : index
    %swap3A_16 = vector.load %arg3[%swap3A_14, %swap3A_15] : memref<512x512xf32, #tpu.memory_space<vmem>>, vector<512x64xf32>
    tpu.vector_store %arg3[%swap3A_14, %swap3A_15], %broadcast_in_dim3A_13 {strides = array<i32>} : memref<512x512xf32, #tpu.memory_space<vmem>>, vector<512x64xf32>,
    return
  }
  func.func @transform_0(%arg0: i32) -> (i32, i32) {
    %c0_i32 = arith.constant 0 : i32
    %c0_i32_0 = arith.constant 0 : i32
    return %arg0, %c0_i32 : i32, i32
  }
  func.func @transform_1(%arg0: i32) -> (i32, i32) {
    %c0_i32 = arith.constant 0 : i32
    %c0_i32_0 = arith.constant 0 : i32
    %c0_i32_1 = arith.constant 0 : i32
    return %c0_i32, %c0_i32_0 : i32, i32
  }
  func.func @transform_2(%arg0: i32) -> (i32, i32) {
    %c0_i32 = arith.constant 0 : i32
    %c0_i32_0 = arith.constant 0 : i32
    return %arg0, %c0_i32 : i32, i32
  }
}

</mosaic_0001>

<sc_bundles>
// kernel: kernel.4.cloned.1.call-start
scs
__scs_entry_jumppad:
0x0: {  	(pc) =	sbr.rel $0x88, $3  }
0x1: {  	(tag) =	ssettag $0x0;
	lr =	simm.s32 $0x1  }
0x2: {  	[smem:$0x3F9E] =	sst lr;
	_ =	strace $0xD0000000  }
0x3: {  	_ = 	snop  }
0x4: {  	_ = 	snop  }
0x5: {  	_ = 	snop  }
0x6: {  	_ = 	snop  }
0x7: {  	_ = 	snop  }
__scs_overlays_trampoline_lowered:
0x8: {  	[smem:$0x3FAD] =	sst s0  }
0x9: {  	[smem:$0x3FAE] =	sst s1  }
0xa: {  	[smem:$0x3FAF] =	sst s2  }
0xb: {  	[smem:$0x3FB0] =	sst s3  }
0xc: {  	[smem:$0x3FB1] =	sst s4  }
0xd: {  	[smem:$0x3FB2] =	sst s5  }
0xe: {  	[smem:$0x3FB3] =	sst s6  }
0xf: {  	[smem:$0x3FB4] =	sst s7  }
0x10: {  	[smem:$0x3FB5] =	sst s8  }
0x11: {  	[smem:$0x3FB6] =	sst s9;
	s0 =	simm.s32 @!p0 $0x0  }
0x12: {  	s1 =	sld [smem:$0x3F9C];
	s0 =	simm.s32 @p0 $0x1  }
0x13: {  	[smem:$0x3FB7] =	sst s0;
	s0 =	simm.s32 @!p1 $0x0  }
0x14: {  	s2 =	sld [smem:$0x3F9B];
	s0 =	simm.s32 @p1 $0x1  }
0x15: {  	[smem:$0x3FB8] =	sst s0;
	s0 =	simm.s32 @!p2 $0x0  }
0x16: {  	s3 =	sld [smem:$0x3FDB];
	s0 =	simm.s32 @p2 $0x1  }
0x17: {  	s4 =	simm.s32 $0x1BF5;
	[smem:$0x3FBA] =	sst s0  }
0x18: {  	s0 =	sld [smem:$0x3F9D];
	_ =	swait.ge [sflag:s4], $0x0  }
0x19: {  	s7 =	sld [smem:$0x3F9E]  }
0x1a: {  	s8 =	sadd.s32 $0xFFFFE003, lr  }
0x1b: {  	s9 =	sadd.s32 $0xFFFFFEF7, lr;
	s5 =	simm.s32 $0xFFFFFFFF;
	p2 =	slt.u32 s8, $0xFFFFF086  }
0x1c: {  	p1 =	slt.u32 s9, $0xF7A;
	s5 =	simm.s32 @!p2 $0x0  }
0x1d: {  	s5 =	simm.s32 @p1 $0x1;
	p0 =	seq.s32 s7, s2  }
0x1e: {  	s7 =	smul.u32 @!p0 $0xF7A, s2;
	p2 =	seq.s32 @!p0 s5, $0x0  }
0x1f: {  	s9 =	smul.u32 $0xF7A, s1;
	s8 =	simm.s32 @!p0 $0x1BF5;
	p2 =	por !p2, p0  }
0x20: {  	[sflag:s8] =	ssyncset.s32 @!p0 $0xFFFFF086;
	s6 =	sadd.s32 @!p0 s3, s7;
	s7 =	simm.s32 @!p0 $0x108  }
0x21: {  	s3 =	sadd.s32 s3, s9;
	s6 =	sadd.s32 @!p0 $0x88, s6;
	s7 =	simm.s32 @p2 $0x1082  }
0x22: {  	[simem:s7], [sflag:s8] =	dma.local @!p0 [hbm:s6], $0xF7A  }
0x23: {  	s9 =	sor.u32 $0xD0000000, s2;
	s6 =	simm.s32 $0x108;
	_ =	swait.ge @!p0 [sflag:s8], $0x0  }
0x24: {  	s3 =	sadd.s32 $0x88, s3;
	s6 =	simm.s32 @!p1 $0x1082;
	[sflag:s4] =	ssyncset.s32 $0xFFFFF086  }
0x25: {  	[simem:s6], [sflag:s4] =	dma.local [hbm:s3], $0xF7A  }
0x26: {  	[smem:$0x3F9E] =	sst s1;
	(tag) =	ssettag s2;
	_ =	strace s9  }
0x27: {  	s1 =	sld [smem:$0x3FAE]  }
0x28: {  	s2 =	sld [smem:$0x3FAF]  }
0x29: {  	s4 =	sld [smem:$0x3FB1]  }
0x2a: {  	p0 =	seq.s32 s5, $0x0;
	s5 =	sld [smem:$0x3FB2]  }
0x2b: {  	s6 =	sld [smem:$0x3FB3]  }
0x2c: {  	s7 =	sld [smem:$0x3FB4]  }
0x2d: {  	s3 =	simm.s32 $0x108;
	s8 =	sld [smem:$0x3FB5]  }
0x2e: {  	s3 =	simm.s32 @!p0 $0x1082;
	s9 =	sld [smem:$0x3FB6]  }
0x2f: {  	lr =	sadd.s32 s0, s3;
	s0 =	sld [smem:$0x3FAD]  }
0x30: {  	s3 =	sld [smem:$0x3FB0]  }
0x31: {  	[smem:$0x3FB9] =	sst s10  }
0x32: {  	s10 =	sld [smem:$0x3FB7];
	_ =	sdelay $0x3  }
0x33: {  	p0 =	seq.s32 s10, $0x1;
	s10 =	sld [smem:$0x3FB9];
	_ =	sdelay $0x3  }
0x34: {  	[smem:$0x3FB9] =	sst s10  }
0x35: {  	s10 =	sld [smem:$0x3FB8];
	_ =	sdelay $0x3  }
0x36: {  	p1 =	seq.s32 s10, $0x1;
	s10 =	sld [smem:$0x3FB9];
	_ =	sdelay $0x3  }
0x37: {  	[smem:$0x3FB9] =	sst s10  }
0x38: {  	s10 =	sld [smem:$0x3FBA]  }
0x39: {  	_ = 	snop;
	(pc) =	sbr.ind lr, $3  }
0x3a: {  	_ = 	snop  }
0x3b: {  	_ = 	snop  }
0x3c: {  	p2 =	seq.s32 s10, $0x1;
	s10 =	sld [smem:$0x3FB9]  }
0x3d: {  	_ =	shalt  }
0x3e: {  	_ =	shalt  }
0x3f: {  	_ =	shalt  }
0x40: {  	_ =	shalt  }
0x41: {  	_ =	shalt  }
0x42: {  	_ =	shalt  }
0x43: {  	_ =	shalt  }
0x44: {  	_ =	shalt  }
0x45: {  	_ =	shalt  }
0x46: {  	_ =	shalt  }
0x47: {  	_ =	shalt  }
0x48: {  	_ =	shalt  }
0x49: {  	_ =	shalt  }
0x4a: {  	_ =	shalt  }
0x4b: {  	_ =	shalt  }
0x4c: {  	_ =	shalt  }
0x4d: {  	_ =	shalt  }
0x4e: {  	_ =	shalt  }
0x4f: {  	_ =	shalt  }
0x50: {  	_ =	shalt  }
0x51: {  	_ =	shalt  }
0x52: {  	_ =	shalt  }
0x53: {  	_ =	shalt  }
0x54: {  	_ =	shalt  }
0x55: {  	_ =	shalt  }
0x56: {  	_ =	shalt  }
0x57: {  	_ =	shalt  }
0x58: {  	_ =	shalt  }
0x59: {  	_ =	shalt  }
0x5a: {  	_ =	shalt  }
0x5b: {  	_ =	shalt  }
0x5c: {  	_ =	shalt  }
0x5d: {  	_ =	shalt  }
0x5e: {  	_ =	shalt  }
0x5f: {  	_ =	shalt  }
0x60: {  	_ =	shalt  }
0x61: {  	_ =	shalt  }
0x62: {  	_ =	shalt  }
0x63: {  	_ =	shalt  }
0x64: {  	_ =	shalt  }
0x65: {  	_ =	shalt  }
0x66: {  	_ =	shalt  }
0x67: {  	_ =	shalt  }
0x68: {  	_ =	shalt  }
0x69: {  	_ =	shalt  }
0x6a: {  	_ =	shalt  }
0x6b: {  	_ =	shalt  }
0x6c: {  	_ =	shalt  }
0x6d: {  	_ =	shalt  }
0x6e: {  	_ =	shalt  }
0x6f: {  	_ =	shalt  }
0x70: {  	_ =	shalt  }
0x71: {  	_ =	shalt  }
0x72: {  	_ =	shalt  }
0x73: {  	_ =	shalt  }
0x74: {  	_ =	shalt  }
0x75: {  	_ =	shalt  }
0x76: {  	_ =	shalt  }
0x77: {  	_ =	shalt  }
0x78: {  	_ =	shalt  }
0x79: {  	_ =	shalt  }
0x7a: {  	_ =	shalt  }
0x7b: {  	_ =	shalt  }
0x7c: {  	_ =	shalt  }
0x7d: {  	_ =	shalt  }
0x7e: {  	_ =	shalt  }
0x7f: {  	_ =	shalt  }
0x80: {  	_ =	shalt  }
0x81: {  	_ =	shalt  }
0x82: {  	_ =	shalt  }
0x83: {  	_ =	shalt  }
0x84: {  	_ =	shalt  }
0x85: {  	_ =	shalt  }
0x86: {  	_ =	shalt  }
0x87: {  	_ =	shalt  }
.Lfunc_end0:
.L_simem_size_0:
called_computation.1_lowered:
.L_overlay_start_0:
0x88: {  	s2 =	sld [smem:$0x3FD9]  }
0x89: {  	s3 =	sld [smem:$0x3FFE];
	_ =	sdelay $0x1  }
0x8a: {  	s1 =	srdreg.scid  }
0x8b: {  	s0 =	sand.u32 $0x1, s1  }
0x8c: {  	s17 =	sshll.u32 s0, $0xA;
	s2 =	sadd.s32 s3, s2  }
0x8d: {  	s2 =	sadd.s32 s2, s17  }
0x8e: {  	[smem:$0x3FC5] =	sst s2  }
0x8f: {  	_ = 	snop  }
0x90: {  	s2 =	sld [smem:$0x3FD0];
	(tm) =	ssettm $0x1  }
0x91: {  	s18 =	sld [smem:$0x3FFB];
	_ =	sdelay $0x3  }
0x92: {  	_ =	strace s18  }
0x93: {  	s3 =	sld [smem:$0x3FFC];
	_ =	sdelay $0x3  }
0x94: {  	_ =	strace s3  }
0x95: {  	s3 =	sld [smem:$0x3FFD];
	_ =	sdelay $0x3  }
0x96: {  	_ =	strace s3  }
0x97: {  	_ =	strace $0x8FFFFFFF  }
0x98: {  	s19 =	sld [smem:$0x3FDB];
	_ =	sdelay $0x1  }
0x99: {  	s4 =	simm.s32 $_scs_section_size  }
0x9a: {  	s5 =	simm.s32 $_size__tile_overlayer_lowered;
	s6 =	simm.s32 $_tile_overlayer_lowered  }
0x9b: {  	s22 =	simm.s32 $0x1BFF;
	s21 =	sshll.u32 s6, $0x1;
	s3 =	sadd.s32 s4, s19  }
0x9c: {  	s7 =	simm.s32 $0x0;
	s20 =	sshll.u32 s5, $0x1;
	s5 =	sadd.s32 s21, s3  }
0x9d: {  	[timem:s7], [sflag:s22] =	dma.local [hbm:s5], s20  }
0x9e: {  	_ =	swait.ge [sflag:s22], s20  }
0x9f: {  	s4 =	ssub.s32 $0x0, s20;
	[sflag:s22] =	ssyncset.done $0x0  }
0xa0: {  	[sflag:s22] =	ssyncadd.s32 s4;
	_ =	sdelay $0x1  }
0xa1: {  	s23 =	simm.s32 $0x1B8B  }
0xa2: {  	_ =	swait.ge [sflag:s23], $0x1  }
0xa3: {  	[sflag:s23] =	ssyncset.done $0x0  }
0xa4: {  	s25 =	simm.s32 $0x1B8E;
	s24 =	sld [smem:$0x3FFE];
	[sflag:s23] =	ssyncadd.s32 $0xFFFFFFFF  }
0xa5: {  	s26 =	simm.s32 $execute0_lowered;
	[smem:$0x3FD2] =	sst s25  }
0xa6: {  	s5 =	sshll.u32 s26, $0x1;
	_ =	strace $0x80000046;
	[dreg:$0x1] =	wrdreg $0xFFFFFFFF  }
0xa7: {  	s28 =	simm.s32 $_size_execute0_lowered;
	s3 =	sadd.s32 s3, s5;
	[dreg:$0x0] =	wrdreg $0x0  }
0xa8: {  	s5 =	sshll.u32 s28, $0x1;
	[dreg:$0x2] =	wrdreg s3  }
0xa9: {  	[dreg:$0x3] =	wrdreg s5  }
0xaa: {  	[dreg:$0x4] =	wrdreg $0xC0  }
0xab: {  	_ =	task [dreg:s7], $0x5FFFF  }
0xac: {  	[dreg:$0x1] =	wrdreg $0xFFFFFFFF  }
0xad: {  	[dreg:$0x0] =	wrdreg $0x60  }
0xae: {  	[dreg:$0x2] =	wrdreg s24  }
0xaf: {  	[dreg:$0x3] =	wrdreg s2  }
0xb0: {  	[dreg:$0x4] =	wrdreg $0x9  }
0xb1: {  	_ =	task.clear_ibuf [dreg:s7], $0x5FFFF;
	_ =	strace $0x90000046  }
0xb2: {  	s29 =	simm.s32 $0x9;
	_ =	strace $0x80000048  }
0xb3: {  	_ =	swait.ge [sflag:s29], $0x1  }
0xb4: {  	[sflag:s29] =	ssyncadd.s32 $0xFFFFFFFF  }
0xb5: {  	_ =	strace $0x90000048  }
0xb6: {  	_ =	sfence  }
0xb7: {  	s30 =	sld [smem:$0x0];
	_ =	sdelay $0x2  }
0xb8: {  	s31 =	sshll.u32 s1, $0xD;
	s1 =	sshrl.u32 s1, $0x2  }
0xb9: {  	s3 =	sand.u32 $0x4000, s31;
	s1 =	sadd.s32 s1, s30  }
0xba: {  	s0 =	sor.u32 s3, s0;
	s1 =	sshll.u32 s1, $0x11  }
0xbb: {  	s0 =	sor.u32 s1, s0  }
0xbc: {  	s0 =	sadd.s32 $0x8F2B, s0  }
0xbd: {  	[sflag:s0] =	ssyncadd.remote.s32 $0x1  }
0xbe: {  	_ =	sfence.sel $0xFFFF  }
0xbf: {  	[dreg:$0x0] =	wrdreg $0xFFFFFFFF;
	(pc) =	sbr.abs _section_cstart, $3  }
0xc0: {  	[dreg:$0x1] =	wrdreg $0xFFFFFFFF  }
0xc1: {  	_ =	task.clear_ibuf [dreg:s7], $0x2FFFF;
	_ =	strace $0x9FFFFFFF  }
0xc2: {  	(tm) =	ssettm $0x7FFFFFFF  }
0xc3: {  	_ =	shalt  }
tec
execute0_lowered:
.L_overlay_start_1:
0x0: {  	(tag) =	ssettag $0x1  }
0x1: {  	s0 =	srdreg.scid;
	s1 =	rddreg [dreg:$0x0]  }
0x2: {  	s4 =	stileid.u32;
	s2 =	rddreg [dreg:$0x1];
	s29 =	simm.s32 $0x12980  }
0x3: {  	s30 =	simm.s32 $0x13180;
	s31 =	simm.s32 $0x13980;
	s12 =	simm.s32 $0x15180  }
0x4: {  	s11 =	simm.s32 $0x15980;
	s13 =	simm.s32 $0x2;
	s14 =	simm.s32 $0x6  }
0x5: {  	s15 =	simm.s32 $0x1A980;
	s16 =	simm.s32 $0x3;
	s0 =	sand.u32 $0x1, s0  }
0x6: {  	s17 =	simm.s32 $0x5;
	s18 =	simm.s32 $0x4;
	s3 =	sshll.u32 s0, $0x4  }
0x7: {  	s20 =	simm.s32 $0x0;
	s0 =	ssub.s32 $0x2, s0;
	s4 =	sor.u32 s4, s3  }
0x8: {  	s3 =	simm.s32 $0x0;
	s6 =	sshrl.u32 s0, $0x1;
	s4 =	smul.u32 $0x1900, s4  }
0x9: {  	[smem:$0x7FF] =	sst s3;
	s0 =	ssub.s32 s0, s6;
	s6 =	simm.s32 $0x1  }
.Ltmp0:
0xa: {  	_ =	strace $0x80000047;
	s0 =	smax.u32 s0, $0x1;
	(pc) =	sbr.rel .LBB2_1-.Ltmp0, $4  }
0xb: {  	s5 =	sshrl.u32 s4, $0x3;
	s8 =	sor.u32 $0x28, s4;
	s9 =	sor.u32 $0x50, s4  }
0xc: {  	v0 =	vlaneseq.u32;
	s10 =	sor.u32 $0x78, s4;
	[dreg:$0x4] =	wrdreg s0;
	s7 =	sadd.s32 s5, s1  }
0xd: {  	vm0 =	vmmov $0xffff;
	v2 =	vshrl.u32 v0, $0x3;
	s0 =	simm.s32 $0x14980;
	s5 =	sadd.s32 $0x7000, s1;
	s28 =	sadd.s32 $0xC00, s7  }
0xe: {  	v1 =	vand.u32 $0x7, v0;
	v3 =	vor.u32 $0x8, v0;
	v2 =	vmul.u32 $0x8, v2;
	s1 =	simm.s32 $0x14180;
	s7 =	sadd.s32 $0x100, s2;
	[dreg:$0x3] =	wrdreg s28  }
.LBB2_18:
0xf: {  	_ =	swait.ge [sflag:s17], $0x5000  }
0x10: {  	[sflag:s17] =	ssyncset.done $0x0  }
0x11: {  	[sflag:s17] =	ssyncadd.s32 $0xFFFFB000  }
0x12: {  	_ =	swait.ge [sflag:s14], $0x5000  }
0x13: {  	s20 =	rddreg [dreg:$0x5]  }
0x14: {  	s19 =	rddreg [dreg:$0x4];
	s20 =	sadd.s32 $0x1, s20  }
0x15: {  	p0 =	sne.s32 s20, s19  }
.Ltmp1:
0x16: {  	_ = 	snop;
	(pc) =	sbr.rel @!p0 .LBB2_19-.Ltmp1, $3  }
0x17: {  	_ =	sdelay $0x1  }
0x18: {  	[sflag:s14] =	ssyncset.done $0x0  }
0x19: {  	[sflag:s14] =	ssyncadd.s32 $0xFFFFB000  }
.LBB2_1:
0x1a: {  	[dreg:$0x5] =	wrdreg s20  }
0x1b: {  	s19 =	rddreg [dreg:$0x3];
	s25 =	simm.s32 $0x8;
	s26 =	simm.s32 $0x7  }
0x1c: {  	[tilespmem:s25], [sflag:$0x7] =	stream.linear.gather [hbm4b:s19+s3], $0x1900, $0x38;
	[tilespmem:$0x1F980] =	vst v63  }
0x1d: {  	_ =	swait.ge [sflag:s26], $0x1900  }
0x1e: {  	[sflag:s26] =	ssyncset.done $0x0  }
0x1f: {  	s19 =	simm.s32 $0x18F8;
	[sflag:s26] =	ssyncadd.s32 $0xFFFFE700  }
0x20: {  	s28 =	simm.s32 $0x18F0;
	v4 =	vld [tilespmem:s19+$0xFFFFFFFF]  }
0x21: {  	v5 =	vor.u32 s28, v0  }
0x22: {  	v5 =	vmul.u32 $0xC28F5C29, v5  }
0x23: {  	v6 =	vld [tilespmem:s19+$0x0]  }
0x24: {  	v7 =	vshll.u32 v5, $0x1D;
	v5 =	vshrl.u32 v5, $0x3  }
0x25: {  	v5 =	vor.u32 v7, v5;
	v4 =	vmul.u32 $0x6A7, v4  }
0x26: {  	vm1 =	vle.u32 v5, $0x147AE14  }
0x27: {  	s20 =	simm.s32 $0x18E8;
	v5 =	vsel vm1, $0x0, v4  }
0x28: {  	s21 =	simm.s32 $0x18E0;
	s22 =	simm.s32 $0x18D0;
	v4 =	vld [tilespmem:s20+$0xFFFFFFFF];
	v5 =	vadd.s32 v6, v5  }
.LBB2_2:
0x29: {  	p0 =	sne.s32 s22, $0x0;
	v6 =	vor.u32 s21, v0;
	v5 =	vand.u32 $0x1FFF, v5;
	s21 =	smov.u32 s22  }
0x2a: {  	v6 =	vmul.u32 $0xC28F5C29, v6;
	[tilespmem:s19+$0x0] =	vst v5;
	s19 =	smov.u32 s20  }
0x2b: {  	v5 =	vld [tilespmem:s20+$0x0]  }
.Ltmp2:
0x2c: {  	v7 =	vshll.u32 v6, $0x1D;
	v6 =	vshrl.u32 v6, $0x3;
	(pc) =	sbr.rel @p0 .LBB2_2-.Ltmp2, $4  }
0x2d: {  	v6 =	vor.u32 v7, v6;
	v4 =	vmul.u32 $0x6A7, v4  }
0x2e: {  	vm1 =	vle.u32 v6, $0x147AE14  }
0x2f: {  	s20 =	sadd.s32 $0xFFFFFFF0, s20;
	v6 =	vsel vm1, $0x0, v4  }
0x30: {  	s22 =	sadd.s32 $0xFFFFFFF0, s22;
	v4 =	vld [tilespmem:s20+$0xFFFFFFFF];
	v5 =	vadd.s32 v5, v6  }
0x31: {  	v6 =	vor.u32 s21, v0;
	v5 =	vand.u32 $0x1FFF, v5  }
0x32: {  	[tilespmem:s19+$0x0] =	vst v5;
	v5 =	vmul.u32 $0xC28F5C29, v6  }
0x33: {  	v63 =	vld [tilespmem:s20+$0x0]  }
0x34: {  	v7 =	vshll.u32 v5, $0x1D;
	v5 =	vshrl.u32 v5, $0x3  }
0x35: {  	v5 =	vor.u32 v7, v5;
	v4 =	vmul.u32 $0x6A7, v4  }
0x36: {  	vm1 =	vle.u32 v5, $0x147AE14  }
0x37: {  	v4 =	vsel vm1, $0x0, v4  }
0x38: {  	v4 =	vadd.s32 v63, v4  }
0x39: {  	v4 =	vand.u32 $0x1FFF, v4  }
0x3a: {  	[tilespmem:s20+$0x0] =	vst v4  }
0x3b: {  	v4 =	vld [tilespmem:$0x8];
	_ =	sdelay $0x4  }
0x3c: {  	v5 =	vshll.u32 v4, $0x2  }
0x3d: {  	v4 =	vand.u32 $0x7, v4;
	v5 =	vand.u32 $0xFFFFFFE0, v5  }
0x3e: {  	v4 =	vor.u32 v4, v5  }
0x3f: {  	v5 =	vperm.xlane v4, v1;
	_ =	sdelay $0x1  }
0x40: {  	v5 =	vadd.s32 v2, v5;
	_ =	sdelay $0x1  }
0x41: {  	v4 =	vperm.xlane v4, v3;
	_ =	sdelay $0x1  }
0x42: {  	s22 =	simm.s32 $0x1980;
	s19 =	simm.s32 $0x0;
	v4 =	vadd.s32 v2, v4  }
0x43: {  	[tilespmem:s22], [sflag:$0x1] =	stream.indirect_vreg.gather [hbm4b:s2+s19], $0x80, v5, vm0, $0xb8;
	[tilespmem:$0x1F980] =	vst v63  }
0x44: {  	s23 =	simm.s32 $0x2180  }
0x45: {  	[tilespmem:s23], [sflag:$0x1] =	stream.indirect_vreg.gather [hbm4b:s7+s19], $0x80, v5, vm0, $0xb8;
	[tilespmem:$0x1F980] =	vst v63  }
0x46: {  	s24 =	simm.s32 $0x2980  }
0x47: {  	[tilespmem:s24], [sflag:$0x1] =	stream.indirect_vreg.gather [hbm4b:s2+s19], $0x80, v4, vm0, $0xb8;
	[tilespmem:$0x1F980] =	vst v63  }
0x48: {  	s25 =	simm.s32 $0x3180  }
0x49: {  	[tilespmem:s25], [sflag:$0x1] =	stream.indirect_vreg.gather [hbm4b:s7+s19], $0x80, v4, vm0, $0xb8;
	[tilespmem:$0x1F980] =	vst v63  }
0x4a: {  	v4 =	vld [tilespmem:$0x18];
	_ =	sdelay $0x4  }
0x4b: {  	v5 =	vshll.u32 v4, $0x2  }
0x4c: {  	v4 =	vand.u32 $0x7, v4;
	v5 =	vand.u32 $0xFFFFFFE0, v5  }
0x4d: {  	v4 =	vor.u32 v4, v5  }
0x4e: {  	v5 =	vperm.xlane v4, v1;
	_ =	sdelay $0x1  }
0x4f: {  	v5 =	vadd.s32 v2, v5;
	_ =	sdelay $0x1  }
0x50: {  	v4 =	vperm.xlane v4, v3;
	_ =	sdelay $0x1  }
0x51: {  	s26 =	simm.s32 $0x3980;
	v4 =	vadd.s32 v2, v4  }
0x52: {  	[tilespmem:s26], [sflag:$0x1] =	stream.indirect_vreg.gather [hbm4b:s2+s19], $0x80, v5, vm0, $0xb8;
	[tilespmem:$0x1F980] =	vst v63  }
0x53: {  	s28 =	simm.s32 $0x4180  }
0x54: {  	[tilespmem:s28], [sflag:$0x1] =	stream.indirect_vreg.gather [hbm4b:s7+s19], $0x80, v5, vm0, $0xb8;
	[tilespmem:$0x1F980] =	vst v63  }
0x55: {  	s21 =	simm.s32 $0x4980  }
0x56: {  	[tilespmem:s21], [sflag:$0x1] =	stream.indirect_vreg.gather [hbm4b:s2+s19], $0x80, v4, vm0, $0xb8;
	[tilespmem:$0x1F980] =	vst v63  }
0x57: {  	s22 =	simm.s32 $0x5180  }
0x58: {  	[tilespmem:s22], [sflag:$0x1] =	stream.indirect_vreg.gather [hbm4b:s7+s19], $0x80, v4, vm0, $0xb8;
	[tilespmem:$0x1F980] =	vst v63  }
0x59: {  	v4 =	vld.msk [tilespmem:$0x28], $0xff;
	_ =	sdelay $0x4  }
0x5a: {  	v5 =	vshll.u32 v4, $0x2  }
0x5b: {  	v4 =	vand.u32 $0x7, v4;
	v5 =	vand.u32 $0xFFFFFFE0, v5  }
0x5c: {  	v4 =	vor.u32 v4, v5  }
0x5d: {  	v4 =	vperm.xlane v4, v1;
	_ =	sdelay $0x1  }
0x5e: {  	v4 =	vadd.s32 v2, v4;
	_ =	sdelay $0x3  }
0x5f: {  	s23 =	simm.s32 $0x5980  }
0x60: {  	[tilespmem:s23], [sflag:$0x1] =	stream.indirect_vreg.gather [hbm4b:s2+s19], $0x80, v4, vm0, $0xb8;
	[tilespmem:$0x1F980] =	vst v63  }
0x61: {  	s24 =	simm.s32 $0x6180  }
0x62: {  	[tilespmem:s24], [sflag:$0x1] =	stream.indirect_vreg.gather [hbm4b:s7+s19], $0x80, v4, vm0, $0xb8;
	[tilespmem:$0x1F980] =	vst v63  }
0x63: {  	v4 =	vld [tilespmem:$0x30];
	_ =	sdelay $0x4  }
0x64: {  	v5 =	vshll.u32 v4, $0x2  }
0x65: {  	v4 =	vand.u32 $0x7, v4;
	v5 =	vand.u32 $0xFFFFFFE0, v5  }
0x66: {  	v4 =	vor.u32 v4, v5  }
0x67: {  	v5 =	vperm.xlane v4, v1;
	_ =	sdelay $0x1  }
0x68: {  	v5 =	vadd.s32 v2, v5;
	_ =	sdelay $0x1  }
0x69: {  	v4 =	vperm.xlane v4, v3;
	_ =	sdelay $0x1  }
0x6a: {  	s25 =	simm.s32 $0x6980;
	v4 =	vadd.s32 v2, v4  }
0x6b: {  	[tilespmem:s25], [sflag:$0x2] =	stream.indirect_vreg.gather [hbm4b:s2+s19], $0x80, v5, vm0, $0xb8;
	[tilespmem:$0x1F980] =	vst v63  }
0x6c: {  	s26 =	simm.s32 $0x7180  }
0x6d: {  	[tilespmem:s26], [sflag:$0x2] =	stream.indirect_vreg.gather [hbm4b:s7+s19], $0x80, v5, vm0, $0xb8;
	[tilespmem:$0x1F980] =	vst v63  }
0x6e: {  	s28 =	simm.s32 $0x7980  }
0x6f: {  	[tilespmem:s28], [sflag:$0x2] =	stream.indirect_vreg.gather [hbm4b:s2+s19], $0x80, v4, vm0, $0xb8;
	[tilespmem:$0x1F980] =	vst v63  }
0x70: {  	s21 =	simm.s32 $0x8180  }
0x71: {  	[tilespmem:s21], [sflag:$0x2] =	stream.indirect_vreg.gather [hbm4b:s7+s19], $0x80, v4, vm0, $0xb8;
	[tilespmem:$0x1F980] =	vst v63  }
0x72: {  	v4 =	vld [tilespmem:$0x40];
	_ =	sdelay $0x4  }
0x73: {  	v5 =	vshll.u32 v4, $0x2  }
0x74: {  	v4 =	vand.u32 $0x7, v4;
	v5 =	vand.u32 $0xFFFFFFE0, v5  }
0x75: {  	v4 =	vor.u32 v4, v5  }
0x76: {  	v5 =	vperm.xlane v4, v1;
	_ =	sdelay $0x1  }
0x77: {  	v5 =	vadd.s32 v2, v5;
	_ =	sdelay $0x1  }
0x78: {  	v4 =	vperm.xlane v4, v3;
	_ =	sdelay $0x1  }
0x79: {  	s22 =	simm.s32 $0x8980;
	v4 =	vadd.s32 v2, v4  }
0x7a: {  	[tilespmem:s22], [sflag:$0x2] =	stream.indirect_vreg.gather [hbm4b:s2+s19], $0x80, v5, vm0, $0xb8;
	[tilespmem:$0x1F980] =	vst v63  }
0x7b: {  	s23 =	simm.s32 $0x9180  }
0x7c: {  	[tilespmem:s23], [sflag:$0x2] =	stream.indirect_vreg.gather [hbm4b:s7+s19], $0x80, v5, vm0, $0xb8;
	[tilespmem:$0x1F980] =	vst v63  }
0x7d: {  	s24 =	simm.s32 $0x9980  }
0x7e: {  	[tilespmem:s24], [sflag:$0x2] =	stream.indirect_vreg.gather [hbm4b:s2+s19], $0x80, v4, vm0, $0xb8;
	[tilespmem:$0x1F980] =	vst v63  }
0x7f: {  	s25 =	simm.s32 $0xA180  }
0x80: {  	[tilespmem:s25], [sflag:$0x2] =	stream.indirect_vreg.gather [hbm4b:s7+s19], $0x80, v4, vm0, $0xb8;
	[tilespmem:$0x1F980] =	vst v63  }
0x81: {  	v4 =	vld.msk [tilespmem:$0x50], $0xff;
	_ =	sdelay $0x4  }
0x82: {  	v5 =	vshll.u32 v4, $0x2  }
0x83: {  	v4 =	vand.u32 $0x7, v4;
	v5 =	vand.u32 $0xFFFFFFE0, v5  }
0x84: {  	v4 =	vor.u32 v4, v5  }
0x85: {  	v4 =	vperm.xlane v4, v1;
	_ =	sdelay $0x1  }
0x86: {  	v4 =	vadd.s32 v2, v4;
	_ =	sdelay $0x3  }
0x87: {  	s26 =	simm.s32 $0xA980  }
0x88: {  	[tilespmem:s26], [sflag:$0x2] =	stream.indirect_vreg.gather [hbm4b:s2+s19], $0x80, v4, vm0, $0xb8;
	[tilespmem:$0x1F980] =	vst v63  }
0x89: {  	s28 =	simm.s32 $0xB180  }
0x8a: {  	[tilespmem:s28], [sflag:$0x2] =	stream.indirect_vreg.gather [hbm4b:s7+s19], $0x80, v4, vm0, $0xb8;
	[tilespmem:$0x1F980] =	vst v63  }
0x8b: {  	v4 =	vld [tilespmem:$0x58];
	_ =	sdelay $0x4  }
0x8c: {  	v5 =	vshll.u32 v4, $0x2  }
0x8d: {  	v4 =	vand.u32 $0x7, v4;
	v5 =	vand.u32 $0xFFFFFFE0, v5  }
0x8e: {  	v4 =	vor.u32 v4, v5  }
0x8f: {  	v5 =	vperm.xlane v4, v1;
	_ =	sdelay $0x1  }
0x90: {  	v5 =	vadd.s32 v2, v5;
	_ =	sdelay $0x1  }
0x91: {  	v4 =	vperm.xlane v4, v3;
	_ =	sdelay $0x1  }
0x92: {  	s21 =	simm.s32 $0xB980;
	v4 =	vadd.s32 v2, v4  }
0x93: {  	[tilespmem:s21], [sflag:$0x3] =	stream.indirect_vreg.gather [hbm4b:s2+s19], $0x80, v5, vm0, $0xb8;
	[tilespmem:$0x1F980] =	vst v63  }
0x94: {  	s22 =	simm.s32 $0xC180  }
0x95: {  	[tilespmem:s22], [sflag:$0x3] =	stream.indirect_vreg.gather [hbm4b:s7+s19], $0x80, v5, vm0, $0xb8;
	[tilespmem:$0x1F980] =	vst v63  }
0x96: {  	s23 =	simm.s32 $0xC980  }
0x97: {  	[tilespmem:s23], [sflag:$0x3] =	stream.indirect_vreg.gather [hbm4b:s2+s19], $0x80, v4, vm0, $0xb8;
	[tilespmem:$0x1F980] =	vst v63  }
0x98: {  	s24 =	simm.s32 $0xD180  }
0x99: {  	[tilespmem:s24], [sflag:$0x3] =	stream.indirect_vreg.gather [hbm4b:s7+s19], $0x80, v4, vm0, $0xb8;
	[tilespmem:$0x1F980] =	vst v63  }
0x9a: {  	v4 =	vld [tilespmem:$0x68];
	_ =	sdelay $0x4  }
0x9b: {  	v5 =	vshll.u32 v4, $0x2  }
0x9c: {  	v4 =	vand.u32 $0x7, v4;
	v5 =	vand.u32 $0xFFFFFFE0, v5  }
0x9d: {  	v4 =	vor.u32 v4, v5  }
0x9e: {  	v5 =	vperm.xlane v4, v1;
	_ =	sdelay $0x1  }
0x9f: {  	v5 =	vadd.s32 v2, v5;
	_ =	sdelay $0x1  }
0xa0: {  	v4 =	vperm.xlane v4, v3;
	_ =	sdelay $0x1  }
0xa1: {  	s25 =	simm.s32 $0xD980;
	v4 =	vadd.s32 v2, v4  }
0xa2: {  	[tilespmem:s25], [sflag:$0x3] =	stream.indirect_vreg.gather [hbm4b:s2+s19], $0x80, v5, vm0, $0xb8;
	[tilespmem:$0x1F980] =	vst v63  }
0xa3: {  	s26 =	simm.s32 $0xE180  }
0xa4: {  	[tilespmem:s26], [sflag:$0x3] =	stream.indirect_vreg.gather [hbm4b:s7+s19], $0x80, v5, vm0, $0xb8;
	[tilespmem:$0x1F980] =	vst v63  }
0xa5: {  	s28 =	simm.s32 $0xE980  }
0xa6: {  	[tilespmem:s28], [sflag:$0x3] =	stream.indirect_vreg.gather [hbm4b:s2+s19], $0x80, v4, vm0, $0xb8;
	[tilespmem:$0x1F980] =	vst v63  }
0xa7: {  	s21 =	simm.s32 $0xF180  }
0xa8: {  	[tilespmem:s21], [sflag:$0x3] =	stream.indirect_vreg.gather [hbm4b:s7+s19], $0x80, v4, vm0, $0xb8;
	[tilespmem:$0x1F980] =	vst v63  }
0xa9: {  	v4 =	vld.msk [tilespmem:$0x78], $0xff;
	_ =	sdelay $0x4  }
0xaa: {  	v5 =	vshll.u32 v4, $0x2  }
0xab: {  	v4 =	vand.u32 $0x7, v4;
	v5 =	vand.u32 $0xFFFFFFE0, v5  }
0xac: {  	v4 =	vor.u32 v4, v5  }
0xad: {  	v4 =	vperm.xlane v4, v1;
	_ =	sdelay $0x1  }
0xae: {  	v4 =	vadd.s32 v2, v4;
	_ =	sdelay $0x3  }
0xaf: {  	s22 =	simm.s32 $0xF980  }
0xb0: {  	[tilespmem:s22], [sflag:$0x3] =	stream.indirect_vreg.gather [hbm4b:s2+s19], $0x80, v4, vm0, $0xb8;
	[tilespmem:$0x1F980] =	vst v63  }
0xb1: {  	s23 =	simm.s32 $0x10180  }
0xb2: {  	[tilespmem:s23], [sflag:$0x3] =	stream.indirect_vreg.gather [hbm4b:s7+s19], $0x80, v4, vm0, $0xb8;
	[tilespmem:$0x1F980] =	vst v63  }
0xb3: {  	v4 =	vld [tilespmem:$0x80];
	_ =	sdelay $0x4  }
0xb4: {  	v5 =	vshll.u32 v4, $0x2  }
0xb5: {  	v4 =	vand.u32 $0x7, v4;
	v5 =	vand.u32 $0xFFFFFFE0, v5  }
0xb6: {  	v4 =	vor.u32 v4, v5  }
0xb7: {  	v5 =	vperm.xlane v4, v1;
	_ =	sdelay $0x1  }
0xb8: {  	v5 =	vadd.s32 v2, v5;
	_ =	sdelay $0x1  }
0xb9: {  	v4 =	vperm.xlane v4, v3;
	_ =	sdelay $0x1  }
0xba: {  	s24 =	simm.s32 $0x10980;
	v4 =	vadd.s32 v2, v4  }
0xbb: {  	[tilespmem:s24], [sflag:$0x4] =	stream.indirect_vreg.gather [hbm4b:s2+s19], $0x80, v5, vm0, $0xb8;
	[tilespmem:$0x1F980] =	vst v63  }
0xbc: {  	s25 =	simm.s32 $0x11180  }
0xbd: {  	[tilespmem:s25], [sflag:$0x4] =	stream.indirect_vreg.gather [hbm4b:s7+s19], $0x80, v5, vm0, $0xb8;
	[tilespmem:$0x1F980] =	vst v63  }
0xbe: {  	s26 =	simm.s32 $0x11980  }
0xbf: {  	[tilespmem:s26], [sflag:$0x4] =	stream.indirect_vreg.gather [hbm4b:s2+s19], $0x80, v4, vm0, $0xb8;
	[tilespmem:$0x1F980] =	vst v63  }
0xc0: {  	s28 =	simm.s32 $0x12180  }
0xc1: {  	[tilespmem:s28], [sflag:$0x4] =	stream.indirect_vreg.gather [hbm4b:s7+s19], $0x80, v4, vm0, $0xb8;
	[tilespmem:$0x1F980] =	vst v63  }
0xc2: {  	v4 =	vld [tilespmem:$0x90];
	_ =	sdelay $0x4  }
0xc3: {  	v5 =	vshll.u32 v4, $0x2  }
0xc4: {  	v4 =	vand.u32 $0x7, v4;
	v5 =	vand.u32 $0xFFFFFFE0, v5  }
0xc5: {  	v4 =	vor.u32 v4, v5  }
0xc6: {  	v5 =	vperm.xlane v4, v1;
	_ =	sdelay $0x1  }
0xc7: {  	v5 =	vadd.s32 v2, v5;
	_ =	sdelay $0x1  }
0xc8: {  	v4 =	vperm.xlane v4, v3;
	_ =	sdelay $0x1  }
0xc9: {  	v4 =	vadd.s32 v2, v4  }
0xca: {  	[tilespmem:s29], [sflag:$0x4] =	stream.indirect_vreg.gather [hbm4b:s2+s19], $0x80, v5, vm0, $0xb8;
	[tilespmem:$0x1F980] =	vst v63  }
0xcb: {  	_ = 	snop  }
0xcc: {  	[tilespmem:s30], [sflag:$0x4] =	stream.indirect_vreg.gather [hbm4b:s7+s19], $0x80, v5, vm0, $0xb8;
	[tilespmem:$0x1F980] =	vst v63  }
0xcd: {  	_ = 	snop  }
0xce: {  	[tilespmem:s31], [sflag:$0x4] =	stream.indirect_vreg.gather [hbm4b:s2+s19], $0x80, v4, vm0, $0xb8;
	[tilespmem:$0x1F980] =	vst v63  }
0xcf: {  	_ = 	snop  }
0xd0: {  	[tilespmem:s1], [sflag:$0x4] =	stream.indirect_vreg.gather [hbm4b:s7+s19], $0x80, v4, vm0, $0xb8;
	[tilespmem:$0x1F980] =	vst v63  }
0xd1: {  	v4 =	vld.msk [tilespmem:$0xA0], $0xff;
	_ =	sdelay $0x4  }
0xd2: {  	v5 =	vshll.u32 v4, $0x2  }
0xd3: {  	v4 =	vand.u32 $0x7, v4;
	v5 =	vand.u32 $0xFFFFFFE0, v5  }
0xd4: {  	v4 =	vor.u32 v4, v5  }
0xd5: {  	v4 =	vperm.xlane v4, v1;
	_ =	sdelay $0x1  }
0xd6: {  	v4 =	vadd.s32 v2, v4;
	_ =	sdelay $0x4  }
0xd7: {  	[tilespmem:s0], [sflag:$0x4] =	stream.indirect_vreg.gather [hbm4b:s2+s19], $0x80, v4, vm0, $0xb8;
	[tilespmem:$0x1F980] =	vst v63  }
0xd8: {  	_ = 	snop  }
0xd9: {  	[tilespmem:s12], [sflag:$0x4] =	stream.indirect_vreg.gather [hbm4b:s7+s19], $0x80, v4, vm0, $0xb8;
	[tilespmem:$0x1F980] =	vst v63  }
.LBB2_4:
0xda: {  	_ =	swait.ge [sflag:s6], $0x5000  }
0xdb: {  	p0 =	seq.s32 s19, $0x0;
	[sflag:s6] =	ssyncset.done $0x0  }
0xdc: {  	s20 =	simm.s32 @!p0 $0x5;
	[sflag:s6] =	ssyncadd.s32 $0xFFFFB000  }
0xdd: {  	_ =	swait.ge @!p0 [sflag:s20], $0x5000  }
0xde: {  	s21 =	simm.s32 $0x0;
	[sflag:s20] =	ssyncset.done @!p0 $0x0  }
0xdf: {  	s22 =	simm.s32 $0x0;
	[sflag:s20] =	ssyncadd.s32 @!p0 $0xFFFFB000;
	s20 =	simm.s32 $0x0  }
.LBB2_5:
0xe0: {  	s23 =	sand.u32 $0x7000, s21;
	s24 =	sand.u32 $0x300, s22  }
0xe1: {  	s23 =	sor.u32 s24, s23  }
0xe2: {  	v4 =	vld [tilespmem:s23+$0x1980]  }
0xe3: {  	v5 =	vld [tilespmem:s23+$0x1990]  }
0xe4: {  	v6 =	vld [tilespmem:s23+$0x19A0]  }
0xe5: {  	v7 =	vld [tilespmem:s23+$0x19B0]  }
0xe6: {  	v8 =	vld [tilespmem:s23+$0x19C0]  }
0xe7: {  	v39 =	vld [tilespmem:s23+$0x19F0];
	[tilespmem:s23+$0x15980] =	vst v4  }
0xe8: {  	v40 =	vld [tilespmem:s23+$0x1D80];
	[tilespmem:s23+$0x15990] =	vst v5  }
0xe9: {  	v4 =	vld [tilespmem:s23+$0x19D0];
	[tilespmem:s23+$0x159A0] =	vst v6  }
0xea: {  	v5 =	vld [tilespmem:s23+$0x19E0];
	[tilespmem:s23+$0x159B0] =	vst v7  }
0xeb: {  	v41 =	vld [tilespmem:s23+$0x1D90];
	[tilespmem:s23+$0x159C0] =	vst v8  }
0xec: {  	v42 =	vld [tilespmem:s23+$0x1DC0];
	[tilespmem:s23+$0x159F0] =	vst v39  }
0xed: {  	v43 =	vld [tilespmem:s23+$0x1DD0];
	[tilespmem:s23+$0x15D80] =	vst v40  }
0xee: {  	[tilespmem:s23+$0x159D0] =	vst v4;
	v4 =	vld [tilespmem:s23+$0x1DA0]  }
0xef: {  	[tilespmem:s23+$0x159E0] =	vst v5;
	v5 =	vld [tilespmem:s23+$0x1DB0]  }
0xf0: {  	v44 =	vld [tilespmem:s23+$0x1DE0];
	[tilespmem:s23+$0x15D90] =	vst v41  }
0xf1: {  	v45 =	vld [tilespmem:s23+$0x2190];
	[tilespmem:s23+$0x15DC0] =	vst v42  }
0xf2: {  	v46 =	vld [tilespmem:s23+$0x21A0];
	[tilespmem:s23+$0x15DD0] =	vst v43  }
0xf3: {  	[tilespmem:s23+$0x15DA0] =	vst v4;
	v4 =	vld [tilespmem:s23+$0x1DF0]  }
0xf4: {  	[tilespmem:s23+$0x15DB0] =	vst v5;
	v5 =	vld [tilespmem:s23+$0x2180]  }
0xf5: {  	v47 =	vld [tilespmem:s23+$0x21B0];
	[tilespmem:s23+$0x15DE0] =	vst v44  }
0xf6: {  	v48 =	vld [tilespmem:s23+$0x21E0];
	[tilespmem:s23+$0x16190] =	vst v45  }
0xf7: {  	v49 =	vld [tilespmem:s23+$0x21F0];
	[tilespmem:s23+$0x161A0] =	vst v46  }
0xf8: {  	[tilespmem:s23+$0x15DF0] =	vst v4;
	v4 =	vld [tilespmem:s23+$0x21C0]  }
0xf9: {  	[tilespmem:s23+$0x16180] =	vst v5;
	v5 =	vld [tilespmem:s23+$0x21D0]  }
0xfa: {  	[tilespmem:s23+$0x161B0] =	vst v47  }
0xfb: {  	s25 =	sand.u32 $0x3, s20;
	[tilespmem:s23+$0x161E0] =	vst v48  }
0xfc: {  	s24 =	sshll.u32 s25, $0x8;
	[tilespmem:s23+$0x161F0] =	vst v49  }
0xfd: {  	s24 =	sadd.s32 s24, s21;
	[tilespmem:s23+$0x161C0] =	vst v4  }
0xfe: {  	s25 =	sor.u32 $0xC00, s24;
	[tilespmem:s23+$0x161D0] =	vst v5  }
0xff: {  	v4 =	vld [tilespmem:s25+$0x1980];
	_ =	sdelay $0x4  }
0x100: {  	s26 =	sor.u32 $0xC10, s24;
	[tilespmem:s25+$0x15980] =	vst v4  }
0x101: {  	v4 =	vld [tilespmem:s26+$0x1980];
	_ =	sdelay $0x4  }
0x102: {  	s28 =	sor.u32 $0xC20, s24;
	[tilespmem:s26+$0x15980] =	vst v4  }
0x103: {  	v4 =	vld [tilespmem:s28+$0x1980];
	_ =	sdelay $0x4  }
0x104: {  	s26 =	sor.u32 $0xC30, s24;
	[tilespmem:s28+$0x15980] =	vst v4  }
0x105: {  	v4 =	vld [tilespmem:s26+$0x1980];
	_ =	sdelay $0x4  }
0x106: {  	[tilespmem:s26+$0x15980] =	vst v4  }
0x107: {  	v4 =	vld [tilespmem:s23+$0x1A00]  }
0x108: {  	v5 =	vld [tilespmem:s23+$0x1A10]  }
0x109: {  	v50 =	vld [tilespmem:s23+$0x1A20]  }
0x10a: {  	v51 =	vld [tilespmem:s23+$0x1A30]  }
0x10b: {  	v52 =	vld [tilespmem:s23+$0x1A40]  }
0x10c: {  	v53 =	vld [tilespmem:s23+$0x1A70];
	[tilespmem:s23+$0x15A00] =	vst v4  }
0x10d: {  	v54 =	vld [tilespmem:s23+$0x1E00];
	[tilespmem:s23+$0x15A10] =	vst v5  }
0x10e: {  	v4 =	vld [tilespmem:s23+$0x1A50];
	[tilespmem:s23+$0x15A20] =	vst v50  }
0x10f: {  	v5 =	vld [tilespmem:s23+$0x1A60];
	[tilespmem:s23+$0x15A30] =	vst v51  }
0x110: {  	v55 =	vld [tilespmem:s23+$0x1E10];
	[tilespmem:s23+$0x15A40] =	vst v52  }
0x111: {  	v56 =	vld [tilespmem:s23+$0x1E40];
	[tilespmem:s23+$0x15A70] =	vst v53  }
0x112: {  	v57 =	vld [tilespmem:s23+$0x1E50];
	[tilespmem:s23+$0x15E00] =	vst v54  }
0x113: {  	[tilespmem:s23+$0x15A50] =	vst v4;
	v4 =	vld [tilespmem:s23+$0x1E20]  }
0x114: {  	[tilespmem:s23+$0x15A60] =	vst v5;
	v5 =	vld [tilespmem:s23+$0x1E30]  }
0x115: {  	v58 =	vld [tilespmem:s23+$0x1E60];
	[tilespmem:s23+$0x15E10] =	vst v55  }
0x116: {  	v59 =	vld [tilespmem:s23+$0x2210];
	[tilespmem:s23+$0x15E40] =	vst v56  }
0x117: {  	v60 =	vld [tilespmem:s23+$0x2220];
	[tilespmem:s23+$0x15E50] =	vst v57  }
0x118: {  	[tilespmem:s23+$0x15E20] =	vst v4;
	v4 =	vld [tilespmem:s23+$0x1E70]  }
0x119: {  	[tilespmem:s23+$0x15E30] =	vst v5;
	v5 =	vld [tilespmem:s23+$0x2200]  }
0x11a: {  	v61 =	vld [tilespmem:s23+$0x2230];
	[tilespmem:s23+$0x15E60] =	vst v58  }
0x11b: {  	v62 =	vld [tilespmem:s23+$0x2260];
	[tilespmem:s23+$0x16210] =	vst v59  }
0x11c: {  	v63 =	vld [tilespmem:s23+$0x2270];
	[tilespmem:s23+$0x16220] =	vst v60  }
0x11d: {  	[tilespmem:s23+$0x15E70] =	vst v4;
	v4 =	vld [tilespmem:s23+$0x2240]  }
0x11e: {  	[tilespmem:s23+$0x16200] =	vst v5;
	v5 =	vld [tilespmem:s23+$0x2250]  }
0x11f: {  	[tilespmem:s23+$0x16230] =	vst v61  }
0x120: {  	[tilespmem:s23+$0x16260] =	vst v62  }
0x121: {  	[tilespmem:s23+$0x16270] =	vst v63  }
0x122: {  	s24 =	sadd.s32 $0x80, s24;
	[tilespmem:s23+$0x16240] =	vst v4  }
0x123: {  	s28 =	sor.u32 $0xC00, s24;
	[tilespmem:s23+$0x16250] =	vst v5  }
0x124: {  	v4 =	vld [tilespmem:s28+$0x1980];
	_ =	sdelay $0x4  }
0x125: {  	s25 =	sor.u32 $0xC10, s24;
	[tilespmem:s28+$0x15980] =	vst v4  }
0x126: {  	v4 =	vld [tilespmem:s25+$0x1980];
	_ =	sdelay $0x4  }
0x127: {  	s26 =	sor.u32 $0xC20, s24;
	[tilespmem:s25+$0x15980] =	vst v4  }
0x128: {  	v4 =	vld [tilespmem:s26+$0x1980];
	_ =	sdelay $0x4  }
0x129: {  	s28 =	sor.u32 $0xC30, s24;
	[tilespmem:s26+$0x15980] =	vst v4  }
0x12a: {  	p1 =	sne.s32 s22, $0x1300;
	v4 =	vld [tilespmem:s28+$0x1980]  }
.Ltmp3:
0x12b: {  	_ = 	snop;
	(pc) =	sbr.rel @p1 .LBB2_5-.Ltmp3, $2  }
0x12c: {  	_ =	sdelay $0x2  }
0x12d: {  	s20 =	sadd.s32 $0x1, s20;
	s22 =	sadd.s32 $0x100, s22;
	s21 =	sadd.s32 $0x400, s21;
	[tilespmem:s28+$0x15980] =	vst v4  }
0x12e: {  	s20 =	smul.u32 $0xA0, s19;
	p1 =	sne.s32 s19, $0x27  }
.Ltmp4:
0x12f: {  	_ = 	snop;
	(pc) =	sbr.rel @p1 .LBB2_8-.Ltmp4, $4  }
0x130: {  	s21 =	sadd.s32 s4, s20  }
0x131: {  	s21 =	sshll.u32 s21, $0x6  }
0x132: {  	s21 =	sadd.s32 s5, s21  }
0x133: {  	[hbm4b:s21+s3] =	stream.linear.scatter [tilespmem:s11], [sflag:$0x5], $0x5000, $0x38;
	[tilespmem:$0x1F980] =	vst v63  }
.Ltmp5:
0x134: {  	(pc) =	sbr.rel .LBB2_9-.Ltmp5, $4  }
0x135: {  	_ = 	snop  }
0x136: {  	_ =	swait.ge [sflag:s13], $0x5000  }
0x137: {  	[sflag:s13] =	ssyncset.done $0x0  }
0x138: {  	[sflag:s13] =	ssyncadd.s32 $0xFFFFB000  }
.LBB2_8:
0x139: {  	s21 =	smul.u32 $0x280, s19;
	_ =	sdelay $0x1  }
0x13a: {  	s21 =	sshra.s32 s21, $0x2  }
0x13b: {  	v4 =	vld [tilespmem:s21+$0xA8];
	_ =	sdelay $0x4  }
0x13c: {  	v5 =	vshll.u32 v4, $0x2  }
0x13d: {  	v4 =	vand.u32 $0x7, v4;
	v5 =	vand.u32 $0xFFFFFFE0, v5  }
0x13e: {  	v4 =	vor.u32 v4, v5  }
0x13f: {  	v5 =	vperm.xlane v4, v1;
	_ =	sdelay $0x1  }
0x140: {  	v5 =	vadd.s32 v2, v5;
	_ =	sdelay $0x1  }
0x141: {  	v4 =	vperm.xlane v4, v3;
	_ =	sdelay $0x1  }
0x142: {  	s22 =	simm.s32 $0x1980;
	v4 =	vadd.s32 v2, v4  }
0x143: {  	[tilespmem:s22], [sflag:$0x1] =	stream.indirect_vreg.gather [hbm4b:s2+s3], $0x80, v5, vm0, $0xb8;
	[tilespmem:$0x1F980] =	vst v63  }
0x144: {  	s24 =	simm.s32 $0x2180  }
0x145: {  	[tilespmem:s24], [sflag:$0x1] =	stream.indirect_vreg.gather [hbm4b:s7+s3], $0x80, v5, vm0, $0xb8;
	[tilespmem:$0x1F980] =	vst v63  }
0x146: {  	s25 =	simm.s32 $0x2980  }
0x147: {  	[tilespmem:s25], [sflag:$0x1] =	stream.indirect_vreg.gather [hbm4b:s2+s3], $0x80, v4, vm0, $0xb8;
	[tilespmem:$0x1F980] =	vst v63  }
0x148: {  	s26 =	simm.s32 $0x3180  }
0x149: {  	[tilespmem:s26], [sflag:$0x1] =	stream.indirect_vreg.gather [hbm4b:s7+s3], $0x80, v4, vm0, $0xb8;
	[tilespmem:$0x1F980] =	vst v63  }
0x14a: {  	v4 =	vld [tilespmem:s21+$0xB8];
	_ =	sdelay $0x4  }
0x14b: {  	v5 =	vshll.u32 v4, $0x2  }
0x14c: {  	v4 =	vand.u32 $0x7, v4;
	v5 =	vand.u32 $0xFFFFFFE0, v5  }
0x14d: {  	v4 =	vor.u32 v4, v5  }
0x14e: {  	v5 =	vperm.xlane v4, v1;
	_ =	sdelay $0x1  }
0x14f: {  	v5 =	vadd.s32 v2, v5;
	_ =	sdelay $0x1  }
0x150: {  	v4 =	vperm.xlane v4, v3;
	_ =	sdelay $0x1  }
0x151: {  	s28 =	simm.s32 $0x3980;
	v4 =	vadd.s32 v2, v4  }
0x152: {  	[tilespmem:s28], [sflag:$0x1] =	stream.indirect_vreg.gather [hbm4b:s2+s3], $0x80, v5, vm0, $0xb8;
	[tilespmem:$0x1F980] =	vst v63  }
0x153: {  	s23 =	simm.s32 $0x4180  }
0x154: {  	[tilespmem:s23], [sflag:$0x1] =	stream.indirect_vreg.gather [hbm4b:s7+s3], $0x80, v5, vm0, $0xb8;
	[tilespmem:$0x1F980] =	vst v63  }
0x155: {  	s24 =	simm.s32 $0x4980  }
0x156: {  	[tilespmem:s24], [sflag:$0x1] =	stream.indirect_vreg.gather [hbm4b:s2+s3], $0x80, v4, vm0, $0xb8;
	[tilespmem:$0x1F980] =	vst v63  }
0x157: {  	s25 =	simm.s32 $0x5180  }
0x158: {  	[tilespmem:s25], [sflag:$0x1] =	stream.indirect_vreg.gather [hbm4b:s7+s3], $0x80, v4, vm0, $0xb8;
	[tilespmem:$0x1F980] =	vst v63  }
0x159: {  	v4 =	vld.msk [tilespmem:s21+$0xC8], $0xff;
	_ =	sdelay $0x4  }
0x15a: {  	v5 =	vshll.u32 v4, $0x2  }
0x15b: {  	v4 =	vand.u32 $0x7, v4;
	v5 =	vand.u32 $0xFFFFFFE0, v5  }
0x15c: {  	v4 =	vor.u32 v4, v5  }
0x15d: {  	v4 =	vperm.xlane v4, v1;
	_ =	sdelay $0x1  }
0x15e: {  	v4 =	vadd.s32 v2, v4;
	_ =	sdelay $0x3  }
0x15f: {  	s26 =	simm.s32 $0x5980  }
0x160: {  	[tilespmem:s26], [sflag:$0x1] =	stream.indirect_vreg.gather [hbm4b:s2+s3], $0x80, v4, vm0, $0xb8;
	[tilespmem:$0x1F980] =	vst v63  }
.Ltmp6:
0x161: {  	s28 =	simm.s32 $0x6180;
	(pc) =	sbr.rel @p0 .LBB2_10-.Ltmp6, $4  }
0x162: {  	[tilespmem:s28], [sflag:$0x1] =	stream.indirect_vreg.gather [hbm4b:s7+s3], $0x80, v4, vm0, $0xb8;
	[tilespmem:$0x1F980] =	vst v63  }
0x163: {  	_ =	swait.ge [sflag:s13], $0x5000  }
0x164: {  	[sflag:s13] =	ssyncset.done $0x0  }
0x165: {  	[sflag:s13] =	ssyncadd.s32 $0xFFFFB000  }
.LBB2_9:
0x166: {  	_ =	swait.ge [sflag:s14], $0x5000  }
0x167: {  	[sflag:s14] =	ssyncset.done $0x0  }
0x168: {  	[sflag:s14] =	ssyncadd.s32 $0xFFFFB000  }
.LBB2_10:
0x169: {  	s21 =	simm.s32 $0x0;
	s22 =	simm.s32 $0x0;
	s23 =	simm.s32 $0x0  }
.LBB2_11:
0x16a: {  	s24 =	sand.u32 $0x7000, s22;
	s25 =	sand.u32 $0x300, s23  }
0x16b: {  	s24 =	sor.u32 s25, s24  }
0x16c: {  	v4 =	vld [tilespmem:s24+$0x6980]  }
0x16d: {  	v5 =	vld [tilespmem:s24+$0x6990]  }
0x16e: {  	v6 =	vld [tilespmem:s24+$0x69A0]  }
0x16f: {  	v7 =	vld [tilespmem:s24+$0x69B0]  }
0x170: {  	v8 =	vld [tilespmem:s24+$0x69C0]  }
0x171: {  	v39 =	vld [tilespmem:s24+$0x69F0];
	[tilespmem:s24+$0x1A980] =	vst v4  }
0x172: {  	v40 =	vld [tilespmem:s24+$0x6D80];
	[tilespmem:s24+$0x1A990] =	vst v5  }
0x173: {  	v4 =	vld [tilespmem:s24+$0x69D0];
	[tilespmem:s24+$0x1A9A0] =	vst v6  }
0x174: {  	v5 =	vld [tilespmem:s24+$0x69E0];
	[tilespmem:s24+$0x1A9B0] =	vst v7  }
0x175: {  	v41 =	vld [tilespmem:s24+$0x6D90];
	[tilespmem:s24+$0x1A9C0] =	vst v8  }
0x176: {  	v42 =	vld [tilespmem:s24+$0x6DC0];
	[tilespmem:s24+$0x1A9F0] =	vst v39  }
0x177: {  	v43 =	vld [tilespmem:s24+$0x6DD0];
	[tilespmem:s24+$0x1AD80] =	vst v40  }
0x178: {  	[tilespmem:s24+$0x1A9D0] =	vst v4;
	v4 =	vld [tilespmem:s24+$0x6DA0]  }
0x179: {  	[tilespmem:s24+$0x1A9E0] =	vst v5;
	v5 =	vld [tilespmem:s24+$0x6DB0]  }
0x17a: {  	v44 =	vld [tilespmem:s24+$0x6DE0];
	[tilespmem:s24+$0x1AD90] =	vst v41  }
0x17b: {  	v45 =	vld [tilespmem:s24+$0x7190];
	[tilespmem:s24+$0x1ADC0] =	vst v42  }
0x17c: {  	v46 =	vld [tilespmem:s24+$0x71A0];
	[tilespmem:s24+$0x1ADD0] =	vst v43  }
0x17d: {  	[tilespmem:s24+$0x1ADA0] =	vst v4;
	v4 =	vld [tilespmem:s24+$0x6DF0]  }
0x17e: {  	[tilespmem:s24+$0x1ADB0] =	vst v5;
	v5 =	vld [tilespmem:s24+$0x7180]  }
0x17f: {  	v47 =	vld [tilespmem:s24+$0x71B0];
	[tilespmem:s24+$0x1ADE0] =	vst v44  }
0x180: {  	v48 =	vld [tilespmem:s24+$0x71E0];
	[tilespmem:s24+$0x1B190] =	vst v45  }
0x181: {  	v49 =	vld [tilespmem:s24+$0x71F0];
	[tilespmem:s24+$0x1B1A0] =	vst v46  }
0x182: {  	[tilespmem:s24+$0x1ADF0] =	vst v4;
	v4 =	vld [tilespmem:s24+$0x71C0]  }
0x183: {  	[tilespmem:s24+$0x1B180] =	vst v5;
	v5 =	vld [tilespmem:s24+$0x71D0]  }
0x184: {  	[tilespmem:s24+$0x1B1B0] =	vst v47  }
0x185: {  	s26 =	sand.u32 $0x3, s21;
	[tilespmem:s24+$0x1B1E0] =	vst v48  }
0x186: {  	s25 =	sshll.u32 s26, $0x8;
	[tilespmem:s24+$0x1B1F0] =	vst v49  }
0x187: {  	s25 =	sadd.s32 s25, s22;
	[tilespmem:s24+$0x1B1C0] =	vst v4  }
0x188: {  	s26 =	sor.u32 $0xC00, s25;
	[tilespmem:s24+$0x1B1D0] =	vst v5  }
0x189: {  	v4 =	vld [tilespmem:s26+$0x6980];
	_ =	sdelay $0x4  }
0x18a: {  	s28 =	sor.u32 $0xC10, s25;
	[tilespmem:s26+$0x1A980] =	vst v4  }
0x18b: {  	v4 =	vld [tilespmem:s28+$0x6980];
	_ =	sdelay $0x4  }
0x18c: {  	[tilespmem:s28+$0x1A980] =	vst v4;
	s28 =	sor.u32 $0xC20, s25  }
0x18d: {  	v4 =	vld [tilespmem:s28+$0x6980];
	_ =	sdelay $0x4  }
0x18e: {  	[tilespmem:s28+$0x1A980] =	vst v4;
	s28 =	sor.u32 $0xC30, s25  }
0x18f: {  	v4 =	vld [tilespmem:s28+$0x6980];
	_ =	sdelay $0x4  }
0x190: {  	[tilespmem:s28+$0x1A980] =	vst v4  }
0x191: {  	v4 =	vld [tilespmem:s24+$0x6A00]  }
0x192: {  	v5 =	vld [tilespmem:s24+$0x6A10]  }
0x193: {  	v50 =	vld [tilespmem:s24+$0x6A20]  }
0x194: {  	v51 =	vld [tilespmem:s24+$0x6A30]  }
0x195: {  	v52 =	vld [tilespmem:s24+$0x6A40]  }
0x196: {  	v53 =	vld [tilespmem:s24+$0x6A70];
	[tilespmem:s24+$0x1AA00] =	vst v4  }
0x197: {  	v54 =	vld [tilespmem:s24+$0x6E00];
	[tilespmem:s24+$0x1AA10] =	vst v5  }
0x198: {  	v4 =	vld [tilespmem:s24+$0x6A50];
	[tilespmem:s24+$0x1AA20] =	vst v50  }
0x199: {  	v5 =	vld [tilespmem:s24+$0x6A60];
	[tilespmem:s24+$0x1AA30] =	vst v51  }
0x19a: {  	v55 =	vld [tilespmem:s24+$0x6E10];
	[tilespmem:s24+$0x1AA40] =	vst v52  }
0x19b: {  	v56 =	vld [tilespmem:s24+$0x6E40];
	[tilespmem:s24+$0x1AA70] =	vst v53  }
0x19c: {  	v57 =	vld [tilespmem:s24+$0x6E50];
	[tilespmem:s24+$0x1AE00] =	vst v54  }
0x19d: {  	[tilespmem:s24+$0x1AA50] =	vst v4;
	v4 =	vld [tilespmem:s24+$0x6E20]  }
0x19e: {  	[tilespmem:s24+$0x1AA60] =	vst v5;
	v5 =	vld [tilespmem:s24+$0x6E30]  }
0x19f: {  	v58 =	vld [tilespmem:s24+$0x6E60];
	[tilespmem:s24+$0x1AE10] =	vst v55  }
0x1a0: {  	v59 =	vld [tilespmem:s24+$0x7210];
	[tilespmem:s24+$0x1AE40] =	vst v56  }
0x1a1: {  	v60 =	vld [tilespmem:s24+$0x7220];
	[tilespmem:s24+$0x1AE50] =	vst v57  }
0x1a2: {  	[tilespmem:s24+$0x1AE20] =	vst v4;
	v4 =	vld [tilespmem:s24+$0x6E70]  }
0x1a3: {  	[tilespmem:s24+$0x1AE30] =	vst v5;
	v5 =	vld [tilespmem:s24+$0x7200]  }
0x1a4: {  	v61 =	vld [tilespmem:s24+$0x7230];
	[tilespmem:s24+$0x1AE60] =	vst v58  }
0x1a5: {  	v62 =	vld [tilespmem:s24+$0x7260];
	[tilespmem:s24+$0x1B210] =	vst v59  }
0x1a6: {  	v63 =	vld [tilespmem:s24+$0x7270];
	[tilespmem:s24+$0x1B220] =	vst v60  }
0x1a7: {  	[tilespmem:s24+$0x1AE70] =	vst v4;
	v4 =	vld [tilespmem:s24+$0x7240]  }
0x1a8: {  	[tilespmem:s24+$0x1B200] =	vst v5;
	v5 =	vld [tilespmem:s24+$0x7250]  }
0x1a9: {  	[tilespmem:s24+$0x1B230] =	vst v61  }
0x1aa: {  	[tilespmem:s24+$0x1B260] =	vst v62  }
0x1ab: {  	[tilespmem:s24+$0x1B270] =	vst v63  }
0x1ac: {  	s25 =	sadd.s32 $0x80, s25;
	[tilespmem:s24+$0x1B240] =	vst v4  }
0x1ad: {  	s26 =	sor.u32 $0xC00, s25;
	[tilespmem:s24+$0x1B250] =	vst v5  }
0x1ae: {  	v4 =	vld [tilespmem:s26+$0x6980];
	_ =	sdelay $0x4  }
0x1af: {  	s28 =	sor.u32 $0xC10, s25;
	[tilespmem:s26+$0x1A980] =	vst v4  }
0x1b0: {  	v4 =	vld [tilespmem:s28+$0x6980];
	_ =	sdelay $0x4  }
0x1b1: {  	s26 =	sor.u32 $0xC20, s25;
	[tilespmem:s28+$0x1A980] =	vst v4  }
0x1b2: {  	v4 =	vld [tilespmem:s26+$0x6980];
	_ =	sdelay $0x4  }
0x1b3: {  	s28 =	sor.u32 $0xC30, s25;
	[tilespmem:s26+$0x1A980] =	vst v4  }
0x1b4: {  	p0 =	sne.s32 s23, $0x1300;
	v4 =	vld [tilespmem:s28+$0x6980]  }
.Ltmp7:
0x1b5: {  	_ = 	snop;
	(pc) =	sbr.rel @p0 .LBB2_11-.Ltmp7, $2  }
0x1b6: {  	_ =	sdelay $0x2  }
0x1b7: {  	s21 =	sadd.s32 $0x1, s21;
	s23 =	sadd.s32 $0x100, s23;
	s22 =	sadd.s32 $0x400, s22;
	[tilespmem:s28+$0x1A980] =	vst v4  }
0x1b8: {  	s21 =	sadd.s32 s20, s8  }
0x1b9: {  	p0 =	seq.s32 s19, $0x27;
	s21 =	sshll.u32 s21, $0x6  }
0x1ba: {  	s22 =	smul.u32 @!p0 $0x280, s19;
	s21 =	sadd.s32 s5, s21  }
0x1bb: {  	[hbm4b:s21+s3] =	stream.linear.scatter [tilespmem:s15], [sflag:$0x6], $0x5000, $0x38;
	[tilespmem:$0x1F980] =	vst v63  }
0x1bc: {  	s21 =	sshra.s32 @!p0 s22, $0x2  }
0x1bd: {  	v4 =	vld @!p0 [tilespmem:s21+$0xD0];
	_ =	sdelay $0x4  }
0x1be: {  	v5 =	vshll.u32 @!p0 v4, $0x2  }
0x1bf: {  	v6 =	vlaneseq.u32 @!p0;
	v4 =	vand.u32 @!p0 $0x7, v4;
	v5 =	vand.u32 @!p0 $0xFFFFFFE0, v5  }
0x1c0: {  	v7 =	vshrl.u32 @!p0 v6, $0x3;
	v4 =	vor.u32 @!p0 v4, v5;
	v5 =	vand.u32 @!p0 $0x7, v6  }
0x1c1: {  	v7 =	vmul.u32 @!p0 $0x8, v7;
	v8 =	vperm.xlane @!p0 v4, v5;
	_ =	sdelay $0x1  }
0x1c2: {  	v8 =	vadd.s32 @!p0 v7, v8  }
0x1c3: {  	v6 =	vor.u32 @!p0 $0x8, v6  }
0x1c4: {  	v4 =	vperm.xlane @!p0 v4, v6;
	_ =	sdelay $0x1  }
0x1c5: {  	vm1 =	vmmov @!p0 $0xffff;
	s23 =	simm.s32 @!p0 $0x6980;
	s22 =	simm.s32 @!p0 $0x0;
	v4 =	vadd.s32 @!p0 v7, v4  }
0x1c6: {  	[tilespmem:s23], [sflag:$0x2] =	stream.indirect_vreg.gather @!p0 [hbm4b:s2+s22], $0x80, v8, vm1, $0xb8;
	[tilespmem:$0x1F980] =	vst v63  }
0x1c7: {  	s23 =	simm.s32 @!p0 $0x7180  }
0x1c8: {  	[tilespmem:s23], [sflag:$0x2] =	stream.indirect_vreg.gather @!p0 [hbm4b:s7+s22], $0x80, v8, vm1, $0xb8;
	[tilespmem:$0x1F980] =	vst v63  }
0x1c9: {  	s23 =	simm.s32 @!p0 $0x7980  }
0x1ca: {  	[tilespmem:s23], [sflag:$0x2] =	stream.indirect_vreg.gather @!p0 [hbm4b:s2+s22], $0x80, v4, vm1, $0xb8;
	[tilespmem:$0x1F980] =	vst v63  }
0x1cb: {  	s23 =	simm.s32 @!p0 $0x8180  }
0x1cc: {  	[tilespmem:s23], [sflag:$0x2] =	stream.indirect_vreg.gather @!p0 [hbm4b:s7+s22], $0x80, v4, vm1, $0xb8;
	[tilespmem:$0x1F980] =	vst v63  }
0x1cd: {  	v4 =	vld @!p0 [tilespmem:s21+$0xE0];
	_ =	sdelay $0x4  }
0x1ce: {  	v8 =	vshll.u32 @!p0 v4, $0x2  }
0x1cf: {  	v4 =	vand.u32 @!p0 $0x7, v4;
	v8 =	vand.u32 @!p0 $0xFFFFFFE0, v8  }
0x1d0: {  	v4 =	vor.u32 @!p0 v4, v8  }
0x1d1: {  	v8 =	vperm.xlane @!p0 v4, v5;
	_ =	sdelay $0x1  }
0x1d2: {  	v8 =	vadd.s32 @!p0 v7, v8;
	_ =	sdelay $0x1  }
0x1d3: {  	v4 =	vperm.xlane @!p0 v4, v6;
	_ =	sdelay $0x1  }
0x1d4: {  	s23 =	simm.s32 @!p0 $0x8980;
	v4 =	vadd.s32 @!p0 v7, v4  }
0x1d5: {  	[tilespmem:s23], [sflag:$0x2] =	stream.indirect_vreg.gather @!p0 [hbm4b:s2+s22], $0x80, v8, vm1, $0xb8;
	[tilespmem:$0x1F980] =	vst v63  }
0x1d6: {  	s23 =	simm.s32 @!p0 $0x9180  }
0x1d7: {  	[tilespmem:s23], [sflag:$0x2] =	stream.indirect_vreg.gather @!p0 [hbm4b:s7+s22], $0x80, v8, vm1, $0xb8;
	[tilespmem:$0x1F980] =	vst v63  }
0x1d8: {  	s23 =	simm.s32 @!p0 $0x9980  }
0x1d9: {  	[tilespmem:s23], [sflag:$0x2] =	stream.indirect_vreg.gather @!p0 [hbm4b:s2+s22], $0x80, v4, vm1, $0xb8;
	[tilespmem:$0x1F980] =	vst v63  }
0x1da: {  	s23 =	simm.s32 @!p0 $0xA180  }
0x1db: {  	[tilespmem:s23], [sflag:$0x2] =	stream.indirect_vreg.gather @!p0 [hbm4b:s7+s22], $0x80, v4, vm1, $0xb8;
	[tilespmem:$0x1F980] =	vst v63  }
0x1dc: {  	v4 =	vld.msk @!p0 [tilespmem:s21+$0xF0], $0xff;
	_ =	sdelay $0x4  }
0x1dd: {  	v6 =	vshll.u32 @!p0 v4, $0x2  }
0x1de: {  	v4 =	vand.u32 @!p0 $0x7, v4;
	v6 =	vand.u32 @!p0 $0xFFFFFFE0, v6  }
0x1df: {  	v4 =	vor.u32 @!p0 v4, v6  }
0x1e0: {  	v4 =	vperm.xlane @!p0 v4, v5;
	_ =	sdelay $0x1  }
0x1e1: {  	v4 =	vadd.s32 @!p0 v7, v4;
	_ =	sdelay $0x3  }
0x1e2: {  	s23 =	simm.s32 @!p0 $0xA980  }
0x1e3: {  	[tilespmem:s23], [sflag:$0x2] =	stream.indirect_vreg.gather @!p0 [hbm4b:s2+s22], $0x80, v4, vm1, $0xb8;
	[tilespmem:$0x1F980] =	vst v63  }
0x1e4: {  	s23 =	simm.s32 @!p0 $0xB180  }
0x1e5: {  	[tilespmem:s23], [sflag:$0x2] =	stream.indirect_vreg.gather @!p0 [hbm4b:s7+s22], $0x80, v4, vm1, $0xb8;
	[tilespmem:$0x1F980] =	vst v63  }
0x1e6: {  	_ =	swait.ge [sflag:s16], $0x5000  }
0x1e7: {  	[sflag:s16] =	ssyncset.done $0x0  }
0x1e8: {  	[sflag:s16] =	ssyncadd.s32 $0xFFFFB000  }
0x1e9: {  	_ =	swait.ge [sflag:s17], $0x5000  }
0x1ea: {  	s24 =	simm.s32 $0x0;
	[sflag:s17] =	ssyncset.done $0x0  }
0x1eb: {  	s22 =	simm.s32 $0x0;
	s23 =	simm.s32 $0x0;
	[sflag:s17] =	ssyncadd.s32 $0xFFFFB000  }
.LBB2_13:
0x1ec: {  	s25 =	sand.u32 $0x7000, s23;
	s26 =	sand.u32 $0x300, s24  }
0x1ed: {  	s25 =	sor.u32 s26, s25  }
0x1ee: {  	v4 =	vld [tilespmem:s25+$0xB980]  }
0x1ef: {  	v5 =	vld [tilespmem:s25+$0xB990]  }
0x1f0: {  	v6 =	vld [tilespmem:s25+$0xB9A0]  }
0x1f1: {  	v7 =	vld [tilespmem:s25+$0xB9B0]  }
0x1f2: {  	v8 =	vld [tilespmem:s25+$0xB9C0]  }
0x1f3: {  	v39 =	vld [tilespmem:s25+$0xB9F0];
	[tilespmem:s25+$0x15980] =	vst v4  }
0x1f4: {  	v40 =	vld [tilespmem:s25+$0xBD80];
	[tilespmem:s25+$0x15990] =	vst v5  }
0x1f5: {  	v4 =	vld [tilespmem:s25+$0xB9D0];
	[tilespmem:s25+$0x159A0] =	vst v6  }
0x1f6: {  	v5 =	vld [tilespmem:s25+$0xB9E0];
	[tilespmem:s25+$0x159B0] =	vst v7  }
0x1f7: {  	v41 =	vld [tilespmem:s25+$0xBD90];
	[tilespmem:s25+$0x159C0] =	vst v8  }
0x1f8: {  	v42 =	vld [tilespmem:s25+$0xBDC0];
	[tilespmem:s25+$0x159F0] =	vst v39  }
0x1f9: {  	v43 =	vld [tilespmem:s25+$0xBDD0];
	[tilespmem:s25+$0x15D80] =	vst v40  }
0x1fa: {  	[tilespmem:s25+$0x159D0] =	vst v4;
	v4 =	vld [tilespmem:s25+$0xBDA0]  }
0x1fb: {  	[tilespmem:s25+$0x159E0] =	vst v5;
	v5 =	vld [tilespmem:s25+$0xBDB0]  }
0x1fc: {  	v44 =	vld [tilespmem:s25+$0xBDE0];
	[tilespmem:s25+$0x15D90] =	vst v41  }
0x1fd: {  	v45 =	vld [tilespmem:s25+$0xC190];
	[tilespmem:s25+$0x15DC0] =	vst v42  }
0x1fe: {  	v46 =	vld [tilespmem:s25+$0xC1A0];
	[tilespmem:s25+$0x15DD0] =	vst v43  }
0x1ff: {  	[tilespmem:s25+$0x15DA0] =	vst v4;
	v4 =	vld [tilespmem:s25+$0xBDF0]  }
0x200: {  	[tilespmem:s25+$0x15DB0] =	vst v5;
	v5 =	vld [tilespmem:s25+$0xC180]  }
0x201: {  	v47 =	vld [tilespmem:s25+$0xC1B0];
	[tilespmem:s25+$0x15DE0] =	vst v44  }
0x202: {  	v48 =	vld [tilespmem:s25+$0xC1E0];
	[tilespmem:s25+$0x16190] =	vst v45  }
0x203: {  	v49 =	vld [tilespmem:s25+$0xC1F0];
	[tilespmem:s25+$0x161A0] =	vst v46  }
0x204: {  	[tilespmem:s25+$0x15DF0] =	vst v4;
	v4 =	vld [tilespmem:s25+$0xC1C0]  }
0x205: {  	[tilespmem:s25+$0x16180] =	vst v5;
	v5 =	vld [tilespmem:s25+$0xC1D0]  }
0x206: {  	[tilespmem:s25+$0x161B0] =	vst v47  }
0x207: {  	s28 =	sand.u32 $0x3, s22;
	[tilespmem:s25+$0x161E0] =	vst v48  }
0x208: {  	s26 =	sshll.u32 s28, $0x8;
	[tilespmem:s25+$0x161F0] =	vst v49  }
0x209: {  	s26 =	sadd.s32 s26, s23;
	[tilespmem:s25+$0x161C0] =	vst v4  }
0x20a: {  	s28 =	sor.u32 $0xC00, s26;
	[tilespmem:s25+$0x161D0] =	vst v5  }
0x20b: {  	v4 =	vld [tilespmem:s28+$0xB980];
	_ =	sdelay $0x4  }
0x20c: {  	[tilespmem:s28+$0x15980] =	vst v4;
	s28 =	sor.u32 $0xC10, s26  }
0x20d: {  	v4 =	vld [tilespmem:s28+$0xB980];
	_ =	sdelay $0x4  }
0x20e: {  	[tilespmem:s28+$0x15980] =	vst v4;
	s28 =	sor.u32 $0xC20, s26  }
0x20f: {  	v4 =	vld [tilespmem:s28+$0xB980];
	_ =	sdelay $0x4  }
0x210: {  	[tilespmem:s28+$0x15980] =	vst v4;
	s28 =	sor.u32 $0xC30, s26  }
0x211: {  	v4 =	vld [tilespmem:s28+$0xB980];
	_ =	sdelay $0x4  }
0x212: {  	[tilespmem:s28+$0x15980] =	vst v4  }
0x213: {  	v4 =	vld [tilespmem:s25+$0xBA00]  }
0x214: {  	v5 =	vld [tilespmem:s25+$0xBA10]  }
0x215: {  	v50 =	vld [tilespmem:s25+$0xBA20]  }
0x216: {  	v51 =	vld [tilespmem:s25+$0xBA30]  }
0x217: {  	v52 =	vld [tilespmem:s25+$0xBA40]  }
0x218: {  	v53 =	vld [tilespmem:s25+$0xBA70];
	[tilespmem:s25+$0x15A00] =	vst v4  }
0x219: {  	v54 =	vld [tilespmem:s25+$0xBE00];
	[tilespmem:s25+$0x15A10] =	vst v5  }
0x21a: {  	v4 =	vld [tilespmem:s25+$0xBA50];
	[tilespmem:s25+$0x15A20] =	vst v50  }
0x21b: {  	v5 =	vld [tilespmem:s25+$0xBA60];
	[tilespmem:s25+$0x15A30] =	vst v51  }
0x21c: {  	v55 =	vld [tilespmem:s25+$0xBE10];
	[tilespmem:s25+$0x15A40] =	vst v52  }
0x21d: {  	v56 =	vld [tilespmem:s25+$0xBE40];
	[tilespmem:s25+$0x15A70] =	vst v53  }
0x21e: {  	v57 =	vld [tilespmem:s25+$0xBE50];
	[tilespmem:s25+$0x15E00] =	vst v54  }
0x21f: {  	[tilespmem:s25+$0x15A50] =	vst v4;
	v4 =	vld [tilespmem:s25+$0xBE20]  }
0x220: {  	[tilespmem:s25+$0x15A60] =	vst v5;
	v5 =	vld [tilespmem:s25+$0xBE30]  }
0x221: {  	v58 =	vld [tilespmem:s25+$0xBE60];
	[tilespmem:s25+$0x15E10] =	vst v55  }
0x222: {  	v59 =	vld [tilespmem:s25+$0xC210];
	[tilespmem:s25+$0x15E40] =	vst v56  }
0x223: {  	v60 =	vld [tilespmem:s25+$0xC220];
	[tilespmem:s25+$0x15E50] =	vst v57  }
0x224: {  	[tilespmem:s25+$0x15E20] =	vst v4;
	v4 =	vld [tilespmem:s25+$0xBE70]  }
0x225: {  	[tilespmem:s25+$0x15E30] =	vst v5;
	v5 =	vld [tilespmem:s25+$0xC200]  }
0x226: {  	v61 =	vld [tilespmem:s25+$0xC230];
	[tilespmem:s25+$0x15E60] =	vst v58  }
0x227: {  	v62 =	vld [tilespmem:s25+$0xC260];
	[tilespmem:s25+$0x16210] =	vst v59  }
0x228: {  	v63 =	vld [tilespmem:s25+$0xC270];
	[tilespmem:s25+$0x16220] =	vst v60  }
0x229: {  	[tilespmem:s25+$0x15E70] =	vst v4;
	v4 =	vld [tilespmem:s25+$0xC240]  }
0x22a: {  	[tilespmem:s25+$0x16200] =	vst v5;
	v5 =	vld [tilespmem:s25+$0xC250]  }
0x22b: {  	[tilespmem:s25+$0x16230] =	vst v61  }
0x22c: {  	[tilespmem:s25+$0x16260] =	vst v62  }
0x22d: {  	[tilespmem:s25+$0x16270] =	vst v63  }
0x22e: {  	s26 =	sadd.s32 $0x80, s26;
	[tilespmem:s25+$0x16240] =	vst v4  }
0x22f: {  	s28 =	sor.u32 $0xC00, s26;
	[tilespmem:s25+$0x16250] =	vst v5  }
0x230: {  	v4 =	vld [tilespmem:s28+$0xB980];
	_ =	sdelay $0x4  }
0x231: {  	[tilespmem:s28+$0x15980] =	vst v4;
	s28 =	sor.u32 $0xC10, s26  }
0x232: {  	v4 =	vld [tilespmem:s28+$0xB980];
	_ =	sdelay $0x4  }
0x233: {  	[tilespmem:s28+$0x15980] =	vst v4;
	s28 =	sor.u32 $0xC20, s26  }
0x234: {  	v4 =	vld [tilespmem:s28+$0xB980];
	_ =	sdelay $0x4  }
0x235: {  	[tilespmem:s28+$0x15980] =	vst v4;
	s28 =	sor.u32 $0xC30, s26  }
0x236: {  	p1 =	sne.s32 s24, $0x1300;
	v4 =	vld [tilespmem:s28+$0xB980]  }
.Ltmp8:
0x237: {  	_ = 	snop;
	(pc) =	sbr.rel @p1 .LBB2_13-.Ltmp8, $2  }
0x238: {  	_ =	sdelay $0x2  }
0x239: {  	s22 =	sadd.s32 $0x1, s22;
	s24 =	sadd.s32 $0x100, s24;
	s23 =	sadd.s32 $0x400, s23;
	[tilespmem:s28+$0x15980] =	vst v4  }
0x23a: {  	s22 =	sadd.s32 s20, s9  }
0x23b: {  	s22 =	sshll.u32 s22, $0x6  }
0x23c: {  	s22 =	sadd.s32 s5, s22  }
0x23d: {  	[hbm4b:s22+s3] =	stream.linear.scatter [tilespmem:s11], [sflag:$0x5], $0x5000, $0x38;
	[tilespmem:$0x1F980] =	vst v63  }
0x23e: {  	v4 =	vld @!p0 [tilespmem:s21+$0xF8];
	_ =	sdelay $0x4  }
0x23f: {  	v5 =	vshll.u32 @!p0 v4, $0x2  }
0x240: {  	v6 =	vlaneseq.u32 @!p0;
	v4 =	vand.u32 @!p0 $0x7, v4;
	v5 =	vand.u32 @!p0 $0xFFFFFFE0, v5  }
0x241: {  	v7 =	vshrl.u32 @!p0 v6, $0x3;
	v4 =	vor.u32 @!p0 v4, v5;
	v5 =	vand.u32 @!p0 $0x7, v6  }
0x242: {  	v7 =	vmul.u32 @!p0 $0x8, v7;
	v8 =	vperm.xlane @!p0 v4, v5;
	_ =	sdelay $0x1  }
0x243: {  	v8 =	vadd.s32 @!p0 v7, v8  }
0x244: {  	v6 =	vor.u32 @!p0 $0x8, v6  }
0x245: {  	v4 =	vperm.xlane @!p0 v4, v6;
	_ =	sdelay $0x1  }
0x246: {  	s23 =	simm.s32 @!p0 $0xB980;
	s22 =	simm.s32 @!p0 $0x0;
	v4 =	vadd.s32 @!p0 v7, v4  }
0x247: {  	[tilespmem:s23], [sflag:$0x3] =	stream.indirect_vreg.gather @!p0 [hbm4b:s2+s22], $0x80, v8, vm1, $0xb8;
	[tilespmem:$0x1F980] =	vst v63  }
0x248: {  	s23 =	simm.s32 @!p0 $0xC180  }
0x249: {  	[tilespmem:s23], [sflag:$0x3] =	stream.indirect_vreg.gather @!p0 [hbm4b:s7+s22], $0x80, v8, vm1, $0xb8;
	[tilespmem:$0x1F980] =	vst v63  }
0x24a: {  	s23 =	simm.s32 @!p0 $0xC980  }
0x24b: {  	[tilespmem:s23], [sflag:$0x3] =	stream.indirect_vreg.gather @!p0 [hbm4b:s2+s22], $0x80, v4, vm1, $0xb8;
	[tilespmem:$0x1F980] =	vst v63  }
0x24c: {  	s23 =	simm.s32 @!p0 $0xD180  }
0x24d: {  	[tilespmem:s23], [sflag:$0x3] =	stream.indirect_vreg.gather @!p0 [hbm4b:s7+s22], $0x80, v4, vm1, $0xb8;
	[tilespmem:$0x1F980] =	vst v63  }
0x24e: {  	v4 =	vld @!p0 [tilespmem:s21+$0x108];
	_ =	sdelay $0x4  }
0x24f: {  	v8 =	vshll.u32 @!p0 v4, $0x2  }
0x250: {  	v4 =	vand.u32 @!p0 $0x7, v4;
	v8 =	vand.u32 @!p0 $0xFFFFFFE0, v8  }
0x251: {  	v4 =	vor.u32 @!p0 v4, v8  }
0x252: {  	v8 =	vperm.xlane @!p0 v4, v5;
	_ =	sdelay $0x1  }
0x253: {  	v8 =	vadd.s32 @!p0 v7, v8;
	_ =	sdelay $0x1  }
0x254: {  	v4 =	vperm.xlane @!p0 v4, v6;
	_ =	sdelay $0x1  }
0x255: {  	s23 =	simm.s32 @!p0 $0xD980;
	v4 =	vadd.s32 @!p0 v7, v4  }
0x256: {  	[tilespmem:s23], [sflag:$0x3] =	stream.indirect_vreg.gather @!p0 [hbm4b:s2+s22], $0x80, v8, vm1, $0xb8;
	[tilespmem:$0x1F980] =	vst v63  }
0x257: {  	s23 =	simm.s32 @!p0 $0xE180  }
0x258: {  	[tilespmem:s23], [sflag:$0x3] =	stream.indirect_vreg.gather @!p0 [hbm4b:s7+s22], $0x80, v8, vm1, $0xb8;
	[tilespmem:$0x1F980] =	vst v63  }
0x259: {  	s23 =	simm.s32 @!p0 $0xE980  }
0x25a: {  	[tilespmem:s23], [sflag:$0x3] =	stream.indirect_vreg.gather @!p0 [hbm4b:s2+s22], $0x80, v4, vm1, $0xb8;
	[tilespmem:$0x1F980] =	vst v63  }
0x25b: {  	s23 =	simm.s32 @!p0 $0xF180  }
0x25c: {  	[tilespmem:s23], [sflag:$0x3] =	stream.indirect_vreg.gather @!p0 [hbm4b:s7+s22], $0x80, v4, vm1, $0xb8;
	[tilespmem:$0x1F980] =	vst v63  }
0x25d: {  	v4 =	vld.msk @!p0 [tilespmem:s21+$0x118], $0xff;
	_ =	sdelay $0x4  }
0x25e: {  	v6 =	vshll.u32 @!p0 v4, $0x2  }
0x25f: {  	v4 =	vand.u32 @!p0 $0x7, v4;
	v6 =	vand.u32 @!p0 $0xFFFFFFE0, v6  }
0x260: {  	v4 =	vor.u32 @!p0 v4, v6  }
0x261: {  	v4 =	vperm.xlane @!p0 v4, v5;
	_ =	sdelay $0x1  }
0x262: {  	v4 =	vadd.s32 @!p0 v7, v4;
	_ =	sdelay $0x3  }
0x263: {  	s21 =	simm.s32 @!p0 $0xF980  }
0x264: {  	[tilespmem:s21], [sflag:$0x3] =	stream.indirect_vreg.gather @!p0 [hbm4b:s2+s22], $0x80, v4, vm1, $0xb8;
	[tilespmem:$0x1F980] =	vst v63  }
0x265: {  	s21 =	simm.s32 @!p0 $0x10180  }
0x266: {  	[tilespmem:s21], [sflag:$0x3] =	stream.indirect_vreg.gather @!p0 [hbm4b:s7+s22], $0x80, v4, vm1, $0xb8;
	[tilespmem:$0x1F980] =	vst v63  }
0x267: {  	_ =	swait.ge [sflag:s18], $0x5000  }
0x268: {  	[sflag:s18] =	ssyncset.done $0x0  }
0x269: {  	[sflag:s18] =	ssyncadd.s32 $0xFFFFB000  }
0x26a: {  	_ =	swait.ge [sflag:s14], $0x5000  }
0x26b: {  	s23 =	simm.s32 $0x0;
	[sflag:s14] =	ssyncset.done $0x0  }
0x26c: {  	s21 =	simm.s32 $0x0;
	s22 =	simm.s32 $0x0;
	[sflag:s14] =	ssyncadd.s32 $0xFFFFB000  }
.LBB2_15:
0x26d: {  	s24 =	sand.u32 $0x7000, s22;
	s25 =	sand.u32 $0x300, s23  }
0x26e: {  	s24 =	sor.u32 s25, s24  }
0x26f: {  	v4 =	vld [tilespmem:s24+$0x10980]  }
0x270: {  	v5 =	vld [tilespmem:s24+$0x10990]  }
0x271: {  	v6 =	vld [tilespmem:s24+$0x109A0]  }
0x272: {  	v7 =	vld [tilespmem:s24+$0x109B0]  }
0x273: {  	v8 =	vld [tilespmem:s24+$0x109C0]  }
0x274: {  	v39 =	vld [tilespmem:s24+$0x109F0];
	[tilespmem:s24+$0x1A980] =	vst v4  }
0x275: {  	v40 =	vld [tilespmem:s24+$0x10D80];
	[tilespmem:s24+$0x1A990] =	vst v5  }
0x276: {  	v4 =	vld [tilespmem:s24+$0x109D0];
	[tilespmem:s24+$0x1A9A0] =	vst v6  }
0x277: {  	v5 =	vld [tilespmem:s24+$0x109E0];
	[tilespmem:s24+$0x1A9B0] =	vst v7  }
0x278: {  	v41 =	vld [tilespmem:s24+$0x10D90];
	[tilespmem:s24+$0x1A9C0] =	vst v8  }
0x279: {  	v42 =	vld [tilespmem:s24+$0x10DC0];
	[tilespmem:s24+$0x1A9F0] =	vst v39  }
0x27a: {  	v43 =	vld [tilespmem:s24+$0x10DD0];
	[tilespmem:s24+$0x1AD80] =	vst v40  }
0x27b: {  	[tilespmem:s24+$0x1A9D0] =	vst v4;
	v4 =	vld [tilespmem:s24+$0x10DA0]  }
0x27c: {  	[tilespmem:s24+$0x1A9E0] =	vst v5;
	v5 =	vld [tilespmem:s24+$0x10DB0]  }
0x27d: {  	v44 =	vld [tilespmem:s24+$0x10DE0];
	[tilespmem:s24+$0x1AD90] =	vst v41  }
0x27e: {  	v45 =	vld [tilespmem:s24+$0x11190];
	[tilespmem:s24+$0x1ADC0] =	vst v42  }
0x27f: {  	v46 =	vld [tilespmem:s24+$0x111A0];
	[tilespmem:s24+$0x1ADD0] =	vst v43  }
0x280: {  	[tilespmem:s24+$0x1ADA0] =	vst v4;
	v4 =	vld [tilespmem:s24+$0x10DF0]  }
0x281: {  	[tilespmem:s24+$0x1ADB0] =	vst v5;
	v5 =	vld [tilespmem:s24+$0x11180]  }
0x282: {  	v47 =	vld [tilespmem:s24+$0x111B0];
	[tilespmem:s24+$0x1ADE0] =	vst v44  }
0x283: {  	v48 =	vld [tilespmem:s24+$0x111E0];
	[tilespmem:s24+$0x1B190] =	vst v45  }
0x284: {  	v49 =	vld [tilespmem:s24+$0x111F0];
	[tilespmem:s24+$0x1B1A0] =	vst v46  }
0x285: {  	[tilespmem:s24+$0x1ADF0] =	vst v4;
	v4 =	vld [tilespmem:s24+$0x111C0]  }
0x286: {  	[tilespmem:s24+$0x1B180] =	vst v5;
	v5 =	vld [tilespmem:s24+$0x111D0]  }
0x287: {  	[tilespmem:s24+$0x1B1B0] =	vst v47  }
0x288: {  	s26 =	sand.u32 $0x3, s21;
	[tilespmem:s24+$0x1B1E0] =	vst v48  }
0x289: {  	s25 =	sshll.u32 s26, $0x8;
	[tilespmem:s24+$0x1B1F0] =	vst v49  }
0x28a: {  	s25 =	sadd.s32 s25, s22;
	[tilespmem:s24+$0x1B1C0] =	vst v4  }
0x28b: {  	s26 =	sor.u32 $0xC00, s25;
	[tilespmem:s24+$0x1B1D0] =	vst v5  }
0x28c: {  	v4 =	vld [tilespmem:s26+$0x10980];
	_ =	sdelay $0x4  }
0x28d: {  	s28 =	sor.u32 $0xC10, s25;
	[tilespmem:s26+$0x1A980] =	vst v4  }
0x28e: {  	v4 =	vld [tilespmem:s28+$0x10980];
	_ =	sdelay $0x4  }
0x28f: {  	[tilespmem:s28+$0x1A980] =	vst v4;
	s28 =	sor.u32 $0xC20, s25  }
0x290: {  	v4 =	vld [tilespmem:s28+$0x10980];
	_ =	sdelay $0x4  }
0x291: {  	[tilespmem:s28+$0x1A980] =	vst v4;
	s28 =	sor.u32 $0xC30, s25  }
0x292: {  	v4 =	vld [tilespmem:s28+$0x10980];
	_ =	sdelay $0x4  }
0x293: {  	[tilespmem:s28+$0x1A980] =	vst v4  }
0x294: {  	v4 =	vld [tilespmem:s24+$0x10A00]  }
0x295: {  	v5 =	vld [tilespmem:s24+$0x10A10]  }
0x296: {  	v50 =	vld [tilespmem:s24+$0x10A20]  }
0x297: {  	v51 =	vld [tilespmem:s24+$0x10A30]  }
0x298: {  	v52 =	vld [tilespmem:s24+$0x10A40]  }
0x299: {  	v53 =	vld [tilespmem:s24+$0x10A70];
	[tilespmem:s24+$0x1AA00] =	vst v4  }
0x29a: {  	v54 =	vld [tilespmem:s24+$0x10E00];
	[tilespmem:s24+$0x1AA10] =	vst v5  }
0x29b: {  	v4 =	vld [tilespmem:s24+$0x10A50];
	[tilespmem:s24+$0x1AA20] =	vst v50  }
0x29c: {  	v5 =	vld [tilespmem:s24+$0x10A60];
	[tilespmem:s24+$0x1AA30] =	vst v51  }
0x29d: {  	v55 =	vld [tilespmem:s24+$0x10E10];
	[tilespmem:s24+$0x1AA40] =	vst v52  }
0x29e: {  	v56 =	vld [tilespmem:s24+$0x10E40];
	[tilespmem:s24+$0x1AA70] =	vst v53  }
0x29f: {  	v57 =	vld [tilespmem:s24+$0x10E50];
	[tilespmem:s24+$0x1AE00] =	vst v54  }
0x2a0: {  	[tilespmem:s24+$0x1AA50] =	vst v4;
	v4 =	vld [tilespmem:s24+$0x10E20]  }
0x2a1: {  	[tilespmem:s24+$0x1AA60] =	vst v5;
	v5 =	vld [tilespmem:s24+$0x10E30]  }
0x2a2: {  	v58 =	vld [tilespmem:s24+$0x10E60];
	[tilespmem:s24+$0x1AE10] =	vst v55  }
0x2a3: {  	v59 =	vld [tilespmem:s24+$0x11210];
	[tilespmem:s24+$0x1AE40] =	vst v56  }
0x2a4: {  	v60 =	vld [tilespmem:s24+$0x11220];
	[tilespmem:s24+$0x1AE50] =	vst v57  }
0x2a5: {  	[tilespmem:s24+$0x1AE20] =	vst v4;
	v4 =	vld [tilespmem:s24+$0x10E70]  }
0x2a6: {  	[tilespmem:s24+$0x1AE30] =	vst v5;
	v5 =	vld [tilespmem:s24+$0x11200]  }
0x2a7: {  	v61 =	vld [tilespmem:s24+$0x11230];
	[tilespmem:s24+$0x1AE60] =	vst v58  }
0x2a8: {  	v62 =	vld [tilespmem:s24+$0x11260];
	[tilespmem:s24+$0x1B210] =	vst v59  }
0x2a9: {  	v63 =	vld [tilespmem:s24+$0x11270];
	[tilespmem:s24+$0x1B220] =	vst v60  }
0x2aa: {  	[tilespmem:s24+$0x1AE70] =	vst v4;
	v4 =	vld [tilespmem:s24+$0x11240]  }
0x2ab: {  	[tilespmem:s24+$0x1B200] =	vst v5;
	v5 =	vld [tilespmem:s24+$0x11250]  }
0x2ac: {  	[tilespmem:s24+$0x1B230] =	vst v61  }
0x2ad: {  	[tilespmem:s24+$0x1B260] =	vst v62  }
0x2ae: {  	[tilespmem:s24+$0x1B270] =	vst v63  }
0x2af: {  	s25 =	sadd.s32 $0x80, s25;
	[tilespmem:s24+$0x1B240] =	vst v4  }
0x2b0: {  	s26 =	sor.u32 $0xC00, s25;
	[tilespmem:s24+$0x1B250] =	vst v5  }
0x2b1: {  	v4 =	vld [tilespmem:s26+$0x10980];
	_ =	sdelay $0x4  }
0x2b2: {  	s28 =	sor.u32 $0xC10, s25;
	[tilespmem:s26+$0x1A980] =	vst v4  }
0x2b3: {  	v4 =	vld [tilespmem:s28+$0x10980];
	_ =	sdelay $0x4  }
0x2b4: {  	s26 =	sor.u32 $0xC20, s25;
	[tilespmem:s28+$0x1A980] =	vst v4  }
0x2b5: {  	v4 =	vld [tilespmem:s26+$0x10980];
	_ =	sdelay $0x4  }
0x2b6: {  	s28 =	sor.u32 $0xC30, s25;
	[tilespmem:s26+$0x1A980] =	vst v4  }
0x2b7: {  	p1 =	sne.s32 s23, $0x1300;
	v4 =	vld [tilespmem:s28+$0x10980]  }
.Ltmp9:
0x2b8: {  	_ = 	snop;
	(pc) =	sbr.rel @p1 .LBB2_15-.Ltmp9, $2  }
0x2b9: {  	_ =	sdelay $0x2  }
0x2ba: {  	s21 =	sadd.s32 $0x1, s21;
	s23 =	sadd.s32 $0x100, s23;
	s22 =	sadd.s32 $0x400, s22;
	[tilespmem:s28+$0x1A980] =	vst v4  }
.Ltmp10:
0x2bb: {  	(pc) =	sbr.rel @p0 .LBB2_18-.Ltmp10, $4  }
0x2bc: {  	s20 =	sadd.s32 s20, s10  }
0x2bd: {  	s20 =	sshll.u32 s20, $0x6  }
0x2be: {  	s20 =	sadd.s32 s5, s20  }
0x2bf: {  	[hbm4b:s20+s3] =	stream.linear.scatter [tilespmem:s15], [sflag:$0x6], $0x5000, $0x38;
	[tilespmem:$0x1F980] =	vst v63  }
0x2c0: {  	s20 =	smul.u32 $0x280, s19;
	_ =	sdelay $0x1  }
0x2c1: {  	s20 =	sshra.s32 s20, $0x2  }
0x2c2: {  	v4 =	vld [tilespmem:s20+$0x120];
	_ =	sdelay $0x4  }
0x2c3: {  	v5 =	vshll.u32 v4, $0x2  }
0x2c4: {  	v4 =	vand.u32 $0x7, v4;
	v5 =	vand.u32 $0xFFFFFFE0, v5  }
0x2c5: {  	v4 =	vor.u32 v4, v5  }
0x2c6: {  	v5 =	vperm.xlane v4, v1;
	_ =	sdelay $0x1  }
0x2c7: {  	v5 =	vadd.s32 v2, v5;
	_ =	sdelay $0x1  }
0x2c8: {  	v4 =	vperm.xlane v4, v3;
	_ =	sdelay $0x1  }
0x2c9: {  	s21 =	simm.s32 $0x10980;
	v4 =	vadd.s32 v2, v4  }
0x2ca: {  	[tilespmem:s21], [sflag:$0x4] =	stream.indirect_vreg.gather [hbm4b:s2+s3], $0x80, v5, vm0, $0xb8;
	[tilespmem:$0x1F980] =	vst v63  }
0x2cb: {  	s25 =	simm.s32 $0x11180  }
0x2cc: {  	[tilespmem:s25], [sflag:$0x4] =	stream.indirect_vreg.gather [hbm4b:s7+s3], $0x80, v5, vm0, $0xb8;
	[tilespmem:$0x1F980] =	vst v63  }
0x2cd: {  	s26 =	simm.s32 $0x11980  }
0x2ce: {  	[tilespmem:s26], [sflag:$0x4] =	stream.indirect_vreg.gather [hbm4b:s2+s3], $0x80, v4, vm0, $0xb8;
	[tilespmem:$0x1F980] =	vst v63  }
0x2cf: {  	s28 =	simm.s32 $0x12180  }
0x2d0: {  	[tilespmem:s28], [sflag:$0x4] =	stream.indirect_vreg.gather [hbm4b:s7+s3], $0x80, v4, vm0, $0xb8;
	[tilespmem:$0x1F980] =	vst v63  }
0x2d1: {  	v4 =	vld [tilespmem:s20+$0x130];
	_ =	sdelay $0x4  }
0x2d2: {  	v5 =	vshll.u32 v4, $0x2  }
0x2d3: {  	v4 =	vand.u32 $0x7, v4;
	v5 =	vand.u32 $0xFFFFFFE0, v5  }
0x2d4: {  	v4 =	vor.u32 v4, v5  }
0x2d5: {  	v5 =	vperm.xlane v4, v1;
	_ =	sdelay $0x1  }
0x2d6: {  	v5 =	vadd.s32 v2, v5;
	_ =	sdelay $0x1  }
0x2d7: {  	v4 =	vperm.xlane v4, v3;
	_ =	sdelay $0x1  }
0x2d8: {  	v4 =	vadd.s32 v2, v4  }
0x2d9: {  	[tilespmem:s29], [sflag:$0x4] =	stream.indirect_vreg.gather [hbm4b:s2+s3], $0x80, v5, vm0, $0xb8;
	[tilespmem:$0x1F980] =	vst v63  }
0x2da: {  	_ = 	snop  }
0x2db: {  	[tilespmem:s30], [sflag:$0x4] =	stream.indirect_vreg.gather [hbm4b:s7+s3], $0x80, v5, vm0, $0xb8;
	[tilespmem:$0x1F980] =	vst v63  }
0x2dc: {  	_ = 	snop  }
0x2dd: {  	[tilespmem:s31], [sflag:$0x4] =	stream.indirect_vreg.gather [hbm4b:s2+s3], $0x80, v4, vm0, $0xb8;
	[tilespmem:$0x1F980] =	vst v63  }
0x2de: {  	_ = 	snop  }
0x2df: {  	[tilespmem:s1], [sflag:$0x4] =	stream.indirect_vreg.gather [hbm4b:s7+s3], $0x80, v4, vm0, $0xb8;
	[tilespmem:$0x1F980] =	vst v63  }
0x2e0: {  	v4 =	vld.msk [tilespmem:s20+$0x140], $0xff;
	_ =	sdelay $0x4  }
0x2e1: {  	v5 =	vshll.u32 v4, $0x2  }
0x2e2: {  	v4 =	vand.u32 $0x7, v4;
	v5 =	vand.u32 $0xFFFFFFE0, v5  }
0x2e3: {  	v4 =	vor.u32 v4, v5  }
0x2e4: {  	v4 =	vperm.xlane v4, v1;
	_ =	sdelay $0x1  }
0x2e5: {  	v4 =	vadd.s32 v2, v4;
	_ =	sdelay $0x2  }
.Ltmp11:
0x2e6: {  	_ = 	snop;
	(pc) =	sbr.rel .LBB2_4-.Ltmp11, $4  }
0x2e7: {  	_ = 	snop  }
0x2e8: {  	[tilespmem:s0], [sflag:$0x4] =	stream.indirect_vreg.gather [hbm4b:s2+s3], $0x80, v4, vm0, $0xb8;
	[tilespmem:$0x1F980] =	vst v63  }
0x2e9: {  	s19 =	sadd.s32 $0x1, s19  }
0x2ea: {  	[tilespmem:s12], [sflag:$0x4] =	stream.indirect_vreg.gather [hbm4b:s7+s3], $0x80, v4, vm0, $0xb8;
	[tilespmem:$0x1F980] =	vst v63  }
.LBB2_19:
0x2eb: {  	_ =	sfence.sel $0x180000  }
0x2ec: {  	[bflag:$0x0] =	sbarrier.arrive $0xFFFF  }
0x2ed: {  	_ =	strace $0x90000047  }
0x2ee: {  	s0 =	stileid.u32;
	[bflag:$0x2] =	sbarrier.arrive $0xFFFF  }
0x2ef: {  	p0 =	sne.s32 s0, $0x0;
	s0 =	rddreg [dreg:$0x2]  }
0x2f0: {  	s0 =	sadd.s32 @!p0 $0x100000, s0  }
0x2f1: {  	[sflag:s0] =	ssyncadd.tile.s32 @!p0 $0x1;
	_ =	shalt  }
.Lfunc_end2:
_tile_overlayer_lowered:
.L_overlay_start_2:
0x2f2: {  	(tag) =	ssettag $0x2  }
0x2f3: {  	s0 =	rddreg [dreg:$0x0];
	s2 =	stileid.u32  }
0x2f4: {  	s1 =	rddreg [dreg:$0x1];
	p0 =	sne.s32 s2, $0x0  }
0x2f5: {  	s3 =	rddreg [dreg:$0x2];
	[bflag:$0x3] =	sbarrier.arrive $0xFFFF;
	s2 =	simm.s32 @!p0 $0x1C07  }
0x2f6: {  	[timem:s3], [sflag:s2] =	dma.local @!p0 [hbm:s0], s1  }
0x2f7: {  	s0 =	simm.s32 @!p0 $0x7  }
0x2f8: {  	_ =	swait.ge @!p0 [sflag:s0], s1  }
0x2f9: {  	s1 =	ssub.s32 @!p0 $0x0, s1;
	[sflag:s0] =	ssyncset.done @!p0 $0x0  }
0x2fa: {  	[sflag:s0] =	ssyncadd.s32 @!p0 s1  }
0x2fb: {  	[bflag:$0x3] =	sbarrier.arrive $0xFFFF  }
0x2fc: {  	_ =	shalt  }

// kernel: sparse-core-data-format-call.cloned.1.call-start
scs
called_computation_lowered:
.L_overlay_start_0:
0x0: {  	s2 =	sld [smem:$0x3FD9]  }
0x1: {  	s3 =	sld [smem:$0x3FFE];
	_ =	sdelay $0x1  }
0x2: {  	s1 =	srdreg.scid  }
0x3: {  	s0 =	sand.u32 $0x1, s1  }
0x4: {  	s18 =	sshll.u32 s0, $0xA;
	s2 =	sadd.s32 s3, s2  }
0x5: {  	s2 =	sadd.s32 s2, s18  }
0x6: {  	[smem:$0x3FC5] =	sst s2  }
0x7: {  	_ = 	snop  }
0x8: {  	s2 =	sld [smem:$0x3FD0];
	(tm) =	ssettm $0x1  }
0x9: {  	s19 =	sld [smem:$0x3FFB];
	_ =	sdelay $0x3  }
0xa: {  	_ =	strace s19  }
0xb: {  	s3 =	sld [smem:$0x3FFC];
	_ =	sdelay $0x3  }
0xc: {  	_ =	strace s3  }
0xd: {  	s3 =	sld [smem:$0x3FFD];
	_ =	sdelay $0x3  }
0xe: {  	_ =	strace s3  }
0xf: {  	_ =	strace $0x8FFFFFFF  }
0x10: {  	s20 =	sld [smem:$0x3FDB];
	_ =	sdelay $0x1  }
0x11: {  	s4 =	simm.s32 $_scs_section_size  }
0x12: {  	s5 =	simm.s32 $_size__tile_overlayer_lowered;
	s6 =	simm.s32 $_tile_overlayer_lowered  }
0x13: {  	s23 =	simm.s32 $0x1BFF;
	s22 =	sshll.u32 s6, $0x1;
	s3 =	sadd.s32 s4, s20  }
0x14: {  	s7 =	simm.s32 $0x0;
	s21 =	sshll.u32 s5, $0x1;
	s5 =	sadd.s32 s22, s3  }
0x15: {  	[timem:s7], [sflag:s23] =	dma.local [hbm:s5], s21  }
0x16: {  	_ =	swait.ge [sflag:s23], s21  }
0x17: {  	s4 =	ssub.s32 $0x0, s21;
	[sflag:s23] =	ssyncset.done $0x0  }
0x18: {  	[sflag:s23] =	ssyncadd.s32 s4;
	_ =	sdelay $0x1  }
0x19: {  	s24 =	simm.s32 $0x1B8B  }
0x1a: {  	_ =	swait.ge [sflag:s24], $0x1  }
0x1b: {  	[sflag:s24] =	ssyncset.done $0x0  }
0x1c: {  	s26 =	simm.s32 $0x1B8E;
	s25 =	sld [smem:$0x3FFE];
	[sflag:s24] =	ssyncadd.s32 $0xFFFFFFFF  }
0x1d: {  	s27 =	simm.s32 $execute0_lowered;
	[smem:$0x3FD2] =	sst s26  }
0x1e: {  	s5 =	sshll.u32 s27, $0x1;
	_ =	strace $0x80000049;
	[dreg:$0x1] =	wrdreg $0xFFFFFFFF  }
0x1f: {  	s28 =	simm.s32 $_size_execute0_lowered;
	s3 =	sadd.s32 s3, s5;
	[dreg:$0x0] =	wrdreg $0x0  }
0x20: {  	s5 =	sshll.u32 s28, $0x1;
	[dreg:$0x2] =	wrdreg s3  }
0x21: {  	[dreg:$0x3] =	wrdreg s5  }
0x22: {  	[dreg:$0x4] =	wrdreg $0xC0  }
0x23: {  	_ =	task [dreg:s7], $0x5FFFF  }
0x24: {  	[dreg:$0x1] =	wrdreg $0xFFFFFFFF  }
0x25: {  	[dreg:$0x0] =	wrdreg $0x60  }
0x26: {  	[dreg:$0x2] =	wrdreg s25  }
0x27: {  	[dreg:$0x3] =	wrdreg s2  }
0x28: {  	[dreg:$0x4] =	wrdreg $0x9  }
0x29: {  	_ =	task.clear_ibuf [dreg:s7], $0x5FFFF;
	_ =	strace $0x90000049  }
0x2a: {  	s29 =	simm.s32 $0x9;
	_ =	strace $0x8000004B  }
0x2b: {  	_ =	swait.ge [sflag:s29], $0x1  }
0x2c: {  	[sflag:s29] =	ssyncadd.s32 $0xFFFFFFFF  }
0x2d: {  	_ =	strace $0x9000004B  }
0x2e: {  	_ =	sfence  }
0x2f: {  	s30 =	sld [smem:$0x0];
	_ =	sdelay $0x2  }
0x30: {  	s31 =	sshll.u32 s1, $0xD;
	s1 =	sshrl.u32 s1, $0x2  }
0x31: {  	s3 =	sand.u32 $0x4000, s31;
	s1 =	sadd.s32 s1, s30  }
0x32: {  	s0 =	sor.u32 s3, s0;
	s1 =	sshll.u32 s1, $0x11  }
0x33: {  	s0 =	sor.u32 s1, s0  }
0x34: {  	s0 =	sadd.s32 $0x8F2B, s0  }
0x35: {  	[sflag:s0] =	ssyncadd.remote.s32 $0x1  }
0x36: {  	_ =	sfence.sel $0xFFFF  }
0x37: {  	[dreg:$0x0] =	wrdreg $0xFFFFFFFF;
	(pc) =	sbr.abs _section_cstart, $3  }
0x38: {  	[dreg:$0x1] =	wrdreg $0xFFFFFFFF  }
0x39: {  	_ =	task.clear_ibuf [dreg:s7], $0x2FFFF;
	_ =	strace $0x9FFFFFFF  }
0x3a: {  	(tm) =	ssettm $0x7FFFFFFF  }
0x3b: {  	_ =	shalt  }
tec
execute0_lowered:
.L_overlay_start_1:
0x0: {  	(tag) =	ssettag $0x1  }
0x1: {  	s4 =	rddreg [dreg:$0x0]  }
0x2: {  	s2 =	rddreg [dreg:$0x1]  }
0x3: {  	s0 =	stileid.u32;
	s1 =	rddreg [dreg:$0x2];
	_ =	strace $0x8000004A  }
0x4: {  	s5 =	srdreg.scid;
	s10 =	simm.s32 $0x2;
	s17 =	simm.s32 $0x0  }
0x5: {  	s18 =	simm.s32 $0x0;
	s19 =	simm.s32 $0x0;
	s11 =	simm.s32 $0x0  }
0x6: {  	s12 =	simm.s32 $0x0;
	s13 =	simm.s32 $0x0;
	s3 =	sshll.u32 s0, $0x7  }
0x7: {  	s14 =	simm.s32 $0x0;
	s5 =	sshll.u32 s5, $0x4;
	s3 =	sand.u32 $0x380, s3  }
0x8: {  	s16 =	simm.s32 $0x0;
	s5 =	sand.u32 $0x10, s5;
	s6 =	ssub.s32 $0x400, s3  }
0x9: {  	s4 =	sadd.s32 $0x7000, s4;
	s8 =	sor.u32 s0, s5;
	s7 =	sand.u32 $0x380, s6  }
0xa: {  	s5 =	simm.s32 $0x1;
	p0 =	sne.s32 s7, $0x0;
	s7 =	simm.s32 $0x1  }
.Ltmp0:
0xb: {  	s6 =	sshrl.u32 s6, $0xA;
	s7 =	simm.s32 @!p0 $0x0;
	(pc) =	sbr.rel .LBB1_1-.Ltmp0, $4  }
0xc: {  	s15 =	smov.u32 s3;
	s9 =	sshll.u32 s8, $0x4;
	s6 =	sadd.s32 s7, s6  }
0xd: {  	[sflag:s5] =	ssyncpa.u1 $0x0;
	s8 =	sshll.u32 s8, $0x7;
	s6 =	smul.u32 $0xC8, s6  }
0xe: {  	[sflag:s10] =	ssyncpa.u1 $0x0;
	s8 =	sand.u32 $0xC00, s8;
	s10 =	simm.s32 $0x2000  }
0xf: {  	p0 =	por $0x0, $0x0;
	s7 =	sand.u32 $0x180, s9;
	s9 =	sor.u32 $0x1, s6  }
.LBB1_4:
0x10: {  	s24 =	sshra.s32 s24, $0x2;
	s25 =	sshrl.u32 s13, $0x7;
	p1 =	sgt.s32 s13, $0x380  }
0x11: {  	s26 =	sshra.s32 s13, $0x1F;
	s28 =	smov.u32 s12;
	s31 =	sshra.s32 s12, $0x1F  }
0x12: {  	s23 =	sadd.s32 s24, s23;
	s30 =	sadd.s32 s25, s11;
	s25 =	smov.u32 s13  }
0x13: {  	v5 =	vld [tilespmem:s21+$0xFFFFFFD0];
	[tilespmem:s22+$0x2040 ss:$0x81] =	vst.msk $0xffff, v4;
	s26 =	sand.u32 s26, s13;
	s24 =	sand.u32 $0x3FFFFF, s30;
	s25 =	simm.s32 @!p1 $0x380  }
0x14: {  	v58 =	vld [tilespmem:s21+$0xFFFFFFE0];
	[tilespmem:s22+$0x2850 ss:$0x81] =	vst.msk $0xffff, v3;
	p1 =	sgt.s32 s12, $0xC7;
	s27 =	smulhi.u32 $0x924925, s24;
	s25 =	ssub.s32 s25, s26  }
0x15: {  	v59 =	vld [tilespmem:s21+$0xFFFFFFF0];
	[tilespmem:s22+$0x3060 ss:$0x81] =	vst.msk $0xffff, v2;
	s28 =	simm.s32 @!p1 $0xC7;
	s26 =	sand.u32 s31, s12;
	p1 =	sgt.s32 s11, $0x140  }
0x16: {  	v60 =	vld [tilespmem:s21+$0x0];
	[tilespmem:s22+$0x0 ss:$0x81] =	vst.msk $0xffff, v1;
	s29 =	ssub.s32 s28, s26;
	s26 =	smov.u32 s11;
	s30 =	sadd.s32 $0xFFFFFC80, s25  }
0x17: {  	v61 =	vld [tilespmem:s21+$0x10];
	[tilespmem:s23+$0x3870 ss:$0x81] =	vst.msk $0xffff, v0;
	s25 =	ssub.s32 $0x400, s25;
	s26 =	simm.s32 @!p1 $0x140;
	p1 =	sgt.s32 s30, $0x7F  }
0x18: {  	v62 =	vld [tilespmem:s21+$0x20];
	s27 =	smul.u32 $0x1C0, s27;
	[tilespmem:s23+$0x810 ss:$0x81] =	vst.msk $0xffff, v5;
	s26 =	ssub.s32 $0x1C0, s26;
	s25 =	simm.s32 @p1 $0x0  }
0x19: {  	v63 =	vld [tilespmem:s21+$0xFFFFFFC0];
	s28 =	sshrl.u32 s13, $0x3;
	s31 =	sadd.s32 $0xFFFFFF39, s29;
	[tilespmem:s23+$0x1020 ss:$0x81] =	vst.msk $0xffff, v58;
	s25 =	smul.u32 s26, s25  }
0x1a: {  	s21 =	ssub.s32 $0xC8, s29;
	[tilespmem:s23+$0x1830 ss:$0x81] =	vst.msk $0xffff, v59;
	p1 =	sgt.s32 s31, $0x0;
	s26 =	smul.u32 $0xE000, s12  }
0x1b: {  	[tilespmem:s23+$0x2040 ss:$0x81] =	vst.msk $0xffff, v60;
	s22 =	sand.u32 $0xF, s28;
	s29 =	sand.u32 $0x7, s13;
	s21 =	simm.s32 @p1 $0x0  }
0x1c: {  	[tilespmem:s23+$0x2850 ss:$0x81] =	vst.msk $0xffff, v61;
	s24 =	ssub.s32 s24, s27;
	s21 =	smul.u32 s21, s25;
	s25 =	sadd.s32 s2, s26  }
0x1d: {  	[tilespmem:s23+$0x3060 ss:$0x81] =	vst.msk $0xffff, v62;
	s30 =	sshll.u32 s29, $0x12;
	s24 =	sshll.u32 s24, $0x7;
	s22 =	sadd.s32 s22, s25  }
0x1e: {  	[tilespmem:s23+$0x0 ss:$0x81] =	vst.msk $0xffff, v63;
	s31 =	sor.u32 $0x400, s30;
	s21 =	sand.u32 $0x3FFFFFFF, s21;
	s22 =	sadd.s32 s24, s22  }
0x1f: {  	[hbm4b:s22+s31] =	stream.strided.scatter [tilespmem:s20], [sflag:$0x2], s21, s10, s31, $0x20;
	[tilespmem:$0x10100] =	vst v63  }
.LBB1_5:
0x20: {  	p1 =	slt.u32 s16, $0x2;
	s20 =	smov.u32 s18  }
0x21: {  	s21 =	smov.u32 s19;
	p2 =	sgt.s32 @!p1 s18, $0xC7;
	p3 =	sgt.s32 @!p1 s19, $0x380  }
0x22: {  	s22 =	sshra.s32 @!p1 s19, $0x1F;
	p2 =	por !p2, p1;
	p3 =	por !p3, p1  }
0x23: {  	s19 =	sand.u32 @!p1 s22, s19;
	s20 =	simm.s32 @p2 $0xC7;
	s21 =	simm.s32 @p3 $0x380  }
0x24: {  	p2 =	sgt.s32 @!p1 s17, $0x140;
	s19 =	ssub.s32 @!p1 s21, s19;
	s21 =	sshra.s32 @!p1 s18, $0x1F  }
0x25: {  	p2 =	por !p2, p1;
	s18 =	sand.u32 @!p1 s21, s18;
	s21 =	sadd.s32 @!p1 $0xFFFFFC80, s19  }
0x26: {  	s17 =	simm.s32 @p2 $0x140;
	s18 =	ssub.s32 @!p1 s20, s18;
	p2 =	sgt.s32 @!p1 s21, $0x7F  }
0x27: {  	s19 =	ssub.s32 @!p1 $0x400, s19;
	s20 =	sadd.s32 @!p1 $0xFFFFFF39, s18;
	p2 =	por !p2, p1  }
0x28: {  	s17 =	ssub.s32 @!p1 $0x1C0, s17;
	s19 =	simm.s32 @!p2 $0x0;
	p2 =	sgt.s32 @!p1 s20, $0x0  }
0x29: {  	s18 =	ssub.s32 @!p1 $0xC8, s18;
	p2 =	por !p2, p1;
	s17 =	smul.u32 @!p1 s17, s19  }
0x2a: {  	s22 =	smov.u32 s15;
	s20 =	sadd.s32 $0x1, s14;
	s18 =	simm.s32 @!p2 $0x0  }
0x2b: {  	p2 =	sgt.s32 s20, $0xC7;
	s17 =	smul.u32 @!p1 s18, s17;
	s18 =	sadd.s32 $0x400, s15  }
0x2c: {  	s24 =	sadd.s32 $0x1, s16;
	s22 =	smov.u32 @p2 s18  }
0x2d: {  	p0 =	por !p0, !p0;
	s20 =	simm.s32 @p2 $0x0;
	p2 =	sgt.s32 s22, $0x3FF  }
0x2e: {  	s21 =	simm.s32 @!p1 $0x2;
	s22 =	smov.u32 @p2 s3;
	p2 =	sne.s32 s16, s9  }
.Ltmp1:
0x2f: {  	s19 =	smov.u32 s13;
	s13 =	smov.u32 s15;
	(pc) =	sbr.rel @!p2 .LBB1_6-.Ltmp1, $4  }
0x30: {  	s18 =	smov.u32 s12;
	s12 =	smov.u32 s14;
	s17 =	sand.u32 @!p1 $0x3FFFFFFF, s17  }
0x31: {  	s14 =	smov.u32 s20;
	_ =	swait.ge @!p1 [sflag:s21], s17;
	s23 =	ssub.s32 @!p1 $0x0, s17  }
0x32: {  	s17 =	smov.u32 s11;
	s11 =	smov.u32 s7;
	[sflag:s21] =	ssyncset.done @!p1 $0x0  }
0x33: {  	s16 =	smov.u32 s24;
	s15 =	smov.u32 s22;
	[sflag:s21] =	ssyncadd.s32 @!p1 s23  }
.LBB1_1:
0x34: {  	p1 =	sge.u32 s16, s6  }
0x35: {  	s20 =	sshll.u32 @!p1 s14, $0x9  }
0x36: {  	s21 =	sshll.u32 @!p1 s14, $0x7;
	s20 =	sand.u32 @!p1 $0xFFFFF000, s20  }
0x37: {  	s21 =	sand.u32 @!p1 $0x200, s21;
	s20 =	sor.u32 @!p1 s8, s20  }
0x38: {  	s20 =	sor.u32 @!p1 s21, s20  }
0x39: {  	s20 =	sshrl.u32 @!p1 s20, $0x9  }
0x3a: {  	s21 =	smulhi.u32 @!p1 $0x147AE15, s20;
	_ =	sdelay $0x1  }
0x3b: {  	s21 =	smul.u32 @!p1 $0xC8, s21  }
0x3c: {  	s31 =	sadd.s32 $0xFFFFFFFF, s16;
	s22 =	smul.u32 @!p1 $0x3200, s15  }
0x3d: {  	s23 =	sxor.u32 @!p1 $0xFFFFFFFF, s16;
	s20 =	ssub.s32 @!p1 s20, s21;
	s21 =	sshll.u32 @!p1 s14, $0x4  }
0x3e: {  	s23 =	sshll.u32 @!p1 s23, $0xE;
	s22 =	sadd.s32 @!p1 s4, s22;
	s21 =	sand.u32 @!p1 $0x30, s21  }
0x3f: {  	s23 =	sand.u32 @!p1 $0x4000, s23;
	s20 =	sshll.u32 @!p1 s20, $0x6;
	s21 =	sadd.s32 @!p1 s21, s22  }
0x40: {  	s22 =	simm.s32 @!p1 $0x19000;
	s20 =	sadd.s32 @!p1 s20, s21;
	s21 =	simm.s32 @!p1 $0x80  }
0x41: {  	[tilespmem:s23], [sflag:$0x1] =	stream.strided.gather @!p1 [hbm4b:s20+s21], $0x4000, s22, s21, $0x38;
	[tilespmem:$0x10100] =	vst v63  }
0x42: {  	p1 =	sge.u32 s31, s6  }
.Ltmp2:
0x43: {  	_ = 	snop;
	(pc) =	sbr.rel @p1 .LBB1_5-.Ltmp2, $1  }
0x44: {  	_ =	sdelay $0x3  }
0x45: {  	s20 =	simm.s32 $0x1  }
0x46: {  	_ =	swait.ge [sflag:s5], $0x4000;
	s20 =	simm.s32 @!p0 $0x0  }
0x47: {  	[sflag:s5] =	ssyncset.done $0x0;
	s21 =	sshll.u32 s20, $0xE  }
0x48: {  	[sflag:s5] =	ssyncadd.s32 $0xFFFFC000;
	s21 =	sor.u32 $0x40, s21  }
0x49: {  	s20 =	smul.u32 $0x10200, s20;
	v0 =	vld [tilespmem:s21+$0x30]  }
0x4a: {  	v1 =	vld [tilespmem:s21+$0xFFFFFFD0]  }
0x4b: {  	s20 =	sshrl.u32 s20, $0x2;
	v5 =	vld [tilespmem:s21+$0xFFFFFFE0]  }
0x4c: {  	v6 =	vld [tilespmem:s21+$0xFFFFFFF0];
	s23 =	sor.u32 $0x8000, s20  }
0x4d: {  	s31 =	sand.u32 $0x1, s16;
	v4 =	vld [tilespmem:s21+$0x0];
	s22 =	sadd.s32 $0x0, s23  }
0x4e: {  	v3 =	vld [tilespmem:s21+$0x10];
	s20 =	smul.u32 $0x10200, s31;
	[tilespmem:s22+$0x3870 ss:$0x81] =	vst.msk $0xffff, v0  }
0x4f: {  	v2 =	vld [tilespmem:s21+$0x20];
	[tilespmem:s22+$0x810 ss:$0x81] =	vst.msk $0xffff, v1  }
0x50: {  	s20 =	sshrl.u32 s20, $0x2;
	v1 =	vld [tilespmem:s21+$0xFFFFFFC0];
	[tilespmem:s22+$0x1020 ss:$0x81] =	vst.msk $0xffff, v5;
	s21 =	sadd.s32 $0x80, s21  }
0x51: {  	s24 =	simm.s32 $0x4;
	s25 =	simm.s32 $0x8;
	s20 =	sor.u32 $0x8000, s20;
	[tilespmem:s22+$0x1830 ss:$0x81] =	vst.msk $0xffff, v6;
	v0 =	vld [tilespmem:s21+$0x30]  }
.LBB1_3:
0x52: {  	p1 =	sne.s32 s25, $0x1FC;
	v5 =	vld [tilespmem:s21+$0xFFFFFFD0];
	[tilespmem:s22+$0x2040 ss:$0x81] =	vst.msk $0xffff, v4  }
0x53: {  	v6 =	vld [tilespmem:s21+$0xFFFFFFE0];
	[tilespmem:s22+$0x2850 ss:$0x81] =	vst.msk $0xffff, v3  }
0x54: {  	s26 =	sshra.s32 s24, $0x2;
	s24 =	smov.u32 s25;
	v7 =	vld [tilespmem:s21+$0xFFFFFFF0];
	[tilespmem:s22+$0x3060 ss:$0x81] =	vst.msk $0xffff, v2  }
.Ltmp3:
0x55: {  	v4 =	vld [tilespmem:s21+$0x0];
	[tilespmem:s22+$0x0 ss:$0x81] =	vst.msk $0xffff, v1;
	s22 =	sadd.s32 s26, s23;
	(pc) =	sbr.rel @p1 .LBB1_3-.Ltmp3, $4  }
0x56: {  	v3 =	vld [tilespmem:s21+$0x10];
	[tilespmem:s22+$0x3870 ss:$0x81] =	vst.msk $0xffff, v0  }
0x57: {  	[tilespmem:s22+$0x810 ss:$0x81] =	vst.msk $0xffff, v5;
	v2 =	vld [tilespmem:s21+$0x20]  }
0x58: {  	v1 =	vld [tilespmem:s21+$0xFFFFFFC0];
	[tilespmem:s22+$0x1020 ss:$0x81] =	vst.msk $0xffff, v6;
	s21 =	sadd.s32 $0x80, s21  }
0x59: {  	s25 =	sadd.s32 $0x4, s25;
	v0 =	vld [tilespmem:s21+$0x30];
	[tilespmem:s22+$0x1830 ss:$0x81] =	vst.msk $0xffff, v7  }
.Ltmp4:
0x5a: {  	_ = 	snop;
	(pc) =	sbr.rel .LBB1_4-.Ltmp4, $1  }
0x5b: {  	_ =	sdelay $0x3  }
.LBB1_6:
0x5c: {  	_ =	sfence.sel $0x180000  }
0x5d: {  	s2 =	simm.s32 $0x1;
	[bflag:$0x0] =	sbarrier.arrive $0xFFFF  }
0x5e: {  	s31 =	simm.s32 $0x2;
	[sflag:s2] =	ssyncpa.u1 $0x1  }
0x5f: {  	[sflag:s31] =	ssyncpa.u1 $0x1  }
0x60: {  	p0 =	sne.s32 s0, $0x0;
	_ =	strace $0x9000004A  }
0x61: {  	s0 =	sadd.s32 @!p0 $0x100000, s1;
	[bflag:$0x2] =	sbarrier.arrive $0xFFFF  }
0x62: {  	[sflag:s0] =	ssyncadd.tile.s32 @!p0 $0x1;
	_ =	shalt  }
.Lfunc_end1:
_tile_overlayer_lowered:
.L_overlay_start_2:
0x63: {  	(tag) =	ssettag $0x2  }
0x64: {  	s0 =	rddreg [dreg:$0x0];
	s2 =	stileid.u32  }
0x65: {  	s1 =	rddreg [dreg:$0x1];
	p0 =	sne.s32 s2, $0x0  }
0x66: {  	s3 =	rddreg [dreg:$0x2];
	[bflag:$0x3] =	sbarrier.arrive $0xFFFF;
	s2 =	simm.s32 @!p0 $0x1C01  }
0x67: {  	[timem:s3], [sflag:s2] =	dma.local @!p0 [hbm:s0], s1  }
0x68: {  	s0 =	simm.s32 @!p0 $0x1  }
0x69: {  	_ =	swait.ge @!p0 [sflag:s0], s1  }
0x6a: {  	s1 =	ssub.s32 @!p0 $0x0, s1;
	[sflag:s0] =	ssyncset.done @!p0 $0x0  }
0x6b: {  	[sflag:s0] =	ssyncadd.s32 @!p0 s1  }
0x6c: {  	[bflag:$0x3] =	sbarrier.arrive $0xFFFF  }
0x6d: {  	_ =	shalt  }

</sc_bundles>
